<compile_context>
chip_gen: v7x
topology: tpu7x:2x2x1
jax: 0.10.2.dev20260603
libtpu: 0.0.44.dev20260713+nightly
codegen_flags: <defaults>
</compile_context>

<pallas_src>
import jax
import jax.numpy as jnp
from jax import lax
from jax.experimental import pallas as pl
from jax.experimental.pallas import tpu as pltpu
from jax.experimental.pallas import tpu_sc as plsc

N = 50000
NP = 50048
C = 2
F = 32
E = 800000
NS = 12500
NSP = 12544
SR = NSP // 128
RA_ROWS = 7
LW = 128
G = 4
NCHUNK = 1564
ERP = NCHUNK * G
EPAD = ERP * LW - E
NT = 16
RPT_Z = NP // NT
RB = 2176
NB = NP // RB
CPT = NCHUNK // NT
CEXTRA = NCHUNK - NT * CPT


def _fin_body(af0_ref, aw0_ref, af1_ref, aw1_ref, n0_ref, n1_ref, fp_ref,
              o_ref):
    fpb = fp_ref[...] > 0.5
    outs = []
    for afr, awr, nfr in ((af0_ref, aw0_ref, n0_ref),
                          (af1_ref, aw1_ref, n1_ref)):
        interp = afr[...] / jnp.maximum(awr[...], 1e-10)
        outs.append(jnp.where(fpb, nfr[...], interp))
    o_ref[...] = jnp.concatenate(outs, axis=1)


def _prep_body(n0_ref, n1_ref, ew_ref, f0_ref, w0_ref, f1_ref, w1_ref,
               fl_ref):
    ew = ew_ref[...] + 1e-10
    w = 1.0 / (ew * ew)
    ms = []
    for nref, fref, wref in ((n0_ref, f0_ref, w0_ref),
                             (n1_ref, f1_ref, w1_ref)):
        f = nref[...]
        m = jnp.any(f != 0, axis=1, keepdims=True)
        ms.append(m)
        wm = jnp.where(m, w, 0.0)
        fref[...] = f * wm
        wref[...] = wm
    fl_ref[...] = (ms[0] | ms[1]).astype(jnp.float32)


def _sc_scatter_body(sf0, sf1, comb0, comb1, z2,
                     n0, n1,
                     cbuf, rowbuf, sem_g, sem_s):
    c = lax.axis_index("c")
    s = lax.axis_index("s")

    pl.when(c == 0)(lambda: pltpu.sync_copy(
        z2, n0.at[pl.ds(s * RPT_Z, RPT_Z)]))
    pl.when(c == 1)(lambda: pltpu.sync_copy(
        z2, n1.at[pl.ds(s * RPT_Z, RPT_Z)]))
    plsc.subcore_barrier()

    def scatter_phase(sfc, combc, nc):
        r0 = (s * (SR - RA_ROWS)) // (NT - 1)

        def row(r, carry):
            pltpu.sync_copy(combc.at[r], cbuf)
            pltpu.async_copy(sfc.at[cbuf.at[1]], rowbuf, sem_g).wait()
            pltpu.async_copy(rowbuf, nc.at[cbuf.at[0]], sem_s).wait()
            return carry

        lax.fori_loop(r0, r0 + RA_ROWS, row, 0)

    pl.when(c == 0)(lambda: scatter_phase(sf0, comb0, n0))
    pl.when(c == 1)(lambda: scatter_phase(sf1, comb1, n1))


def _sc_body(vf0, vw0, vf1, vw1, srcs2, dsts2, z2, z1,
             af0, aw0, af1, aw1,
             accf, accw, sbuf, dbuf, frows, wrows, sem_g, sem_s):
    c = lax.axis_index("c")
    s = lax.axis_index("s")

    pltpu.sync_copy(z2, accf.at[pl.ds(s * RPT_Z, RPT_Z)])
    pltpu.sync_copy(z1, accw.at[pl.ds(s * RPT_Z, RPT_Z)])
    plsc.subcore_barrier()

    def phase_b(vf, vw):
        c0 = s * CPT + jnp.minimum(s, CEXTRA)
        cnt = CPT + (s < CEXTRA).astype(jnp.int32)

        def chunk(i, carry):
            base = (c0 + i) * G
            pltpu.sync_copy(srcs2.at[pl.ds(base, G)], sbuf)
            pltpu.sync_copy(dsts2.at[pl.ds(base, G)], dbuf)
            hs = [pltpu.async_copy(vf.at[sbuf.at[j]], frows.at[j], sem_g)
                  for j in range(G)]
            hs += [pltpu.async_copy(vw.at[sbuf.at[j]], wrows.at[j], sem_g)
                   for j in range(G)]
            for h in hs:
                h.wait()
            hs2 = [pltpu.async_copy(frows.at[j], accf.at[dbuf.at[j]], sem_s,
                                    add=True)
                   for j in range(G)]
            hs2 += [pltpu.async_copy(wrows.at[j], accw.at[dbuf.at[j]], sem_s,
                                     add=True)
                    for j in range(G)]
            for h in hs2:
                h.wait()
            return carry

        lax.fori_loop(0, cnt, chunk, 0)

    pl.when(c == 0)(lambda: phase_b(vf0, vw0))
    pl.when(c == 1)(lambda: phase_b(vf1, vw1))
    plsc.subcore_barrier()

    def copyout(outf, outw):
        pltpu.sync_copy(accf.at[pl.ds(s * RPT_Z, RPT_Z)],
                        outf.at[pl.ds(s * RPT_Z, RPT_Z)])
        pltpu.sync_copy(accw.at[pl.ds(s * RPT_Z, RPT_Z)],
                        outw.at[pl.ds(s * RPT_Z, RPT_Z)])

    pl.when(c == 0)(lambda: copyout(af0, aw0))
    pl.when(c == 1)(lambda: copyout(af1, aw1))


@jax.jit
def kernel(src_features, fp_idx, edge_index, edge_w):
    m0 = jnp.any(src_features[:, 0, :] != 0, axis=1).astype(jnp.float32)
    m1 = jnp.any(src_features[:, 1, :] != 0, axis=1).astype(jnp.float32)
    iota = jnp.arange(NS, dtype=jnp.int32)
    sfp, perm, mk0, mk1 = lax.sort((fp_idx, iota, m0, m1), num_keys=1,
                                   is_stable=True)
    iswin = jnp.concatenate([sfp[:-1] != sfp[1:],
                             jnp.ones((1,), bool)])
    tgt = jnp.where(iswin, sfp, N)
    tgt2 = jnp.concatenate(
        [tgt, jnp.full((NSP - NS,), N, jnp.int32)]).reshape(SR, LW)
    perm2 = jnp.concatenate(
        [perm, jnp.zeros((NSP - NS,), jnp.int32)]).reshape(SR, LW)
    mk02 = jnp.concatenate(
        [mk0.astype(jnp.int32),
         jnp.zeros((NSP - NS,), jnp.int32)]).reshape(SR, LW)
    mk12 = jnp.concatenate(
        [mk1.astype(jnp.int32),
         jnp.zeros((NSP - NS,), jnp.int32)]).reshape(SR, LW)
    comb0 = jnp.stack([tgt2, perm2, mk02], axis=1)
    comb1 = jnp.stack([tgt2, perm2, mk12], axis=1)
    sf0 = jnp.pad(src_features[:, 0, :], ((0, NSP - NS), (0, 0)))
    sf1 = jnp.pad(src_features[:, 1, :], ((0, NSP - NS), (0, 0)))
    ewN = jnp.pad(edge_w[:N, 0], (0, NP - N))
    srcs2 = jnp.concatenate(
        [edge_index[0], jnp.full((EPAD,), N, jnp.int32)]).reshape(ERP, LW)
    dsts2 = jnp.concatenate(
        [edge_index[1], jnp.full((EPAD,), N, jnp.int32)]).reshape(ERP, LW)
    z2 = jnp.zeros((RPT_Z, F), jnp.float32)
    z1 = jnp.zeros((RPT_Z,), jnp.float32)

    mesh = plsc.VectorSubcoreMesh(core_axis_name="c", subcore_axis_name="s",
                                  num_cores=2, num_subcores=NT)

    n0, n1 = pl.kernel(
        _sc_scatter_body,
        out_type=[jax.ShapeDtypeStruct((NP, F), jnp.float32)] * 2,
        mesh=mesh,
        compiler_params=pltpu.CompilerParams(use_tc_tiling_on_sc=False),
        scratch_types=[
            pltpu.VMEM((3, LW), jnp.int32),
            pltpu.VMEM((LW, F), jnp.float32),
            pltpu.SemaphoreType.DMA,
            pltpu.SemaphoreType.DMA,
        ],
    )(sf0, sf1, comb0, comb1, z2)

    vf0, vw0, vf1, vw1, flag = pl.pallas_call(
        _prep_body,
        grid=(NB,),
        in_specs=[pl.BlockSpec((RB, F), lambda i: (i, 0)),
                  pl.BlockSpec((RB, F), lambda i: (i, 0)),
                  pl.BlockSpec((RB, 1), lambda i: (i, 0))],
        out_specs=[pl.BlockSpec((RB, F), lambda i: (i, 0)),
                   pl.BlockSpec((RB, 1), lambda i: (i, 0))] * 2 +
                  [pl.BlockSpec((RB, 1), lambda i: (i, 0))],
        out_shape=[jax.ShapeDtypeStruct((NP, F), jnp.float32),
                   jax.ShapeDtypeStruct((NP, 1), jnp.float32)] * 2 +
                  [jax.ShapeDtypeStruct((NP, 1), jnp.float32)],
    )(n0, n1, ewN.reshape(NP, 1))
    vw0 = vw0.reshape(NP)
    vw1 = vw1.reshape(NP)

    af0, aw0, af1, aw1 = pl.kernel(
        _sc_body,
        out_type=[jax.ShapeDtypeStruct((NP, F), jnp.float32),
                  jax.ShapeDtypeStruct((NP,), jnp.float32)] * 2,
        mesh=mesh,
        compiler_params=pltpu.CompilerParams(use_tc_tiling_on_sc=False),
        scratch_types=[
            pltpu.VMEM_SHARED((NP, F), jnp.float32),
            pltpu.VMEM_SHARED((NP,), jnp.float32),
            pltpu.VMEM((G, LW), jnp.int32),
            pltpu.VMEM((G, LW), jnp.int32),
            pltpu.VMEM((G, LW, F), jnp.float32),
            pltpu.VMEM((G, LW), jnp.float32),
            pltpu.SemaphoreType.DMA,
            pltpu.SemaphoreType.DMA,
        ],
    )(vf0, vw0, vf1, vw1, srcs2, dsts2, z2, z1)

    outflat = pl.pallas_call(
        _fin_body,
        grid=(NB,),
        in_specs=[pl.BlockSpec((RB, F), lambda i: (i, 0)),
                  pl.BlockSpec((RB, 1), lambda i: (i, 0)),
                  pl.BlockSpec((RB, F), lambda i: (i, 0)),
                  pl.BlockSpec((RB, 1), lambda i: (i, 0)),
                  pl.BlockSpec((RB, F), lambda i: (i, 0)),
                  pl.BlockSpec((RB, F), lambda i: (i, 0)),
                  pl.BlockSpec((RB, 1), lambda i: (i, 0))],
        out_specs=pl.BlockSpec((RB, C * F), lambda i: (i, 0)),
        out_shape=jax.ShapeDtypeStruct((NP, C * F), jnp.float32),
    )(af0, aw0.reshape(NP, 1), af1, aw1.reshape(NP, 1), n0, n1, flag)
    return outflat[:N].reshape(N, C, F)

# --- scband reference (transcript-rebuilt; emitter-appended) ---
"""Pipeline reference for scband-upsampling3-d-17334488006819 (READ-ONLY COPY).

The authoritative reference and input builder live on the scoring server;
editing this copy changes nothing except your own understanding.
"""

import jax, jax.numpy as jnp
import numpy as np

N_TGT = 50000
N_SRC = 12500
C = 2
F = 32
E = 800000
POWER = 2


def setup_inputs(seed: int = 0) -> dict:
    key = jax.random.key(seed)
    k1, k2, k3, k4 = jax.random.split(key, 4)
    src_features = jax.random.normal(k1, (N_SRC, C, F), dtype=jnp.float32)
    fp_idx = jax.random.randint(k2, (N_SRC,), 0, N_TGT, dtype=jnp.int32)
    edge_index = jax.random.randint(k3, (2, E), 0, N_TGT, dtype=jnp.int32)
    edge_w = jax.random.uniform(k4, (E, 1), dtype=jnp.float32)
    return {"src_features": src_features, "fp_idx": fp_idx, "edge_index": edge_index, "edge_w": edge_w}


def reference(src_features, fp_idx, edge_index, edge_w):
    # Scatter known (source) features into the target-resolution node array.
    nodes_feature = jnp.zeros((N_TGT, C, F), dtype=src_features.dtype)
    nodes_feature = nodes_feature.at[fp_idx].set(src_features)

    srcs = edge_index[0]
    dsts = edge_index[1]

    # IDW weights (faithful to original: edata['w'] indexed by srcs).
    weights = 1.0 / jnp.power(edge_w[srcs] + 1e-10, POWER)  # [E, 1]
    weights = jnp.repeat(weights, C, axis=-1).reshape(-1, C, 1)  # [E, C, 1]

    gathered = nodes_feature[srcs]  # [E, C, F] gather
    feature_mask = jnp.any(gathered != 0, axis=-1, keepdims=True)  # [E, C, 1]
    weights = weights * feature_mask.astype(jnp.float32)

    # Scatter-add weighted features and weight sums to destination nodes.
    weighted_features = jnp.zeros_like(nodes_feature).at[dsts].add(gathered * weights)
    weights_sum = jnp.zeros((N_TGT, C, 1), dtype=jnp.float32).at[dsts].add(weights)

    interp = weighted_features / jnp.clip(weights_sum, 1e-10, None)

    # Nodes already populated from the source cloud keep their features;
    # all other nodes get the IDW-interpolated value. (Edges whose dst is a
    # source node contribute only to discarded rows, so processing all edges
    # is equivalent to the original in_edges(nodes_idx) selection.)
    is_fp = jnp.zeros((N_TGT,), dtype=bool).at[fp_idx].set(True)
    out = jnp.where(is_fp[:, None, None], nodes_feature, interp)
    return out

if __name__ == "__main__":
    import jax
    _d = setup_inputs()
    print(jax.jit(kernel)(*tuple(_d.values())))

</pallas_src>

<mosaic_0001>
#map = affine_map<(d0, d1) -> (0, 0)>
#map1 = affine_map<(d0, d1) -> (0, 0, 0)>
module attributes {stable_mosaic.version = 14 : i64} {
  func.func @_sc_scatter_body(%arg0: i32, %arg1: i32, %arg2: memref<12544x32xf32, #tpu.memory_space<hbm>>, %arg3: memref<12544x32xf32, #tpu.memory_space<hbm>>, %arg4: memref<98x3x128xi32, #tpu.memory_space<hbm>>, %arg5: memref<98x3x128xi32, #tpu.memory_space<hbm>>, %arg6: memref<3128x32xf32, #tpu.memory_space<hbm>>, %arg7: memref<50048x32xf32, #tpu.memory_space<hbm>>, %arg8: memref<50048x32xf32, #tpu.memory_space<hbm>>, %arg9: memref<3x128xi32, #tpu.memory_space<vmem>>, %arg10: memref<128x32xf32, #tpu.memory_space<vmem>>, %arg11: memref<!tpu.dma_semaphore, #tpu.memory_space<semaphore_mem>>, %arg12: memref<!tpu.dma_semaphore, #tpu.memory_space<semaphore_mem>>) attributes {dimension_semantics = [#tpu.dimension_semantics<core_parallel>, #tpu.dimension_semantics<subcore_parallel>], iteration_bounds = array<i64: 2, 16>, scalar_prefetch = 0 : i64, scratch_operands = 4 : i64, tpu.core_type = #tpu.core_type<sc_vector_subcore>, window_params = [{transform_indices = #map}, {transform_indices = #map}, {transform_indices = #map1}, {transform_indices = #map1}, {transform_indices = #map}, {transform_indices = #map}, {transform_indices = #map}]} {
    %eq3A = arith.constant 0 : i32
    %eq3A_0 = arith.cmpi eq, %arg0, %eq3A : i32
    %convert_element_type3A = arith.extui %eq3A_0 : i1 to i32
    %cond3A = arith.constant 0 : i32
    %cond3A_1 = arith.cmpi ne, %convert_element_type3A, %cond3A : i32
    scf.if %cond3A_1 {
      %mul3A = arith.constant 3128 : i32
      %mul3A_17 = arith.muli %arg1, %mul3A : i32
      "tpu.region"() ({
        %run_scoped3A = tpu.sem_alloc : memref<!tpu.dma_semaphore, #tpu.memory_space<semaphore_mem>>
        %dma_start3A = arith.constant 0 : i32
        %dma_start3A_18 = tpu.memref_slice %arg7[%mul3A_17, %dma_start3A] : memref<50048x32xf32, #tpu.memory_space<hbm>> -> memref<3128x32xf32, #tpu.memory_space<hbm>>
        tpu.enqueue_dma source(%arg6 : memref<3128x32xf32, #tpu.memory_space<hbm>>) target(%dma_start3A_18 : memref<3128x32xf32, #tpu.memory_space<hbm>>) target_semaphore(%run_scoped3A : memref<!tpu.dma_semaphore, #tpu.memory_space<semaphore_mem>>)
        %dma_wait3A = arith.constant 0 : i32
        %dma_wait3A_19 = tpu.memref_slice %arg7[%mul3A_17, %dma_wait3A] : memref<50048x32xf32, #tpu.memory_space<hbm>> -> memref<3128x32xf32, #tpu.memory_space<hbm>>
        tpu.wait_dma2 semaphore(%run_scoped3A : memref<!tpu.dma_semaphore, #tpu.memory_space<semaphore_mem>>) src(%arg6 : memref<3128x32xf32, #tpu.memory_space<hbm>>) dst(%dma_wait3A_19 : memref<3128x32xf32, #tpu.memory_space<hbm>>)
        tpu.yield
      }) : () -> ()
    } else {
    }
    %eq3A_2 = arith.constant 1 : i32
    %eq3A_3 = arith.cmpi eq, %arg0, %eq3A_2 : i32
    %convert_element_type3A_4 = arith.extui %eq3A_3 : i1 to i32
    %cond3A_5 = arith.constant 0 : i32
    %cond3A_6 = arith.cmpi ne, %convert_element_type3A_4, %cond3A_5 : i32
    scf.if %cond3A_6 {
      %mul3A = arith.constant 3128 : i32
      %mul3A_17 = arith.muli %arg1, %mul3A : i32
      "tpu.region"() ({
        %run_scoped3A = tpu.sem_alloc : memref<!tpu.dma_semaphore, #tpu.memory_space<semaphore_mem>>
        %dma_start3A = arith.constant 0 : i32
        %dma_start3A_18 = tpu.memref_slice %arg8[%mul3A_17, %dma_start3A] : memref<50048x32xf32, #tpu.memory_space<hbm>> -> memref<3128x32xf32, #tpu.memory_space<hbm>>
        tpu.enqueue_dma source(%arg6 : memref<3128x32xf32, #tpu.memory_space<hbm>>) target(%dma_start3A_18 : memref<3128x32xf32, #tpu.memory_space<hbm>>) target_semaphore(%run_scoped3A : memref<!tpu.dma_semaphore, #tpu.memory_space<semaphore_mem>>)
        %dma_wait3A = arith.constant 0 : i32
        %dma_wait3A_19 = tpu.memref_slice %arg8[%mul3A_17, %dma_wait3A] : memref<50048x32xf32, #tpu.memory_space<hbm>> -> memref<3128x32xf32, #tpu.memory_space<hbm>>
        tpu.wait_dma2 semaphore(%run_scoped3A : memref<!tpu.dma_semaphore, #tpu.memory_space<semaphore_mem>>) src(%arg6 : memref<3128x32xf32, #tpu.memory_space<hbm>>) dst(%dma_wait3A_19 : memref<3128x32xf32, #tpu.memory_space<hbm>>)
        tpu.yield
      }) : () -> ()
    } else {
    }
    %barrier3A = arith.constant 0 : index
    tpu.barrier barrier_id(%barrier3A)
    %eq3A_7 = arith.constant 0 : i32
    %eq3A_8 = arith.cmpi eq, %arg0, %eq3A_7 : i32
    %convert_element_type3A_9 = arith.extui %eq3A_8 : i1 to i32
    %cond3A_10 = arith.constant 0 : i32
    %cond3A_11 = arith.cmpi ne, %convert_element_type3A_9, %cond3A_10 : i32
    scf.if %cond3A_11 {
      %mul3A = arith.constant 91 : i32
      %mul3A_17 = arith.muli %arg1, %mul3A : i32
      %jit3A = arith.constant 15 : i32
      %div3A = arith.divsi %mul3A_17, %jit3A : i32
      %sign3A = arith.constant 0 : i32
      %sign3A_18 = arith.cmpi sgt, %mul3A_17, %sign3A : i32
      %sign3A_19 = arith.extui %sign3A_18 : i1 to i32
      %sign3A_20 = arith.constant 0 : i32
      %sign3A_21 = arith.cmpi slt, %mul3A_17, %sign3A_20 : i32
      %sign3A_22 = arith.extui %sign3A_21 : i1 to i32
      %sign3A_23 = arith.subi %sign3A_19, %sign3A_22 : i32
      %sign3A_24 = arith.constant 0 : i32
      %sign3A_25 = arith.cmpi sgt, %jit3A, %sign3A_24 : i32
      %sign3A_26 = arith.extui %sign3A_25 : i1 to i32
      %sign3A_27 = arith.constant 0 : i32
      %sign3A_28 = arith.cmpi slt, %jit3A, %sign3A_27 : i32
      %sign3A_29 = arith.extui %sign3A_28 : i1 to i32
      %sign3A_30 = arith.subi %sign3A_26, %sign3A_29 : i32
      %ne3A = arith.cmpi ne, %sign3A_23, %sign3A_30 : i32
      %rem3A = arith.remsi %mul3A_17, %jit3A : i32
      %ne3A_31 = arith.constant 0 : i32
      %ne3A_32 = arith.cmpi ne, %rem3A, %ne3A_31 : i32
      %and3A = arith.andi %ne3A, %ne3A_32 : i1
      %sub3A = arith.constant 1 : i32
      %sub3A_33 = arith.subi %div3A, %sub3A : i32
      %select_n3A = arith.select %and3A, %sub3A_33, %div3A : i32
      %add3A = arith.constant 7 : i32
      %add3A_34 = arith.addi %select_n3A, %add3A : i32
      %while3A = arith.constant 0 : i32
      %while3A_35 = arith.subi %add3A_34, %select_n3A : i32
      %while3A_36 = arith.addi %select_n3A, %while3A_35 : i32
      %while3A_37 = arith.constant 1 : i32
      %while3A_38 = arith.divsi %while3A_35, %while3A_37 : i32
      %while3A_39 = arith.muli %while3A_38, %while3A_37 : i32
      %while3A_40 = arith.addi %select_n3A, %while3A_39 : i32
      %while3A_41 = arith.constant 1 : i32
      scf.for %while3A_43 = %select_n3A to %while3A_40 step %while3A_41  : i32 {
        "tpu.region"() ({
          %run_scoped3A = tpu.sem_alloc : memref<!tpu.dma_semaphore, #tpu.memory_space<semaphore_mem>>
          %dma_start3A_70 = arith.constant 0 : i32
          %dma_start3A_71 = arith.constant 0 : i32
          %dma_start3A_72 = tpu.memref_slice %arg4[%while3A_43, %dma_start3A_70, %dma_start3A_71] : memref<98x3x128xi32, #tpu.memory_space<hbm>> -> memref<1x3x128xi32, #tpu.memory_space<hbm>>
          %dma_start3A_73 = tpu.memref_squeeze %dma_start3A_72 : memref<1x3x128xi32, #tpu.memory_space<hbm>> -> memref<3x128xi32, #tpu.memory_space<hbm>>
          %dma_start3A_74 = arith.constant 0 : i32
          %dma_start3A_75 = arith.constant 0 : i32
          %dma_start3A_76 = tpu.memref_slice %arg4[%while3A_43, %dma_start3A_74, %dma_start3A_75] : memref<98x3x128xi32, #tpu.memory_space<hbm>> -> memref<1x3x128xi32, #tpu.memory_space<hbm>>
          %dma_start3A_77 = tpu.memref_squeeze %dma_start3A_76 : memref<1x3x128xi32, #tpu.memory_space<hbm>> -> memref<3x128xi32, #tpu.memory_space<hbm>>
          tpu.enqueue_dma source(%dma_start3A_77 : memref<3x128xi32, #tpu.memory_space<hbm>>) target(%arg9 : memref<3x128xi32, #tpu.memory_space<vmem>>) target_semaphore(%run_scoped3A : memref<!tpu.dma_semaphore, #tpu.memory_space<semaphore_mem>>)
          %dma_wait3A_78 = arith.constant 0 : i32
          %dma_wait3A_79 = arith.constant 0 : i32
          %dma_wait3A_80 = tpu.memref_slice %arg4[%while3A_43, %dma_wait3A_78, %dma_wait3A_79] : memref<98x3x128xi32, #tpu.memory_space<hbm>> -> memref<1x3x128xi32, #tpu.memory_space<hbm>>
          %dma_wait3A_81 = tpu.memref_squeeze %dma_wait3A_80 : memref<1x3x128xi32, #tpu.memory_space<hbm>> -> memref<3x128xi32, #tpu.memory_space<hbm>>
          %dma_wait3A_82 = arith.constant 0 : i32
          %dma_wait3A_83 = arith.constant 0 : i32
          %dma_wait3A_84 = tpu.memref_slice %arg4[%while3A_43, %dma_wait3A_82, %dma_wait3A_83] : memref<98x3x128xi32, #tpu.memory_space<hbm>> -> memref<1x3x128xi32, #tpu.memory_space<hbm>>
          %dma_wait3A_85 = tpu.memref_squeeze %dma_wait3A_84 : memref<1x3x128xi32, #tpu.memory_space<hbm>> -> memref<3x128xi32, #tpu.memory_space<hbm>>
          tpu.wait_dma2 semaphore(%run_scoped3A : memref<!tpu.dma_semaphore, #tpu.memory_space<semaphore_mem>>) src(%dma_wait3A_85 : memref<3x128xi32, #tpu.memory_space<hbm>>) dst(%arg9 : memref<3x128xi32, #tpu.memory_space<vmem>>)
          tpu.yield
        }) : () -> ()
        %dma_start3A = arith.constant 1 : i32
        %dma_start3A_44 = arith.constant 0 : i32
        %dma_start3A_45 = tpu.memref_slice %arg9[%dma_start3A, %dma_start3A_44] : memref<3x128xi32, #tpu.memory_space<vmem>> -> memref<1x128xi32, #tpu.memory_space<vmem>>
        %dma_start3A_46 = tpu.memref_squeeze %dma_start3A_45 : memref<1x128xi32, #tpu.memory_space<vmem>> -> memref<128xi32, #tpu.memory_space<vmem>>
        %dma_start3A_47 = arith.constant 0 : i32
        %dma_start3A_48 = arith.constant 0 : i32
        %dma_start3A_49 = tpu.memref_slice %arg2[%dma_start3A_47, %dma_start3A_48] : memref<12544x32xf32, #tpu.memory_space<hbm>> -> memref<12544x32xf32, #tpu.memory_space<hbm>>
        tpu.enqueue_indirect_dma source(%dma_start3A_49 : memref<12544x32xf32, #tpu.memory_space<hbm>>) target(%arg10 : memref<128x32xf32, #tpu.memory_space<vmem>>) offsets(%dma_start3A_46 : memref<128xi32, #tpu.memory_space<vmem>>) semaphore(%arg11 : memref<!tpu.dma_semaphore, #tpu.memory_space<semaphore_mem>>)
        %dma_wait3A = arith.constant 1 : i32
        %dma_wait3A_50 = arith.constant 0 : i32
        %dma_wait3A_51 = tpu.memref_slice %arg9[%dma_wait3A, %dma_wait3A_50] : memref<3x128xi32, #tpu.memory_space<vmem>> -> memref<1x128xi32, #tpu.memory_space<vmem>>
        %dma_wait3A_52 = tpu.memref_squeeze %dma_wait3A_51 : memref<1x128xi32, #tpu.memory_space<vmem>> -> memref<128xi32, #tpu.memory_space<vmem>>
        %dma_wait3A_53 = arith.constant 0 : i32
        %dma_wait3A_54 = arith.constant 0 : i32
        %dma_wait3A_55 = tpu.memref_slice %arg2[%dma_wait3A_53, %dma_wait3A_54] : memref<12544x32xf32, #tpu.memory_space<hbm>> -> memref<12544x32xf32, #tpu.memory_space<hbm>>
        tpu.wait_indirect_dma semaphore(%arg11 : memref<!tpu.dma_semaphore, #tpu.memory_space<semaphore_mem>>) src(%dma_wait3A_55 : memref<12544x32xf32, #tpu.memory_space<hbm>>) dst(%arg10 : memref<128x32xf32, #tpu.memory_space<vmem>>)
        %dma_start3A_56 = arith.constant 0 : i32
        %dma_start3A_57 = arith.constant 0 : i32
        %dma_start3A_58 = tpu.memref_slice %arg9[%dma_start3A_56, %dma_start3A_57] : memref<3x128xi32, #tpu.memory_space<vmem>> -> memref<1x128xi32, #tpu.memory_space<vmem>>
        %dma_start3A_59 = tpu.memref_squeeze %dma_start3A_58 : memref<1x128xi32, #tpu.memory_space<vmem>> -> memref<128xi32, #tpu.memory_space<vmem>>
        %dma_start3A_60 = arith.constant 0 : i32
        %dma_start3A_61 = arith.constant 0 : i32
        %dma_start3A_62 = tpu.memref_slice %arg7[%dma_start3A_60, %dma_start3A_61] : memref<50048x32xf32, #tpu.memory_space<hbm>> -> memref<50048x32xf32, #tpu.memory_space<hbm>>
        tpu.enqueue_indirect_dma source(%arg10 : memref<128x32xf32, #tpu.memory_space<vmem>>) target(%dma_start3A_62 : memref<50048x32xf32, #tpu.memory_space<hbm>>) offsets(%dma_start3A_59 : memref<128xi32, #tpu.memory_space<vmem>>) semaphore(%arg12 : memref<!tpu.dma_semaphore, #tpu.memory_space<semaphore_mem>>)
        %dma_wait3A_63 = arith.constant 0 : i32
        %dma_wait3A_64 = arith.constant 0 : i32
        %dma_wait3A_65 = tpu.memref_slice %arg9[%dma_wait3A_63, %dma_wait3A_64] : memref<3x128xi32, #tpu.memory_space<vmem>> -> memref<1x128xi32, #tpu.memory_space<vmem>>
        %dma_wait3A_66 = tpu.memref_squeeze %dma_wait3A_65 : memref<1x128xi32, #tpu.memory_space<vmem>> -> memref<128xi32, #tpu.memory_space<vmem>>
        %dma_wait3A_67 = arith.constant 0 : i32
        %dma_wait3A_68 = arith.constant 0 : i32
        %dma_wait3A_69 = tpu.memref_slice %arg7[%dma_wait3A_67, %dma_wait3A_68] : memref<50048x32xf32, #tpu.memory_space<hbm>> -> memref<50048x32xf32, #tpu.memory_space<hbm>>
        tpu.wait_indirect_dma semaphore(%arg12 : memref<!tpu.dma_semaphore, #tpu.memory_space<semaphore_mem>>) src(%arg10 : memref<128x32xf32, #tpu.memory_space<vmem>>) dst(%dma_wait3A_69 : memref<50048x32xf32, #tpu.memory_space<hbm>>)
      }
      %while3A_42 = arith.constant 1 : i32
      scf.for %while3A_43 = %while3A_40 to %while3A_36 step %while3A_42  : i32 {
        "tpu.region"() ({
          %run_scoped3A = tpu.sem_alloc : memref<!tpu.dma_semaphore, #tpu.memory_space<semaphore_mem>>
          %dma_start3A_70 = arith.constant 0 : i32
          %dma_start3A_71 = arith.constant 0 : i32
          %dma_start3A_72 = tpu.memref_slice %arg4[%while3A_43, %dma_start3A_70, %dma_start3A_71] : memref<98x3x128xi32, #tpu.memory_space<hbm>> -> memref<1x3x128xi32, #tpu.memory_space<hbm>>
          %dma_start3A_73 = tpu.memref_squeeze %dma_start3A_72 : memref<1x3x128xi32, #tpu.memory_space<hbm>> -> memref<3x128xi32, #tpu.memory_space<hbm>>
          %dma_start3A_74 = arith.constant 0 : i32
          %dma_start3A_75 = arith.constant 0 : i32
          %dma_start3A_76 = tpu.memref_slice %arg4[%while3A_43, %dma_start3A_74, %dma_start3A_75] : memref<98x3x128xi32, #tpu.memory_space<hbm>> -> memref<1x3x128xi32, #tpu.memory_space<hbm>>
          %dma_start3A_77 = tpu.memref_squeeze %dma_start3A_76 : memref<1x3x128xi32, #tpu.memory_space<hbm>> -> memref<3x128xi32, #tpu.memory_space<hbm>>
          tpu.enqueue_dma source(%dma_start3A_77 : memref<3x128xi32, #tpu.memory_space<hbm>>) target(%arg9 : memref<3x128xi32, #tpu.memory_space<vmem>>) target_semaphore(%run_scoped3A : memref<!tpu.dma_semaphore, #tpu.memory_space<semaphore_mem>>)
          %dma_wait3A_78 = arith.constant 0 : i32
          %dma_wait3A_79 = arith.constant 0 : i32
          %dma_wait3A_80 = tpu.memref_slice %arg4[%while3A_43, %dma_wait3A_78, %dma_wait3A_79] : memref<98x3x128xi32, #tpu.memory_space<hbm>> -> memref<1x3x128xi32, #tpu.memory_space<hbm>>
          %dma_wait3A_81 = tpu.memref_squeeze %dma_wait3A_80 : memref<1x3x128xi32, #tpu.memory_space<hbm>> -> memref<3x128xi32, #tpu.memory_space<hbm>>
          %dma_wait3A_82 = arith.constant 0 : i32
          %dma_wait3A_83 = arith.constant 0 : i32
          %dma_wait3A_84 = tpu.memref_slice %arg4[%while3A_43, %dma_wait3A_82, %dma_wait3A_83] : memref<98x3x128xi32, #tpu.memory_space<hbm>> -> memref<1x3x128xi32, #tpu.memory_space<hbm>>
          %dma_wait3A_85 = tpu.memref_squeeze %dma_wait3A_84 : memref<1x3x128xi32, #tpu.memory_space<hbm>> -> memref<3x128xi32, #tpu.memory_space<hbm>>
          tpu.wait_dma2 semaphore(%run_scoped3A : memref<!tpu.dma_semaphore, #tpu.memory_space<semaphore_mem>>) src(%dma_wait3A_85 : memref<3x128xi32, #tpu.memory_space<hbm>>) dst(%arg9 : memref<3x128xi32, #tpu.memory_space<vmem>>)
          tpu.yield
        }) : () -> ()
        %dma_start3A = arith.constant 1 : i32
        %dma_start3A_44 = arith.constant 0 : i32
        %dma_start3A_45 = tpu.memref_slice %arg9[%dma_start3A, %dma_start3A_44] : memref<3x128xi32, #tpu.memory_space<vmem>> -> memref<1x128xi32, #tpu.memory_space<vmem>>
        %dma_start3A_46 = tpu.memref_squeeze %dma_start3A_45 : memref<1x128xi32, #tpu.memory_space<vmem>> -> memref<128xi32, #tpu.memory_space<vmem>>
        %dma_start3A_47 = arith.constant 0 : i32
        %dma_start3A_48 = arith.constant 0 : i32
        %dma_start3A_49 = tpu.memref_slice %arg2[%dma_start3A_47, %dma_start3A_48] : memref<12544x32xf32, #tpu.memory_space<hbm>> -> memref<12544x32xf32, #tpu.memory_space<hbm>>
        tpu.enqueue_indirect_dma source(%dma_start3A_49 : memref<12544x32xf32, #tpu.memory_space<hbm>>) target(%arg10 : memref<128x32xf32, #tpu.memory_space<vmem>>) offsets(%dma_start3A_46 : memref<128xi32, #tpu.memory_space<vmem>>) semaphore(%arg11 : memref<!tpu.dma_semaphore, #tpu.memory_space<semaphore_mem>>)
        %dma_wait3A = arith.constant 1 : i32
        %dma_wait3A_50 = arith.constant 0 : i32
        %dma_wait3A_51 = tpu.memref_slice %arg9[%dma_wait3A, %dma_wait3A_50] : memref<3x128xi32, #tpu.memory_space<vmem>> -> memref<1x128xi32, #tpu.memory_space<vmem>>
        %dma_wait3A_52 = tpu.memref_squeeze %dma_wait3A_51 : memref<1x128xi32, #tpu.memory_space<vmem>> -> memref<128xi32, #tpu.memory_space<vmem>>
        %dma_wait3A_53 = arith.constant 0 : i32
        %dma_wait3A_54 = arith.constant 0 : i32
        %dma_wait3A_55 = tpu.memref_slice %arg2[%dma_wait3A_53, %dma_wait3A_54] : memref<12544x32xf32, #tpu.memory_space<hbm>> -> memref<12544x32xf32, #tpu.memory_space<hbm>>
        tpu.wait_indirect_dma semaphore(%arg11 : memref<!tpu.dma_semaphore, #tpu.memory_space<semaphore_mem>>) src(%dma_wait3A_55 : memref<12544x32xf32, #tpu.memory_space<hbm>>) dst(%arg10 : memref<128x32xf32, #tpu.memory_space<vmem>>)
        %dma_start3A_56 = arith.constant 0 : i32
        %dma_start3A_57 = arith.constant 0 : i32
        %dma_start3A_58 = tpu.memref_slice %arg9[%dma_start3A_56, %dma_start3A_57] : memref<3x128xi32, #tpu.memory_space<vmem>> -> memref<1x128xi32, #tpu.memory_space<vmem>>
        %dma_start3A_59 = tpu.memref_squeeze %dma_start3A_58 : memref<1x128xi32, #tpu.memory_space<vmem>> -> memref<128xi32, #tpu.memory_space<vmem>>
        %dma_start3A_60 = arith.constant 0 : i32
        %dma_start3A_61 = arith.constant 0 : i32
        %dma_start3A_62 = tpu.memref_slice %arg7[%dma_start3A_60, %dma_start3A_61] : memref<50048x32xf32, #tpu.memory_space<hbm>> -> memref<50048x32xf32, #tpu.memory_space<hbm>>
        tpu.enqueue_indirect_dma source(%arg10 : memref<128x32xf32, #tpu.memory_space<vmem>>) target(%dma_start3A_62 : memref<50048x32xf32, #tpu.memory_space<hbm>>) offsets(%dma_start3A_59 : memref<128xi32, #tpu.memory_space<vmem>>) semaphore(%arg12 : memref<!tpu.dma_semaphore, #tpu.memory_space<semaphore_mem>>)
        %dma_wait3A_63 = arith.constant 0 : i32
        %dma_wait3A_64 = arith.constant 0 : i32
        %dma_wait3A_65 = tpu.memref_slice %arg9[%dma_wait3A_63, %dma_wait3A_64] : memref<3x128xi32, #tpu.memory_space<vmem>> -> memref<1x128xi32, #tpu.memory_space<vmem>>
        %dma_wait3A_66 = tpu.memref_squeeze %dma_wait3A_65 : memref<1x128xi32, #tpu.memory_space<vmem>> -> memref<128xi32, #tpu.memory_space<vmem>>
        %dma_wait3A_67 = arith.constant 0 : i32
        %dma_wait3A_68 = arith.constant 0 : i32
        %dma_wait3A_69 = tpu.memref_slice %arg7[%dma_wait3A_67, %dma_wait3A_68] : memref<50048x32xf32, #tpu.memory_space<hbm>> -> memref<50048x32xf32, #tpu.memory_space<hbm>>
        tpu.wait_indirect_dma semaphore(%arg12 : memref<!tpu.dma_semaphore, #tpu.memory_space<semaphore_mem>>) src(%arg10 : memref<128x32xf32, #tpu.memory_space<vmem>>) dst(%dma_wait3A_69 : memref<50048x32xf32, #tpu.memory_space<hbm>>)
      }
    } else {
    }
    %eq3A_12 = arith.constant 1 : i32
    %eq3A_13 = arith.cmpi eq, %arg0, %eq3A_12 : i32
    %convert_element_type3A_14 = arith.extui %eq3A_13 : i1 to i32
    %cond3A_15 = arith.constant 0 : i32
    %cond3A_16 = arith.cmpi ne, %convert_element_type3A_14, %cond3A_15 : i32
    scf.if %cond3A_16 {
      %mul3A = arith.constant 91 : i32
      %mul3A_17 = arith.muli %arg1, %mul3A : i32
      %jit3A = arith.constant 15 : i32
      %div3A = arith.divsi %mul3A_17, %jit3A : i32
      %sign3A = arith.constant 0 : i32
      %sign3A_18 = arith.cmpi sgt, %mul3A_17, %sign3A : i32
      %sign3A_19 = arith.extui %sign3A_18 : i1 to i32
      %sign3A_20 = arith.constant 0 : i32
      %sign3A_21 = arith.cmpi slt, %mul3A_17, %sign3A_20 : i32
      %sign3A_22 = arith.extui %sign3A_21 : i1 to i32
      %sign3A_23 = arith.subi %sign3A_19, %sign3A_22 : i32
      %sign3A_24 = arith.constant 0 : i32
      %sign3A_25 = arith.cmpi sgt, %jit3A, %sign3A_24 : i32
      %sign3A_26 = arith.extui %sign3A_25 : i1 to i32
      %sign3A_27 = arith.constant 0 : i32
      %sign3A_28 = arith.cmpi slt, %jit3A, %sign3A_27 : i32
      %sign3A_29 = arith.extui %sign3A_28 : i1 to i32
      %sign3A_30 = arith.subi %sign3A_26, %sign3A_29 : i32
      %ne3A = arith.cmpi ne, %sign3A_23, %sign3A_30 : i32
      %rem3A = arith.remsi %mul3A_17, %jit3A : i32
      %ne3A_31 = arith.constant 0 : i32
      %ne3A_32 = arith.cmpi ne, %rem3A, %ne3A_31 : i32
      %and3A = arith.andi %ne3A, %ne3A_32 : i1
      %sub3A = arith.constant 1 : i32
      %sub3A_33 = arith.subi %div3A, %sub3A : i32
      %select_n3A = arith.select %and3A, %sub3A_33, %div3A : i32
      %add3A = arith.constant 7 : i32
      %add3A_34 = arith.addi %select_n3A, %add3A : i32
      %while3A = arith.constant 0 : i32
      %while3A_35 = arith.subi %add3A_34, %select_n3A : i32
      %while3A_36 = arith.addi %select_n3A, %while3A_35 : i32
      %while3A_37 = arith.constant 1 : i32
      %while3A_38 = arith.divsi %while3A_35, %while3A_37 : i32
      %while3A_39 = arith.muli %while3A_38, %while3A_37 : i32
      %while3A_40 = arith.addi %select_n3A, %while3A_39 : i32
      %while3A_41 = arith.constant 1 : i32
      scf.for %while3A_43 = %select_n3A to %while3A_40 step %while3A_41  : i32 {
        "tpu.region"() ({
          %run_scoped3A = tpu.sem_alloc : memref<!tpu.dma_semaphore, #tpu.memory_space<semaphore_mem>>
          %dma_start3A_70 = arith.constant 0 : i32
          %dma_start3A_71 = arith.constant 0 : i32
          %dma_start3A_72 = tpu.memref_slice %arg5[%while3A_43, %dma_start3A_70, %dma_start3A_71] : memref<98x3x128xi32, #tpu.memory_space<hbm>> -> memref<1x3x128xi32, #tpu.memory_space<hbm>>
          %dma_start3A_73 = tpu.memref_squeeze %dma_start3A_72 : memref<1x3x128xi32, #tpu.memory_space<hbm>> -> memref<3x128xi32, #tpu.memory_space<hbm>>
          %dma_start3A_74 = arith.constant 0 : i32
          %dma_start3A_75 = arith.constant 0 : i32
          %dma_start3A_76 = tpu.memref_slice %arg5[%while3A_43, %dma_start3A_74, %dma_start3A_75] : memref<98x3x128xi32, #tpu.memory_space<hbm>> -> memref<1x3x128xi32, #tpu.memory_space<hbm>>
          %dma_start3A_77 = tpu.memref_squeeze %dma_start3A_76 : memref<1x3x128xi32, #tpu.memory_space<hbm>> -> memref<3x128xi32, #tpu.memory_space<hbm>>
          tpu.enqueue_dma source(%dma_start3A_77 : memref<3x128xi32, #tpu.memory_space<hbm>>) target(%arg9 : memref<3x128xi32, #tpu.memory_space<vmem>>) target_semaphore(%run_scoped3A : memref<!tpu.dma_semaphore, #tpu.memory_space<semaphore_mem>>)
          %dma_wait3A_78 = arith.constant 0 : i32
          %dma_wait3A_79 = arith.constant 0 : i32
          %dma_wait3A_80 = tpu.memref_slice %arg5[%while3A_43, %dma_wait3A_78, %dma_wait3A_79] : memref<98x3x128xi32, #tpu.memory_space<hbm>> -> memref<1x3x128xi32, #tpu.memory_space<hbm>>
          %dma_wait3A_81 = tpu.memref_squeeze %dma_wait3A_80 : memref<1x3x128xi32, #tpu.memory_space<hbm>> -> memref<3x128xi32, #tpu.memory_space<hbm>>
          %dma_wait3A_82 = arith.constant 0 : i32
          %dma_wait3A_83 = arith.constant 0 : i32
          %dma_wait3A_84 = tpu.memref_slice %arg5[%while3A_43, %dma_wait3A_82, %dma_wait3A_83] : memref<98x3x128xi32, #tpu.memory_space<hbm>> -> memref<1x3x128xi32, #tpu.memory_space<hbm>>
          %dma_wait3A_85 = tpu.memref_squeeze %dma_wait3A_84 : memref<1x3x128xi32, #tpu.memory_space<hbm>> -> memref<3x128xi32, #tpu.memory_space<hbm>>
          tpu.wait_dma2 semaphore(%run_scoped3A : memref<!tpu.dma_semaphore, #tpu.memory_space<semaphore_mem>>) src(%dma_wait3A_85 : memref<3x128xi32, #tpu.memory_space<hbm>>) dst(%arg9 : memref<3x128xi32, #tpu.memory_space<vmem>>)
          tpu.yield
        }) : () -> ()
        %dma_start3A = arith.constant 1 : i32
        %dma_start3A_44 = arith.constant 0 : i32
        %dma_start3A_45 = tpu.memref_slice %arg9[%dma_start3A, %dma_start3A_44] : memref<3x128xi32, #tpu.memory_space<vmem>> -> memref<1x128xi32, #tpu.memory_space<vmem>>
        %dma_start3A_46 = tpu.memref_squeeze %dma_start3A_45 : memref<1x128xi32, #tpu.memory_space<vmem>> -> memref<128xi32, #tpu.memory_space<vmem>>
        %dma_start3A_47 = arith.constant 0 : i32
        %dma_start3A_48 = arith.constant 0 : i32
        %dma_start3A_49 = tpu.memref_slice %arg3[%dma_start3A_47, %dma_start3A_48] : memref<12544x32xf32, #tpu.memory_space<hbm>> -> memref<12544x32xf32, #tpu.memory_space<hbm>>
        tpu.enqueue_indirect_dma source(%dma_start3A_49 : memref<12544x32xf32, #tpu.memory_space<hbm>>) target(%arg10 : memref<128x32xf32, #tpu.memory_space<vmem>>) offsets(%dma_start3A_46 : memref<128xi32, #tpu.memory_space<vmem>>) semaphore(%arg11 : memref<!tpu.dma_semaphore, #tpu.memory_space<semaphore_mem>>)
        %dma_wait3A = arith.constant 1 : i32
        %dma_wait3A_50 = arith.constant 0 : i32
        %dma_wait3A_51 = tpu.memref_slice %arg9[%dma_wait3A, %dma_wait3A_50] : memref<3x128xi32, #tpu.memory_space<vmem>> -> memref<1x128xi32, #tpu.memory_space<vmem>>
        %dma_wait3A_52 = tpu.memref_squeeze %dma_wait3A_51 : memref<1x128xi32, #tpu.memory_space<vmem>> -> memref<128xi32, #tpu.memory_space<vmem>>
        %dma_wait3A_53 = arith.constant 0 : i32
        %dma_wait3A_54 = arith.constant 0 : i32
        %dma_wait3A_55 = tpu.memref_slice %arg3[%dma_wait3A_53, %dma_wait3A_54] : memref<12544x32xf32, #tpu.memory_space<hbm>> -> memref<12544x32xf32, #tpu.memory_space<hbm>>
        tpu.wait_indirect_dma semaphore(%arg11 : memref<!tpu.dma_semaphore, #tpu.memory_space<semaphore_mem>>) src(%dma_wait3A_55 : memref<12544x32xf32, #tpu.memory_space<hbm>>) dst(%arg10 : memref<128x32xf32, #tpu.memory_space<vmem>>)
        %dma_start3A_56 = arith.constant 0 : i32
        %dma_start3A_57 = arith.constant 0 : i32
        %dma_start3A_58 = tpu.memref_slice %arg9[%dma_start3A_56, %dma_start3A_57] : memref<3x128xi32, #tpu.memory_space<vmem>> -> memref<1x128xi32, #tpu.memory_space<vmem>>
        %dma_start3A_59 = tpu.memref_squeeze %dma_start3A_58 : memref<1x128xi32, #tpu.memory_space<vmem>> -> memref<128xi32, #tpu.memory_space<vmem>>
        %dma_start3A_60 = arith.constant 0 : i32
        %dma_start3A_61 = arith.constant 0 : i32
        %dma_start3A_62 = tpu.memref_slice %arg8[%dma_start3A_60, %dma_start3A_61] : memref<50048x32xf32, #tpu.memory_space<hbm>> -> memref<50048x32xf32, #tpu.memory_space<hbm>>
        tpu.enqueue_indirect_dma source(%arg10 : memref<128x32xf32, #tpu.memory_space<vmem>>) target(%dma_start3A_62 : memref<50048x32xf32, #tpu.memory_space<hbm>>) offsets(%dma_start3A_59 : memref<128xi32, #tpu.memory_space<vmem>>) semaphore(%arg12 : memref<!tpu.dma_semaphore, #tpu.memory_space<semaphore_mem>>)
        %dma_wait3A_63 = arith.constant 0 : i32
        %dma_wait3A_64 = arith.constant 0 : i32
        %dma_wait3A_65 = tpu.memref_slice %arg9[%dma_wait3A_63, %dma_wait3A_64] : memref<3x128xi32, #tpu.memory_space<vmem>> -> memref<1x128xi32, #tpu.memory_space<vmem>>
        %dma_wait3A_66 = tpu.memref_squeeze %dma_wait3A_65 : memref<1x128xi32, #tpu.memory_space<vmem>> -> memref<128xi32, #tpu.memory_space<vmem>>
        %dma_wait3A_67 = arith.constant 0 : i32
        %dma_wait3A_68 = arith.constant 0 : i32
        %dma_wait3A_69 = tpu.memref_slice %arg8[%dma_wait3A_67, %dma_wait3A_68] : memref<50048x32xf32, #tpu.memory_space<hbm>> -> memref<50048x32xf32, #tpu.memory_space<hbm>>
        tpu.wait_indirect_dma semaphore(%arg12 : memref<!tpu.dma_semaphore, #tpu.memory_space<semaphore_mem>>) src(%arg10 : memref<128x32xf32, #tpu.memory_space<vmem>>) dst(%dma_wait3A_69 : memref<50048x32xf32, #tpu.memory_space<hbm>>)
      }
      %while3A_42 = arith.constant 1 : i32
      scf.for %while3A_43 = %while3A_40 to %while3A_36 step %while3A_42  : i32 {
        "tpu.region"() ({
          %run_scoped3A = tpu.sem_alloc : memref<!tpu.dma_semaphore, #tpu.memory_space<semaphore_mem>>
          %dma_start3A_70 = arith.constant 0 : i32
          %dma_start3A_71 = arith.constant 0 : i32
          %dma_start3A_72 = tpu.memref_slice %arg5[%while3A_43, %dma_start3A_70, %dma_start3A_71] : memref<98x3x128xi32, #tpu.memory_space<hbm>> -> memref<1x3x128xi32, #tpu.memory_space<hbm>>
          %dma_start3A_73 = tpu.memref_squeeze %dma_start3A_72 : memref<1x3x128xi32, #tpu.memory_space<hbm>> -> memref<3x128xi32, #tpu.memory_space<hbm>>
          %dma_start3A_74 = arith.constant 0 : i32
          %dma_start3A_75 = arith.constant 0 : i32
          %dma_start3A_76 = tpu.memref_slice %arg5[%while3A_43, %dma_start3A_74, %dma_start3A_75] : memref<98x3x128xi32, #tpu.memory_space<hbm>> -> memref<1x3x128xi32, #tpu.memory_space<hbm>>
          %dma_start3A_77 = tpu.memref_squeeze %dma_start3A_76 : memref<1x3x128xi32, #tpu.memory_space<hbm>> -> memref<3x128xi32, #tpu.memory_space<hbm>>
          tpu.enqueue_dma source(%dma_start3A_77 : memref<3x128xi32, #tpu.memory_space<hbm>>) target(%arg9 : memref<3x128xi32, #tpu.memory_space<vmem>>) target_semaphore(%run_scoped3A : memref<!tpu.dma_semaphore, #tpu.memory_space<semaphore_mem>>)
          %dma_wait3A_78 = arith.constant 0 : i32
          %dma_wait3A_79 = arith.constant 0 : i32
          %dma_wait3A_80 = tpu.memref_slice %arg5[%while3A_43, %dma_wait3A_78, %dma_wait3A_79] : memref<98x3x128xi32, #tpu.memory_space<hbm>> -> memref<1x3x128xi32, #tpu.memory_space<hbm>>
          %dma_wait3A_81 = tpu.memref_squeeze %dma_wait3A_80 : memref<1x3x128xi32, #tpu.memory_space<hbm>> -> memref<3x128xi32, #tpu.memory_space<hbm>>
          %dma_wait3A_82 = arith.constant 0 : i32
          %dma_wait3A_83 = arith.constant 0 : i32
          %dma_wait3A_84 = tpu.memref_slice %arg5[%while3A_43, %dma_wait3A_82, %dma_wait3A_83] : memref<98x3x128xi32, #tpu.memory_space<hbm>> -> memref<1x3x128xi32, #tpu.memory_space<hbm>>
          %dma_wait3A_85 = tpu.memref_squeeze %dma_wait3A_84 : memref<1x3x128xi32, #tpu.memory_space<hbm>> -> memref<3x128xi32, #tpu.memory_space<hbm>>
          tpu.wait_dma2 semaphore(%run_scoped3A : memref<!tpu.dma_semaphore, #tpu.memory_space<semaphore_mem>>) src(%dma_wait3A_85 : memref<3x128xi32, #tpu.memory_space<hbm>>) dst(%arg9 : memref<3x128xi32, #tpu.memory_space<vmem>>)
          tpu.yield
        }) : () -> ()
        %dma_start3A = arith.constant 1 : i32
        %dma_start3A_44 = arith.constant 0 : i32
        %dma_start3A_45 = tpu.memref_slice %arg9[%dma_start3A, %dma_start3A_44] : memref<3x128xi32, #tpu.memory_space<vmem>> -> memref<1x128xi32, #tpu.memory_space<vmem>>
        %dma_start3A_46 = tpu.memref_squeeze %dma_start3A_45 : memref<1x128xi32, #tpu.memory_space<vmem>> -> memref<128xi32, #tpu.memory_space<vmem>>
        %dma_start3A_47 = arith.constant 0 : i32
        %dma_start3A_48 = arith.constant 0 : i32
        %dma_start3A_49 = tpu.memref_slice %arg3[%dma_start3A_47, %dma_start3A_48] : memref<12544x32xf32, #tpu.memory_space<hbm>> -> memref<12544x32xf32, #tpu.memory_space<hbm>>
        tpu.enqueue_indirect_dma source(%dma_start3A_49 : memref<12544x32xf32, #tpu.memory_space<hbm>>) target(%arg10 : memref<128x32xf32, #tpu.memory_space<vmem>>) offsets(%dma_start3A_46 : memref<128xi32, #tpu.memory_space<vmem>>) semaphore(%arg11 : memref<!tpu.dma_semaphore, #tpu.memory_space<semaphore_mem>>)
        %dma_wait3A = arith.constant 1 : i32
        %dma_wait3A_50 = arith.constant 0 : i32
        %dma_wait3A_51 = tpu.memref_slice %arg9[%dma_wait3A, %dma_wait3A_50] : memref<3x128xi32, #tpu.memory_space<vmem>> -> memref<1x128xi32, #tpu.memory_space<vmem>>
        %dma_wait3A_52 = tpu.memref_squeeze %dma_wait3A_51 : memref<1x128xi32, #tpu.memory_space<vmem>> -> memref<128xi32, #tpu.memory_space<vmem>>
        %dma_wait3A_53 = arith.constant 0 : i32
        %dma_wait3A_54 = arith.constant 0 : i32
        %dma_wait3A_55 = tpu.memref_slice %arg3[%dma_wait3A_53, %dma_wait3A_54] : memref<12544x32xf32, #tpu.memory_space<hbm>> -> memref<12544x32xf32, #tpu.memory_space<hbm>>
        tpu.wait_indirect_dma semaphore(%arg11 : memref<!tpu.dma_semaphore, #tpu.memory_space<semaphore_mem>>) src(%dma_wait3A_55 : memref<12544x32xf32, #tpu.memory_space<hbm>>) dst(%arg10 : memref<128x32xf32, #tpu.memory_space<vmem>>)
        %dma_start3A_56 = arith.constant 0 : i32
        %dma_start3A_57 = arith.constant 0 : i32
        %dma_start3A_58 = tpu.memref_slice %arg9[%dma_start3A_56, %dma_start3A_57] : memref<3x128xi32, #tpu.memory_space<vmem>> -> memref<1x128xi32, #tpu.memory_space<vmem>>
        %dma_start3A_59 = tpu.memref_squeeze %dma_start3A_58 : memref<1x128xi32, #tpu.memory_space<vmem>> -> memref<128xi32, #tpu.memory_space<vmem>>
        %dma_start3A_60 = arith.constant 0 : i32
        %dma_start3A_61 = arith.constant 0 : i32
        %dma_start3A_62 = tpu.memref_slice %arg8[%dma_start3A_60, %dma_start3A_61] : memref<50048x32xf32, #tpu.memory_space<hbm>> -> memref<50048x32xf32, #tpu.memory_space<hbm>>
        tpu.enqueue_indirect_dma source(%arg10 : memref<128x32xf32, #tpu.memory_space<vmem>>) target(%dma_start3A_62 : memref<50048x32xf32, #tpu.memory_space<hbm>>) offsets(%dma_start3A_59 : memref<128xi32, #tpu.memory_space<vmem>>) semaphore(%arg12 : memref<!tpu.dma_semaphore, #tpu.memory_space<semaphore_mem>>)
        %dma_wait3A_63 = arith.constant 0 : i32
        %dma_wait3A_64 = arith.constant 0 : i32
        %dma_wait3A_65 = tpu.memref_slice %arg9[%dma_wait3A_63, %dma_wait3A_64] : memref<3x128xi32, #tpu.memory_space<vmem>> -> memref<1x128xi32, #tpu.memory_space<vmem>>
        %dma_wait3A_66 = tpu.memref_squeeze %dma_wait3A_65 : memref<1x128xi32, #tpu.memory_space<vmem>> -> memref<128xi32, #tpu.memory_space<vmem>>
        %dma_wait3A_67 = arith.constant 0 : i32
        %dma_wait3A_68 = arith.constant 0 : i32
        %dma_wait3A_69 = tpu.memref_slice %arg8[%dma_wait3A_67, %dma_wait3A_68] : memref<50048x32xf32, #tpu.memory_space<hbm>> -> memref<50048x32xf32, #tpu.memory_space<hbm>>
        tpu.wait_indirect_dma semaphore(%arg12 : memref<!tpu.dma_semaphore, #tpu.memory_space<semaphore_mem>>) src(%arg10 : memref<128x32xf32, #tpu.memory_space<vmem>>) dst(%dma_wait3A_69 : memref<50048x32xf32, #tpu.memory_space<hbm>>)
      }
    } else {
    }
    return
  }
}

#map = affine_map<(d0, d1) -> (0, 0)>
#map1 = affine_map<(d0, d1) -> (0)>
module attributes {stable_mosaic.version = 14 : i64} {
  func.func @_sc_body(%arg0: i32, %arg1: i32, %arg2: memref<50048x32xf32, #tpu.memory_space<hbm>>, %arg3: memref<50048xf32, #tpu.memory_space<hbm>>, %arg4: memref<50048x32xf32, #tpu.memory_space<hbm>>, %arg5: memref<50048xf32, #tpu.memory_space<hbm>>, %arg6: memref<6256x128xi32, #tpu.memory_space<hbm>>, %arg7: memref<6256x128xi32, #tpu.memory_space<hbm>>, %arg8: memref<3128x32xf32, #tpu.memory_space<hbm>>, %arg9: memref<3128xf32, #tpu.memory_space<hbm>>, %arg10: memref<50048x32xf32, #tpu.memory_space<hbm>>, %arg11: memref<50048xf32, #tpu.memory_space<hbm>>, %arg12: memref<50048x32xf32, #tpu.memory_space<hbm>>, %arg13: memref<50048xf32, #tpu.memory_space<hbm>>, %arg14: memref<50048x32xf32, #tpu.memory_space<vmem_shared>>, %arg15: memref<50048xf32, #tpu.memory_space<vmem_shared>>, %arg16: memref<4x128xi32, #tpu.memory_space<vmem>>, %arg17: memref<4x128xi32, #tpu.memory_space<vmem>>, %arg18: memref<4x128x32xf32, #tpu.memory_space<vmem>>, %arg19: memref<4x128xf32, #tpu.memory_space<vmem>>, %arg20: memref<!tpu.dma_semaphore, #tpu.memory_space<semaphore_mem>>, %arg21: memref<!tpu.dma_semaphore, #tpu.memory_space<semaphore_mem>>) attributes {dimension_semantics = [#tpu.dimension_semantics<core_parallel>, #tpu.dimension_semantics<subcore_parallel>], iteration_bounds = array<i64: 2, 16>, scalar_prefetch = 0 : i64, scratch_operands = 8 : i64, tpu.core_type = #tpu.core_type<sc_vector_subcore>, window_params = [{transform_indices = #map}, {transform_indices = #map1}, {transform_indices = #map}, {transform_indices = #map1}, {transform_indices = #map}, {transform_indices = #map}, {transform_indices = #map}, {transform_indices = #map1}, {transform_indices = #map}, {transform_indices = #map1}, {transform_indices = #map}, {transform_indices = #map1}]} {
    %mul3A = arith.constant 3128 : i32
    %mul3A_0 = arith.muli %arg1, %mul3A : i32
    "tpu.region"() ({
      %run_scoped3A = tpu.sem_alloc : memref<!tpu.dma_semaphore, #tpu.memory_space<semaphore_mem>>
      %dma_start3A = arith.constant 0 : i32
      %dma_start3A_21 = tpu.memref_slice %arg14[%mul3A_0, %dma_start3A] : memref<50048x32xf32, #tpu.memory_space<vmem_shared>> -> memref<3128x32xf32, #tpu.memory_space<vmem_shared>>
      tpu.enqueue_dma source(%arg8 : memref<3128x32xf32, #tpu.memory_space<hbm>>) target(%dma_start3A_21 : memref<3128x32xf32, #tpu.memory_space<vmem_shared>>) target_semaphore(%run_scoped3A : memref<!tpu.dma_semaphore, #tpu.memory_space<semaphore_mem>>)
      %dma_wait3A = arith.constant 0 : i32
      %dma_wait3A_22 = tpu.memref_slice %arg14[%mul3A_0, %dma_wait3A] : memref<50048x32xf32, #tpu.memory_space<vmem_shared>> -> memref<3128x32xf32, #tpu.memory_space<vmem_shared>>
      tpu.wait_dma2 semaphore(%run_scoped3A : memref<!tpu.dma_semaphore, #tpu.memory_space<semaphore_mem>>) src(%arg8 : memref<3128x32xf32, #tpu.memory_space<hbm>>) dst(%dma_wait3A_22 : memref<3128x32xf32, #tpu.memory_space<vmem_shared>>)
      tpu.yield
    }) : () -> ()
    %mul3A_1 = arith.constant 3128 : i32
    %mul3A_2 = arith.muli %arg1, %mul3A_1 : i32
    "tpu.region"() ({
      %run_scoped3A = tpu.sem_alloc : memref<!tpu.dma_semaphore, #tpu.memory_space<semaphore_mem>>
      %dma_start3A = tpu.memref_slice %arg15[%mul3A_2] : memref<50048xf32, #tpu.memory_space<vmem_shared>> -> memref<3128xf32, #tpu.memory_space<vmem_shared>>
      tpu.enqueue_dma source(%arg9 : memref<3128xf32, #tpu.memory_space<hbm>>) target(%dma_start3A : memref<3128xf32, #tpu.memory_space<vmem_shared>>) target_semaphore(%run_scoped3A : memref<!tpu.dma_semaphore, #tpu.memory_space<semaphore_mem>>)
      %dma_wait3A = tpu.memref_slice %arg15[%mul3A_2] : memref<50048xf32, #tpu.memory_space<vmem_shared>> -> memref<3128xf32, #tpu.memory_space<vmem_shared>>
      tpu.wait_dma2 semaphore(%run_scoped3A : memref<!tpu.dma_semaphore, #tpu.memory_space<semaphore_mem>>) src(%arg9 : memref<3128xf32, #tpu.memory_space<hbm>>) dst(%dma_wait3A : memref<3128xf32, #tpu.memory_space<vmem_shared>>)
      tpu.yield
    }) : () -> ()
    %barrier3A = arith.constant 0 : index
    tpu.barrier barrier_id(%barrier3A)
    %eq3A = arith.constant 0 : i32
    %eq3A_3 = arith.cmpi eq, %arg0, %eq3A : i32
    %convert_element_type3A = arith.extui %eq3A_3 : i1 to i32
    %cond3A = arith.constant 0 : i32
    %cond3A_4 = arith.cmpi ne, %convert_element_type3A, %cond3A : i32
    scf.if %cond3A_4 {
      %mul3A_21 = arith.constant 97 : i32
      %mul3A_22 = arith.muli %arg1, %mul3A_21 : i32
      %min3A = arith.constant 12 : i32
      %min3A_23 = arith.minsi %arg1, %min3A : i32
      %add3A = arith.addi %mul3A_22, %min3A_23 : i32
      %lt3A = arith.constant 12 : i32
      %lt3A_24 = arith.cmpi slt, %arg1, %lt3A : i32
      %convert_element_type3A_25 = arith.extui %lt3A_24 : i1 to i32
      %add3A_26 = arith.constant 97 : i32
      %add3A_27 = arith.addi %add3A_26, %convert_element_type3A_25 : i32
      %while3A = arith.constant 0 : i32
      %while3A_28 = arith.constant 0 : i32
      %while3A_29 = arith.subi %add3A_27, %while3A_28 : i32
      %while3A_30 = arith.addi %while3A_28, %while3A_29 : i32
      %while3A_31 = arith.constant 1 : i32
      %while3A_32 = arith.divsi %while3A_29, %while3A_31 : i32
      %while3A_33 = arith.muli %while3A_32, %while3A_31 : i32
      %while3A_34 = arith.addi %while3A_28, %while3A_33 : i32
      %while3A_35 = arith.constant 1 : i32
      scf.for %while3A_37 = %while3A_28 to %while3A_34 step %while3A_35  : i32 {
        %add3A_38 = arith.addi %add3A, %while3A_37 : i32
        %mul3A_39 = arith.constant 4 : i32
        %mul3A_40 = arith.muli %add3A_38, %mul3A_39 : i32
        "tpu.region"() ({
          %run_scoped3A = tpu.sem_alloc : memref<!tpu.dma_semaphore, #tpu.memory_space<semaphore_mem>>
          %dma_start3A_391 = arith.constant 0 : i32
          %dma_start3A_392 = tpu.memref_slice %arg6[%mul3A_40, %dma_start3A_391] : memref<6256x128xi32, #tpu.memory_space<hbm>> -> memref<4x128xi32, #tpu.memory_space<hbm>>
          %dma_start3A_393 = arith.constant 0 : i32
          %dma_start3A_394 = tpu.memref_slice %arg6[%mul3A_40, %dma_start3A_393] : memref<6256x128xi32, #tpu.memory_space<hbm>> -> memref<4x128xi32, #tpu.memory_space<hbm>>
          tpu.enqueue_dma source(%dma_start3A_394 : memref<4x128xi32, #tpu.memory_space<hbm>>) target(%arg16 : memref<4x128xi32, #tpu.memory_space<vmem>>) target_semaphore(%run_scoped3A : memref<!tpu.dma_semaphore, #tpu.memory_space<semaphore_mem>>)
          %dma_wait3A_395 = arith.constant 0 : i32
          %dma_wait3A_396 = tpu.memref_slice %arg6[%mul3A_40, %dma_wait3A_395] : memref<6256x128xi32, #tpu.memory_space<hbm>> -> memref<4x128xi32, #tpu.memory_space<hbm>>
          %dma_wait3A_397 = arith.constant 0 : i32
          %dma_wait3A_398 = tpu.memref_slice %arg6[%mul3A_40, %dma_wait3A_397] : memref<6256x128xi32, #tpu.memory_space<hbm>> -> memref<4x128xi32, #tpu.memory_space<hbm>>
          tpu.wait_dma2 semaphore(%run_scoped3A : memref<!tpu.dma_semaphore, #tpu.memory_space<semaphore_mem>>) src(%dma_wait3A_398 : memref<4x128xi32, #tpu.memory_space<hbm>>) dst(%arg16 : memref<4x128xi32, #tpu.memory_space<vmem>>)
          tpu.yield
        }) : () -> ()
        "tpu.region"() ({
          %run_scoped3A = tpu.sem_alloc : memref<!tpu.dma_semaphore, #tpu.memory_space<semaphore_mem>>
          %dma_start3A_391 = arith.constant 0 : i32
          %dma_start3A_392 = tpu.memref_slice %arg7[%mul3A_40, %dma_start3A_391] : memref<6256x128xi32, #tpu.memory_space<hbm>> -> memref<4x128xi32, #tpu.memory_space<hbm>>
          %dma_start3A_393 = arith.constant 0 : i32
          %dma_start3A_394 = tpu.memref_slice %arg7[%mul3A_40, %dma_start3A_393] : memref<6256x128xi32, #tpu.memory_space<hbm>> -> memref<4x128xi32, #tpu.memory_space<hbm>>
          tpu.enqueue_dma source(%dma_start3A_394 : memref<4x128xi32, #tpu.memory_space<hbm>>) target(%arg17 : memref<4x128xi32, #tpu.memory_space<vmem>>) target_semaphore(%run_scoped3A : memref<!tpu.dma_semaphore, #tpu.memory_space<semaphore_mem>>)
          %dma_wait3A_395 = arith.constant 0 : i32
          %dma_wait3A_396 = tpu.memref_slice %arg7[%mul3A_40, %dma_wait3A_395] : memref<6256x128xi32, #tpu.memory_space<hbm>> -> memref<4x128xi32, #tpu.memory_space<hbm>>
          %dma_wait3A_397 = arith.constant 0 : i32
          %dma_wait3A_398 = tpu.memref_slice %arg7[%mul3A_40, %dma_wait3A_397] : memref<6256x128xi32, #tpu.memory_space<hbm>> -> memref<4x128xi32, #tpu.memory_space<hbm>>
          tpu.wait_dma2 semaphore(%run_scoped3A : memref<!tpu.dma_semaphore, #tpu.memory_space<semaphore_mem>>) src(%dma_wait3A_398 : memref<4x128xi32, #tpu.memory_space<hbm>>) dst(%arg17 : memref<4x128xi32, #tpu.memory_space<vmem>>)
          tpu.yield
        }) : () -> ()
        %dma_start3A = arith.constant 0 : i32
        %dma_start3A_41 = arith.constant 0 : i32
        %dma_start3A_42 = arith.constant 0 : i32
        %dma_start3A_43 = arith.constant 0 : i32
        %dma_start3A_44 = tpu.memref_slice %arg18[%dma_start3A_41, %dma_start3A_42, %dma_start3A_43] : memref<4x128x32xf32, #tpu.memory_space<vmem>> -> memref<1x128x32xf32, #tpu.memory_space<vmem>>
        %dma_start3A_45 = tpu.memref_squeeze %dma_start3A_44 : memref<1x128x32xf32, #tpu.memory_space<vmem>> -> memref<128x32xf32, #tpu.memory_space<vmem>>
        %dma_start3A_46 = arith.constant 0 : i32
        %dma_start3A_47 = tpu.memref_slice %arg16[%dma_start3A, %dma_start3A_46] : memref<4x128xi32, #tpu.memory_space<vmem>> -> memref<1x128xi32, #tpu.memory_space<vmem>>
        %dma_start3A_48 = tpu.memref_squeeze %dma_start3A_47 : memref<1x128xi32, #tpu.memory_space<vmem>> -> memref<128xi32, #tpu.memory_space<vmem>>
        %dma_start3A_49 = arith.constant 0 : i32
        %dma_start3A_50 = arith.constant 0 : i32
        %dma_start3A_51 = tpu.memref_slice %arg2[%dma_start3A_49, %dma_start3A_50] : memref<50048x32xf32, #tpu.memory_space<hbm>> -> memref<50048x32xf32, #tpu.memory_space<hbm>>
        tpu.enqueue_indirect_dma source(%dma_start3A_51 : memref<50048x32xf32, #tpu.memory_space<hbm>>) target(%dma_start3A_45 : memref<128x32xf32, #tpu.memory_space<vmem>>) offsets(%dma_start3A_48 : memref<128xi32, #tpu.memory_space<vmem>>) semaphore(%arg20 : memref<!tpu.dma_semaphore, #tpu.memory_space<semaphore_mem>>)
        %dma_start3A_52 = arith.constant 1 : i32
        %dma_start3A_53 = arith.constant 1 : i32
        %dma_start3A_54 = arith.constant 0 : i32
        %dma_start3A_55 = arith.constant 0 : i32
        %dma_start3A_56 = tpu.memref_slice %arg18[%dma_start3A_53, %dma_start3A_54, %dma_start3A_55] : memref<4x128x32xf32, #tpu.memory_space<vmem>> -> memref<1x128x32xf32, #tpu.memory_space<vmem>>
        %dma_start3A_57 = tpu.memref_squeeze %dma_start3A_56 : memref<1x128x32xf32, #tpu.memory_space<vmem>> -> memref<128x32xf32, #tpu.memory_space<vmem>>
        %dma_start3A_58 = arith.constant 0 : i32
        %dma_start3A_59 = tpu.memref_slice %arg16[%dma_start3A_52, %dma_start3A_58] : memref<4x128xi32, #tpu.memory_space<vmem>> -> memref<1x128xi32, #tpu.memory_space<vmem>>
        %dma_start3A_60 = tpu.memref_squeeze %dma_start3A_59 : memref<1x128xi32, #tpu.memory_space<vmem>> -> memref<128xi32, #tpu.memory_space<vmem>>
        %dma_start3A_61 = arith.constant 0 : i32
        %dma_start3A_62 = arith.constant 0 : i32
        %dma_start3A_63 = tpu.memref_slice %arg2[%dma_start3A_61, %dma_start3A_62] : memref<50048x32xf32, #tpu.memory_space<hbm>> -> memref<50048x32xf32, #tpu.memory_space<hbm>>
        tpu.enqueue_indirect_dma source(%dma_start3A_63 : memref<50048x32xf32, #tpu.memory_space<hbm>>) target(%dma_start3A_57 : memref<128x32xf32, #tpu.memory_space<vmem>>) offsets(%dma_start3A_60 : memref<128xi32, #tpu.memory_space<vmem>>) semaphore(%arg20 : memref<!tpu.dma_semaphore, #tpu.memory_space<semaphore_mem>>)
        %dma_start3A_64 = arith.constant 2 : i32
        %dma_start3A_65 = arith.constant 2 : i32
        %dma_start3A_66 = arith.constant 0 : i32
        %dma_start3A_67 = arith.constant 0 : i32
        %dma_start3A_68 = tpu.memref_slice %arg18[%dma_start3A_65, %dma_start3A_66, %dma_start3A_67] : memref<4x128x32xf32, #tpu.memory_space<vmem>> -> memref<1x128x32xf32, #tpu.memory_space<vmem>>
        %dma_start3A_69 = tpu.memref_squeeze %dma_start3A_68 : memref<1x128x32xf32, #tpu.memory_space<vmem>> -> memref<128x32xf32, #tpu.memory_space<vmem>>
        %dma_start3A_70 = arith.constant 0 : i32
        %dma_start3A_71 = tpu.memref_slice %arg16[%dma_start3A_64, %dma_start3A_70] : memref<4x128xi32, #tpu.memory_space<vmem>> -> memref<1x128xi32, #tpu.memory_space<vmem>>
        %dma_start3A_72 = tpu.memref_squeeze %dma_start3A_71 : memref<1x128xi32, #tpu.memory_space<vmem>> -> memref<128xi32, #tpu.memory_space<vmem>>
        %dma_start3A_73 = arith.constant 0 : i32
        %dma_start3A_74 = arith.constant 0 : i32
        %dma_start3A_75 = tpu.memref_slice %arg2[%dma_start3A_73, %dma_start3A_74] : memref<50048x32xf32, #tpu.memory_space<hbm>> -> memref<50048x32xf32, #tpu.memory_space<hbm>>
        tpu.enqueue_indirect_dma source(%dma_start3A_75 : memref<50048x32xf32, #tpu.memory_space<hbm>>) target(%dma_start3A_69 : memref<128x32xf32, #tpu.memory_space<vmem>>) offsets(%dma_start3A_72 : memref<128xi32, #tpu.memory_space<vmem>>) semaphore(%arg20 : memref<!tpu.dma_semaphore, #tpu.memory_space<semaphore_mem>>)
        %dma_start3A_76 = arith.constant 3 : i32
        %dma_start3A_77 = arith.constant 3 : i32
        %dma_start3A_78 = arith.constant 0 : i32
        %dma_start3A_79 = arith.constant 0 : i32
        %dma_start3A_80 = tpu.memref_slice %arg18[%dma_start3A_77, %dma_start3A_78, %dma_start3A_79] : memref<4x128x32xf32, #tpu.memory_space<vmem>> -> memref<1x128x32xf32, #tpu.memory_space<vmem>>
        %dma_start3A_81 = tpu.memref_squeeze %dma_start3A_80 : memref<1x128x32xf32, #tpu.memory_space<vmem>> -> memref<128x32xf32, #tpu.memory_space<vmem>>
        %dma_start3A_82 = arith.constant 0 : i32
        %dma_start3A_83 = tpu.memref_slice %arg16[%dma_start3A_76, %dma_start3A_82] : memref<4x128xi32, #tpu.memory_space<vmem>> -> memref<1x128xi32, #tpu.memory_space<vmem>>
        %dma_start3A_84 = tpu.memref_squeeze %dma_start3A_83 : memref<1x128xi32, #tpu.memory_space<vmem>> -> memref<128xi32, #tpu.memory_space<vmem>>
        %dma_start3A_85 = arith.constant 0 : i32
        %dma_start3A_86 = arith.constant 0 : i32
        %dma_start3A_87 = tpu.memref_slice %arg2[%dma_start3A_85, %dma_start3A_86] : memref<50048x32xf32, #tpu.memory_space<hbm>> -> memref<50048x32xf32, #tpu.memory_space<hbm>>
        tpu.enqueue_indirect_dma source(%dma_start3A_87 : memref<50048x32xf32, #tpu.memory_space<hbm>>) target(%dma_start3A_81 : memref<128x32xf32, #tpu.memory_space<vmem>>) offsets(%dma_start3A_84 : memref<128xi32, #tpu.memory_space<vmem>>) semaphore(%arg20 : memref<!tpu.dma_semaphore, #tpu.memory_space<semaphore_mem>>)
        %dma_start3A_88 = arith.constant 0 : i32
        %dma_start3A_89 = arith.constant 0 : i32
        %dma_start3A_90 = arith.constant 0 : i32
        %dma_start3A_91 = tpu.memref_slice %arg19[%dma_start3A_89, %dma_start3A_90] : memref<4x128xf32, #tpu.memory_space<vmem>> -> memref<1x128xf32, #tpu.memory_space<vmem>>
        %dma_start3A_92 = tpu.memref_squeeze %dma_start3A_91 : memref<1x128xf32, #tpu.memory_space<vmem>> -> memref<128xf32, #tpu.memory_space<vmem>>
        %dma_start3A_93 = arith.constant 0 : i32
        %dma_start3A_94 = tpu.memref_slice %arg16[%dma_start3A_88, %dma_start3A_93] : memref<4x128xi32, #tpu.memory_space<vmem>> -> memref<1x128xi32, #tpu.memory_space<vmem>>
        %dma_start3A_95 = tpu.memref_squeeze %dma_start3A_94 : memref<1x128xi32, #tpu.memory_space<vmem>> -> memref<128xi32, #tpu.memory_space<vmem>>
        %dma_start3A_96 = arith.constant 0 : i32
        %dma_start3A_97 = tpu.memref_slice %arg3[%dma_start3A_96] : memref<50048xf32, #tpu.memory_space<hbm>> -> memref<50048xf32, #tpu.memory_space<hbm>>
        tpu.enqueue_indirect_dma source(%dma_start3A_97 : memref<50048xf32, #tpu.memory_space<hbm>>) target(%dma_start3A_92 : memref<128xf32, #tpu.memory_space<vmem>>) offsets(%dma_start3A_95 : memref<128xi32, #tpu.memory_space<vmem>>) semaphore(%arg20 : memref<!tpu.dma_semaphore, #tpu.memory_space<semaphore_mem>>)
        %dma_start3A_98 = arith.constant 1 : i32
        %dma_start3A_99 = arith.constant 1 : i32
        %dma_start3A_100 = arith.constant 0 : i32
        %dma_start3A_101 = tpu.memref_slice %arg19[%dma_start3A_99, %dma_start3A_100] : memref<4x128xf32, #tpu.memory_space<vmem>> -> memref<1x128xf32, #tpu.memory_space<vmem>>
        %dma_start3A_102 = tpu.memref_squeeze %dma_start3A_101 : memref<1x128xf32, #tpu.memory_space<vmem>> -> memref<128xf32, #tpu.memory_space<vmem>>
        %dma_start3A_103 = arith.constant 0 : i32
        %dma_start3A_104 = tpu.memref_slice %arg16[%dma_start3A_98, %dma_start3A_103] : memref<4x128xi32, #tpu.memory_space<vmem>> -> memref<1x128xi32, #tpu.memory_space<vmem>>
        %dma_start3A_105 = tpu.memref_squeeze %dma_start3A_104 : memref<1x128xi32, #tpu.memory_space<vmem>> -> memref<128xi32, #tpu.memory_space<vmem>>
        %dma_start3A_106 = arith.constant 0 : i32
        %dma_start3A_107 = tpu.memref_slice %arg3[%dma_start3A_106] : memref<50048xf32, #tpu.memory_space<hbm>> -> memref<50048xf32, #tpu.memory_space<hbm>>
        tpu.enqueue_indirect_dma source(%dma_start3A_107 : memref<50048xf32, #tpu.memory_space<hbm>>) target(%dma_start3A_102 : memref<128xf32, #tpu.memory_space<vmem>>) offsets(%dma_start3A_105 : memref<128xi32, #tpu.memory_space<vmem>>) semaphore(%arg20 : memref<!tpu.dma_semaphore, #tpu.memory_space<semaphore_mem>>)
        %dma_start3A_108 = arith.constant 2 : i32
        %dma_start3A_109 = arith.constant 2 : i32
        %dma_start3A_110 = arith.constant 0 : i32
        %dma_start3A_111 = tpu.memref_slice %arg19[%dma_start3A_109, %dma_start3A_110] : memref<4x128xf32, #tpu.memory_space<vmem>> -> memref<1x128xf32, #tpu.memory_space<vmem>>
        %dma_start3A_112 = tpu.memref_squeeze %dma_start3A_111 : memref<1x128xf32, #tpu.memory_space<vmem>> -> memref<128xf32, #tpu.memory_space<vmem>>
        %dma_start3A_113 = arith.constant 0 : i32
        %dma_start3A_114 = tpu.memref_slice %arg16[%dma_start3A_108, %dma_start3A_113] : memref<4x128xi32, #tpu.memory_space<vmem>> -> memref<1x128xi32, #tpu.memory_space<vmem>>
        %dma_start3A_115 = tpu.memref_squeeze %dma_start3A_114 : memref<1x128xi32, #tpu.memory_space<vmem>> -> memref<128xi32, #tpu.memory_space<vmem>>
        %dma_start3A_116 = arith.constant 0 : i32
        %dma_start3A_117 = tpu.memref_slice %arg3[%dma_start3A_116] : memref<50048xf32, #tpu.memory_space<hbm>> -> memref<50048xf32, #tpu.memory_space<hbm>>
        tpu.enqueue_indirect_dma source(%dma_start3A_117 : memref<50048xf32, #tpu.memory_space<hbm>>) target(%dma_start3A_112 : memref<128xf32, #tpu.memory_space<vmem>>) offsets(%dma_start3A_115 : memref<128xi32, #tpu.memory_space<vmem>>) semaphore(%arg20 : memref<!tpu.dma_semaphore, #tpu.memory_space<semaphore_mem>>)
        %dma_start3A_118 = arith.constant 3 : i32
        %dma_start3A_119 = arith.constant 3 : i32
        %dma_start3A_120 = arith.constant 0 : i32
        %dma_start3A_121 = tpu.memref_slice %arg19[%dma_start3A_119, %dma_start3A_120] : memref<4x128xf32, #tpu.memory_space<vmem>> -> memref<1x128xf32, #tpu.memory_space<vmem>>
        %dma_start3A_122 = tpu.memref_squeeze %dma_start3A_121 : memref<1x128xf32, #tpu.memory_space<vmem>> -> memref<128xf32, #tpu.memory_space<vmem>>
        %dma_start3A_123 = arith.constant 0 : i32
        %dma_start3A_124 = tpu.memref_slice %arg16[%dma_start3A_118, %dma_start3A_123] : memref<4x128xi32, #tpu.memory_space<vmem>> -> memref<1x128xi32, #tpu.memory_space<vmem>>
        %dma_start3A_125 = tpu.memref_squeeze %dma_start3A_124 : memref<1x128xi32, #tpu.memory_space<vmem>> -> memref<128xi32, #tpu.memory_space<vmem>>
        %dma_start3A_126 = arith.constant 0 : i32
        %dma_start3A_127 = tpu.memref_slice %arg3[%dma_start3A_126] : memref<50048xf32, #tpu.memory_space<hbm>> -> memref<50048xf32, #tpu.memory_space<hbm>>
        tpu.enqueue_indirect_dma source(%dma_start3A_127 : memref<50048xf32, #tpu.memory_space<hbm>>) target(%dma_start3A_122 : memref<128xf32, #tpu.memory_space<vmem>>) offsets(%dma_start3A_125 : memref<128xi32, #tpu.memory_space<vmem>>) semaphore(%arg20 : memref<!tpu.dma_semaphore, #tpu.memory_space<semaphore_mem>>)
        %dma_wait3A = arith.constant 0 : i32
        %dma_wait3A_128 = arith.constant 0 : i32
        %dma_wait3A_129 = arith.constant 0 : i32
        %dma_wait3A_130 = arith.constant 0 : i32
        %dma_wait3A_131 = tpu.memref_slice %arg18[%dma_wait3A_128, %dma_wait3A_129, %dma_wait3A_130] : memref<4x128x32xf32, #tpu.memory_space<vmem>> -> memref<1x128x32xf32, #tpu.memory_space<vmem>>
        %dma_wait3A_132 = tpu.memref_squeeze %dma_wait3A_131 : memref<1x128x32xf32, #tpu.memory_space<vmem>> -> memref<128x32xf32, #tpu.memory_space<vmem>>
        %dma_wait3A_133 = arith.constant 0 : i32
        %dma_wait3A_134 = tpu.memref_slice %arg16[%dma_wait3A, %dma_wait3A_133] : memref<4x128xi32, #tpu.memory_space<vmem>> -> memref<1x128xi32, #tpu.memory_space<vmem>>
        %dma_wait3A_135 = tpu.memref_squeeze %dma_wait3A_134 : memref<1x128xi32, #tpu.memory_space<vmem>> -> memref<128xi32, #tpu.memory_space<vmem>>
        %dma_wait3A_136 = arith.constant 0 : i32
        %dma_wait3A_137 = arith.constant 0 : i32
        %dma_wait3A_138 = tpu.memref_slice %arg2[%dma_wait3A_136, %dma_wait3A_137] : memref<50048x32xf32, #tpu.memory_space<hbm>> -> memref<50048x32xf32, #tpu.memory_space<hbm>>
        tpu.wait_indirect_dma semaphore(%arg20 : memref<!tpu.dma_semaphore, #tpu.memory_space<semaphore_mem>>) src(%dma_wait3A_138 : memref<50048x32xf32, #tpu.memory_space<hbm>>) dst(%dma_wait3A_132 : memref<128x32xf32, #tpu.memory_space<vmem>>)
        %dma_wait3A_139 = arith.constant 1 : i32
        %dma_wait3A_140 = arith.constant 1 : i32
        %dma_wait3A_141 = arith.constant 0 : i32
        %dma_wait3A_142 = arith.constant 0 : i32
        %dma_wait3A_143 = tpu.memref_slice %arg18[%dma_wait3A_140, %dma_wait3A_141, %dma_wait3A_142] : memref<4x128x32xf32, #tpu.memory_space<vmem>> -> memref<1x128x32xf32, #tpu.memory_space<vmem>>
        %dma_wait3A_144 = tpu.memref_squeeze %dma_wait3A_143 : memref<1x128x32xf32, #tpu.memory_space<vmem>> -> memref<128x32xf32, #tpu.memory_space<vmem>>
        %dma_wait3A_145 = arith.constant 0 : i32
        %dma_wait3A_146 = tpu.memref_slice %arg16[%dma_wait3A_139, %dma_wait3A_145] : memref<4x128xi32, #tpu.memory_space<vmem>> -> memref<1x128xi32, #tpu.memory_space<vmem>>
        %dma_wait3A_147 = tpu.memref_squeeze %dma_wait3A_146 : memref<1x128xi32, #tpu.memory_space<vmem>> -> memref<128xi32, #tpu.memory_space<vmem>>
        %dma_wait3A_148 = arith.constant 0 : i32
        %dma_wait3A_149 = arith.constant 0 : i32
        %dma_wait3A_150 = tpu.memref_slice %arg2[%dma_wait3A_148, %dma_wait3A_149] : memref<50048x32xf32, #tpu.memory_space<hbm>> -> memref<50048x32xf32, #tpu.memory_space<hbm>>
        tpu.wait_indirect_dma semaphore(%arg20 : memref<!tpu.dma_semaphore, #tpu.memory_space<semaphore_mem>>) src(%dma_wait3A_150 : memref<50048x32xf32, #tpu.memory_space<hbm>>) dst(%dma_wait3A_144 : memref<128x32xf32, #tpu.memory_space<vmem>>)
        %dma_wait3A_151 = arith.constant 2 : i32
        %dma_wait3A_152 = arith.constant 2 : i32
        %dma_wait3A_153 = arith.constant 0 : i32
        %dma_wait3A_154 = arith.constant 0 : i32
        %dma_wait3A_155 = tpu.memref_slice %arg18[%dma_wait3A_152, %dma_wait3A_153, %dma_wait3A_154] : memref<4x128x32xf32, #tpu.memory_space<vmem>> -> memref<1x128x32xf32, #tpu.memory_space<vmem>>
        %dma_wait3A_156 = tpu.memref_squeeze %dma_wait3A_155 : memref<1x128x32xf32, #tpu.memory_space<vmem>> -> memref<128x32xf32, #tpu.memory_space<vmem>>
        %dma_wait3A_157 = arith.constant 0 : i32
        %dma_wait3A_158 = tpu.memref_slice %arg16[%dma_wait3A_151, %dma_wait3A_157] : memref<4x128xi32, #tpu.memory_space<vmem>> -> memref<1x128xi32, #tpu.memory_space<vmem>>
        %dma_wait3A_159 = tpu.memref_squeeze %dma_wait3A_158 : memref<1x128xi32, #tpu.memory_space<vmem>> -> memref<128xi32, #tpu.memory_space<vmem>>
        %dma_wait3A_160 = arith.constant 0 : i32
        %dma_wait3A_161 = arith.constant 0 : i32
        %dma_wait3A_162 = tpu.memref_slice %arg2[%dma_wait3A_160, %dma_wait3A_161] : memref<50048x32xf32, #tpu.memory_space<hbm>> -> memref<50048x32xf32, #tpu.memory_space<hbm>>
        tpu.wait_indirect_dma semaphore(%arg20 : memref<!tpu.dma_semaphore, #tpu.memory_space<semaphore_mem>>) src(%dma_wait3A_162 : memref<50048x32xf32, #tpu.memory_space<hbm>>) dst(%dma_wait3A_156 : memref<128x32xf32, #tpu.memory_space<vmem>>)
        %dma_wait3A_163 = arith.constant 3 : i32
        %dma_wait3A_164 = arith.constant 3 : i32
        %dma_wait3A_165 = arith.constant 0 : i32
        %dma_wait3A_166 = arith.constant 0 : i32
        %dma_wait3A_167 = tpu.memref_slice %arg18[%dma_wait3A_164, %dma_wait3A_165, %dma_wait3A_166] : memref<4x128x32xf32, #tpu.memory_space<vmem>> -> memref<1x128x32xf32, #tpu.memory_space<vmem>>
        %dma_wait3A_168 = tpu.memref_squeeze %dma_wait3A_167 : memref<1x128x32xf32, #tpu.memory_space<vmem>> -> memref<128x32xf32, #tpu.memory_space<vmem>>
        %dma_wait3A_169 = arith.constant 0 : i32
        %dma_wait3A_170 = tpu.memref_slice %arg16[%dma_wait3A_163, %dma_wait3A_169] : memref<4x128xi32, #tpu.memory_space<vmem>> -> memref<1x128xi32, #tpu.memory_space<vmem>>
        %dma_wait3A_171 = tpu.memref_squeeze %dma_wait3A_170 : memref<1x128xi32, #tpu.memory_space<vmem>> -> memref<128xi32, #tpu.memory_space<vmem>>
        %dma_wait3A_172 = arith.constant 0 : i32
        %dma_wait3A_173 = arith.constant 0 : i32
        %dma_wait3A_174 = tpu.memref_slice %arg2[%dma_wait3A_172, %dma_wait3A_173] : memref<50048x32xf32, #tpu.memory_space<hbm>> -> memref<50048x32xf32, #tpu.memory_space<hbm>>
        tpu.wait_indirect_dma semaphore(%arg20 : memref<!tpu.dma_semaphore, #tpu.memory_space<semaphore_mem>>) src(%dma_wait3A_174 : memref<50048x32xf32, #tpu.memory_space<hbm>>) dst(%dma_wait3A_168 : memref<128x32xf32, #tpu.memory_space<vmem>>)
        %dma_wait3A_175 = arith.constant 0 : i32
        %dma_wait3A_176 = arith.constant 0 : i32
        %dma_wait3A_177 = arith.constant 0 : i32
        %dma_wait3A_178 = tpu.memref_slice %arg19[%dma_wait3A_176, %dma_wait3A_177] : memref<4x128xf32, #tpu.memory_space<vmem>> -> memref<1x128xf32, #tpu.memory_space<vmem>>
        %dma_wait3A_179 = tpu.memref_squeeze %dma_wait3A_178 : memref<1x128xf32, #tpu.memory_space<vmem>> -> memref<128xf32, #tpu.memory_space<vmem>>
        %dma_wait3A_180 = arith.constant 0 : i32
        %dma_wait3A_181 = tpu.memref_slice %arg16[%dma_wait3A_175, %dma_wait3A_180] : memref<4x128xi32, #tpu.memory_space<vmem>> -> memref<1x128xi32, #tpu.memory_space<vmem>>
        %dma_wait3A_182 = tpu.memref_squeeze %dma_wait3A_181 : memref<1x128xi32, #tpu.memory_space<vmem>> -> memref<128xi32, #tpu.memory_space<vmem>>
        %dma_wait3A_183 = arith.constant 0 : i32
        %dma_wait3A_184 = tpu.memref_slice %arg3[%dma_wait3A_183] : memref<50048xf32, #tpu.memory_space<hbm>> -> memref<50048xf32, #tpu.memory_space<hbm>>
        tpu.wait_indirect_dma semaphore(%arg20 : memref<!tpu.dma_semaphore, #tpu.memory_space<semaphore_mem>>) src(%dma_wait3A_184 : memref<50048xf32, #tpu.memory_space<hbm>>) dst(%dma_wait3A_179 : memref<128xf32, #tpu.memory_space<vmem>>)
        %dma_wait3A_185 = arith.constant 1 : i32
        %dma_wait3A_186 = arith.constant 1 : i32
        %dma_wait3A_187 = arith.constant 0 : i32
        %dma_wait3A_188 = tpu.memref_slice %arg19[%dma_wait3A_186, %dma_wait3A_187] : memref<4x128xf32, #tpu.memory_space<vmem>> -> memref<1x128xf32, #tpu.memory_space<vmem>>
        %dma_wait3A_189 = tpu.memref_squeeze %dma_wait3A_188 : memref<1x128xf32, #tpu.memory_space<vmem>> -> memref<128xf32, #tpu.memory_space<vmem>>
        %dma_wait3A_190 = arith.constant 0 : i32
        %dma_wait3A_191 = tpu.memref_slice %arg16[%dma_wait3A_185, %dma_wait3A_190] : memref<4x128xi32, #tpu.memory_space<vmem>> -> memref<1x128xi32, #tpu.memory_space<vmem>>
        %dma_wait3A_192 = tpu.memref_squeeze %dma_wait3A_191 : memref<1x128xi32, #tpu.memory_space<vmem>> -> memref<128xi32, #tpu.memory_space<vmem>>
        %dma_wait3A_193 = arith.constant 0 : i32
        %dma_wait3A_194 = tpu.memref_slice %arg3[%dma_wait3A_193] : memref<50048xf32, #tpu.memory_space<hbm>> -> memref<50048xf32, #tpu.memory_space<hbm>>
        tpu.wait_indirect_dma semaphore(%arg20 : memref<!tpu.dma_semaphore, #tpu.memory_space<semaphore_mem>>) src(%dma_wait3A_194 : memref<50048xf32, #tpu.memory_space<hbm>>) dst(%dma_wait3A_189 : memref<128xf32, #tpu.memory_space<vmem>>)
        %dma_wait3A_195 = arith.constant 2 : i32
        %dma_wait3A_196 = arith.constant 2 : i32
        %dma_wait3A_197 = arith.constant 0 : i32
        %dma_wait3A_198 = tpu.memref_slice %arg19[%dma_wait3A_196, %dma_wait3A_197] : memref<4x128xf32, #tpu.memory_space<vmem>> -> memref<1x128xf32, #tpu.memory_space<vmem>>
        %dma_wait3A_199 = tpu.memref_squeeze %dma_wait3A_198 : memref<1x128xf32, #tpu.memory_space<vmem>> -> memref<128xf32, #tpu.memory_space<vmem>>
        %dma_wait3A_200 = arith.constant 0 : i32
        %dma_wait3A_201 = tpu.memref_slice %arg16[%dma_wait3A_195, %dma_wait3A_200] : memref<4x128xi32, #tpu.memory_space<vmem>> -> memref<1x128xi32, #tpu.memory_space<vmem>>
        %dma_wait3A_202 = tpu.memref_squeeze %dma_wait3A_201 : memref<1x128xi32, #tpu.memory_space<vmem>> -> memref<128xi32, #tpu.memory_space<vmem>>
        %dma_wait3A_203 = arith.constant 0 : i32
        %dma_wait3A_204 = tpu.memref_slice %arg3[%dma_wait3A_203] : memref<50048xf32, #tpu.memory_space<hbm>> -> memref<50048xf32, #tpu.memory_space<hbm>>
        tpu.wait_indirect_dma semaphore(%arg20 : memref<!tpu.dma_semaphore, #tpu.memory_space<semaphore_mem>>) src(%dma_wait3A_204 : memref<50048xf32, #tpu.memory_space<hbm>>) dst(%dma_wait3A_199 : memref<128xf32, #tpu.memory_space<vmem>>)
        %dma_wait3A_205 = arith.constant 3 : i32
        %dma_wait3A_206 = arith.constant 3 : i32
        %dma_wait3A_207 = arith.constant 0 : i32
        %dma_wait3A_208 = tpu.memref_slice %arg19[%dma_wait3A_206, %dma_wait3A_207] : memref<4x128xf32, #tpu.memory_space<vmem>> -> memref<1x128xf32, #tpu.memory_space<vmem>>
        %dma_wait3A_209 = tpu.memref_squeeze %dma_wait3A_208 : memref<1x128xf32, #tpu.memory_space<vmem>> -> memref<128xf32, #tpu.memory_space<vmem>>
        %dma_wait3A_210 = arith.constant 0 : i32
        %dma_wait3A_211 = tpu.memref_slice %arg16[%dma_wait3A_205, %dma_wait3A_210] : memref<4x128xi32, #tpu.memory_space<vmem>> -> memref<1x128xi32, #tpu.memory_space<vmem>>
        %dma_wait3A_212 = tpu.memref_squeeze %dma_wait3A_211 : memref<1x128xi32, #tpu.memory_space<vmem>> -> memref<128xi32, #tpu.memory_space<vmem>>
        %dma_wait3A_213 = arith.constant 0 : i32
        %dma_wait3A_214 = tpu.memref_slice %arg3[%dma_wait3A_213] : memref<50048xf32, #tpu.memory_space<hbm>> -> memref<50048xf32, #tpu.memory_space<hbm>>
        tpu.wait_indirect_dma semaphore(%arg20 : memref<!tpu.dma_semaphore, #tpu.memory_space<semaphore_mem>>) src(%dma_wait3A_214 : memref<50048xf32, #tpu.memory_space<hbm>>) dst(%dma_wait3A_209 : memref<128xf32, #tpu.memory_space<vmem>>)
        %dma_start3A_215 = arith.constant 0 : i32
        %dma_start3A_216 = arith.constant 0 : i32
        %dma_start3A_217 = arith.constant 0 : i32
        %dma_start3A_218 = arith.constant 0 : i32
        %dma_start3A_219 = tpu.memref_slice %arg18[%dma_start3A_215, %dma_start3A_217, %dma_start3A_218] : memref<4x128x32xf32, #tpu.memory_space<vmem>> -> memref<1x128x32xf32, #tpu.memory_space<vmem>>
        %dma_start3A_220 = tpu.memref_squeeze %dma_start3A_219 : memref<1x128x32xf32, #tpu.memory_space<vmem>> -> memref<128x32xf32, #tpu.memory_space<vmem>>
        %dma_start3A_221 = arith.constant 0 : i32
        %dma_start3A_222 = tpu.memref_slice %arg17[%dma_start3A_216, %dma_start3A_221] : memref<4x128xi32, #tpu.memory_space<vmem>> -> memref<1x128xi32, #tpu.memory_space<vmem>>
        %dma_start3A_223 = tpu.memref_squeeze %dma_start3A_222 : memref<1x128xi32, #tpu.memory_space<vmem>> -> memref<128xi32, #tpu.memory_space<vmem>>
        %dma_start3A_224 = arith.constant 0 : i32
        %dma_start3A_225 = arith.constant 0 : i32
        %dma_start3A_226 = tpu.memref_slice %arg14[%dma_start3A_224, %dma_start3A_225] : memref<50048x32xf32, #tpu.memory_space<vmem_shared>> -> memref<50048x32xf32, #tpu.memory_space<vmem_shared>>
        tpu.enqueue_indirect_dma source(%dma_start3A_220 : memref<128x32xf32, #tpu.memory_space<vmem>>) target(%dma_start3A_226 : memref<50048x32xf32, #tpu.memory_space<vmem_shared>>) offsets(%dma_start3A_223 : memref<128xi32, #tpu.memory_space<vmem>>) semaphore(%arg21 : memref<!tpu.dma_semaphore, #tpu.memory_space<semaphore_mem>>) {add = true}
        %dma_start3A_227 = arith.constant 1 : i32
        %dma_start3A_228 = arith.constant 1 : i32
        %dma_start3A_229 = arith.constant 0 : i32
        %dma_start3A_230 = arith.constant 0 : i32
        %dma_start3A_231 = tpu.memref_slice %arg18[%dma_start3A_227, %dma_start3A_229, %dma_start3A_230] : memref<4x128x32xf32, #tpu.memory_space<vmem>> -> memref<1x128x32xf32, #tpu.memory_space<vmem>>
        %dma_start3A_232 = tpu.memref_squeeze %dma_start3A_231 : memref<1x128x32xf32, #tpu.memory_space<vmem>> -> memref<128x32xf32, #tpu.memory_space<vmem>>
        %dma_start3A_233 = arith.constant 0 : i32
        %dma_start3A_234 = tpu.memref_slice %arg17[%dma_start3A_228, %dma_start3A_233] : memref<4x128xi32, #tpu.memory_space<vmem>> -> memref<1x128xi32, #tpu.memory_space<vmem>>
        %dma_start3A_235 = tpu.memref_squeeze %dma_start3A_234 : memref<1x128xi32, #tpu.memory_space<vmem>> -> memref<128xi32, #tpu.memory_space<vmem>>
        %dma_start3A_236 = arith.constant 0 : i32
        %dma_start3A_237 = arith.constant 0 : i32
        %dma_start3A_238 = tpu.memref_slice %arg14[%dma_start3A_236, %dma_start3A_237] : memref<50048x32xf32, #tpu.memory_space<vmem_shared>> -> memref<50048x32xf32, #tpu.memory_space<vmem_shared>>
        tpu.enqueue_indirect_dma source(%dma_start3A_232 : memref<128x32xf32, #tpu.memory_space<vmem>>) target(%dma_start3A_238 : memref<50048x32xf32, #tpu.memory_space<vmem_shared>>) offsets(%dma_start3A_235 : memref<128xi32, #tpu.memory_space<vmem>>) semaphore(%arg21 : memref<!tpu.dma_semaphore, #tpu.memory_space<semaphore_mem>>) {add = true}
        %dma_start3A_239 = arith.constant 2 : i32
        %dma_start3A_240 = arith.constant 2 : i32
        %dma_start3A_241 = arith.constant 0 : i32
        %dma_start3A_242 = arith.constant 0 : i32
        %dma_start3A_243 = tpu.memref_slice %arg18[%dma_start3A_239, %dma_start3A_241, %dma_start3A_242] : memref<4x128x32xf32, #tpu.memory_space<vmem>> -> memref<1x128x32xf32, #tpu.memory_space<vmem>>
        %dma_start3A_244 = tpu.memref_squeeze %dma_start3A_243 : memref<1x128x32xf32, #tpu.memory_space<vmem>> -> memref<128x32xf32, #tpu.memory_space<vmem>>
        %dma_start3A_245 = arith.constant 0 : i32
        %dma_start3A_246 = tpu.memref_slice %arg17[%dma_start3A_240, %dma_start3A_245] : memref<4x128xi32, #tpu.memory_space<vmem>> -> memref<1x128xi32, #tpu.memory_space<vmem>>
        %dma_start3A_247 = tpu.memref_squeeze %dma_start3A_246 : memref<1x128xi32, #tpu.memory_space<vmem>> -> memref<128xi32, #tpu.memory_space<vmem>>
        %dma_start3A_248 = arith.constant 0 : i32
        %dma_start3A_249 = arith.constant 0 : i32
        %dma_start3A_250 = tpu.memref_slice %arg14[%dma_start3A_248, %dma_start3A_249] : memref<50048x32xf32, #tpu.memory_space<vmem_shared>> -> memref<50048x32xf32, #tpu.memory_space<vmem_shared>>
        tpu.enqueue_indirect_dma source(%dma_start3A_244 : memref<128x32xf32, #tpu.memory_space<vmem>>) target(%dma_start3A_250 : memref<50048x32xf32, #tpu.memory_space<vmem_shared>>) offsets(%dma_start3A_247 : memref<128xi32, #tpu.memory_space<vmem>>) semaphore(%arg21 : memref<!tpu.dma_semaphore, #tpu.memory_space<semaphore_mem>>) {add = true}
        %dma_start3A_251 = arith.constant 3 : i32
        %dma_start3A_252 = arith.constant 3 : i32
        %dma_start3A_253 = arith.constant 0 : i32
        %dma_start3A_254 = arith.constant 0 : i32
        %dma_start3A_255 = tpu.memref_slice %arg18[%dma_start3A_251, %dma_start3A_253, %dma_start3A_254] : memref<4x128x32xf32, #tpu.memory_space<vmem>> -> memref<1x128x32xf32, #tpu.memory_space<vmem>>
        %dma_start3A_256 = tpu.memref_squeeze %dma_start3A_255 : memref<1x128x32xf32, #tpu.memory_space<vmem>> -> memref<128x32xf32, #tpu.memory_space<vmem>>
        %dma_start3A_257 = arith.constant 0 : i32
        %dma_start3A_258 = tpu.memref_slice %arg17[%dma_start3A_252, %dma_start3A_257] : memref<4x128xi32, #tpu.memory_space<vmem>> -> memref<1x128xi32, #tpu.memory_space<vmem>>
        %dma_start3A_259 = tpu.memref_squeeze %dma_start3A_258 : memref<1x128xi32, #tpu.memory_space<vmem>> -> memref<128xi32, #tpu.memory_space<vmem>>
        %dma_start3A_260 = arith.constant 0 : i32
        %dma_start3A_261 = arith.constant 0 : i32
        %dma_start3A_262 = tpu.memref_slice %arg14[%dma_start3A_260, %dma_start3A_261] : memref<50048x32xf32, #tpu.memory_space<vmem_shared>> -> memref<50048x32xf32, #tpu.memory_space<vmem_shared>>
        tpu.enqueue_indirect_dma source(%dma_start3A_256 : memref<128x32xf32, #tpu.memory_space<vmem>>) target(%dma_start3A_262 : memref<50048x32xf32, #tpu.memory_space<vmem_shared>>) offsets(%dma_start3A_259 : memref<128xi32, #tpu.memory_space<vmem>>) semaphore(%arg21 : memref<!tpu.dma_semaphore, #tpu.memory_space<semaphore_mem>>) {add = true}
        %dma_start3A_263 = arith.constant 0 : i32
        %dma_start3A_264 = arith.constant 0 : i32
        %dma_start3A_265 = arith.constant 0 : i32
        %dma_start3A_266 = tpu.memref_slice %arg19[%dma_start3A_263, %dma_start3A_265] : memref<4x128xf32, #tpu.memory_space<vmem>> -> memref<1x128xf32, #tpu.memory_space<vmem>>
        %dma_start3A_267 = tpu.memref_squeeze %dma_start3A_266 : memref<1x128xf32, #tpu.memory_space<vmem>> -> memref<128xf32, #tpu.memory_space<vmem>>
        %dma_start3A_268 = arith.constant 0 : i32
        %dma_start3A_269 = tpu.memref_slice %arg17[%dma_start3A_264, %dma_start3A_268] : memref<4x128xi32, #tpu.memory_space<vmem>> -> memref<1x128xi32, #tpu.memory_space<vmem>>
        %dma_start3A_270 = tpu.memref_squeeze %dma_start3A_269 : memref<1x128xi32, #tpu.memory_space<vmem>> -> memref<128xi32, #tpu.memory_space<vmem>>
        %dma_start3A_271 = arith.constant 0 : i32
        %dma_start3A_272 = tpu.memref_slice %arg15[%dma_start3A_271] : memref<50048xf32, #tpu.memory_space<vmem_shared>> -> memref<50048xf32, #tpu.memory_space<vmem_shared>>
        tpu.enqueue_indirect_dma source(%dma_start3A_267 : memref<128xf32, #tpu.memory_space<vmem>>) target(%dma_start3A_272 : memref<50048xf32, #tpu.memory_space<vmem_shared>>) offsets(%dma_start3A_270 : memref<128xi32, #tpu.memory_space<vmem>>) semaphore(%arg21 : memref<!tpu.dma_semaphore, #tpu.memory_space<semaphore_mem>>) {add = true}
        %dma_start3A_273 = arith.constant 1 : i32
        %dma_start3A_274 = arith.constant 1 : i32
        %dma_start3A_275 = arith.constant 0 : i32
        %dma_start3A_276 = tpu.memref_slice %arg19[%dma_start3A_273, %dma_start3A_275] : memref<4x128xf32, #tpu.memory_space<vmem>> -> memref<1x128xf32, #tpu.memory_space<vmem>>
        %dma_start3A_277 = tpu.memref_squeeze %dma_start3A_276 : memref<1x128xf32, #tpu.memory_space<vmem>> -> memref<128xf32, #tpu.memory_space<vmem>>
        %dma_start3A_278 = arith.constant 0 : i32
        %dma_start3A_279 = tpu.memref_slice %arg17[%dma_start3A_274, %dma_start3A_278] : memref<4x128xi32, #tpu.memory_space<vmem>> -> memref<1x128xi32, #tpu.memory_space<vmem>>
        %dma_start3A_280 = tpu.memref_squeeze %dma_start3A_279 : memref<1x128xi32, #tpu.memory_space<vmem>> -> memref<128xi32, #tpu.memory_space<vmem>>
        %dma_start3A_281 = arith.constant 0 : i32
        %dma_start3A_282 = tpu.memref_slice %arg15[%dma_start3A_281] : memref<50048xf32, #tpu.memory_space<vmem_shared>> -> memref<50048xf32, #tpu.memory_space<vmem_shared>>
        tpu.enqueue_indirect_dma source(%dma_start3A_277 : memref<128xf32, #tpu.memory_space<vmem>>) target(%dma_start3A_282 : memref<50048xf32, #tpu.memory_space<vmem_shared>>) offsets(%dma_start3A_280 : memref<128xi32, #tpu.memory_space<vmem>>) semaphore(%arg21 : memref<!tpu.dma_semaphore, #tpu.memory_space<semaphore_mem>>) {add = true}
        %dma_start3A_283 = arith.constant 2 : i32
        %dma_start3A_284 = arith.constant 2 : i32
        %dma_start3A_285 = arith.constant 0 : i32
        %dma_start3A_286 = tpu.memref_slice %arg19[%dma_start3A_283, %dma_start3A_285] : memref<4x128xf32, #tpu.memory_space<vmem>> -> memref<1x128xf32, #tpu.memory_space<vmem>>
        %dma_start3A_287 = tpu.memref_squeeze %dma_start3A_286 : memref<1x128xf32, #tpu.memory_space<vmem>> -> memref<128xf32, #tpu.memory_space<vmem>>
        %dma_start3A_288 = arith.constant 0 : i32
        %dma_start3A_289 = tpu.memref_slice %arg17[%dma_start3A_284, %dma_start3A_288] : memref<4x128xi32, #tpu.memory_space<vmem>> -> memref<1x128xi32, #tpu.memory_space<vmem>>
        %dma_start3A_290 = tpu.memref_squeeze %dma_start3A_289 : memref<1x128xi32, #tpu.memory_space<vmem>> -> memref<128xi32, #tpu.memory_space<vmem>>
        %dma_start3A_291 = arith.constant 0 : i32
        %dma_start3A_292 = tpu.memref_slice %arg15[%dma_start3A_291] : memref<50048xf32, #tpu.memory_space<vmem_shared>> -> memref<50048xf32, #tpu.memory_space<vmem_shared>>
        tpu.enqueue_indirect_dma source(%dma_start3A_287 : memref<128xf32, #tpu.memory_space<vmem>>) target(%dma_start3A_292 : memref<50048xf32, #tpu.memory_space<vmem_shared>>) offsets(%dma_start3A_290 : memref<128xi32, #tpu.memory_space<vmem>>) semaphore(%arg21 : memref<!tpu.dma_semaphore, #tpu.memory_space<semaphore_mem>>) {add = true}
        %dma_start3A_293 = arith.constant 3 : i32
        %dma_start3A_294 = arith.constant 3 : i32
        %dma_start3A_295 = arith.constant 0 : i32
        %dma_start3A_296 = tpu.memref_slice %arg19[%dma_start3A_293, %dma_start3A_295] : memref<4x128xf32, #tpu.memory_space<vmem>> -> memref<1x128xf32, #tpu.memory_space<vmem>>
        %dma_start3A_297 = tpu.memref_squeeze %dma_start3A_296 : memref<1x128xf32, #tpu.memory_space<vmem>> -> memref<128xf32, #tpu.memory_space<vmem>>
        %dma_start3A_298 = arith.constant 0 : i32
        %dma_start3A_299 = tpu.memref_slice %arg17[%dma_start3A_294, %dma_start3A_298] : memref<4x128xi32, #tpu.memory_space<vmem>> -> memref<1x128xi32, #tpu.memory_space<vmem>>
        %dma_start3A_300 = tpu.memref_squeeze %dma_start3A_299 : memref<1x128xi32, #tpu.memory_space<vmem>> -> memref<128xi32, #tpu.memory_space<vmem>>
        %dma_start3A_301 = arith.constant 0 : i32
        %dma_start3A_302 = tpu.memref_slice %arg15[%dma_start3A_301] : memref<50048xf32, #tpu.memory_space<vmem_shared>> -> memref<50048xf32, #tpu.memory_space<vmem_shared>>
        tpu.enqueue_indirect_dma source(%dma_start3A_297 : memref<128xf32, #tpu.memory_space<vmem>>) target(%dma_start3A_302 : memref<50048xf32, #tpu.memory_space<vmem_shared>>) offsets(%dma_start3A_300 : memref<128xi32, #tpu.memory_space<vmem>>) semaphore(%arg21 : memref<!tpu.dma_semaphore, #tpu.memory_space<semaphore_mem>>) {add = true}
        %dma_wait3A_303 = arith.constant 0 : i32
        %dma_wait3A_304 = arith.constant 0 : i32
        %dma_wait3A_305 = arith.constant 0 : i32
        %dma_wait3A_306 = arith.constant 0 : i32
        %dma_wait3A_307 = tpu.memref_slice %arg18[%dma_wait3A_303, %dma_wait3A_305, %dma_wait3A_306] : memref<4x128x32xf32, #tpu.memory_space<vmem>> -> memref<1x128x32xf32, #tpu.memory_space<vmem>>
        %dma_wait3A_308 = tpu.memref_squeeze %dma_wait3A_307 : memref<1x128x32xf32, #tpu.memory_space<vmem>> -> memref<128x32xf32, #tpu.memory_space<vmem>>
        %dma_wait3A_309 = arith.constant 0 : i32
        %dma_wait3A_310 = tpu.memref_slice %arg17[%dma_wait3A_304, %dma_wait3A_309] : memref<4x128xi32, #tpu.memory_space<vmem>> -> memref<1x128xi32, #tpu.memory_space<vmem>>
        %dma_wait3A_311 = tpu.memref_squeeze %dma_wait3A_310 : memref<1x128xi32, #tpu.memory_space<vmem>> -> memref<128xi32, #tpu.memory_space<vmem>>
        %dma_wait3A_312 = arith.constant 0 : i32
        %dma_wait3A_313 = arith.constant 0 : i32
        %dma_wait3A_314 = tpu.memref_slice %arg14[%dma_wait3A_312, %dma_wait3A_313] : memref<50048x32xf32, #tpu.memory_space<vmem_shared>> -> memref<50048x32xf32, #tpu.memory_space<vmem_shared>>
        tpu.wait_indirect_dma semaphore(%arg21 : memref<!tpu.dma_semaphore, #tpu.memory_space<semaphore_mem>>) src(%dma_wait3A_308 : memref<128x32xf32, #tpu.memory_space<vmem>>) dst(%dma_wait3A_314 : memref<50048x32xf32, #tpu.memory_space<vmem_shared>>)
        %dma_wait3A_315 = arith.constant 1 : i32
        %dma_wait3A_316 = arith.constant 1 : i32
        %dma_wait3A_317 = arith.constant 0 : i32
        %dma_wait3A_318 = arith.constant 0 : i32
        %dma_wait3A_319 = tpu.memref_slice %arg18[%dma_wait3A_315, %dma_wait3A_317, %dma_wait3A_318] : memref<4x128x32xf32, #tpu.memory_space<vmem>> -> memref<1x128x32xf32, #tpu.memory_space<vmem>>
        %dma_wait3A_320 = tpu.memref_squeeze %dma_wait3A_319 : memref<1x128x32xf32, #tpu.memory_space<vmem>> -> memref<128x32xf32, #tpu.memory_space<vmem>>
        %dma_wait3A_321 = arith.constant 0 : i32
        %dma_wait3A_322 = tpu.memref_slice %arg17[%dma_wait3A_316, %dma_wait3A_321] : memref<4x128xi32, #tpu.memory_space<vmem>> -> memref<1x128xi32, #tpu.memory_space<vmem>>
        %dma_wait3A_323 = tpu.memref_squeeze %dma_wait3A_322 : memref<1x128xi32, #tpu.memory_space<vmem>> -> memref<128xi32, #tpu.memory_space<vmem>>
        %dma_wait3A_324 = arith.constant 0 : i32
        %dma_wait3A_325 = arith.constant 0 : i32
        %dma_wait3A_326 = tpu.memref_slice %arg14[%dma_wait3A_324, %dma_wait3A_325] : memref<50048x32xf32, #tpu.memory_space<vmem_shared>> -> memref<50048x32xf32, #tpu.memory_space<vmem_shared>>
        tpu.wait_indirect_dma semaphore(%arg21 : memref<!tpu.dma_semaphore, #tpu.memory_space<semaphore_mem>>) src(%dma_wait3A_320 : memref<128x32xf32, #tpu.memory_space<vmem>>) dst(%dma_wait3A_326 : memref<50048x32xf32, #tpu.memory_space<vmem_shared>>)
        %dma_wait3A_327 = arith.constant 2 : i32
        %dma_wait3A_328 = arith.constant 2 : i32
        %dma_wait3A_329 = arith.constant 0 : i32
        %dma_wait3A_330 = arith.constant 0 : i32
        %dma_wait3A_331 = tpu.memref_slice %arg18[%dma_wait3A_327, %dma_wait3A_329, %dma_wait3A_330] : memref<4x128x32xf32, #tpu.memory_space<vmem>> -> memref<1x128x32xf32, #tpu.memory_space<vmem>>
        %dma_wait3A_332 = tpu.memref_squeeze %dma_wait3A_331 : memref<1x128x32xf32, #tpu.memory_space<vmem>> -> memref<128x32xf32, #tpu.memory_space<vmem>>
        %dma_wait3A_333 = arith.constant 0 : i32
        %dma_wait3A_334 = tpu.memref_slice %arg17[%dma_wait3A_328, %dma_wait3A_333] : memref<4x128xi32, #tpu.memory_space<vmem>> -> memref<1x128xi32, #tpu.memory_space<vmem>>
        %dma_wait3A_335 = tpu.memref_squeeze %dma_wait3A_334 : memref<1x128xi32, #tpu.memory_space<vmem>> -> memref<128xi32, #tpu.memory_space<vmem>>
        %dma_wait3A_336 = arith.constant 0 : i32
        %dma_wait3A_337 = arith.constant 0 : i32
        %dma_wait3A_338 = tpu.memref_slice %arg14[%dma_wait3A_336, %dma_wait3A_337] : memref<50048x32xf32, #tpu.memory_space<vmem_shared>> -> memref<50048x32xf32, #tpu.memory_space<vmem_shared>>
        tpu.wait_indirect_dma semaphore(%arg21 : memref<!tpu.dma_semaphore, #tpu.memory_space<semaphore_mem>>) src(%dma_wait3A_332 : memref<128x32xf32, #tpu.memory_space<vmem>>) dst(%dma_wait3A_338 : memref<50048x32xf32, #tpu.memory_space<vmem_shared>>)
        %dma_wait3A_339 = arith.constant 3 : i32
        %dma_wait3A_340 = arith.constant 3 : i32
        %dma_wait3A_341 = arith.constant 0 : i32
        %dma_wait3A_342 = arith.constant 0 : i32
        %dma_wait3A_343 = tpu.memref_slice %arg18[%dma_wait3A_339, %dma_wait3A_341, %dma_wait3A_342] : memref<4x128x32xf32, #tpu.memory_space<vmem>> -> memref<1x128x32xf32, #tpu.memory_space<vmem>>
        %dma_wait3A_344 = tpu.memref_squeeze %dma_wait3A_343 : memref<1x128x32xf32, #tpu.memory_space<vmem>> -> memref<128x32xf32, #tpu.memory_space<vmem>>
        %dma_wait3A_345 = arith.constant 0 : i32
        %dma_wait3A_346 = tpu.memref_slice %arg17[%dma_wait3A_340, %dma_wait3A_345] : memref<4x128xi32, #tpu.memory_space<vmem>> -> memref<1x128xi32, #tpu.memory_space<vmem>>
        %dma_wait3A_347 = tpu.memref_squeeze %dma_wait3A_346 : memref<1x128xi32, #tpu.memory_space<vmem>> -> memref<128xi32, #tpu.memory_space<vmem>>
        %dma_wait3A_348 = arith.constant 0 : i32
        %dma_wait3A_349 = arith.constant 0 : i32
        %dma_wait3A_350 = tpu.memref_slice %arg14[%dma_wait3A_348, %dma_wait3A_349] : memref<50048x32xf32, #tpu.memory_space<vmem_shared>> -> memref<50048x32xf32, #tpu.memory_space<vmem_shared>>
        tpu.wait_indirect_dma semaphore(%arg21 : memref<!tpu.dma_semaphore, #tpu.memory_space<semaphore_mem>>) src(%dma_wait3A_344 : memref<128x32xf32, #tpu.memory_space<vmem>>) dst(%dma_wait3A_350 : memref<50048x32xf32, #tpu.memory_space<vmem_shared>>)
        %dma_wait3A_351 = arith.constant 0 : i32
        %dma_wait3A_352 = arith.constant 0 : i32
        %dma_wait3A_353 = arith.constant 0 : i32
        %dma_wait3A_354 = tpu.memref_slice %arg19[%dma_wait3A_351, %dma_wait3A_353] : memref<4x128xf32, #tpu.memory_space<vmem>> -> memref<1x128xf32, #tpu.memory_space<vmem>>
        %dma_wait3A_355 = tpu.memref_squeeze %dma_wait3A_354 : memref<1x128xf32, #tpu.memory_space<vmem>> -> memref<128xf32, #tpu.memory_space<vmem>>
        %dma_wait3A_356 = arith.constant 0 : i32
        %dma_wait3A_357 = tpu.memref_slice %arg17[%dma_wait3A_352, %dma_wait3A_356] : memref<4x128xi32, #tpu.memory_space<vmem>> -> memref<1x128xi32, #tpu.memory_space<vmem>>
        %dma_wait3A_358 = tpu.memref_squeeze %dma_wait3A_357 : memref<1x128xi32, #tpu.memory_space<vmem>> -> memref<128xi32, #tpu.memory_space<vmem>>
        %dma_wait3A_359 = arith.constant 0 : i32
        %dma_wait3A_360 = tpu.memref_slice %arg15[%dma_wait3A_359] : memref<50048xf32, #tpu.memory_space<vmem_shared>> -> memref<50048xf32, #tpu.memory_space<vmem_shared>>
        tpu.wait_indirect_dma semaphore(%arg21 : memref<!tpu.dma_semaphore, #tpu.memory_space<semaphore_mem>>) src(%dma_wait3A_355 : memref<128xf32, #tpu.memory_space<vmem>>) dst(%dma_wait3A_360 : memref<50048xf32, #tpu.memory_space<vmem_shared>>)
        %dma_wait3A_361 = arith.constant 1 : i32
        %dma_wait3A_362 = arith.constant 1 : i32
        %dma_wait3A_363 = arith.constant 0 : i32
        %dma_wait3A_364 = tpu.memref_slice %arg19[%dma_wait3A_361, %dma_wait3A_363] : memref<4x128xf32, #tpu.memory_space<vmem>> -> memref<1x128xf32, #tpu.memory_space<vmem>>
        %dma_wait3A_365 = tpu.memref_squeeze %dma_wait3A_364 : memref<1x128xf32, #tpu.memory_space<vmem>> -> memref<128xf32, #tpu.memory_space<vmem>>
        %dma_wait3A_366 = arith.constant 0 : i32
        %dma_wait3A_367 = tpu.memref_slice %arg17[%dma_wait3A_362, %dma_wait3A_366] : memref<4x128xi32, #tpu.memory_space<vmem>> -> memref<1x128xi32, #tpu.memory_space<vmem>>
        %dma_wait3A_368 = tpu.memref_squeeze %dma_wait3A_367 : memref<1x128xi32, #tpu.memory_space<vmem>> -> memref<128xi32, #tpu.memory_space<vmem>>
        %dma_wait3A_369 = arith.constant 0 : i32
        %dma_wait3A_370 = tpu.memref_slice %arg15[%dma_wait3A_369] : memref<50048xf32, #tpu.memory_space<vmem_shared>> -> memref<50048xf32, #tpu.memory_space<vmem_shared>>
        tpu.wait_indirect_dma semaphore(%arg21 : memref<!tpu.dma_semaphore, #tpu.memory_space<semaphore_mem>>) src(%dma_wait3A_365 : memref<128xf32, #tpu.memory_space<vmem>>) dst(%dma_wait3A_370 : memref<50048xf32, #tpu.memory_space<vmem_shared>>)
        %dma_wait3A_371 = arith.constant 2 : i32
        %dma_wait3A_372 = arith.constant 2 : i32
        %dma_wait3A_373 = arith.constant 0 : i32
        %dma_wait3A_374 = tpu.memref_slice %arg19[%dma_wait3A_371, %dma_wait3A_373] : memref<4x128xf32, #tpu.memory_space<vmem>> -> memref<1x128xf32, #tpu.memory_space<vmem>>
        %dma_wait3A_375 = tpu.memref_squeeze %dma_wait3A_374 : memref<1x128xf32, #tpu.memory_space<vmem>> -> memref<128xf32, #tpu.memory_space<vmem>>
        %dma_wait3A_376 = arith.constant 0 : i32
        %dma_wait3A_377 = tpu.memref_slice %arg17[%dma_wait3A_372, %dma_wait3A_376] : memref<4x128xi32, #tpu.memory_space<vmem>> -> memref<1x128xi32, #tpu.memory_space<vmem>>
        %dma_wait3A_378 = tpu.memref_squeeze %dma_wait3A_377 : memref<1x128xi32, #tpu.memory_space<vmem>> -> memref<128xi32, #tpu.memory_space<vmem>>
        %dma_wait3A_379 = arith.constant 0 : i32
        %dma_wait3A_380 = tpu.memref_slice %arg15[%dma_wait3A_379] : memref<50048xf32, #tpu.memory_space<vmem_shared>> -> memref<50048xf32, #tpu.memory_space<vmem_shared>>
        tpu.wait_indirect_dma semaphore(%arg21 : memref<!tpu.dma_semaphore, #tpu.memory_space<semaphore_mem>>) src(%dma_wait3A_375 : memref<128xf32, #tpu.memory_space<vmem>>) dst(%dma_wait3A_380 : memref<50048xf32, #tpu.memory_space<vmem_shared>>)
        %dma_wait3A_381 = arith.constant 3 : i32
        %dma_wait3A_382 = arith.constant 3 : i32
        %dma_wait3A_383 = arith.constant 0 : i32
        %dma_wait3A_384 = tpu.memref_slice %arg19[%dma_wait3A_381, %dma_wait3A_383] : memref<4x128xf32, #tpu.memory_space<vmem>> -> memref<1x128xf32, #tpu.memory_space<vmem>>
        %dma_wait3A_385 = tpu.memref_squeeze %dma_wait3A_384 : memref<1x128xf32, #tpu.memory_space<vmem>> -> memref<128xf32, #tpu.memory_space<vmem>>
        %dma_wait3A_386 = arith.constant 0 : i32
        %dma_wait3A_387 = tpu.memref_slice %arg17[%dma_wait3A_382, %dma_wait3A_386] : memref<4x128xi32, #tpu.memory_space<vmem>> -> memref<1x128xi32, #tpu.memory_space<vmem>>
        %dma_wait3A_388 = tpu.memref_squeeze %dma_wait3A_387 : memref<1x128xi32, #tpu.memory_space<vmem>> -> memref<128xi32, #tpu.memory_space<vmem>>
        %dma_wait3A_389 = arith.constant 0 : i32
        %dma_wait3A_390 = tpu.memref_slice %arg15[%dma_wait3A_389] : memref<50048xf32, #tpu.memory_space<vmem_shared>> -> memref<50048xf32, #tpu.memory_space<vmem_shared>>
        tpu.wait_indirect_dma semaphore(%arg21 : memref<!tpu.dma_semaphore, #tpu.memory_space<semaphore_mem>>) src(%dma_wait3A_385 : memref<128xf32, #tpu.memory_space<vmem>>) dst(%dma_wait3A_390 : memref<50048xf32, #tpu.memory_space<vmem_shared>>)
      }
      %while3A_36 = arith.constant 1 : i32
      scf.for %while3A_37 = %while3A_34 to %while3A_30 step %while3A_36  : i32 {
        %add3A_38 = arith.addi %add3A, %while3A_37 : i32
        %mul3A_39 = arith.constant 4 : i32
        %mul3A_40 = arith.muli %add3A_38, %mul3A_39 : i32
        "tpu.region"() ({
          %run_scoped3A = tpu.sem_alloc : memref<!tpu.dma_semaphore, #tpu.memory_space<semaphore_mem>>
          %dma_start3A_391 = arith.constant 0 : i32
          %dma_start3A_392 = tpu.memref_slice %arg6[%mul3A_40, %dma_start3A_391] : memref<6256x128xi32, #tpu.memory_space<hbm>> -> memref<4x128xi32, #tpu.memory_space<hbm>>
          %dma_start3A_393 = arith.constant 0 : i32
          %dma_start3A_394 = tpu.memref_slice %arg6[%mul3A_40, %dma_start3A_393] : memref<6256x128xi32, #tpu.memory_space<hbm>> -> memref<4x128xi32, #tpu.memory_space<hbm>>
          tpu.enqueue_dma source(%dma_start3A_394 : memref<4x128xi32, #tpu.memory_space<hbm>>) target(%arg16 : memref<4x128xi32, #tpu.memory_space<vmem>>) target_semaphore(%run_scoped3A : memref<!tpu.dma_semaphore, #tpu.memory_space<semaphore_mem>>)
          %dma_wait3A_395 = arith.constant 0 : i32
          %dma_wait3A_396 = tpu.memref_slice %arg6[%mul3A_40, %dma_wait3A_395] : memref<6256x128xi32, #tpu.memory_space<hbm>> -> memref<4x128xi32, #tpu.memory_space<hbm>>
          %dma_wait3A_397 = arith.constant 0 : i32
          %dma_wait3A_398 = tpu.memref_slice %arg6[%mul3A_40, %dma_wait3A_397] : memref<6256x128xi32, #tpu.memory_space<hbm>> -> memref<4x128xi32, #tpu.memory_space<hbm>>
          tpu.wait_dma2 semaphore(%run_scoped3A : memref<!tpu.dma_semaphore, #tpu.memory_space<semaphore_mem>>) src(%dma_wait3A_398 : memref<4x128xi32, #tpu.memory_space<hbm>>) dst(%arg16 : memref<4x128xi32, #tpu.memory_space<vmem>>)
          tpu.yield
        }) : () -> ()
        "tpu.region"() ({
          %run_scoped3A = tpu.sem_alloc : memref<!tpu.dma_semaphore, #tpu.memory_space<semaphore_mem>>
          %dma_start3A_391 = arith.constant 0 : i32
          %dma_start3A_392 = tpu.memref_slice %arg7[%mul3A_40, %dma_start3A_391] : memref<6256x128xi32, #tpu.memory_space<hbm>> -> memref<4x128xi32, #tpu.memory_space<hbm>>
          %dma_start3A_393 = arith.constant 0 : i32
          %dma_start3A_394 = tpu.memref_slice %arg7[%mul3A_40, %dma_start3A_393] : memref<6256x128xi32, #tpu.memory_space<hbm>> -> memref<4x128xi32, #tpu.memory_space<hbm>>
          tpu.enqueue_dma source(%dma_start3A_394 : memref<4x128xi32, #tpu.memory_space<hbm>>) target(%arg17 : memref<4x128xi32, #tpu.memory_space<vmem>>) target_semaphore(%run_scoped3A : memref<!tpu.dma_semaphore, #tpu.memory_space<semaphore_mem>>)
          %dma_wait3A_395 = arith.constant 0 : i32
          %dma_wait3A_396 = tpu.memref_slice %arg7[%mul3A_40, %dma_wait3A_395] : memref<6256x128xi32, #tpu.memory_space<hbm>> -> memref<4x128xi32, #tpu.memory_space<hbm>>
          %dma_wait3A_397 = arith.constant 0 : i32
          %dma_wait3A_398 = tpu.memref_slice %arg7[%mul3A_40, %dma_wait3A_397] : memref<6256x128xi32, #tpu.memory_space<hbm>> -> memref<4x128xi32, #tpu.memory_space<hbm>>
          tpu.wait_dma2 semaphore(%run_scoped3A : memref<!tpu.dma_semaphore, #tpu.memory_space<semaphore_mem>>) src(%dma_wait3A_398 : memref<4x128xi32, #tpu.memory_space<hbm>>) dst(%arg17 : memref<4x128xi32, #tpu.memory_space<vmem>>)
          tpu.yield
        }) : () -> ()
        %dma_start3A = arith.constant 0 : i32
        %dma_start3A_41 = arith.constant 0 : i32
        %dma_start3A_42 = arith.constant 0 : i32
        %dma_start3A_43 = arith.constant 0 : i32
        %dma_start3A_44 = tpu.memref_slice %arg18[%dma_start3A_41, %dma_start3A_42, %dma_start3A_43] : memref<4x128x32xf32, #tpu.memory_space<vmem>> -> memref<1x128x32xf32, #tpu.memory_space<vmem>>
        %dma_start3A_45 = tpu.memref_squeeze %dma_start3A_44 : memref<1x128x32xf32, #tpu.memory_space<vmem>> -> memref<128x32xf32, #tpu.memory_space<vmem>>
        %dma_start3A_46 = arith.constant 0 : i32
        %dma_start3A_47 = tpu.memref_slice %arg16[%dma_start3A, %dma_start3A_46] : memref<4x128xi32, #tpu.memory_space<vmem>> -> memref<1x128xi32, #tpu.memory_space<vmem>>
        %dma_start3A_48 = tpu.memref_squeeze %dma_start3A_47 : memref<1x128xi32, #tpu.memory_space<vmem>> -> memref<128xi32, #tpu.memory_space<vmem>>
        %dma_start3A_49 = arith.constant 0 : i32
        %dma_start3A_50 = arith.constant 0 : i32
        %dma_start3A_51 = tpu.memref_slice %arg2[%dma_start3A_49, %dma_start3A_50] : memref<50048x32xf32, #tpu.memory_space<hbm>> -> memref<50048x32xf32, #tpu.memory_space<hbm>>
        tpu.enqueue_indirect_dma source(%dma_start3A_51 : memref<50048x32xf32, #tpu.memory_space<hbm>>) target(%dma_start3A_45 : memref<128x32xf32, #tpu.memory_space<vmem>>) offsets(%dma_start3A_48 : memref<128xi32, #tpu.memory_space<vmem>>) semaphore(%arg20 : memref<!tpu.dma_semaphore, #tpu.memory_space<semaphore_mem>>)
        %dma_start3A_52 = arith.constant 1 : i32
        %dma_start3A_53 = arith.constant 1 : i32
        %dma_start3A_54 = arith.constant 0 : i32
        %dma_start3A_55 = arith.constant 0 : i32
        %dma_start3A_56 = tpu.memref_slice %arg18[%dma_start3A_53, %dma_start3A_54, %dma_start3A_55] : memref<4x128x32xf32, #tpu.memory_space<vmem>> -> memref<1x128x32xf32, #tpu.memory_space<vmem>>
        %dma_start3A_57 = tpu.memref_squeeze %dma_start3A_56 : memref<1x128x32xf32, #tpu.memory_space<vmem>> -> memref<128x32xf32, #tpu.memory_space<vmem>>
        %dma_start3A_58 = arith.constant 0 : i32
        %dma_start3A_59 = tpu.memref_slice %arg16[%dma_start3A_52, %dma_start3A_58] : memref<4x128xi32, #tpu.memory_space<vmem>> -> memref<1x128xi32, #tpu.memory_space<vmem>>
        %dma_start3A_60 = tpu.memref_squeeze %dma_start3A_59 : memref<1x128xi32, #tpu.memory_space<vmem>> -> memref<128xi32, #tpu.memory_space<vmem>>
        %dma_start3A_61 = arith.constant 0 : i32
        %dma_start3A_62 = arith.constant 0 : i32
        %dma_start3A_63 = tpu.memref_slice %arg2[%dma_start3A_61, %dma_start3A_62] : memref<50048x32xf32, #tpu.memory_space<hbm>> -> memref<50048x32xf32, #tpu.memory_space<hbm>>
        tpu.enqueue_indirect_dma source(%dma_start3A_63 : memref<50048x32xf32, #tpu.memory_space<hbm>>) target(%dma_start3A_57 : memref<128x32xf32, #tpu.memory_space<vmem>>) offsets(%dma_start3A_60 : memref<128xi32, #tpu.memory_space<vmem>>) semaphore(%arg20 : memref<!tpu.dma_semaphore, #tpu.memory_space<semaphore_mem>>)
        %dma_start3A_64 = arith.constant 2 : i32
        %dma_start3A_65 = arith.constant 2 : i32
        %dma_start3A_66 = arith.constant 0 : i32
        %dma_start3A_67 = arith.constant 0 : i32
        %dma_start3A_68 = tpu.memref_slice %arg18[%dma_start3A_65, %dma_start3A_66, %dma_start3A_67] : memref<4x128x32xf32, #tpu.memory_space<vmem>> -> memref<1x128x32xf32, #tpu.memory_space<vmem>>
        %dma_start3A_69 = tpu.memref_squeeze %dma_start3A_68 : memref<1x128x32xf32, #tpu.memory_space<vmem>> -> memref<128x32xf32, #tpu.memory_space<vmem>>
        %dma_start3A_70 = arith.constant 0 : i32
        %dma_start3A_71 = tpu.memref_slice %arg16[%dma_start3A_64, %dma_start3A_70] : memref<4x128xi32, #tpu.memory_space<vmem>> -> memref<1x128xi32, #tpu.memory_space<vmem>>
        %dma_start3A_72 = tpu.memref_squeeze %dma_start3A_71 : memref<1x128xi32, #tpu.memory_space<vmem>> -> memref<128xi32, #tpu.memory_space<vmem>>
        %dma_start3A_73 = arith.constant 0 : i32
        %dma_start3A_74 = arith.constant 0 : i32
        %dma_start3A_75 = tpu.memref_slice %arg2[%dma_start3A_73, %dma_start3A_74] : memref<50048x32xf32, #tpu.memory_space<hbm>> -> memref<50048x32xf32, #tpu.memory_space<hbm>>
        tpu.enqueue_indirect_dma source(%dma_start3A_75 : memref<50048x32xf32, #tpu.memory_space<hbm>>) target(%dma_start3A_69 : memref<128x32xf32, #tpu.memory_space<vmem>>) offsets(%dma_start3A_72 : memref<128xi32, #tpu.memory_space<vmem>>) semaphore(%arg20 : memref<!tpu.dma_semaphore, #tpu.memory_space<semaphore_mem>>)
        %dma_start3A_76 = arith.constant 3 : i32
        %dma_start3A_77 = arith.constant 3 : i32
        %dma_start3A_78 = arith.constant 0 : i32
        %dma_start3A_79 = arith.constant 0 : i32
        %dma_start3A_80 = tpu.memref_slice %arg18[%dma_start3A_77, %dma_start3A_78, %dma_start3A_79] : memref<4x128x32xf32, #tpu.memory_space<vmem>> -> memref<1x128x32xf32, #tpu.memory_space<vmem>>
        %dma_start3A_81 = tpu.memref_squeeze %dma_start3A_80 : memref<1x128x32xf32, #tpu.memory_space<vmem>> -> memref<128x32xf32, #tpu.memory_space<vmem>>
        %dma_start3A_82 = arith.constant 0 : i32
        %dma_start3A_83 = tpu.memref_slice %arg16[%dma_start3A_76, %dma_start3A_82] : memref<4x128xi32, #tpu.memory_space<vmem>> -> memref<1x128xi32, #tpu.memory_space<vmem>>
        %dma_start3A_84 = tpu.memref_squeeze %dma_start3A_83 : memref<1x128xi32, #tpu.memory_space<vmem>> -> memref<128xi32, #tpu.memory_space<vmem>>
        %dma_start3A_85 = arith.constant 0 : i32
        %dma_start3A_86 = arith.constant 0 : i32
        %dma_start3A_87 = tpu.memref_slice %arg2[%dma_start3A_85, %dma_start3A_86] : memref<50048x32xf32, #tpu.memory_space<hbm>> -> memref<50048x32xf32, #tpu.memory_space<hbm>>
        tpu.enqueue_indirect_dma source(%dma_start3A_87 : memref<50048x32xf32, #tpu.memory_space<hbm>>) target(%dma_start3A_81 : memref<128x32xf32, #tpu.memory_space<vmem>>) offsets(%dma_start3A_84 : memref<128xi32, #tpu.memory_space<vmem>>) semaphore(%arg20 : memref<!tpu.dma_semaphore, #tpu.memory_space<semaphore_mem>>)
        %dma_start3A_88 = arith.constant 0 : i32
        %dma_start3A_89 = arith.constant 0 : i32
        %dma_start3A_90 = arith.constant 0 : i32
        %dma_start3A_91 = tpu.memref_slice %arg19[%dma_start3A_89, %dma_start3A_90] : memref<4x128xf32, #tpu.memory_space<vmem>> -> memref<1x128xf32, #tpu.memory_space<vmem>>
        %dma_start3A_92 = tpu.memref_squeeze %dma_start3A_91 : memref<1x128xf32, #tpu.memory_space<vmem>> -> memref<128xf32, #tpu.memory_space<vmem>>
        %dma_start3A_93 = arith.constant 0 : i32
        %dma_start3A_94 = tpu.memref_slice %arg16[%dma_start3A_88, %dma_start3A_93] : memref<4x128xi32, #tpu.memory_space<vmem>> -> memref<1x128xi32, #tpu.memory_space<vmem>>
        %dma_start3A_95 = tpu.memref_squeeze %dma_start3A_94 : memref<1x128xi32, #tpu.memory_space<vmem>> -> memref<128xi32, #tpu.memory_space<vmem>>
        %dma_start3A_96 = arith.constant 0 : i32
        %dma_start3A_97 = tpu.memref_slice %arg3[%dma_start3A_96] : memref<50048xf32, #tpu.memory_space<hbm>> -> memref<50048xf32, #tpu.memory_space<hbm>>
        tpu.enqueue_indirect_dma source(%dma_start3A_97 : memref<50048xf32, #tpu.memory_space<hbm>>) target(%dma_start3A_92 : memref<128xf32, #tpu.memory_space<vmem>>) offsets(%dma_start3A_95 : memref<128xi32, #tpu.memory_space<vmem>>) semaphore(%arg20 : memref<!tpu.dma_semaphore, #tpu.memory_space<semaphore_mem>>)
        %dma_start3A_98 = arith.constant 1 : i32
        %dma_start3A_99 = arith.constant 1 : i32
        %dma_start3A_100 = arith.constant 0 : i32
        %dma_start3A_101 = tpu.memref_slice %arg19[%dma_start3A_99, %dma_start3A_100] : memref<4x128xf32, #tpu.memory_space<vmem>> -> memref<1x128xf32, #tpu.memory_space<vmem>>
        %dma_start3A_102 = tpu.memref_squeeze %dma_start3A_101 : memref<1x128xf32, #tpu.memory_space<vmem>> -> memref<128xf32, #tpu.memory_space<vmem>>
        %dma_start3A_103 = arith.constant 0 : i32
        %dma_start3A_104 = tpu.memref_slice %arg16[%dma_start3A_98, %dma_start3A_103] : memref<4x128xi32, #tpu.memory_space<vmem>> -> memref<1x128xi32, #tpu.memory_space<vmem>>
        %dma_start3A_105 = tpu.memref_squeeze %dma_start3A_104 : memref<1x128xi32, #tpu.memory_space<vmem>> -> memref<128xi32, #tpu.memory_space<vmem>>
        %dma_start3A_106 = arith.constant 0 : i32
        %dma_start3A_107 = tpu.memref_slice %arg3[%dma_start3A_106] : memref<50048xf32, #tpu.memory_space<hbm>> -> memref<50048xf32, #tpu.memory_space<hbm>>
        tpu.enqueue_indirect_dma source(%dma_start3A_107 : memref<50048xf32, #tpu.memory_space<hbm>>) target(%dma_start3A_102 : memref<128xf32, #tpu.memory_space<vmem>>) offsets(%dma_start3A_105 : memref<128xi32, #tpu.memory_space<vmem>>) semaphore(%arg20 : memref<!tpu.dma_semaphore, #tpu.memory_space<semaphore_mem>>)
        %dma_start3A_108 = arith.constant 2 : i32
        %dma_start3A_109 = arith.constant 2 : i32
        %dma_start3A_110 = arith.constant 0 : i32
        %dma_start3A_111 = tpu.memref_slice %arg19[%dma_start3A_109, %dma_start3A_110] : memref<4x128xf32, #tpu.memory_space<vmem>> -> memref<1x128xf32, #tpu.memory_space<vmem>>
        %dma_start3A_112 = tpu.memref_squeeze %dma_start3A_111 : memref<1x128xf32, #tpu.memory_space<vmem>> -> memref<128xf32, #tpu.memory_space<vmem>>
        %dma_start3A_113 = arith.constant 0 : i32
        %dma_start3A_114 = tpu.memref_slice %arg16[%dma_start3A_108, %dma_start3A_113] : memref<4x128xi32, #tpu.memory_space<vmem>> -> memref<1x128xi32, #tpu.memory_space<vmem>>
        %dma_start3A_115 = tpu.memref_squeeze %dma_start3A_114 : memref<1x128xi32, #tpu.memory_space<vmem>> -> memref<128xi32, #tpu.memory_space<vmem>>
        %dma_start3A_116 = arith.constant 0 : i32
        %dma_start3A_117 = tpu.memref_slice %arg3[%dma_start3A_116] : memref<50048xf32, #tpu.memory_space<hbm>> -> memref<50048xf32, #tpu.memory_space<hbm>>
        tpu.enqueue_indirect_dma source(%dma_start3A_117 : memref<50048xf32, #tpu.memory_space<hbm>>) target(%dma_start3A_112 : memref<128xf32, #tpu.memory_space<vmem>>) offsets(%dma_start3A_115 : memref<128xi32, #tpu.memory_space<vmem>>) semaphore(%arg20 : memref<!tpu.dma_semaphore, #tpu.memory_space<semaphore_mem>>)
        %dma_start3A_118 = arith.constant 3 : i32
        %dma_start3A_119 = arith.constant 3 : i32
        %dma_start3A_120 = arith.constant 0 : i32
        %dma_start3A_121 = tpu.memref_slice %arg19[%dma_start3A_119, %dma_start3A_120] : memref<4x128xf32, #tpu.memory_space<vmem>> -> memref<1x128xf32, #tpu.memory_space<vmem>>
        %dma_start3A_122 = tpu.memref_squeeze %dma_start3A_121 : memref<1x128xf32, #tpu.memory_space<vmem>> -> memref<128xf32, #tpu.memory_space<vmem>>
        %dma_start3A_123 = arith.constant 0 : i32
        %dma_start3A_124 = tpu.memref_slice %arg16[%dma_start3A_118, %dma_start3A_123] : memref<4x128xi32, #tpu.memory_space<vmem>> -> memref<1x128xi32, #tpu.memory_space<vmem>>
        %dma_start3A_125 = tpu.memref_squeeze %dma_start3A_124 : memref<1x128xi32, #tpu.memory_space<vmem>> -> memref<128xi32, #tpu.memory_space<vmem>>
        %dma_start3A_126 = arith.constant 0 : i32
        %dma_start3A_127 = tpu.memref_slice %arg3[%dma_start3A_126] : memref<50048xf32, #tpu.memory_space<hbm>> -> memref<50048xf32, #tpu.memory_space<hbm>>
        tpu.enqueue_indirect_dma source(%dma_start3A_127 : memref<50048xf32, #tpu.memory_space<hbm>>) target(%dma_start3A_122 : memref<128xf32, #tpu.memory_space<vmem>>) offsets(%dma_start3A_125 : memref<128xi32, #tpu.memory_space<vmem>>) semaphore(%arg20 : memref<!tpu.dma_semaphore, #tpu.memory_space<semaphore_mem>>)
        %dma_wait3A = arith.constant 0 : i32
        %dma_wait3A_128 = arith.constant 0 : i32
        %dma_wait3A_129 = arith.constant 0 : i32
        %dma_wait3A_130 = arith.constant 0 : i32
        %dma_wait3A_131 = tpu.memref_slice %arg18[%dma_wait3A_128, %dma_wait3A_129, %dma_wait3A_130] : memref<4x128x32xf32, #tpu.memory_space<vmem>> -> memref<1x128x32xf32, #tpu.memory_space<vmem>>
        %dma_wait3A_132 = tpu.memref_squeeze %dma_wait3A_131 : memref<1x128x32xf32, #tpu.memory_space<vmem>> -> memref<128x32xf32, #tpu.memory_space<vmem>>
        %dma_wait3A_133 = arith.constant 0 : i32
        %dma_wait3A_134 = tpu.memref_slice %arg16[%dma_wait3A, %dma_wait3A_133] : memref<4x128xi32, #tpu.memory_space<vmem>> -> memref<1x128xi32, #tpu.memory_space<vmem>>
        %dma_wait3A_135 = tpu.memref_squeeze %dma_wait3A_134 : memref<1x128xi32, #tpu.memory_space<vmem>> -> memref<128xi32, #tpu.memory_space<vmem>>
        %dma_wait3A_136 = arith.constant 0 : i32
        %dma_wait3A_137 = arith.constant 0 : i32
        %dma_wait3A_138 = tpu.memref_slice %arg2[%dma_wait3A_136, %dma_wait3A_137] : memref<50048x32xf32, #tpu.memory_space<hbm>> -> memref<50048x32xf32, #tpu.memory_space<hbm>>
        tpu.wait_indirect_dma semaphore(%arg20 : memref<!tpu.dma_semaphore, #tpu.memory_space<semaphore_mem>>) src(%dma_wait3A_138 : memref<50048x32xf32, #tpu.memory_space<hbm>>) dst(%dma_wait3A_132 : memref<128x32xf32, #tpu.memory_space<vmem>>)
        %dma_wait3A_139 = arith.constant 1 : i32
        %dma_wait3A_140 = arith.constant 1 : i32
        %dma_wait3A_141 = arith.constant 0 : i32
        %dma_wait3A_142 = arith.constant 0 : i32
        %dma_wait3A_143 = tpu.memref_slice %arg18[%dma_wait3A_140, %dma_wait3A_141, %dma_wait3A_142] : memref<4x128x32xf32, #tpu.memory_space<vmem>> -> memref<1x128x32xf32, #tpu.memory_space<vmem>>
        %dma_wait3A_144 = tpu.memref_squeeze %dma_wait3A_143 : memref<1x128x32xf32, #tpu.memory_space<vmem>> -> memref<128x32xf32, #tpu.memory_space<vmem>>
        %dma_wait3A_145 = arith.constant 0 : i32
        %dma_wait3A_146 = tpu.memref_slice %arg16[%dma_wait3A_139, %dma_wait3A_145] : memref<4x128xi32, #tpu.memory_space<vmem>> -> memref<1x128xi32, #tpu.memory_space<vmem>>
        %dma_wait3A_147 = tpu.memref_squeeze %dma_wait3A_146 : memref<1x128xi32, #tpu.memory_space<vmem>> -> memref<128xi32, #tpu.memory_space<vmem>>
        %dma_wait3A_148 = arith.constant 0 : i32
        %dma_wait3A_149 = arith.constant 0 : i32
        %dma_wait3A_150 = tpu.memref_slice %arg2[%dma_wait3A_148, %dma_wait3A_149] : memref<50048x32xf32, #tpu.memory_space<hbm>> -> memref<50048x32xf32, #tpu.memory_space<hbm>>
        tpu.wait_indirect_dma semaphore(%arg20 : memref<!tpu.dma_semaphore, #tpu.memory_space<semaphore_mem>>) src(%dma_wait3A_150 : memref<50048x32xf32, #tpu.memory_space<hbm>>) dst(%dma_wait3A_144 : memref<128x32xf32, #tpu.memory_space<vmem>>)
        %dma_wait3A_151 = arith.constant 2 : i32
        %dma_wait3A_152 = arith.constant 2 : i32
        %dma_wait3A_153 = arith.constant 0 : i32
        %dma_wait3A_154 = arith.constant 0 : i32
        %dma_wait3A_155 = tpu.memref_slice %arg18[%dma_wait3A_152, %dma_wait3A_153, %dma_wait3A_154] : memref<4x128x32xf32, #tpu.memory_space<vmem>> -> memref<1x128x32xf32, #tpu.memory_space<vmem>>
        %dma_wait3A_156 = tpu.memref_squeeze %dma_wait3A_155 : memref<1x128x32xf32, #tpu.memory_space<vmem>> -> memref<128x32xf32, #tpu.memory_space<vmem>>
        %dma_wait3A_157 = arith.constant 0 : i32
        %dma_wait3A_158 = tpu.memref_slice %arg16[%dma_wait3A_151, %dma_wait3A_157] : memref<4x128xi32, #tpu.memory_space<vmem>> -> memref<1x128xi32, #tpu.memory_space<vmem>>
        %dma_wait3A_159 = tpu.memref_squeeze %dma_wait3A_158 : memref<1x128xi32, #tpu.memory_space<vmem>> -> memref<128xi32, #tpu.memory_space<vmem>>
        %dma_wait3A_160 = arith.constant 0 : i32
        %dma_wait3A_161 = arith.constant 0 : i32
        %dma_wait3A_162 = tpu.memref_slice %arg2[%dma_wait3A_160, %dma_wait3A_161] : memref<50048x32xf32, #tpu.memory_space<hbm>> -> memref<50048x32xf32, #tpu.memory_space<hbm>>
        tpu.wait_indirect_dma semaphore(%arg20 : memref<!tpu.dma_semaphore, #tpu.memory_space<semaphore_mem>>) src(%dma_wait3A_162 : memref<50048x32xf32, #tpu.memory_space<hbm>>) dst(%dma_wait3A_156 : memref<128x32xf32, #tpu.memory_space<vmem>>)
        %dma_wait3A_163 = arith.constant 3 : i32
        %dma_wait3A_164 = arith.constant 3 : i32
        %dma_wait3A_165 = arith.constant 0 : i32
        %dma_wait3A_166 = arith.constant 0 : i32
        %dma_wait3A_167 = tpu.memref_slice %arg18[%dma_wait3A_164, %dma_wait3A_165, %dma_wait3A_166] : memref<4x128x32xf32, #tpu.memory_space<vmem>> -> memref<1x128x32xf32, #tpu.memory_space<vmem>>
        %dma_wait3A_168 = tpu.memref_squeeze %dma_wait3A_167 : memref<1x128x32xf32, #tpu.memory_space<vmem>> -> memref<128x32xf32, #tpu.memory_space<vmem>>
        %dma_wait3A_169 = arith.constant 0 : i32
        %dma_wait3A_170 = tpu.memref_slice %arg16[%dma_wait3A_163, %dma_wait3A_169] : memref<4x128xi32, #tpu.memory_space<vmem>> -> memref<1x128xi32, #tpu.memory_space<vmem>>
        %dma_wait3A_171 = tpu.memref_squeeze %dma_wait3A_170 : memref<1x128xi32, #tpu.memory_space<vmem>> -> memref<128xi32, #tpu.memory_space<vmem>>
        %dma_wait3A_172 = arith.constant 0 : i32
        %dma_wait3A_173 = arith.constant 0 : i32
        %dma_wait3A_174 = tpu.memref_slice %arg2[%dma_wait3A_172, %dma_wait3A_173] : memref<50048x32xf32, #tpu.memory_space<hbm>> -> memref<50048x32xf32, #tpu.memory_space<hbm>>
        tpu.wait_indirect_dma semaphore(%arg20 : memref<!tpu.dma_semaphore, #tpu.memory_space<semaphore_mem>>) src(%dma_wait3A_174 : memref<50048x32xf32, #tpu.memory_space<hbm>>) dst(%dma_wait3A_168 : memref<128x32xf32, #tpu.memory_space<vmem>>)
        %dma_wait3A_175 = arith.constant 0 : i32
        %dma_wait3A_176 = arith.constant 0 : i32
        %dma_wait3A_177 = arith.constant 0 : i32
        %dma_wait3A_178 = tpu.memref_slice %arg19[%dma_wait3A_176, %dma_wait3A_177] : memref<4x128xf32, #tpu.memory_space<vmem>> -> memref<1x128xf32, #tpu.memory_space<vmem>>
        %dma_wait3A_179 = tpu.memref_squeeze %dma_wait3A_178 : memref<1x128xf32, #tpu.memory_space<vmem>> -> memref<128xf32, #tpu.memory_space<vmem>>
        %dma_wait3A_180 = arith.constant 0 : i32
        %dma_wait3A_181 = tpu.memref_slice %arg16[%dma_wait3A_175, %dma_wait3A_180] : memref<4x128xi32, #tpu.memory_space<vmem>> -> memref<1x128xi32, #tpu.memory_space<vmem>>
        %dma_wait3A_182 = tpu.memref_squeeze %dma_wait3A_181 : memref<1x128xi32, #tpu.memory_space<vmem>> -> memref<128xi32, #tpu.memory_space<vmem>>
        %dma_wait3A_183 = arith.constant 0 : i32
        %dma_wait3A_184 = tpu.memref_slice %arg3[%dma_wait3A_183] : memref<50048xf32, #tpu.memory_space<hbm>> -> memref<50048xf32, #tpu.memory_space<hbm>>
        tpu.wait_indirect_dma semaphore(%arg20 : memref<!tpu.dma_semaphore, #tpu.memory_space<semaphore_mem>>) src(%dma_wait3A_184 : memref<50048xf32, #tpu.memory_space<hbm>>) dst(%dma_wait3A_179 : memref<128xf32, #tpu.memory_space<vmem>>)
        %dma_wait3A_185 = arith.constant 1 : i32
        %dma_wait3A_186 = arith.constant 1 : i32
        %dma_wait3A_187 = arith.constant 0 : i32
        %dma_wait3A_188 = tpu.memref_slice %arg19[%dma_wait3A_186, %dma_wait3A_187] : memref<4x128xf32, #tpu.memory_space<vmem>> -> memref<1x128xf32, #tpu.memory_space<vmem>>
        %dma_wait3A_189 = tpu.memref_squeeze %dma_wait3A_188 : memref<1x128xf32, #tpu.memory_space<vmem>> -> memref<128xf32, #tpu.memory_space<vmem>>
        %dma_wait3A_190 = arith.constant 0 : i32
        %dma_wait3A_191 = tpu.memref_slice %arg16[%dma_wait3A_185, %dma_wait3A_190] : memref<4x128xi32, #tpu.memory_space<vmem>> -> memref<1x128xi32, #tpu.memory_space<vmem>>
        %dma_wait3A_192 = tpu.memref_squeeze %dma_wait3A_191 : memref<1x128xi32, #tpu.memory_space<vmem>> -> memref<128xi32, #tpu.memory_space<vmem>>
        %dma_wait3A_193 = arith.constant 0 : i32
        %dma_wait3A_194 = tpu.memref_slice %arg3[%dma_wait3A_193] : memref<50048xf32, #tpu.memory_space<hbm>> -> memref<50048xf32, #tpu.memory_space<hbm>>
        tpu.wait_indirect_dma semaphore(%arg20 : memref<!tpu.dma_semaphore, #tpu.memory_space<semaphore_mem>>) src(%dma_wait3A_194 : memref<50048xf32, #tpu.memory_space<hbm>>) dst(%dma_wait3A_189 : memref<128xf32, #tpu.memory_space<vmem>>)
        %dma_wait3A_195 = arith.constant 2 : i32
        %dma_wait3A_196 = arith.constant 2 : i32
        %dma_wait3A_197 = arith.constant 0 : i32
        %dma_wait3A_198 = tpu.memref_slice %arg19[%dma_wait3A_196, %dma_wait3A_197] : memref<4x128xf32, #tpu.memory_space<vmem>> -> memref<1x128xf32, #tpu.memory_space<vmem>>
        %dma_wait3A_199 = tpu.memref_squeeze %dma_wait3A_198 : memref<1x128xf32, #tpu.memory_space<vmem>> -> memref<128xf32, #tpu.memory_space<vmem>>
        %dma_wait3A_200 = arith.constant 0 : i32
        %dma_wait3A_201 = tpu.memref_slice %arg16[%dma_wait3A_195, %dma_wait3A_200] : memref<4x128xi32, #tpu.memory_space<vmem>> -> memref<1x128xi32, #tpu.memory_space<vmem>>
        %dma_wait3A_202 = tpu.memref_squeeze %dma_wait3A_201 : memref<1x128xi32, #tpu.memory_space<vmem>> -> memref<128xi32, #tpu.memory_space<vmem>>
        %dma_wait3A_203 = arith.constant 0 : i32
        %dma_wait3A_204 = tpu.memref_slice %arg3[%dma_wait3A_203] : memref<50048xf32, #tpu.memory_space<hbm>> -> memref<50048xf32, #tpu.memory_space<hbm>>
        tpu.wait_indirect_dma semaphore(%arg20 : memref<!tpu.dma_semaphore, #tpu.memory_space<semaphore_mem>>) src(%dma_wait3A_204 : memref<50048xf32, #tpu.memory_space<hbm>>) dst(%dma_wait3A_199 : memref<128xf32, #tpu.memory_space<vmem>>)
        %dma_wait3A_205 = arith.constant 3 : i32
        %dma_wait3A_206 = arith.constant 3 : i32
        %dma_wait3A_207 = arith.constant 0 : i32
        %dma_wait3A_208 = tpu.memref_slice %arg19[%dma_wait3A_206, %dma_wait3A_207] : memref<4x128xf32, #tpu.memory_space<vmem>> -> memref<1x128xf32, #tpu.memory_space<vmem>>
        %dma_wait3A_209 = tpu.memref_squeeze %dma_wait3A_208 : memref<1x128xf32, #tpu.memory_space<vmem>> -> memref<128xf32, #tpu.memory_space<vmem>>
        %dma_wait3A_210 = arith.constant 0 : i32
        %dma_wait3A_211 = tpu.memref_slice %arg16[%dma_wait3A_205, %dma_wait3A_210] : memref<4x128xi32, #tpu.memory_space<vmem>> -> memref<1x128xi32, #tpu.memory_space<vmem>>
        %dma_wait3A_212 = tpu.memref_squeeze %dma_wait3A_211 : memref<1x128xi32, #tpu.memory_space<vmem>> -> memref<128xi32, #tpu.memory_space<vmem>>
        %dma_wait3A_213 = arith.constant 0 : i32
        %dma_wait3A_214 = tpu.memref_slice %arg3[%dma_wait3A_213] : memref<50048xf32, #tpu.memory_space<hbm>> -> memref<50048xf32, #tpu.memory_space<hbm>>
        tpu.wait_indirect_dma semaphore(%arg20 : memref<!tpu.dma_semaphore, #tpu.memory_space<semaphore_mem>>) src(%dma_wait3A_214 : memref<50048xf32, #tpu.memory_space<hbm>>) dst(%dma_wait3A_209 : memref<128xf32, #tpu.memory_space<vmem>>)
        %dma_start3A_215 = arith.constant 0 : i32
        %dma_start3A_216 = arith.constant 0 : i32
        %dma_start3A_217 = arith.constant 0 : i32
        %dma_start3A_218 = arith.constant 0 : i32
        %dma_start3A_219 = tpu.memref_slice %arg18[%dma_start3A_215, %dma_start3A_217, %dma_start3A_218] : memref<4x128x32xf32, #tpu.memory_space<vmem>> -> memref<1x128x32xf32, #tpu.memory_space<vmem>>
        %dma_start3A_220 = tpu.memref_squeeze %dma_start3A_219 : memref<1x128x32xf32, #tpu.memory_space<vmem>> -> memref<128x32xf32, #tpu.memory_space<vmem>>
        %dma_start3A_221 = arith.constant 0 : i32
        %dma_start3A_222 = tpu.memref_slice %arg17[%dma_start3A_216, %dma_start3A_221] : memref<4x128xi32, #tpu.memory_space<vmem>> -> memref<1x128xi32, #tpu.memory_space<vmem>>
        %dma_start3A_223 = tpu.memref_squeeze %dma_start3A_222 : memref<1x128xi32, #tpu.memory_space<vmem>> -> memref<128xi32, #tpu.memory_space<vmem>>
        %dma_start3A_224 = arith.constant 0 : i32
        %dma_start3A_225 = arith.constant 0 : i32
        %dma_start3A_226 = tpu.memref_slice %arg14[%dma_start3A_224, %dma_start3A_225] : memref<50048x32xf32, #tpu.memory_space<vmem_shared>> -> memref<50048x32xf32, #tpu.memory_space<vmem_shared>>
        tpu.enqueue_indirect_dma source(%dma_start3A_220 : memref<128x32xf32, #tpu.memory_space<vmem>>) target(%dma_start3A_226 : memref<50048x32xf32, #tpu.memory_space<vmem_shared>>) offsets(%dma_start3A_223 : memref<128xi32, #tpu.memory_space<vmem>>) semaphore(%arg21 : memref<!tpu.dma_semaphore, #tpu.memory_space<semaphore_mem>>) {add = true}
        %dma_start3A_227 = arith.constant 1 : i32
        %dma_start3A_228 = arith.constant 1 : i32
        %dma_start3A_229 = arith.constant 0 : i32
        %dma_start3A_230 = arith.constant 0 : i32
        %dma_start3A_231 = tpu.memref_slice %arg18[%dma_start3A_227, %dma_start3A_229, %dma_start3A_230] : memref<4x128x32xf32, #tpu.memory_space<vmem>> -> memref<1x128x32xf32, #tpu.memory_space<vmem>>
        %dma_start3A_232 = tpu.memref_squeeze %dma_start3A_231 : memref<1x128x32xf32, #tpu.memory_space<vmem>> -> memref<128x32xf32, #tpu.memory_space<vmem>>
        %dma_start3A_233 = arith.constant 0 : i32
        %dma_start3A_234 = tpu.memref_slice %arg17[%dma_start3A_228, %dma_start3A_233] : memref<4x128xi32, #tpu.memory_space<vmem>> -> memref<1x128xi32, #tpu.memory_space<vmem>>
        %dma_start3A_235 = tpu.memref_squeeze %dma_start3A_234 : memref<1x128xi32, #tpu.memory_space<vmem>> -> memref<128xi32, #tpu.memory_space<vmem>>
        %dma_start3A_236 = arith.constant 0 : i32
        %dma_start3A_237 = arith.constant 0 : i32
        %dma_start3A_238 = tpu.memref_slice %arg14[%dma_start3A_236, %dma_start3A_237] : memref<50048x32xf32, #tpu.memory_space<vmem_shared>> -> memref<50048x32xf32, #tpu.memory_space<vmem_shared>>
        tpu.enqueue_indirect_dma source(%dma_start3A_232 : memref<128x32xf32, #tpu.memory_space<vmem>>) target(%dma_start3A_238 : memref<50048x32xf32, #tpu.memory_space<vmem_shared>>) offsets(%dma_start3A_235 : memref<128xi32, #tpu.memory_space<vmem>>) semaphore(%arg21 : memref<!tpu.dma_semaphore, #tpu.memory_space<semaphore_mem>>) {add = true}
        %dma_start3A_239 = arith.constant 2 : i32
        %dma_start3A_240 = arith.constant 2 : i32
        %dma_start3A_241 = arith.constant 0 : i32
        %dma_start3A_242 = arith.constant 0 : i32
        %dma_start3A_243 = tpu.memref_slice %arg18[%dma_start3A_239, %dma_start3A_241, %dma_start3A_242] : memref<4x128x32xf32, #tpu.memory_space<vmem>> -> memref<1x128x32xf32, #tpu.memory_space<vmem>>
        %dma_start3A_244 = tpu.memref_squeeze %dma_start3A_243 : memref<1x128x32xf32, #tpu.memory_space<vmem>> -> memref<128x32xf32, #tpu.memory_space<vmem>>
        %dma_start3A_245 = arith.constant 0 : i32
        %dma_start3A_246 = tpu.memref_slice %arg17[%dma_start3A_240, %dma_start3A_245] : memref<4x128xi32, #tpu.memory_space<vmem>> -> memref<1x128xi32, #tpu.memory_space<vmem>>
        %dma_start3A_247 = tpu.memref_squeeze %dma_start3A_246 : memref<1x128xi32, #tpu.memory_space<vmem>> -> memref<128xi32, #tpu.memory_space<vmem>>
        %dma_start3A_248 = arith.constant 0 : i32
        %dma_start3A_249 = arith.constant 0 : i32
        %dma_start3A_250 = tpu.memref_slice %arg14[%dma_start3A_248, %dma_start3A_249] : memref<50048x32xf32, #tpu.memory_space<vmem_shared>> -> memref<50048x32xf32, #tpu.memory_space<vmem_shared>>
        tpu.enqueue_indirect_dma source(%dma_start3A_244 : memref<128x32xf32, #tpu.memory_space<vmem>>) target(%dma_start3A_250 : memref<50048x32xf32, #tpu.memory_space<vmem_shared>>) offsets(%dma_start3A_247 : memref<128xi32, #tpu.memory_space<vmem>>) semaphore(%arg21 : memref<!tpu.dma_semaphore, #tpu.memory_space<semaphore_mem>>) {add = true}
        %dma_start3A_251 = arith.constant 3 : i32
        %dma_start3A_252 = arith.constant 3 : i32
        %dma_start3A_253 = arith.constant 0 : i32
        %dma_start3A_254 = arith.constant 0 : i32
        %dma_start3A_255 = tpu.memref_slice %arg18[%dma_start3A_251, %dma_start3A_253, %dma_start3A_254] : memref<4x128x32xf32, #tpu.memory_space<vmem>> -> memref<1x128x32xf32, #tpu.memory_space<vmem>>
        %dma_start3A_256 = tpu.memref_squeeze %dma_start3A_255 : memref<1x128x32xf32, #tpu.memory_space<vmem>> -> memref<128x32xf32, #tpu.memory_space<vmem>>
        %dma_start3A_257 = arith.constant 0 : i32
        %dma_start3A_258 = tpu.memref_slice %arg17[%dma_start3A_252, %dma_start3A_257] : memref<4x128xi32, #tpu.memory_space<vmem>> -> memref<1x128xi32, #tpu.memory_space<vmem>>
        %dma_start3A_259 = tpu.memref_squeeze %dma_start3A_258 : memref<1x128xi32, #tpu.memory_space<vmem>> -> memref<128xi32, #tpu.memory_space<vmem>>
        %dma_start3A_260 = arith.constant 0 : i32
        %dma_start3A_261 = arith.constant 0 : i32
        %dma_start3A_262 = tpu.memref_slice %arg14[%dma_start3A_260, %dma_start3A_261] : memref<50048x32xf32, #tpu.memory_space<vmem_shared>> -> memref<50048x32xf32, #tpu.memory_space<vmem_shared>>
        tpu.enqueue_indirect_dma source(%dma_start3A_256 : memref<128x32xf32, #tpu.memory_space<vmem>>) target(%dma_start3A_262 : memref<50048x32xf32, #tpu.memory_space<vmem_shared>>) offsets(%dma_start3A_259 : memref<128xi32, #tpu.memory_space<vmem>>) semaphore(%arg21 : memref<!tpu.dma_semaphore, #tpu.memory_space<semaphore_mem>>) {add = true}
        %dma_start3A_263 = arith.constant 0 : i32
        %dma_start3A_264 = arith.constant 0 : i32
        %dma_start3A_265 = arith.constant 0 : i32
        %dma_start3A_266 = tpu.memref_slice %arg19[%dma_start3A_263, %dma_start3A_265] : memref<4x128xf32, #tpu.memory_space<vmem>> -> memref<1x128xf32, #tpu.memory_space<vmem>>
        %dma_start3A_267 = tpu.memref_squeeze %dma_start3A_266 : memref<1x128xf32, #tpu.memory_space<vmem>> -> memref<128xf32, #tpu.memory_space<vmem>>
        %dma_start3A_268 = arith.constant 0 : i32
        %dma_start3A_269 = tpu.memref_slice %arg17[%dma_start3A_264, %dma_start3A_268] : memref<4x128xi32, #tpu.memory_space<vmem>> -> memref<1x128xi32, #tpu.memory_space<vmem>>
        %dma_start3A_270 = tpu.memref_squeeze %dma_start3A_269 : memref<1x128xi32, #tpu.memory_space<vmem>> -> memref<128xi32, #tpu.memory_space<vmem>>
        %dma_start3A_271 = arith.constant 0 : i32
        %dma_start3A_272 = tpu.memref_slice %arg15[%dma_start3A_271] : memref<50048xf32, #tpu.memory_space<vmem_shared>> -> memref<50048xf32, #tpu.memory_space<vmem_shared>>
        tpu.enqueue_indirect_dma source(%dma_start3A_267 : memref<128xf32, #tpu.memory_space<vmem>>) target(%dma_start3A_272 : memref<50048xf32, #tpu.memory_space<vmem_shared>>) offsets(%dma_start3A_270 : memref<128xi32, #tpu.memory_space<vmem>>) semaphore(%arg21 : memref<!tpu.dma_semaphore, #tpu.memory_space<semaphore_mem>>) {add = true}
        %dma_start3A_273 = arith.constant 1 : i32
        %dma_start3A_274 = arith.constant 1 : i32
        %dma_start3A_275 = arith.constant 0 : i32
        %dma_start3A_276 = tpu.memref_slice %arg19[%dma_start3A_273, %dma_start3A_275] : memref<4x128xf32, #tpu.memory_space<vmem>> -> memref<1x128xf32, #tpu.memory_space<vmem>>
        %dma_start3A_277 = tpu.memref_squeeze %dma_start3A_276 : memref<1x128xf32, #tpu.memory_space<vmem>> -> memref<128xf32, #tpu.memory_space<vmem>>
        %dma_start3A_278 = arith.constant 0 : i32
        %dma_start3A_279 = tpu.memref_slice %arg17[%dma_start3A_274, %dma_start3A_278] : memref<4x128xi32, #tpu.memory_space<vmem>> -> memref<1x128xi32, #tpu.memory_space<vmem>>
        %dma_start3A_280 = tpu.memref_squeeze %dma_start3A_279 : memref<1x128xi32, #tpu.memory_space<vmem>> -> memref<128xi32, #tpu.memory_space<vmem>>
        %dma_start3A_281 = arith.constant 0 : i32
        %dma_start3A_282 = tpu.memref_slice %arg15[%dma_start3A_281] : memref<50048xf32, #tpu.memory_space<vmem_shared>> -> memref<50048xf32, #tpu.memory_space<vmem_shared>>
        tpu.enqueue_indirect_dma source(%dma_start3A_277 : memref<128xf32, #tpu.memory_space<vmem>>) target(%dma_start3A_282 : memref<50048xf32, #tpu.memory_space<vmem_shared>>) offsets(%dma_start3A_280 : memref<128xi32, #tpu.memory_space<vmem>>) semaphore(%arg21 : memref<!tpu.dma_semaphore, #tpu.memory_space<semaphore_mem>>) {add = true}
        %dma_start3A_283 = arith.constant 2 : i32
        %dma_start3A_284 = arith.constant 2 : i32
        %dma_start3A_285 = arith.constant 0 : i32
        %dma_start3A_286 = tpu.memref_slice %arg19[%dma_start3A_283, %dma_start3A_285] : memref<4x128xf32, #tpu.memory_space<vmem>> -> memref<1x128xf32, #tpu.memory_space<vmem>>
        %dma_start3A_287 = tpu.memref_squeeze %dma_start3A_286 : memref<1x128xf32, #tpu.memory_space<vmem>> -> memref<128xf32, #tpu.memory_space<vmem>>
        %dma_start3A_288 = arith.constant 0 : i32
        %dma_start3A_289 = tpu.memref_slice %arg17[%dma_start3A_284, %dma_start3A_288] : memref<4x128xi32, #tpu.memory_space<vmem>> -> memref<1x128xi32, #tpu.memory_space<vmem>>
        %dma_start3A_290 = tpu.memref_squeeze %dma_start3A_289 : memref<1x128xi32, #tpu.memory_space<vmem>> -> memref<128xi32, #tpu.memory_space<vmem>>
        %dma_start3A_291 = arith.constant 0 : i32
        %dma_start3A_292 = tpu.memref_slice %arg15[%dma_start3A_291] : memref<50048xf32, #tpu.memory_space<vmem_shared>> -> memref<50048xf32, #tpu.memory_space<vmem_shared>>
        tpu.enqueue_indirect_dma source(%dma_start3A_287 : memref<128xf32, #tpu.memory_space<vmem>>) target(%dma_start3A_292 : memref<50048xf32, #tpu.memory_space<vmem_shared>>) offsets(%dma_start3A_290 : memref<128xi32, #tpu.memory_space<vmem>>) semaphore(%arg21 : memref<!tpu.dma_semaphore, #tpu.memory_space<semaphore_mem>>) {add = true}
        %dma_start3A_293 = arith.constant 3 : i32
        %dma_start3A_294 = arith.constant 3 : i32
        %dma_start3A_295 = arith.constant 0 : i32
        %dma_start3A_296 = tpu.memref_slice %arg19[%dma_start3A_293, %dma_start3A_295] : memref<4x128xf32, #tpu.memory_space<vmem>> -> memref<1x128xf32, #tpu.memory_space<vmem>>
        %dma_start3A_297 = tpu.memref_squeeze %dma_start3A_296 : memref<1x128xf32, #tpu.memory_space<vmem>> -> memref<128xf32, #tpu.memory_space<vmem>>
        %dma_start3A_298 = arith.constant 0 : i32
        %dma_start3A_299 = tpu.memref_slice %arg17[%dma_start3A_294, %dma_start3A_298] : memref<4x128xi32, #tpu.memory_space<vmem>> -> memref<1x128xi32, #tpu.memory_space<vmem>>
        %dma_start3A_300 = tpu.memref_squeeze %dma_start3A_299 : memref<1x128xi32, #tpu.memory_space<vmem>> -> memref<128xi32, #tpu.memory_space<vmem>>
        %dma_start3A_301 = arith.constant 0 : i32
        %dma_start3A_302 = tpu.memref_slice %arg15[%dma_start3A_301] : memref<50048xf32, #tpu.memory_space<vmem_shared>> -> memref<50048xf32, #tpu.memory_space<vmem_shared>>
        tpu.enqueue_indirect_dma source(%dma_start3A_297 : memref<128xf32, #tpu.memory_space<vmem>>) target(%dma_start3A_302 : memref<50048xf32, #tpu.memory_space<vmem_shared>>) offsets(%dma_start3A_300 : memref<128xi32, #tpu.memory_space<vmem>>) semaphore(%arg21 : memref<!tpu.dma_semaphore, #tpu.memory_space<semaphore_mem>>) {add = true}
        %dma_wait3A_303 = arith.constant 0 : i32
        %dma_wait3A_304 = arith.constant 0 : i32
        %dma_wait3A_305 = arith.constant 0 : i32
        %dma_wait3A_306 = arith.constant 0 : i32
        %dma_wait3A_307 = tpu.memref_slice %arg18[%dma_wait3A_303, %dma_wait3A_305, %dma_wait3A_306] : memref<4x128x32xf32, #tpu.memory_space<vmem>> -> memref<1x128x32xf32, #tpu.memory_space<vmem>>
        %dma_wait3A_308 = tpu.memref_squeeze %dma_wait3A_307 : memref<1x128x32xf32, #tpu.memory_space<vmem>> -> memref<128x32xf32, #tpu.memory_space<vmem>>
        %dma_wait3A_309 = arith.constant 0 : i32
        %dma_wait3A_310 = tpu.memref_slice %arg17[%dma_wait3A_304, %dma_wait3A_309] : memref<4x128xi32, #tpu.memory_space<vmem>> -> memref<1x128xi32, #tpu.memory_space<vmem>>
        %dma_wait3A_311 = tpu.memref_squeeze %dma_wait3A_310 : memref<1x128xi32, #tpu.memory_space<vmem>> -> memref<128xi32, #tpu.memory_space<vmem>>
        %dma_wait3A_312 = arith.constant 0 : i32
        %dma_wait3A_313 = arith.constant 0 : i32
        %dma_wait3A_314 = tpu.memref_slice %arg14[%dma_wait3A_312, %dma_wait3A_313] : memref<50048x32xf32, #tpu.memory_space<vmem_shared>> -> memref<50048x32xf32, #tpu.memory_space<vmem_shared>>
        tpu.wait_indirect_dma semaphore(%arg21 : memref<!tpu.dma_semaphore, #tpu.memory_space<semaphore_mem>>) src(%dma_wait3A_308 : memref<128x32xf32, #tpu.memory_space<vmem>>) dst(%dma_wait3A_314 : memref<50048x32xf32, #tpu.memory_space<vmem_shared>>)
        %dma_wait3A_315 = arith.constant 1 : i32
        %dma_wait3A_316 = arith.constant 1 : i32
        %dma_wait3A_317 = arith.constant 0 : i32
        %dma_wait3A_318 = arith.constant 0 : i32
        %dma_wait3A_319 = tpu.memref_slice %arg18[%dma_wait3A_315, %dma_wait3A_317, %dma_wait3A_318] : memref<4x128x32xf32, #tpu.memory_space<vmem>> -> memref<1x128x32xf32, #tpu.memory_space<vmem>>
        %dma_wait3A_320 = tpu.memref_squeeze %dma_wait3A_319 : memref<1x128x32xf32, #tpu.memory_space<vmem>> -> memref<128x32xf32, #tpu.memory_space<vmem>>
        %dma_wait3A_321 = arith.constant 0 : i32
        %dma_wait3A_322 = tpu.memref_slice %arg17[%dma_wait3A_316, %dma_wait3A_321] : memref<4x128xi32, #tpu.memory_space<vmem>> -> memref<1x128xi32, #tpu.memory_space<vmem>>
        %dma_wait3A_323 = tpu.memref_squeeze %dma_wait3A_322 : memref<1x128xi32, #tpu.memory_space<vmem>> -> memref<128xi32, #tpu.memory_space<vmem>>
        %dma_wait3A_324 = arith.constant 0 : i32
        %dma_wait3A_325 = arith.constant 0 : i32
        %dma_wait3A_326 = tpu.memref_slice %arg14[%dma_wait3A_324, %dma_wait3A_325] : memref<50048x32xf32, #tpu.memory_space<vmem_shared>> -> memref<50048x32xf32, #tpu.memory_space<vmem_shared>>
        tpu.wait_indirect_dma semaphore(%arg21 : memref<!tpu.dma_semaphore, #tpu.memory_space<semaphore_mem>>) src(%dma_wait3A_320 : memref<128x32xf32, #tpu.memory_space<vmem>>) dst(%dma_wait3A_326 : memref<50048x32xf32, #tpu.memory_space<vmem_shared>>)
        %dma_wait3A_327 = arith.constant 2 : i32
        %dma_wait3A_328 = arith.constant 2 : i32
        %dma_wait3A_329 = arith.constant 0 : i32
        %dma_wait3A_330 = arith.constant 0 : i32
        %dma_wait3A_331 = tpu.memref_slice %arg18[%dma_wait3A_327, %dma_wait3A_329, %dma_wait3A_330] : memref<4x128x32xf32, #tpu.memory_space<vmem>> -> memref<1x128x32xf32, #tpu.memory_space<vmem>>
        %dma_wait3A_332 = tpu.memref_squeeze %dma_wait3A_331 : memref<1x128x32xf32, #tpu.memory_space<vmem>> -> memref<128x32xf32, #tpu.memory_space<vmem>>
        %dma_wait3A_333 = arith.constant 0 : i32
        %dma_wait3A_334 = tpu.memref_slice %arg17[%dma_wait3A_328, %dma_wait3A_333] : memref<4x128xi32, #tpu.memory_space<vmem>> -> memref<1x128xi32, #tpu.memory_space<vmem>>
        %dma_wait3A_335 = tpu.memref_squeeze %dma_wait3A_334 : memref<1x128xi32, #tpu.memory_space<vmem>> -> memref<128xi32, #tpu.memory_space<vmem>>
        %dma_wait3A_336 = arith.constant 0 : i32
        %dma_wait3A_337 = arith.constant 0 : i32
        %dma_wait3A_338 = tpu.memref_slice %arg14[%dma_wait3A_336, %dma_wait3A_337] : memref<50048x32xf32, #tpu.memory_space<vmem_shared>> -> memref<50048x32xf32, #tpu.memory_space<vmem_shared>>
        tpu.wait_indirect_dma semaphore(%arg21 : memref<!tpu.dma_semaphore, #tpu.memory_space<semaphore_mem>>) src(%dma_wait3A_332 : memref<128x32xf32, #tpu.memory_space<vmem>>) dst(%dma_wait3A_338 : memref<50048x32xf32, #tpu.memory_space<vmem_shared>>)
        %dma_wait3A_339 = arith.constant 3 : i32
        %dma_wait3A_340 = arith.constant 3 : i32
        %dma_wait3A_341 = arith.constant 0 : i32
        %dma_wait3A_342 = arith.constant 0 : i32
        %dma_wait3A_343 = tpu.memref_slice %arg18[%dma_wait3A_339, %dma_wait3A_341, %dma_wait3A_342] : memref<4x128x32xf32, #tpu.memory_space<vmem>> -> memref<1x128x32xf32, #tpu.memory_space<vmem>>
        %dma_wait3A_344 = tpu.memref_squeeze %dma_wait3A_343 : memref<1x128x32xf32, #tpu.memory_space<vmem>> -> memref<128x32xf32, #tpu.memory_space<vmem>>
        %dma_wait3A_345 = arith.constant 0 : i32
        %dma_wait3A_346 = tpu.memref_slice %arg17[%dma_wait3A_340, %dma_wait3A_345] : memref<4x128xi32, #tpu.memory_space<vmem>> -> memref<1x128xi32, #tpu.memory_space<vmem>>
        %dma_wait3A_347 = tpu.memref_squeeze %dma_wait3A_346 : memref<1x128xi32, #tpu.memory_space<vmem>> -> memref<128xi32, #tpu.memory_space<vmem>>
        %dma_wait3A_348 = arith.constant 0 : i32
        %dma_wait3A_349 = arith.constant 0 : i32
        %dma_wait3A_350 = tpu.memref_slice %arg14[%dma_wait3A_348, %dma_wait3A_349] : memref<50048x32xf32, #tpu.memory_space<vmem_shared>> -> memref<50048x32xf32, #tpu.memory_space<vmem_shared>>
        tpu.wait_indirect_dma semaphore(%arg21 : memref<!tpu.dma_semaphore, #tpu.memory_space<semaphore_mem>>) src(%dma_wait3A_344 : memref<128x32xf32, #tpu.memory_space<vmem>>) dst(%dma_wait3A_350 : memref<50048x32xf32, #tpu.memory_space<vmem_shared>>)
        %dma_wait3A_351 = arith.constant 0 : i32
        %dma_wait3A_352 = arith.constant 0 : i32
        %dma_wait3A_353 = arith.constant 0 : i32
        %dma_wait3A_354 = tpu.memref_slice %arg19[%dma_wait3A_351, %dma_wait3A_353] : memref<4x128xf32, #tpu.memory_space<vmem>> -> memref<1x128xf32, #tpu.memory_space<vmem>>
        %dma_wait3A_355 = tpu.memref_squeeze %dma_wait3A_354 : memref<1x128xf32, #tpu.memory_space<vmem>> -> memref<128xf32, #tpu.memory_space<vmem>>
        %dma_wait3A_356 = arith.constant 0 : i32
        %dma_wait3A_357 = tpu.memref_slice %arg17[%dma_wait3A_352, %dma_wait3A_356] : memref<4x128xi32, #tpu.memory_space<vmem>> -> memref<1x128xi32, #tpu.memory_space<vmem>>
        %dma_wait3A_358 = tpu.memref_squeeze %dma_wait3A_357 : memref<1x128xi32, #tpu.memory_space<vmem>> -> memref<128xi32, #tpu.memory_space<vmem>>
        %dma_wait3A_359 = arith.constant 0 : i32
        %dma_wait3A_360 = tpu.memref_slice %arg15[%dma_wait3A_359] : memref<50048xf32, #tpu.memory_space<vmem_shared>> -> memref<50048xf32, #tpu.memory_space<vmem_shared>>
        tpu.wait_indirect_dma semaphore(%arg21 : memref<!tpu.dma_semaphore, #tpu.memory_space<semaphore_mem>>) src(%dma_wait3A_355 : memref<128xf32, #tpu.memory_space<vmem>>) dst(%dma_wait3A_360 : memref<50048xf32, #tpu.memory_space<vmem_shared>>)
        %dma_wait3A_361 = arith.constant 1 : i32
        %dma_wait3A_362 = arith.constant 1 : i32
        %dma_wait3A_363 = arith.constant 0 : i32
        %dma_wait3A_364 = tpu.memref_slice %arg19[%dma_wait3A_361, %dma_wait3A_363] : memref<4x128xf32, #tpu.memory_space<vmem>> -> memref<1x128xf32, #tpu.memory_space<vmem>>
        %dma_wait3A_365 = tpu.memref_squeeze %dma_wait3A_364 : memref<1x128xf32, #tpu.memory_space<vmem>> -> memref<128xf32, #tpu.memory_space<vmem>>
        %dma_wait3A_366 = arith.constant 0 : i32
        %dma_wait3A_367 = tpu.memref_slice %arg17[%dma_wait3A_362, %dma_wait3A_366] : memref<4x128xi32, #tpu.memory_space<vmem>> -> memref<1x128xi32, #tpu.memory_space<vmem>>
        %dma_wait3A_368 = tpu.memref_squeeze %dma_wait3A_367 : memref<1x128xi32, #tpu.memory_space<vmem>> -> memref<128xi32, #tpu.memory_space<vmem>>
        %dma_wait3A_369 = arith.constant 0 : i32
        %dma_wait3A_370 = tpu.memref_slice %arg15[%dma_wait3A_369] : memref<50048xf32, #tpu.memory_space<vmem_shared>> -> memref<50048xf32, #tpu.memory_space<vmem_shared>>
        tpu.wait_indirect_dma semaphore(%arg21 : memref<!tpu.dma_semaphore, #tpu.memory_space<semaphore_mem>>) src(%dma_wait3A_365 : memref<128xf32, #tpu.memory_space<vmem>>) dst(%dma_wait3A_370 : memref<50048xf32, #tpu.memory_space<vmem_shared>>)
        %dma_wait3A_371 = arith.constant 2 : i32
        %dma_wait3A_372 = arith.constant 2 : i32
        %dma_wait3A_373 = arith.constant 0 : i32
        %dma_wait3A_374 = tpu.memref_slice %arg19[%dma_wait3A_371, %dma_wait3A_373] : memref<4x128xf32, #tpu.memory_space<vmem>> -> memref<1x128xf32, #tpu.memory_space<vmem>>
        %dma_wait3A_375 = tpu.memref_squeeze %dma_wait3A_374 : memref<1x128xf32, #tpu.memory_space<vmem>> -> memref<128xf32, #tpu.memory_space<vmem>>
        %dma_wait3A_376 = arith.constant 0 : i32
        %dma_wait3A_377 = tpu.memref_slice %arg17[%dma_wait3A_372, %dma_wait3A_376] : memref<4x128xi32, #tpu.memory_space<vmem>> -> memref<1x128xi32, #tpu.memory_space<vmem>>
        %dma_wait3A_378 = tpu.memref_squeeze %dma_wait3A_377 : memref<1x128xi32, #tpu.memory_space<vmem>> -> memref<128xi32, #tpu.memory_space<vmem>>
        %dma_wait3A_379 = arith.constant 0 : i32
        %dma_wait3A_380 = tpu.memref_slice %arg15[%dma_wait3A_379] : memref<50048xf32, #tpu.memory_space<vmem_shared>> -> memref<50048xf32, #tpu.memory_space<vmem_shared>>
        tpu.wait_indirect_dma semaphore(%arg21 : memref<!tpu.dma_semaphore, #tpu.memory_space<semaphore_mem>>) src(%dma_wait3A_375 : memref<128xf32, #tpu.memory_space<vmem>>) dst(%dma_wait3A_380 : memref<50048xf32, #tpu.memory_space<vmem_shared>>)
        %dma_wait3A_381 = arith.constant 3 : i32
        %dma_wait3A_382 = arith.constant 3 : i32
        %dma_wait3A_383 = arith.constant 0 : i32
        %dma_wait3A_384 = tpu.memref_slice %arg19[%dma_wait3A_381, %dma_wait3A_383] : memref<4x128xf32, #tpu.memory_space<vmem>> -> memref<1x128xf32, #tpu.memory_space<vmem>>
        %dma_wait3A_385 = tpu.memref_squeeze %dma_wait3A_384 : memref<1x128xf32, #tpu.memory_space<vmem>> -> memref<128xf32, #tpu.memory_space<vmem>>
        %dma_wait3A_386 = arith.constant 0 : i32
        %dma_wait3A_387 = tpu.memref_slice %arg17[%dma_wait3A_382, %dma_wait3A_386] : memref<4x128xi32, #tpu.memory_space<vmem>> -> memref<1x128xi32, #tpu.memory_space<vmem>>
        %dma_wait3A_388 = tpu.memref_squeeze %dma_wait3A_387 : memref<1x128xi32, #tpu.memory_space<vmem>> -> memref<128xi32, #tpu.memory_space<vmem>>
        %dma_wait3A_389 = arith.constant 0 : i32
        %dma_wait3A_390 = tpu.memref_slice %arg15[%dma_wait3A_389] : memref<50048xf32, #tpu.memory_space<vmem_shared>> -> memref<50048xf32, #tpu.memory_space<vmem_shared>>
        tpu.wait_indirect_dma semaphore(%arg21 : memref<!tpu.dma_semaphore, #tpu.memory_space<semaphore_mem>>) src(%dma_wait3A_385 : memref<128xf32, #tpu.memory_space<vmem>>) dst(%dma_wait3A_390 : memref<50048xf32, #tpu.memory_space<vmem_shared>>)
      }
    } else {
    }
    %eq3A_5 = arith.constant 1 : i32
    %eq3A_6 = arith.cmpi eq, %arg0, %eq3A_5 : i32
    %convert_element_type3A_7 = arith.extui %eq3A_6 : i1 to i32
    %cond3A_8 = arith.constant 0 : i32
    %cond3A_9 = arith.cmpi ne, %convert_element_type3A_7, %cond3A_8 : i32
    scf.if %cond3A_9 {
      %mul3A_21 = arith.constant 97 : i32
      %mul3A_22 = arith.muli %arg1, %mul3A_21 : i32
      %min3A = arith.constant 12 : i32
      %min3A_23 = arith.minsi %arg1, %min3A : i32
      %add3A = arith.addi %mul3A_22, %min3A_23 : i32
      %lt3A = arith.constant 12 : i32
      %lt3A_24 = arith.cmpi slt, %arg1, %lt3A : i32
      %convert_element_type3A_25 = arith.extui %lt3A_24 : i1 to i32
      %add3A_26 = arith.constant 97 : i32
      %add3A_27 = arith.addi %add3A_26, %convert_element_type3A_25 : i32
      %while3A = arith.constant 0 : i32
      %while3A_28 = arith.constant 0 : i32
      %while3A_29 = arith.subi %add3A_27, %while3A_28 : i32
      %while3A_30 = arith.addi %while3A_28, %while3A_29 : i32
      %while3A_31 = arith.constant 1 : i32
      %while3A_32 = arith.divsi %while3A_29, %while3A_31 : i32
      %while3A_33 = arith.muli %while3A_32, %while3A_31 : i32
      %while3A_34 = arith.addi %while3A_28, %while3A_33 : i32
      %while3A_35 = arith.constant 1 : i32
      scf.for %while3A_37 = %while3A_28 to %while3A_34 step %while3A_35  : i32 {
        %add3A_38 = arith.addi %add3A, %while3A_37 : i32
        %mul3A_39 = arith.constant 4 : i32
        %mul3A_40 = arith.muli %add3A_38, %mul3A_39 : i32
        "tpu.region"() ({
          %run_scoped3A = tpu.sem_alloc : memref<!tpu.dma_semaphore, #tpu.memory_space<semaphore_mem>>
          %dma_start3A_391 = arith.constant 0 : i32
          %dma_start3A_392 = tpu.memref_slice %arg6[%mul3A_40, %dma_start3A_391] : memref<6256x128xi32, #tpu.memory_space<hbm>> -> memref<4x128xi32, #tpu.memory_space<hbm>>
          %dma_start3A_393 = arith.constant 0 : i32
          %dma_start3A_394 = tpu.memref_slice %arg6[%mul3A_40, %dma_start3A_393] : memref<6256x128xi32, #tpu.memory_space<hbm>> -> memref<4x128xi32, #tpu.memory_space<hbm>>
          tpu.enqueue_dma source(%dma_start3A_394 : memref<4x128xi32, #tpu.memory_space<hbm>>) target(%arg16 : memref<4x128xi32, #tpu.memory_space<vmem>>) target_semaphore(%run_scoped3A : memref<!tpu.dma_semaphore, #tpu.memory_space<semaphore_mem>>)
          %dma_wait3A_395 = arith.constant 0 : i32
          %dma_wait3A_396 = tpu.memref_slice %arg6[%mul3A_40, %dma_wait3A_395] : memref<6256x128xi32, #tpu.memory_space<hbm>> -> memref<4x128xi32, #tpu.memory_space<hbm>>
          %dma_wait3A_397 = arith.constant 0 : i32
          %dma_wait3A_398 = tpu.memref_slice %arg6[%mul3A_40, %dma_wait3A_397] : memref<6256x128xi32, #tpu.memory_space<hbm>> -> memref<4x128xi32, #tpu.memory_space<hbm>>
          tpu.wait_dma2 semaphore(%run_scoped3A : memref<!tpu.dma_semaphore, #tpu.memory_space<semaphore_mem>>) src(%dma_wait3A_398 : memref<4x128xi32, #tpu.memory_space<hbm>>) dst(%arg16 : memref<4x128xi32, #tpu.memory_space<vmem>>)
          tpu.yield
        }) : () -> ()
        "tpu.region"() ({
          %run_scoped3A = tpu.sem_alloc : memref<!tpu.dma_semaphore, #tpu.memory_space<semaphore_mem>>
          %dma_start3A_391 = arith.constant 0 : i32
          %dma_start3A_392 = tpu.memref_slice %arg7[%mul3A_40, %dma_start3A_391] : memref<6256x128xi32, #tpu.memory_space<hbm>> -> memref<4x128xi32, #tpu.memory_space<hbm>>
          %dma_start3A_393 = arith.constant 0 : i32
          %dma_start3A_394 = tpu.memref_slice %arg7[%mul3A_40, %dma_start3A_393] : memref<6256x128xi32, #tpu.memory_space<hbm>> -> memref<4x128xi32, #tpu.memory_space<hbm>>
          tpu.enqueue_dma source(%dma_start3A_394 : memref<4x128xi32, #tpu.memory_space<hbm>>) target(%arg17 : memref<4x128xi32, #tpu.memory_space<vmem>>) target_semaphore(%run_scoped3A : memref<!tpu.dma_semaphore, #tpu.memory_space<semaphore_mem>>)
          %dma_wait3A_395 = arith.constant 0 : i32
          %dma_wait3A_396 = tpu.memref_slice %arg7[%mul3A_40, %dma_wait3A_395] : memref<6256x128xi32, #tpu.memory_space<hbm>> -> memref<4x128xi32, #tpu.memory_space<hbm>>
          %dma_wait3A_397 = arith.constant 0 : i32
          %dma_wait3A_398 = tpu.memref_slice %arg7[%mul3A_40, %dma_wait3A_397] : memref<6256x128xi32, #tpu.memory_space<hbm>> -> memref<4x128xi32, #tpu.memory_space<hbm>>
          tpu.wait_dma2 semaphore(%run_scoped3A : memref<!tpu.dma_semaphore, #tpu.memory_space<semaphore_mem>>) src(%dma_wait3A_398 : memref<4x128xi32, #tpu.memory_space<hbm>>) dst(%arg17 : memref<4x128xi32, #tpu.memory_space<vmem>>)
          tpu.yield
        }) : () -> ()
        %dma_start3A = arith.constant 0 : i32
        %dma_start3A_41 = arith.constant 0 : i32
        %dma_start3A_42 = arith.constant 0 : i32
        %dma_start3A_43 = arith.constant 0 : i32
        %dma_start3A_44 = tpu.memref_slice %arg18[%dma_start3A_41, %dma_start3A_42, %dma_start3A_43] : memref<4x128x32xf32, #tpu.memory_space<vmem>> -> memref<1x128x32xf32, #tpu.memory_space<vmem>>
        %dma_start3A_45 = tpu.memref_squeeze %dma_start3A_44 : memref<1x128x32xf32, #tpu.memory_space<vmem>> -> memref<128x32xf32, #tpu.memory_space<vmem>>
        %dma_start3A_46 = arith.constant 0 : i32
        %dma_start3A_47 = tpu.memref_slice %arg16[%dma_start3A, %dma_start3A_46] : memref<4x128xi32, #tpu.memory_space<vmem>> -> memref<1x128xi32, #tpu.memory_space<vmem>>
        %dma_start3A_48 = tpu.memref_squeeze %dma_start3A_47 : memref<1x128xi32, #tpu.memory_space<vmem>> -> memref<128xi32, #tpu.memory_space<vmem>>
        %dma_start3A_49 = arith.constant 0 : i32
        %dma_start3A_50 = arith.constant 0 : i32
        %dma_start3A_51 = tpu.memref_slice %arg4[%dma_start3A_49, %dma_start3A_50] : memref<50048x32xf32, #tpu.memory_space<hbm>> -> memref<50048x32xf32, #tpu.memory_space<hbm>>
        tpu.enqueue_indirect_dma source(%dma_start3A_51 : memref<50048x32xf32, #tpu.memory_space<hbm>>) target(%dma_start3A_45 : memref<128x32xf32, #tpu.memory_space<vmem>>) offsets(%dma_start3A_48 : memref<128xi32, #tpu.memory_space<vmem>>) semaphore(%arg20 : memref<!tpu.dma_semaphore, #tpu.memory_space<semaphore_mem>>)
        %dma_start3A_52 = arith.constant 1 : i32
        %dma_start3A_53 = arith.constant 1 : i32
        %dma_start3A_54 = arith.constant 0 : i32
        %dma_start3A_55 = arith.constant 0 : i32
        %dma_start3A_56 = tpu.memref_slice %arg18[%dma_start3A_53, %dma_start3A_54, %dma_start3A_55] : memref<4x128x32xf32, #tpu.memory_space<vmem>> -> memref<1x128x32xf32, #tpu.memory_space<vmem>>
        %dma_start3A_57 = tpu.memref_squeeze %dma_start3A_56 : memref<1x128x32xf32, #tpu.memory_space<vmem>> -> memref<128x32xf32, #tpu.memory_space<vmem>>
        %dma_start3A_58 = arith.constant 0 : i32
        %dma_start3A_59 = tpu.memref_slice %arg16[%dma_start3A_52, %dma_start3A_58] : memref<4x128xi32, #tpu.memory_space<vmem>> -> memref<1x128xi32, #tpu.memory_space<vmem>>
        %dma_start3A_60 = tpu.memref_squeeze %dma_start3A_59 : memref<1x128xi32, #tpu.memory_space<vmem>> -> memref<128xi32, #tpu.memory_space<vmem>>
        %dma_start3A_61 = arith.constant 0 : i32
        %dma_start3A_62 = arith.constant 0 : i32
        %dma_start3A_63 = tpu.memref_slice %arg4[%dma_start3A_61, %dma_start3A_62] : memref<50048x32xf32, #tpu.memory_space<hbm>> -> memref<50048x32xf32, #tpu.memory_space<hbm>>
        tpu.enqueue_indirect_dma source(%dma_start3A_63 : memref<50048x32xf32, #tpu.memory_space<hbm>>) target(%dma_start3A_57 : memref<128x32xf32, #tpu.memory_space<vmem>>) offsets(%dma_start3A_60 : memref<128xi32, #tpu.memory_space<vmem>>) semaphore(%arg20 : memref<!tpu.dma_semaphore, #tpu.memory_space<semaphore_mem>>)
        %dma_start3A_64 = arith.constant 2 : i32
        %dma_start3A_65 = arith.constant 2 : i32
        %dma_start3A_66 = arith.constant 0 : i32
        %dma_start3A_67 = arith.constant 0 : i32
        %dma_start3A_68 = tpu.memref_slice %arg18[%dma_start3A_65, %dma_start3A_66, %dma_start3A_67] : memref<4x128x32xf32, #tpu.memory_space<vmem>> -> memref<1x128x32xf32, #tpu.memory_space<vmem>>
        %dma_start3A_69 = tpu.memref_squeeze %dma_start3A_68 : memref<1x128x32xf32, #tpu.memory_space<vmem>> -> memref<128x32xf32, #tpu.memory_space<vmem>>
        %dma_start3A_70 = arith.constant 0 : i32
        %dma_start3A_71 = tpu.memref_slice %arg16[%dma_start3A_64, %dma_start3A_70] : memref<4x128xi32, #tpu.memory_space<vmem>> -> memref<1x128xi32, #tpu.memory_space<vmem>>
        %dma_start3A_72 = tpu.memref_squeeze %dma_start3A_71 : memref<1x128xi32, #tpu.memory_space<vmem>> -> memref<128xi32, #tpu.memory_space<vmem>>
        %dma_start3A_73 = arith.constant 0 : i32
        %dma_start3A_74 = arith.constant 0 : i32
        %dma_start3A_75 = tpu.memref_slice %arg4[%dma_start3A_73, %dma_start3A_74] : memref<50048x32xf32, #tpu.memory_space<hbm>> -> memref<50048x32xf32, #tpu.memory_space<hbm>>
        tpu.enqueue_indirect_dma source(%dma_start3A_75 : memref<50048x32xf32, #tpu.memory_space<hbm>>) target(%dma_start3A_69 : memref<128x32xf32, #tpu.memory_space<vmem>>) offsets(%dma_start3A_72 : memref<128xi32, #tpu.memory_space<vmem>>) semaphore(%arg20 : memref<!tpu.dma_semaphore, #tpu.memory_space<semaphore_mem>>)
        %dma_start3A_76 = arith.constant 3 : i32
        %dma_start3A_77 = arith.constant 3 : i32
        %dma_start3A_78 = arith.constant 0 : i32
        %dma_start3A_79 = arith.constant 0 : i32
        %dma_start3A_80 = tpu.memref_slice %arg18[%dma_start3A_77, %dma_start3A_78, %dma_start3A_79] : memref<4x128x32xf32, #tpu.memory_space<vmem>> -> memref<1x128x32xf32, #tpu.memory_space<vmem>>
        %dma_start3A_81 = tpu.memref_squeeze %dma_start3A_80 : memref<1x128x32xf32, #tpu.memory_space<vmem>> -> memref<128x32xf32, #tpu.memory_space<vmem>>
        %dma_start3A_82 = arith.constant 0 : i32
        %dma_start3A_83 = tpu.memref_slice %arg16[%dma_start3A_76, %dma_start3A_82] : memref<4x128xi32, #tpu.memory_space<vmem>> -> memref<1x128xi32, #tpu.memory_space<vmem>>
        %dma_start3A_84 = tpu.memref_squeeze %dma_start3A_83 : memref<1x128xi32, #tpu.memory_space<vmem>> -> memref<128xi32, #tpu.memory_space<vmem>>
        %dma_start3A_85 = arith.constant 0 : i32
        %dma_start3A_86 = arith.constant 0 : i32
        %dma_start3A_87 = tpu.memref_slice %arg4[%dma_start3A_85, %dma_start3A_86] : memref<50048x32xf32, #tpu.memory_space<hbm>> -> memref<50048x32xf32, #tpu.memory_space<hbm>>
        tpu.enqueue_indirect_dma source(%dma_start3A_87 : memref<50048x32xf32, #tpu.memory_space<hbm>>) target(%dma_start3A_81 : memref<128x32xf32, #tpu.memory_space<vmem>>) offsets(%dma_start3A_84 : memref<128xi32, #tpu.memory_space<vmem>>) semaphore(%arg20 : memref<!tpu.dma_semaphore, #tpu.memory_space<semaphore_mem>>)
        %dma_start3A_88 = arith.constant 0 : i32
        %dma_start3A_89 = arith.constant 0 : i32
        %dma_start3A_90 = arith.constant 0 : i32
        %dma_start3A_91 = tpu.memref_slice %arg19[%dma_start3A_89, %dma_start3A_90] : memref<4x128xf32, #tpu.memory_space<vmem>> -> memref<1x128xf32, #tpu.memory_space<vmem>>
        %dma_start3A_92 = tpu.memref_squeeze %dma_start3A_91 : memref<1x128xf32, #tpu.memory_space<vmem>> -> memref<128xf32, #tpu.memory_space<vmem>>
        %dma_start3A_93 = arith.constant 0 : i32
        %dma_start3A_94 = tpu.memref_slice %arg16[%dma_start3A_88, %dma_start3A_93] : memref<4x128xi32, #tpu.memory_space<vmem>> -> memref<1x128xi32, #tpu.memory_space<vmem>>
        %dma_start3A_95 = tpu.memref_squeeze %dma_start3A_94 : memref<1x128xi32, #tpu.memory_space<vmem>> -> memref<128xi32, #tpu.memory_space<vmem>>
        %dma_start3A_96 = arith.constant 0 : i32
        %dma_start3A_97 = tpu.memref_slice %arg5[%dma_start3A_96] : memref<50048xf32, #tpu.memory_space<hbm>> -> memref<50048xf32, #tpu.memory_space<hbm>>
        tpu.enqueue_indirect_dma source(%dma_start3A_97 : memref<50048xf32, #tpu.memory_space<hbm>>) target(%dma_start3A_92 : memref<128xf32, #tpu.memory_space<vmem>>) offsets(%dma_start3A_95 : memref<128xi32, #tpu.memory_space<vmem>>) semaphore(%arg20 : memref<!tpu.dma_semaphore, #tpu.memory_space<semaphore_mem>>)
        %dma_start3A_98 = arith.constant 1 : i32
        %dma_start3A_99 = arith.constant 1 : i32
        %dma_start3A_100 = arith.constant 0 : i32
        %dma_start3A_101 = tpu.memref_slice %arg19[%dma_start3A_99, %dma_start3A_100] : memref<4x128xf32, #tpu.memory_space<vmem>> -> memref<1x128xf32, #tpu.memory_space<vmem>>
        %dma_start3A_102 = tpu.memref_squeeze %dma_start3A_101 : memref<1x128xf32, #tpu.memory_space<vmem>> -> memref<128xf32, #tpu.memory_space<vmem>>
        %dma_start3A_103 = arith.constant 0 : i32
        %dma_start3A_104 = tpu.memref_slice %arg16[%dma_start3A_98, %dma_start3A_103] : memref<4x128xi32, #tpu.memory_space<vmem>> -> memref<1x128xi32, #tpu.memory_space<vmem>>
        %dma_start3A_105 = tpu.memref_squeeze %dma_start3A_104 : memref<1x128xi32, #tpu.memory_space<vmem>> -> memref<128xi32, #tpu.memory_space<vmem>>
        %dma_start3A_106 = arith.constant 0 : i32
        %dma_start3A_107 = tpu.memref_slice %arg5[%dma_start3A_106] : memref<50048xf32, #tpu.memory_space<hbm>> -> memref<50048xf32, #tpu.memory_space<hbm>>
        tpu.enqueue_indirect_dma source(%dma_start3A_107 : memref<50048xf32, #tpu.memory_space<hbm>>) target(%dma_start3A_102 : memref<128xf32, #tpu.memory_space<vmem>>) offsets(%dma_start3A_105 : memref<128xi32, #tpu.memory_space<vmem>>) semaphore(%arg20 : memref<!tpu.dma_semaphore, #tpu.memory_space<semaphore_mem>>)
        %dma_start3A_108 = arith.constant 2 : i32
        %dma_start3A_109 = arith.constant 2 : i32
        %dma_start3A_110 = arith.constant 0 : i32
        %dma_start3A_111 = tpu.memref_slice %arg19[%dma_start3A_109, %dma_start3A_110] : memref<4x128xf32, #tpu.memory_space<vmem>> -> memref<1x128xf32, #tpu.memory_space<vmem>>
        %dma_start3A_112 = tpu.memref_squeeze %dma_start3A_111 : memref<1x128xf32, #tpu.memory_space<vmem>> -> memref<128xf32, #tpu.memory_space<vmem>>
        %dma_start3A_113 = arith.constant 0 : i32
        %dma_start3A_114 = tpu.memref_slice %arg16[%dma_start3A_108, %dma_start3A_113] : memref<4x128xi32, #tpu.memory_space<vmem>> -> memref<1x128xi32, #tpu.memory_space<vmem>>
        %dma_start3A_115 = tpu.memref_squeeze %dma_start3A_114 : memref<1x128xi32, #tpu.memory_space<vmem>> -> memref<128xi32, #tpu.memory_space<vmem>>
        %dma_start3A_116 = arith.constant 0 : i32
        %dma_start3A_117 = tpu.memref_slice %arg5[%dma_start3A_116] : memref<50048xf32, #tpu.memory_space<hbm>> -> memref<50048xf32, #tpu.memory_space<hbm>>
        tpu.enqueue_indirect_dma source(%dma_start3A_117 : memref<50048xf32, #tpu.memory_space<hbm>>) target(%dma_start3A_112 : memref<128xf32, #tpu.memory_space<vmem>>) offsets(%dma_start3A_115 : memref<128xi32, #tpu.memory_space<vmem>>) semaphore(%arg20 : memref<!tpu.dma_semaphore, #tpu.memory_space<semaphore_mem>>)
        %dma_start3A_118 = arith.constant 3 : i32
        %dma_start3A_119 = arith.constant 3 : i32
        %dma_start3A_120 = arith.constant 0 : i32
        %dma_start3A_121 = tpu.memref_slice %arg19[%dma_start3A_119, %dma_start3A_120] : memref<4x128xf32, #tpu.memory_space<vmem>> -> memref<1x128xf32, #tpu.memory_space<vmem>>
        %dma_start3A_122 = tpu.memref_squeeze %dma_start3A_121 : memref<1x128xf32, #tpu.memory_space<vmem>> -> memref<128xf32, #tpu.memory_space<vmem>>
        %dma_start3A_123 = arith.constant 0 : i32
        %dma_start3A_124 = tpu.memref_slice %arg16[%dma_start3A_118, %dma_start3A_123] : memref<4x128xi32, #tpu.memory_space<vmem>> -> memref<1x128xi32, #tpu.memory_space<vmem>>
        %dma_start3A_125 = tpu.memref_squeeze %dma_start3A_124 : memref<1x128xi32, #tpu.memory_space<vmem>> -> memref<128xi32, #tpu.memory_space<vmem>>
        %dma_start3A_126 = arith.constant 0 : i32
        %dma_start3A_127 = tpu.memref_slice %arg5[%dma_start3A_126] : memref<50048xf32, #tpu.memory_space<hbm>> -> memref<50048xf32, #tpu.memory_space<hbm>>
        tpu.enqueue_indirect_dma source(%dma_start3A_127 : memref<50048xf32, #tpu.memory_space<hbm>>) target(%dma_start3A_122 : memref<128xf32, #tpu.memory_space<vmem>>) offsets(%dma_start3A_125 : memref<128xi32, #tpu.memory_space<vmem>>) semaphore(%arg20 : memref<!tpu.dma_semaphore, #tpu.memory_space<semaphore_mem>>)
        %dma_wait3A = arith.constant 0 : i32
        %dma_wait3A_128 = arith.constant 0 : i32
        %dma_wait3A_129 = arith.constant 0 : i32
        %dma_wait3A_130 = arith.constant 0 : i32
        %dma_wait3A_131 = tpu.memref_slice %arg18[%dma_wait3A_128, %dma_wait3A_129, %dma_wait3A_130] : memref<4x128x32xf32, #tpu.memory_space<vmem>> -> memref<1x128x32xf32, #tpu.memory_space<vmem>>
        %dma_wait3A_132 = tpu.memref_squeeze %dma_wait3A_131 : memref<1x128x32xf32, #tpu.memory_space<vmem>> -> memref<128x32xf32, #tpu.memory_space<vmem>>
        %dma_wait3A_133 = arith.constant 0 : i32
        %dma_wait3A_134 = tpu.memref_slice %arg16[%dma_wait3A, %dma_wait3A_133] : memref<4x128xi32, #tpu.memory_space<vmem>> -> memref<1x128xi32, #tpu.memory_space<vmem>>
        %dma_wait3A_135 = tpu.memref_squeeze %dma_wait3A_134 : memref<1x128xi32, #tpu.memory_space<vmem>> -> memref<128xi32, #tpu.memory_space<vmem>>
        %dma_wait3A_136 = arith.constant 0 : i32
        %dma_wait3A_137 = arith.constant 0 : i32
        %dma_wait3A_138 = tpu.memref_slice %arg4[%dma_wait3A_136, %dma_wait3A_137] : memref<50048x32xf32, #tpu.memory_space<hbm>> -> memref<50048x32xf32, #tpu.memory_space<hbm>>
        tpu.wait_indirect_dma semaphore(%arg20 : memref<!tpu.dma_semaphore, #tpu.memory_space<semaphore_mem>>) src(%dma_wait3A_138 : memref<50048x32xf32, #tpu.memory_space<hbm>>) dst(%dma_wait3A_132 : memref<128x32xf32, #tpu.memory_space<vmem>>)
        %dma_wait3A_139 = arith.constant 1 : i32
        %dma_wait3A_140 = arith.constant 1 : i32
        %dma_wait3A_141 = arith.constant 0 : i32
        %dma_wait3A_142 = arith.constant 0 : i32
        %dma_wait3A_143 = tpu.memref_slice %arg18[%dma_wait3A_140, %dma_wait3A_141, %dma_wait3A_142] : memref<4x128x32xf32, #tpu.memory_space<vmem>> -> memref<1x128x32xf32, #tpu.memory_space<vmem>>
        %dma_wait3A_144 = tpu.memref_squeeze %dma_wait3A_143 : memref<1x128x32xf32, #tpu.memory_space<vmem>> -> memref<128x32xf32, #tpu.memory_space<vmem>>
        %dma_wait3A_145 = arith.constant 0 : i32
        %dma_wait3A_146 = tpu.memref_slice %arg16[%dma_wait3A_139, %dma_wait3A_145] : memref<4x128xi32, #tpu.memory_space<vmem>> -> memref<1x128xi32, #tpu.memory_space<vmem>>
        %dma_wait3A_147 = tpu.memref_squeeze %dma_wait3A_146 : memref<1x128xi32, #tpu.memory_space<vmem>> -> memref<128xi32, #tpu.memory_space<vmem>>
        %dma_wait3A_148 = arith.constant 0 : i32
        %dma_wait3A_149 = arith.constant 0 : i32
        %dma_wait3A_150 = tpu.memref_slice %arg4[%dma_wait3A_148, %dma_wait3A_149] : memref<50048x32xf32, #tpu.memory_space<hbm>> -> memref<50048x32xf32, #tpu.memory_space<hbm>>
        tpu.wait_indirect_dma semaphore(%arg20 : memref<!tpu.dma_semaphore, #tpu.memory_space<semaphore_mem>>) src(%dma_wait3A_150 : memref<50048x32xf32, #tpu.memory_space<hbm>>) dst(%dma_wait3A_144 : memref<128x32xf32, #tpu.memory_space<vmem>>)
        %dma_wait3A_151 = arith.constant 2 : i32
        %dma_wait3A_152 = arith.constant 2 : i32
        %dma_wait3A_153 = arith.constant 0 : i32
        %dma_wait3A_154 = arith.constant 0 : i32
        %dma_wait3A_155 = tpu.memref_slice %arg18[%dma_wait3A_152, %dma_wait3A_153, %dma_wait3A_154] : memref<4x128x32xf32, #tpu.memory_space<vmem>> -> memref<1x128x32xf32, #tpu.memory_space<vmem>>
        %dma_wait3A_156 = tpu.memref_squeeze %dma_wait3A_155 : memref<1x128x32xf32, #tpu.memory_space<vmem>> -> memref<128x32xf32, #tpu.memory_space<vmem>>
        %dma_wait3A_157 = arith.constant 0 : i32
        %dma_wait3A_158 = tpu.memref_slice %arg16[%dma_wait3A_151, %dma_wait3A_157] : memref<4x128xi32, #tpu.memory_space<vmem>> -> memref<1x128xi32, #tpu.memory_space<vmem>>
        %dma_wait3A_159 = tpu.memref_squeeze %dma_wait3A_158 : memref<1x128xi32, #tpu.memory_space<vmem>> -> memref<128xi32, #tpu.memory_space<vmem>>
        %dma_wait3A_160 = arith.constant 0 : i32
        %dma_wait3A_161 = arith.constant 0 : i32
        %dma_wait3A_162 = tpu.memref_slice %arg4[%dma_wait3A_160, %dma_wait3A_161] : memref<50048x32xf32, #tpu.memory_space<hbm>> -> memref<50048x32xf32, #tpu.memory_space<hbm>>
        tpu.wait_indirect_dma semaphore(%arg20 : memref<!tpu.dma_semaphore, #tpu.memory_space<semaphore_mem>>) src(%dma_wait3A_162 : memref<50048x32xf32, #tpu.memory_space<hbm>>) dst(%dma_wait3A_156 : memref<128x32xf32, #tpu.memory_space<vmem>>)
        %dma_wait3A_163 = arith.constant 3 : i32
        %dma_wait3A_164 = arith.constant 3 : i32
        %dma_wait3A_165 = arith.constant 0 : i32
        %dma_wait3A_166 = arith.constant 0 : i32
        %dma_wait3A_167 = tpu.memref_slice %arg18[%dma_wait3A_164, %dma_wait3A_165, %dma_wait3A_166] : memref<4x128x32xf32, #tpu.memory_space<vmem>> -> memref<1x128x32xf32, #tpu.memory_space<vmem>>
        %dma_wait3A_168 = tpu.memref_squeeze %dma_wait3A_167 : memref<1x128x32xf32, #tpu.memory_space<vmem>> -> memref<128x32xf32, #tpu.memory_space<vmem>>
        %dma_wait3A_169 = arith.constant 0 : i32
        %dma_wait3A_170 = tpu.memref_slice %arg16[%dma_wait3A_163, %dma_wait3A_169] : memref<4x128xi32, #tpu.memory_space<vmem>> -> memref<1x128xi32, #tpu.memory_space<vmem>>
        %dma_wait3A_171 = tpu.memref_squeeze %dma_wait3A_170 : memref<1x128xi32, #tpu.memory_space<vmem>> -> memref<128xi32, #tpu.memory_space<vmem>>
        %dma_wait3A_172 = arith.constant 0 : i32
        %dma_wait3A_173 = arith.constant 0 : i32
        %dma_wait3A_174 = tpu.memref_slice %arg4[%dma_wait3A_172, %dma_wait3A_173] : memref<50048x32xf32, #tpu.memory_space<hbm>> -> memref<50048x32xf32, #tpu.memory_space<hbm>>
        tpu.wait_indirect_dma semaphore(%arg20 : memref<!tpu.dma_semaphore, #tpu.memory_space<semaphore_mem>>) src(%dma_wait3A_174 : memref<50048x32xf32, #tpu.memory_space<hbm>>) dst(%dma_wait3A_168 : memref<128x32xf32, #tpu.memory_space<vmem>>)
        %dma_wait3A_175 = arith.constant 0 : i32
        %dma_wait3A_176 = arith.constant 0 : i32
        %dma_wait3A_177 = arith.constant 0 : i32
        %dma_wait3A_178 = tpu.memref_slice %arg19[%dma_wait3A_176, %dma_wait3A_177] : memref<4x128xf32, #tpu.memory_space<vmem>> -> memref<1x128xf32, #tpu.memory_space<vmem>>
        %dma_wait3A_179 = tpu.memref_squeeze %dma_wait3A_178 : memref<1x128xf32, #tpu.memory_space<vmem>> -> memref<128xf32, #tpu.memory_space<vmem>>
        %dma_wait3A_180 = arith.constant 0 : i32
        %dma_wait3A_181 = tpu.memref_slice %arg16[%dma_wait3A_175, %dma_wait3A_180] : memref<4x128xi32, #tpu.memory_space<vmem>> -> memref<1x128xi32, #tpu.memory_space<vmem>>
        %dma_wait3A_182 = tpu.memref_squeeze %dma_wait3A_181 : memref<1x128xi32, #tpu.memory_space<vmem>> -> memref<128xi32, #tpu.memory_space<vmem>>
        %dma_wait3A_183 = arith.constant 0 : i32
        %dma_wait3A_184 = tpu.memref_slice %arg5[%dma_wait3A_183] : memref<50048xf32, #tpu.memory_space<hbm>> -> memref<50048xf32, #tpu.memory_space<hbm>>
        tpu.wait_indirect_dma semaphore(%arg20 : memref<!tpu.dma_semaphore, #tpu.memory_space<semaphore_mem>>) src(%dma_wait3A_184 : memref<50048xf32, #tpu.memory_space<hbm>>) dst(%dma_wait3A_179 : memref<128xf32, #tpu.memory_space<vmem>>)
        %dma_wait3A_185 = arith.constant 1 : i32
        %dma_wait3A_186 = arith.constant 1 : i32
        %dma_wait3A_187 = arith.constant 0 : i32
        %dma_wait3A_188 = tpu.memref_slice %arg19[%dma_wait3A_186, %dma_wait3A_187] : memref<4x128xf32, #tpu.memory_space<vmem>> -> memref<1x128xf32, #tpu.memory_space<vmem>>
        %dma_wait3A_189 = tpu.memref_squeeze %dma_wait3A_188 : memref<1x128xf32, #tpu.memory_space<vmem>> -> memref<128xf32, #tpu.memory_space<vmem>>
        %dma_wait3A_190 = arith.constant 0 : i32
        %dma_wait3A_191 = tpu.memref_slice %arg16[%dma_wait3A_185, %dma_wait3A_190] : memref<4x128xi32, #tpu.memory_space<vmem>> -> memref<1x128xi32, #tpu.memory_space<vmem>>
        %dma_wait3A_192 = tpu.memref_squeeze %dma_wait3A_191 : memref<1x128xi32, #tpu.memory_space<vmem>> -> memref<128xi32, #tpu.memory_space<vmem>>
        %dma_wait3A_193 = arith.constant 0 : i32
        %dma_wait3A_194 = tpu.memref_slice %arg5[%dma_wait3A_193] : memref<50048xf32, #tpu.memory_space<hbm>> -> memref<50048xf32, #tpu.memory_space<hbm>>
        tpu.wait_indirect_dma semaphore(%arg20 : memref<!tpu.dma_semaphore, #tpu.memory_space<semaphore_mem>>) src(%dma_wait3A_194 : memref<50048xf32, #tpu.memory_space<hbm>>) dst(%dma_wait3A_189 : memref<128xf32, #tpu.memory_space<vmem>>)
        %dma_wait3A_195 = arith.constant 2 : i32
        %dma_wait3A_196 = arith.constant 2 : i32
        %dma_wait3A_197 = arith.constant 0 : i32
        %dma_wait3A_198 = tpu.memref_slice %arg19[%dma_wait3A_196, %dma_wait3A_197] : memref<4x128xf32, #tpu.memory_space<vmem>> -> memref<1x128xf32, #tpu.memory_space<vmem>>
        %dma_wait3A_199 = tpu.memref_squeeze %dma_wait3A_198 : memref<1x128xf32, #tpu.memory_space<vmem>> -> memref<128xf32, #tpu.memory_space<vmem>>
        %dma_wait3A_200 = arith.constant 0 : i32
        %dma_wait3A_201 = tpu.memref_slice %arg16[%dma_wait3A_195, %dma_wait3A_200] : memref<4x128xi32, #tpu.memory_space<vmem>> -> memref<1x128xi32, #tpu.memory_space<vmem>>
        %dma_wait3A_202 = tpu.memref_squeeze %dma_wait3A_201 : memref<1x128xi32, #tpu.memory_space<vmem>> -> memref<128xi32, #tpu.memory_space<vmem>>
        %dma_wait3A_203 = arith.constant 0 : i32
        %dma_wait3A_204 = tpu.memref_slice %arg5[%dma_wait3A_203] : memref<50048xf32, #tpu.memory_space<hbm>> -> memref<50048xf32, #tpu.memory_space<hbm>>
        tpu.wait_indirect_dma semaphore(%arg20 : memref<!tpu.dma_semaphore, #tpu.memory_space<semaphore_mem>>) src(%dma_wait3A_204 : memref<50048xf32, #tpu.memory_space<hbm>>) dst(%dma_wait3A_199 : memref<128xf32, #tpu.memory_space<vmem>>)
        %dma_wait3A_205 = arith.constant 3 : i32
        %dma_wait3A_206 = arith.constant 3 : i32
        %dma_wait3A_207 = arith.constant 0 : i32
        %dma_wait3A_208 = tpu.memref_slice %arg19[%dma_wait3A_206, %dma_wait3A_207] : memref<4x128xf32, #tpu.memory_space<vmem>> -> memref<1x128xf32, #tpu.memory_space<vmem>>
        %dma_wait3A_209 = tpu.memref_squeeze %dma_wait3A_208 : memref<1x128xf32, #tpu.memory_space<vmem>> -> memref<128xf32, #tpu.memory_space<vmem>>
        %dma_wait3A_210 = arith.constant 0 : i32
        %dma_wait3A_211 = tpu.memref_slice %arg16[%dma_wait3A_205, %dma_wait3A_210] : memref<4x128xi32, #tpu.memory_space<vmem>> -> memref<1x128xi32, #tpu.memory_space<vmem>>
        %dma_wait3A_212 = tpu.memref_squeeze %dma_wait3A_211 : memref<1x128xi32, #tpu.memory_space<vmem>> -> memref<128xi32, #tpu.memory_space<vmem>>
        %dma_wait3A_213 = arith.constant 0 : i32
        %dma_wait3A_214 = tpu.memref_slice %arg5[%dma_wait3A_213] : memref<50048xf32, #tpu.memory_space<hbm>> -> memref<50048xf32, #tpu.memory_space<hbm>>
        tpu.wait_indirect_dma semaphore(%arg20 : memref<!tpu.dma_semaphore, #tpu.memory_space<semaphore_mem>>) src(%dma_wait3A_214 : memref<50048xf32, #tpu.memory_space<hbm>>) dst(%dma_wait3A_209 : memref<128xf32, #tpu.memory_space<vmem>>)
        %dma_start3A_215 = arith.constant 0 : i32
        %dma_start3A_216 = arith.constant 0 : i32
        %dma_start3A_217 = arith.constant 0 : i32
        %dma_start3A_218 = arith.constant 0 : i32
        %dma_start3A_219 = tpu.memref_slice %arg18[%dma_start3A_215, %dma_start3A_217, %dma_start3A_218] : memref<4x128x32xf32, #tpu.memory_space<vmem>> -> memref<1x128x32xf32, #tpu.memory_space<vmem>>
        %dma_start3A_220 = tpu.memref_squeeze %dma_start3A_219 : memref<1x128x32xf32, #tpu.memory_space<vmem>> -> memref<128x32xf32, #tpu.memory_space<vmem>>
        %dma_start3A_221 = arith.constant 0 : i32
        %dma_start3A_222 = tpu.memref_slice %arg17[%dma_start3A_216, %dma_start3A_221] : memref<4x128xi32, #tpu.memory_space<vmem>> -> memref<1x128xi32, #tpu.memory_space<vmem>>
        %dma_start3A_223 = tpu.memref_squeeze %dma_start3A_222 : memref<1x128xi32, #tpu.memory_space<vmem>> -> memref<128xi32, #tpu.memory_space<vmem>>
        %dma_start3A_224 = arith.constant 0 : i32
        %dma_start3A_225 = arith.constant 0 : i32
        %dma_start3A_226 = tpu.memref_slice %arg14[%dma_start3A_224, %dma_start3A_225] : memref<50048x32xf32, #tpu.memory_space<vmem_shared>> -> memref<50048x32xf32, #tpu.memory_space<vmem_shared>>
        tpu.enqueue_indirect_dma source(%dma_start3A_220 : memref<128x32xf32, #tpu.memory_space<vmem>>) target(%dma_start3A_226 : memref<50048x32xf32, #tpu.memory_space<vmem_shared>>) offsets(%dma_start3A_223 : memref<128xi32, #tpu.memory_space<vmem>>) semaphore(%arg21 : memref<!tpu.dma_semaphore, #tpu.memory_space<semaphore_mem>>) {add = true}
        %dma_start3A_227 = arith.constant 1 : i32
        %dma_start3A_228 = arith.constant 1 : i32
        %dma_start3A_229 = arith.constant 0 : i32
        %dma_start3A_230 = arith.constant 0 : i32
        %dma_start3A_231 = tpu.memref_slice %arg18[%dma_start3A_227, %dma_start3A_229, %dma_start3A_230] : memref<4x128x32xf32, #tpu.memory_space<vmem>> -> memref<1x128x32xf32, #tpu.memory_space<vmem>>
        %dma_start3A_232 = tpu.memref_squeeze %dma_start3A_231 : memref<1x128x32xf32, #tpu.memory_space<vmem>> -> memref<128x32xf32, #tpu.memory_space<vmem>>
        %dma_start3A_233 = arith.constant 0 : i32
        %dma_start3A_234 = tpu.memref_slice %arg17[%dma_start3A_228, %dma_start3A_233] : memref<4x128xi32, #tpu.memory_space<vmem>> -> memref<1x128xi32, #tpu.memory_space<vmem>>
        %dma_start3A_235 = tpu.memref_squeeze %dma_start3A_234 : memref<1x128xi32, #tpu.memory_space<vmem>> -> memref<128xi32, #tpu.memory_space<vmem>>
        %dma_start3A_236 = arith.constant 0 : i32
        %dma_start3A_237 = arith.constant 0 : i32
        %dma_start3A_238 = tpu.memref_slice %arg14[%dma_start3A_236, %dma_start3A_237] : memref<50048x32xf32, #tpu.memory_space<vmem_shared>> -> memref<50048x32xf32, #tpu.memory_space<vmem_shared>>
        tpu.enqueue_indirect_dma source(%dma_start3A_232 : memref<128x32xf32, #tpu.memory_space<vmem>>) target(%dma_start3A_238 : memref<50048x32xf32, #tpu.memory_space<vmem_shared>>) offsets(%dma_start3A_235 : memref<128xi32, #tpu.memory_space<vmem>>) semaphore(%arg21 : memref<!tpu.dma_semaphore, #tpu.memory_space<semaphore_mem>>) {add = true}
        %dma_start3A_239 = arith.constant 2 : i32
        %dma_start3A_240 = arith.constant 2 : i32
        %dma_start3A_241 = arith.constant 0 : i32
        %dma_start3A_242 = arith.constant 0 : i32
        %dma_start3A_243 = tpu.memref_slice %arg18[%dma_start3A_239, %dma_start3A_241, %dma_start3A_242] : memref<4x128x32xf32, #tpu.memory_space<vmem>> -> memref<1x128x32xf32, #tpu.memory_space<vmem>>
        %dma_start3A_244 = tpu.memref_squeeze %dma_start3A_243 : memref<1x128x32xf32, #tpu.memory_space<vmem>> -> memref<128x32xf32, #tpu.memory_space<vmem>>
        %dma_start3A_245 = arith.constant 0 : i32
        %dma_start3A_246 = tpu.memref_slice %arg17[%dma_start3A_240, %dma_start3A_245] : memref<4x128xi32, #tpu.memory_space<vmem>> -> memref<1x128xi32, #tpu.memory_space<vmem>>
        %dma_start3A_247 = tpu.memref_squeeze %dma_start3A_246 : memref<1x128xi32, #tpu.memory_space<vmem>> -> memref<128xi32, #tpu.memory_space<vmem>>
        %dma_start3A_248 = arith.constant 0 : i32
        %dma_start3A_249 = arith.constant 0 : i32
        %dma_start3A_250 = tpu.memref_slice %arg14[%dma_start3A_248, %dma_start3A_249] : memref<50048x32xf32, #tpu.memory_space<vmem_shared>> -> memref<50048x32xf32, #tpu.memory_space<vmem_shared>>
        tpu.enqueue_indirect_dma source(%dma_start3A_244 : memref<128x32xf32, #tpu.memory_space<vmem>>) target(%dma_start3A_250 : memref<50048x32xf32, #tpu.memory_space<vmem_shared>>) offsets(%dma_start3A_247 : memref<128xi32, #tpu.memory_space<vmem>>) semaphore(%arg21 : memref<!tpu.dma_semaphore, #tpu.memory_space<semaphore_mem>>) {add = true}
        %dma_start3A_251 = arith.constant 3 : i32
        %dma_start3A_252 = arith.constant 3 : i32
        %dma_start3A_253 = arith.constant 0 : i32
        %dma_start3A_254 = arith.constant 0 : i32
        %dma_start3A_255 = tpu.memref_slice %arg18[%dma_start3A_251, %dma_start3A_253, %dma_start3A_254] : memref<4x128x32xf32, #tpu.memory_space<vmem>> -> memref<1x128x32xf32, #tpu.memory_space<vmem>>
        %dma_start3A_256 = tpu.memref_squeeze %dma_start3A_255 : memref<1x128x32xf32, #tpu.memory_space<vmem>> -> memref<128x32xf32, #tpu.memory_space<vmem>>
        %dma_start3A_257 = arith.constant 0 : i32
        %dma_start3A_258 = tpu.memref_slice %arg17[%dma_start3A_252, %dma_start3A_257] : memref<4x128xi32, #tpu.memory_space<vmem>> -> memref<1x128xi32, #tpu.memory_space<vmem>>
        %dma_start3A_259 = tpu.memref_squeeze %dma_start3A_258 : memref<1x128xi32, #tpu.memory_space<vmem>> -> memref<128xi32, #tpu.memory_space<vmem>>
        %dma_start3A_260 = arith.constant 0 : i32
        %dma_start3A_261 = arith.constant 0 : i32
        %dma_start3A_262 = tpu.memref_slice %arg14[%dma_start3A_260, %dma_start3A_261] : memref<50048x32xf32, #tpu.memory_space<vmem_shared>> -> memref<50048x32xf32, #tpu.memory_space<vmem_shared>>
        tpu.enqueue_indirect_dma source(%dma_start3A_256 : memref<128x32xf32, #tpu.memory_space<vmem>>) target(%dma_start3A_262 : memref<50048x32xf32, #tpu.memory_space<vmem_shared>>) offsets(%dma_start3A_259 : memref<128xi32, #tpu.memory_space<vmem>>) semaphore(%arg21 : memref<!tpu.dma_semaphore, #tpu.memory_space<semaphore_mem>>) {add = true}
        %dma_start3A_263 = arith.constant 0 : i32
        %dma_start3A_264 = arith.constant 0 : i32
        %dma_start3A_265 = arith.constant 0 : i32
        %dma_start3A_266 = tpu.memref_slice %arg19[%dma_start3A_263, %dma_start3A_265] : memref<4x128xf32, #tpu.memory_space<vmem>> -> memref<1x128xf32, #tpu.memory_space<vmem>>
        %dma_start3A_267 = tpu.memref_squeeze %dma_start3A_266 : memref<1x128xf32, #tpu.memory_space<vmem>> -> memref<128xf32, #tpu.memory_space<vmem>>
        %dma_start3A_268 = arith.constant 0 : i32
        %dma_start3A_269 = tpu.memref_slice %arg17[%dma_start3A_264, %dma_start3A_268] : memref<4x128xi32, #tpu.memory_space<vmem>> -> memref<1x128xi32, #tpu.memory_space<vmem>>
        %dma_start3A_270 = tpu.memref_squeeze %dma_start3A_269 : memref<1x128xi32, #tpu.memory_space<vmem>> -> memref<128xi32, #tpu.memory_space<vmem>>
        %dma_start3A_271 = arith.constant 0 : i32
        %dma_start3A_272 = tpu.memref_slice %arg15[%dma_start3A_271] : memref<50048xf32, #tpu.memory_space<vmem_shared>> -> memref<50048xf32, #tpu.memory_space<vmem_shared>>
        tpu.enqueue_indirect_dma source(%dma_start3A_267 : memref<128xf32, #tpu.memory_space<vmem>>) target(%dma_start3A_272 : memref<50048xf32, #tpu.memory_space<vmem_shared>>) offsets(%dma_start3A_270 : memref<128xi32, #tpu.memory_space<vmem>>) semaphore(%arg21 : memref<!tpu.dma_semaphore, #tpu.memory_space<semaphore_mem>>) {add = true}
        %dma_start3A_273 = arith.constant 1 : i32
        %dma_start3A_274 = arith.constant 1 : i32
        %dma_start3A_275 = arith.constant 0 : i32
        %dma_start3A_276 = tpu.memref_slice %arg19[%dma_start3A_273, %dma_start3A_275] : memref<4x128xf32, #tpu.memory_space<vmem>> -> memref<1x128xf32, #tpu.memory_space<vmem>>
        %dma_start3A_277 = tpu.memref_squeeze %dma_start3A_276 : memref<1x128xf32, #tpu.memory_space<vmem>> -> memref<128xf32, #tpu.memory_space<vmem>>
        %dma_start3A_278 = arith.constant 0 : i32
        %dma_start3A_279 = tpu.memref_slice %arg17[%dma_start3A_274, %dma_start3A_278] : memref<4x128xi32, #tpu.memory_space<vmem>> -> memref<1x128xi32, #tpu.memory_space<vmem>>
        %dma_start3A_280 = tpu.memref_squeeze %dma_start3A_279 : memref<1x128xi32, #tpu.memory_space<vmem>> -> memref<128xi32, #tpu.memory_space<vmem>>
        %dma_start3A_281 = arith.constant 0 : i32
        %dma_start3A_282 = tpu.memref_slice %arg15[%dma_start3A_281] : memref<50048xf32, #tpu.memory_space<vmem_shared>> -> memref<50048xf32, #tpu.memory_space<vmem_shared>>
        tpu.enqueue_indirect_dma source(%dma_start3A_277 : memref<128xf32, #tpu.memory_space<vmem>>) target(%dma_start3A_282 : memref<50048xf32, #tpu.memory_space<vmem_shared>>) offsets(%dma_start3A_280 : memref<128xi32, #tpu.memory_space<vmem>>) semaphore(%arg21 : memref<!tpu.dma_semaphore, #tpu.memory_space<semaphore_mem>>) {add = true}
        %dma_start3A_283 = arith.constant 2 : i32
        %dma_start3A_284 = arith.constant 2 : i32
        %dma_start3A_285 = arith.constant 0 : i32
        %dma_start3A_286 = tpu.memref_slice %arg19[%dma_start3A_283, %dma_start3A_285] : memref<4x128xf32, #tpu.memory_space<vmem>> -> memref<1x128xf32, #tpu.memory_space<vmem>>
        %dma_start3A_287 = tpu.memref_squeeze %dma_start3A_286 : memref<1x128xf32, #tpu.memory_space<vmem>> -> memref<128xf32, #tpu.memory_space<vmem>>
        %dma_start3A_288 = arith.constant 0 : i32
        %dma_start3A_289 = tpu.memref_slice %arg17[%dma_start3A_284, %dma_start3A_288] : memref<4x128xi32, #tpu.memory_space<vmem>> -> memref<1x128xi32, #tpu.memory_space<vmem>>
        %dma_start3A_290 = tpu.memref_squeeze %dma_start3A_289 : memref<1x128xi32, #tpu.memory_space<vmem>> -> memref<128xi32, #tpu.memory_space<vmem>>
        %dma_start3A_291 = arith.constant 0 : i32
        %dma_start3A_292 = tpu.memref_slice %arg15[%dma_start3A_291] : memref<50048xf32, #tpu.memory_space<vmem_shared>> -> memref<50048xf32, #tpu.memory_space<vmem_shared>>
        tpu.enqueue_indirect_dma source(%dma_start3A_287 : memref<128xf32, #tpu.memory_space<vmem>>) target(%dma_start3A_292 : memref<50048xf32, #tpu.memory_space<vmem_shared>>) offsets(%dma_start3A_290 : memref<128xi32, #tpu.memory_space<vmem>>) semaphore(%arg21 : memref<!tpu.dma_semaphore, #tpu.memory_space<semaphore_mem>>) {add = true}
        %dma_start3A_293 = arith.constant 3 : i32
        %dma_start3A_294 = arith.constant 3 : i32
        %dma_start3A_295 = arith.constant 0 : i32
        %dma_start3A_296 = tpu.memref_slice %arg19[%dma_start3A_293, %dma_start3A_295] : memref<4x128xf32, #tpu.memory_space<vmem>> -> memref<1x128xf32, #tpu.memory_space<vmem>>
        %dma_start3A_297 = tpu.memref_squeeze %dma_start3A_296 : memref<1x128xf32, #tpu.memory_space<vmem>> -> memref<128xf32, #tpu.memory_space<vmem>>
        %dma_start3A_298 = arith.constant 0 : i32
        %dma_start3A_299 = tpu.memref_slice %arg17[%dma_start3A_294, %dma_start3A_298] : memref<4x128xi32, #tpu.memory_space<vmem>> -> memref<1x128xi32, #tpu.memory_space<vmem>>
        %dma_start3A_300 = tpu.memref_squeeze %dma_start3A_299 : memref<1x128xi32, #tpu.memory_space<vmem>> -> memref<128xi32, #tpu.memory_space<vmem>>
        %dma_start3A_301 = arith.constant 0 : i32
        %dma_start3A_302 = tpu.memref_slice %arg15[%dma_start3A_301] : memref<50048xf32, #tpu.memory_space<vmem_shared>> -> memref<50048xf32, #tpu.memory_space<vmem_shared>>
        tpu.enqueue_indirect_dma source(%dma_start3A_297 : memref<128xf32, #tpu.memory_space<vmem>>) target(%dma_start3A_302 : memref<50048xf32, #tpu.memory_space<vmem_shared>>) offsets(%dma_start3A_300 : memref<128xi32, #tpu.memory_space<vmem>>) semaphore(%arg21 : memref<!tpu.dma_semaphore, #tpu.memory_space<semaphore_mem>>) {add = true}
        %dma_wait3A_303 = arith.constant 0 : i32
        %dma_wait3A_304 = arith.constant 0 : i32
        %dma_wait3A_305 = arith.constant 0 : i32
        %dma_wait3A_306 = arith.constant 0 : i32
        %dma_wait3A_307 = tpu.memref_slice %arg18[%dma_wait3A_303, %dma_wait3A_305, %dma_wait3A_306] : memref<4x128x32xf32, #tpu.memory_space<vmem>> -> memref<1x128x32xf32, #tpu.memory_space<vmem>>
        %dma_wait3A_308 = tpu.memref_squeeze %dma_wait3A_307 : memref<1x128x32xf32, #tpu.memory_space<vmem>> -> memref<128x32xf32, #tpu.memory_space<vmem>>
        %dma_wait3A_309 = arith.constant 0 : i32
        %dma_wait3A_310 = tpu.memref_slice %arg17[%dma_wait3A_304, %dma_wait3A_309] : memref<4x128xi32, #tpu.memory_space<vmem>> -> memref<1x128xi32, #tpu.memory_space<vmem>>
        %dma_wait3A_311 = tpu.memref_squeeze %dma_wait3A_310 : memref<1x128xi32, #tpu.memory_space<vmem>> -> memref<128xi32, #tpu.memory_space<vmem>>
        %dma_wait3A_312 = arith.constant 0 : i32
        %dma_wait3A_313 = arith.constant 0 : i32
        %dma_wait3A_314 = tpu.memref_slice %arg14[%dma_wait3A_312, %dma_wait3A_313] : memref<50048x32xf32, #tpu.memory_space<vmem_shared>> -> memref<50048x32xf32, #tpu.memory_space<vmem_shared>>
        tpu.wait_indirect_dma semaphore(%arg21 : memref<!tpu.dma_semaphore, #tpu.memory_space<semaphore_mem>>) src(%dma_wait3A_308 : memref<128x32xf32, #tpu.memory_space<vmem>>) dst(%dma_wait3A_314 : memref<50048x32xf32, #tpu.memory_space<vmem_shared>>)
        %dma_wait3A_315 = arith.constant 1 : i32
        %dma_wait3A_316 = arith.constant 1 : i32
        %dma_wait3A_317 = arith.constant 0 : i32
        %dma_wait3A_318 = arith.constant 0 : i32
        %dma_wait3A_319 = tpu.memref_slice %arg18[%dma_wait3A_315, %dma_wait3A_317, %dma_wait3A_318] : memref<4x128x32xf32, #tpu.memory_space<vmem>> -> memref<1x128x32xf32, #tpu.memory_space<vmem>>
        %dma_wait3A_320 = tpu.memref_squeeze %dma_wait3A_319 : memref<1x128x32xf32, #tpu.memory_space<vmem>> -> memref<128x32xf32, #tpu.memory_space<vmem>>
        %dma_wait3A_321 = arith.constant 0 : i32
        %dma_wait3A_322 = tpu.memref_slice %arg17[%dma_wait3A_316, %dma_wait3A_321] : memref<4x128xi32, #tpu.memory_space<vmem>> -> memref<1x128xi32, #tpu.memory_space<vmem>>
        %dma_wait3A_323 = tpu.memref_squeeze %dma_wait3A_322 : memref<1x128xi32, #tpu.memory_space<vmem>> -> memref<128xi32, #tpu.memory_space<vmem>>
        %dma_wait3A_324 = arith.constant 0 : i32
        %dma_wait3A_325 = arith.constant 0 : i32
        %dma_wait3A_326 = tpu.memref_slice %arg14[%dma_wait3A_324, %dma_wait3A_325] : memref<50048x32xf32, #tpu.memory_space<vmem_shared>> -> memref<50048x32xf32, #tpu.memory_space<vmem_shared>>
        tpu.wait_indirect_dma semaphore(%arg21 : memref<!tpu.dma_semaphore, #tpu.memory_space<semaphore_mem>>) src(%dma_wait3A_320 : memref<128x32xf32, #tpu.memory_space<vmem>>) dst(%dma_wait3A_326 : memref<50048x32xf32, #tpu.memory_space<vmem_shared>>)
        %dma_wait3A_327 = arith.constant 2 : i32
        %dma_wait3A_328 = arith.constant 2 : i32
        %dma_wait3A_329 = arith.constant 0 : i32
        %dma_wait3A_330 = arith.constant 0 : i32
        %dma_wait3A_331 = tpu.memref_slice %arg18[%dma_wait3A_327, %dma_wait3A_329, %dma_wait3A_330] : memref<4x128x32xf32, #tpu.memory_space<vmem>> -> memref<1x128x32xf32, #tpu.memory_space<vmem>>
        %dma_wait3A_332 = tpu.memref_squeeze %dma_wait3A_331 : memref<1x128x32xf32, #tpu.memory_space<vmem>> -> memref<128x32xf32, #tpu.memory_space<vmem>>
        %dma_wait3A_333 = arith.constant 0 : i32
        %dma_wait3A_334 = tpu.memref_slice %arg17[%dma_wait3A_328, %dma_wait3A_333] : memref<4x128xi32, #tpu.memory_space<vmem>> -> memref<1x128xi32, #tpu.memory_space<vmem>>
        %dma_wait3A_335 = tpu.memref_squeeze %dma_wait3A_334 : memref<1x128xi32, #tpu.memory_space<vmem>> -> memref<128xi32, #tpu.memory_space<vmem>>
        %dma_wait3A_336 = arith.constant 0 : i32
        %dma_wait3A_337 = arith.constant 0 : i32
        %dma_wait3A_338 = tpu.memref_slice %arg14[%dma_wait3A_336, %dma_wait3A_337] : memref<50048x32xf32, #tpu.memory_space<vmem_shared>> -> memref<50048x32xf32, #tpu.memory_space<vmem_shared>>
        tpu.wait_indirect_dma semaphore(%arg21 : memref<!tpu.dma_semaphore, #tpu.memory_space<semaphore_mem>>) src(%dma_wait3A_332 : memref<128x32xf32, #tpu.memory_space<vmem>>) dst(%dma_wait3A_338 : memref<50048x32xf32, #tpu.memory_space<vmem_shared>>)
        %dma_wait3A_339 = arith.constant 3 : i32
        %dma_wait3A_340 = arith.constant 3 : i32
        %dma_wait3A_341 = arith.constant 0 : i32
        %dma_wait3A_342 = arith.constant 0 : i32
        %dma_wait3A_343 = tpu.memref_slice %arg18[%dma_wait3A_339, %dma_wait3A_341, %dma_wait3A_342] : memref<4x128x32xf32, #tpu.memory_space<vmem>> -> memref<1x128x32xf32, #tpu.memory_space<vmem>>
        %dma_wait3A_344 = tpu.memref_squeeze %dma_wait3A_343 : memref<1x128x32xf32, #tpu.memory_space<vmem>> -> memref<128x32xf32, #tpu.memory_space<vmem>>
        %dma_wait3A_345 = arith.constant 0 : i32
        %dma_wait3A_346 = tpu.memref_slice %arg17[%dma_wait3A_340, %dma_wait3A_345] : memref<4x128xi32, #tpu.memory_space<vmem>> -> memref<1x128xi32, #tpu.memory_space<vmem>>
        %dma_wait3A_347 = tpu.memref_squeeze %dma_wait3A_346 : memref<1x128xi32, #tpu.memory_space<vmem>> -> memref<128xi32, #tpu.memory_space<vmem>>
        %dma_wait3A_348 = arith.constant 0 : i32
        %dma_wait3A_349 = arith.constant 0 : i32
        %dma_wait3A_350 = tpu.memref_slice %arg14[%dma_wait3A_348, %dma_wait3A_349] : memref<50048x32xf32, #tpu.memory_space<vmem_shared>> -> memref<50048x32xf32, #tpu.memory_space<vmem_shared>>
        tpu.wait_indirect_dma semaphore(%arg21 : memref<!tpu.dma_semaphore, #tpu.memory_space<semaphore_mem>>) src(%dma_wait3A_344 : memref<128x32xf32, #tpu.memory_space<vmem>>) dst(%dma_wait3A_350 : memref<50048x32xf32, #tpu.memory_space<vmem_shared>>)
        %dma_wait3A_351 = arith.constant 0 : i32
        %dma_wait3A_352 = arith.constant 0 : i32
        %dma_wait3A_353 = arith.constant 0 : i32
        %dma_wait3A_354 = tpu.memref_slice %arg19[%dma_wait3A_351, %dma_wait3A_353] : memref<4x128xf32, #tpu.memory_space<vmem>> -> memref<1x128xf32, #tpu.memory_space<vmem>>
        %dma_wait3A_355 = tpu.memref_squeeze %dma_wait3A_354 : memref<1x128xf32, #tpu.memory_space<vmem>> -> memref<128xf32, #tpu.memory_space<vmem>>
        %dma_wait3A_356 = arith.constant 0 : i32
        %dma_wait3A_357 = tpu.memref_slice %arg17[%dma_wait3A_352, %dma_wait3A_356] : memref<4x128xi32, #tpu.memory_space<vmem>> -> memref<1x128xi32, #tpu.memory_space<vmem>>
        %dma_wait3A_358 = tpu.memref_squeeze %dma_wait3A_357 : memref<1x128xi32, #tpu.memory_space<vmem>> -> memref<128xi32, #tpu.memory_space<vmem>>
        %dma_wait3A_359 = arith.constant 0 : i32
        %dma_wait3A_360 = tpu.memref_slice %arg15[%dma_wait3A_359] : memref<50048xf32, #tpu.memory_space<vmem_shared>> -> memref<50048xf32, #tpu.memory_space<vmem_shared>>
        tpu.wait_indirect_dma semaphore(%arg21 : memref<!tpu.dma_semaphore, #tpu.memory_space<semaphore_mem>>) src(%dma_wait3A_355 : memref<128xf32, #tpu.memory_space<vmem>>) dst(%dma_wait3A_360 : memref<50048xf32, #tpu.memory_space<vmem_shared>>)
        %dma_wait3A_361 = arith.constant 1 : i32
        %dma_wait3A_362 = arith.constant 1 : i32
        %dma_wait3A_363 = arith.constant 0 : i32
        %dma_wait3A_364 = tpu.memref_slice %arg19[%dma_wait3A_361, %dma_wait3A_363] : memref<4x128xf32, #tpu.memory_space<vmem>> -> memref<1x128xf32, #tpu.memory_space<vmem>>
        %dma_wait3A_365 = tpu.memref_squeeze %dma_wait3A_364 : memref<1x128xf32, #tpu.memory_space<vmem>> -> memref<128xf32, #tpu.memory_space<vmem>>
        %dma_wait3A_366 = arith.constant 0 : i32
        %dma_wait3A_367 = tpu.memref_slice %arg17[%dma_wait3A_362, %dma_wait3A_366] : memref<4x128xi32, #tpu.memory_space<vmem>> -> memref<1x128xi32, #tpu.memory_space<vmem>>
        %dma_wait3A_368 = tpu.memref_squeeze %dma_wait3A_367 : memref<1x128xi32, #tpu.memory_space<vmem>> -> memref<128xi32, #tpu.memory_space<vmem>>
        %dma_wait3A_369 = arith.constant 0 : i32
        %dma_wait3A_370 = tpu.memref_slice %arg15[%dma_wait3A_369] : memref<50048xf32, #tpu.memory_space<vmem_shared>> -> memref<50048xf32, #tpu.memory_space<vmem_shared>>
        tpu.wait_indirect_dma semaphore(%arg21 : memref<!tpu.dma_semaphore, #tpu.memory_space<semaphore_mem>>) src(%dma_wait3A_365 : memref<128xf32, #tpu.memory_space<vmem>>) dst(%dma_wait3A_370 : memref<50048xf32, #tpu.memory_space<vmem_shared>>)
        %dma_wait3A_371 = arith.constant 2 : i32
        %dma_wait3A_372 = arith.constant 2 : i32
        %dma_wait3A_373 = arith.constant 0 : i32
        %dma_wait3A_374 = tpu.memref_slice %arg19[%dma_wait3A_371, %dma_wait3A_373] : memref<4x128xf32, #tpu.memory_space<vmem>> -> memref<1x128xf32, #tpu.memory_space<vmem>>
        %dma_wait3A_375 = tpu.memref_squeeze %dma_wait3A_374 : memref<1x128xf32, #tpu.memory_space<vmem>> -> memref<128xf32, #tpu.memory_space<vmem>>
        %dma_wait3A_376 = arith.constant 0 : i32
        %dma_wait3A_377 = tpu.memref_slice %arg17[%dma_wait3A_372, %dma_wait3A_376] : memref<4x128xi32, #tpu.memory_space<vmem>> -> memref<1x128xi32, #tpu.memory_space<vmem>>
        %dma_wait3A_378 = tpu.memref_squeeze %dma_wait3A_377 : memref<1x128xi32, #tpu.memory_space<vmem>> -> memref<128xi32, #tpu.memory_space<vmem>>
        %dma_wait3A_379 = arith.constant 0 : i32
        %dma_wait3A_380 = tpu.memref_slice %arg15[%dma_wait3A_379] : memref<50048xf32, #tpu.memory_space<vmem_shared>> -> memref<50048xf32, #tpu.memory_space<vmem_shared>>
        tpu.wait_indirect_dma semaphore(%arg21 : memref<!tpu.dma_semaphore, #tpu.memory_space<semaphore_mem>>) src(%dma_wait3A_375 : memref<128xf32, #tpu.memory_space<vmem>>) dst(%dma_wait3A_380 : memref<50048xf32, #tpu.memory_space<vmem_shared>>)
        %dma_wait3A_381 = arith.constant 3 : i32
        %dma_wait3A_382 = arith.constant 3 : i32
        %dma_wait3A_383 = arith.constant 0 : i32
        %dma_wait3A_384 = tpu.memref_slice %arg19[%dma_wait3A_381, %dma_wait3A_383] : memref<4x128xf32, #tpu.memory_space<vmem>> -> memref<1x128xf32, #tpu.memory_space<vmem>>
        %dma_wait3A_385 = tpu.memref_squeeze %dma_wait3A_384 : memref<1x128xf32, #tpu.memory_space<vmem>> -> memref<128xf32, #tpu.memory_space<vmem>>
        %dma_wait3A_386 = arith.constant 0 : i32
        %dma_wait3A_387 = tpu.memref_slice %arg17[%dma_wait3A_382, %dma_wait3A_386] : memref<4x128xi32, #tpu.memory_space<vmem>> -> memref<1x128xi32, #tpu.memory_space<vmem>>
        %dma_wait3A_388 = tpu.memref_squeeze %dma_wait3A_387 : memref<1x128xi32, #tpu.memory_space<vmem>> -> memref<128xi32, #tpu.memory_space<vmem>>
        %dma_wait3A_389 = arith.constant 0 : i32
        %dma_wait3A_390 = tpu.memref_slice %arg15[%dma_wait3A_389] : memref<50048xf32, #tpu.memory_space<vmem_shared>> -> memref<50048xf32, #tpu.memory_space<vmem_shared>>
        tpu.wait_indirect_dma semaphore(%arg21 : memref<!tpu.dma_semaphore, #tpu.memory_space<semaphore_mem>>) src(%dma_wait3A_385 : memref<128xf32, #tpu.memory_space<vmem>>) dst(%dma_wait3A_390 : memref<50048xf32, #tpu.memory_space<vmem_shared>>)
      }
      %while3A_36 = arith.constant 1 : i32
      scf.for %while3A_37 = %while3A_34 to %while3A_30 step %while3A_36  : i32 {
        %add3A_38 = arith.addi %add3A, %while3A_37 : i32
        %mul3A_39 = arith.constant 4 : i32
        %mul3A_40 = arith.muli %add3A_38, %mul3A_39 : i32
        "tpu.region"() ({
          %run_scoped3A = tpu.sem_alloc : memref<!tpu.dma_semaphore, #tpu.memory_space<semaphore_mem>>
          %dma_start3A_391 = arith.constant 0 : i32
          %dma_start3A_392 = tpu.memref_slice %arg6[%mul3A_40, %dma_start3A_391] : memref<6256x128xi32, #tpu.memory_space<hbm>> -> memref<4x128xi32, #tpu.memory_space<hbm>>
          %dma_start3A_393 = arith.constant 0 : i32
          %dma_start3A_394 = tpu.memref_slice %arg6[%mul3A_40, %dma_start3A_393] : memref<6256x128xi32, #tpu.memory_space<hbm>> -> memref<4x128xi32, #tpu.memory_space<hbm>>
          tpu.enqueue_dma source(%dma_start3A_394 : memref<4x128xi32, #tpu.memory_space<hbm>>) target(%arg16 : memref<4x128xi32, #tpu.memory_space<vmem>>) target_semaphore(%run_scoped3A : memref<!tpu.dma_semaphore, #tpu.memory_space<semaphore_mem>>)
          %dma_wait3A_395 = arith.constant 0 : i32
          %dma_wait3A_396 = tpu.memref_slice %arg6[%mul3A_40, %dma_wait3A_395] : memref<6256x128xi32, #tpu.memory_space<hbm>> -> memref<4x128xi32, #tpu.memory_space<hbm>>
          %dma_wait3A_397 = arith.constant 0 : i32
          %dma_wait3A_398 = tpu.memref_slice %arg6[%mul3A_40, %dma_wait3A_397] : memref<6256x128xi32, #tpu.memory_space<hbm>> -> memref<4x128xi32, #tpu.memory_space<hbm>>
          tpu.wait_dma2 semaphore(%run_scoped3A : memref<!tpu.dma_semaphore, #tpu.memory_space<semaphore_mem>>) src(%dma_wait3A_398 : memref<4x128xi32, #tpu.memory_space<hbm>>) dst(%arg16 : memref<4x128xi32, #tpu.memory_space<vmem>>)
          tpu.yield
        }) : () -> ()
        "tpu.region"() ({
          %run_scoped3A = tpu.sem_alloc : memref<!tpu.dma_semaphore, #tpu.memory_space<semaphore_mem>>
          %dma_start3A_391 = arith.constant 0 : i32
          %dma_start3A_392 = tpu.memref_slice %arg7[%mul3A_40, %dma_start3A_391] : memref<6256x128xi32, #tpu.memory_space<hbm>> -> memref<4x128xi32, #tpu.memory_space<hbm>>
          %dma_start3A_393 = arith.constant 0 : i32
          %dma_start3A_394 = tpu.memref_slice %arg7[%mul3A_40, %dma_start3A_393] : memref<6256x128xi32, #tpu.memory_space<hbm>> -> memref<4x128xi32, #tpu.memory_space<hbm>>
          tpu.enqueue_dma source(%dma_start3A_394 : memref<4x128xi32, #tpu.memory_space<hbm>>) target(%arg17 : memref<4x128xi32, #tpu.memory_space<vmem>>) target_semaphore(%run_scoped3A : memref<!tpu.dma_semaphore, #tpu.memory_space<semaphore_mem>>)
          %dma_wait3A_395 = arith.constant 0 : i32
          %dma_wait3A_396 = tpu.memref_slice %arg7[%mul3A_40, %dma_wait3A_395] : memref<6256x128xi32, #tpu.memory_space<hbm>> -> memref<4x128xi32, #tpu.memory_space<hbm>>
          %dma_wait3A_397 = arith.constant 0 : i32
          %dma_wait3A_398 = tpu.memref_slice %arg7[%mul3A_40, %dma_wait3A_397] : memref<6256x128xi32, #tpu.memory_space<hbm>> -> memref<4x128xi32, #tpu.memory_space<hbm>>
          tpu.wait_dma2 semaphore(%run_scoped3A : memref<!tpu.dma_semaphore, #tpu.memory_space<semaphore_mem>>) src(%dma_wait3A_398 : memref<4x128xi32, #tpu.memory_space<hbm>>) dst(%arg17 : memref<4x128xi32, #tpu.memory_space<vmem>>)
          tpu.yield
        }) : () -> ()
        %dma_start3A = arith.constant 0 : i32
        %dma_start3A_41 = arith.constant 0 : i32
        %dma_start3A_42 = arith.constant 0 : i32
        %dma_start3A_43 = arith.constant 0 : i32
        %dma_start3A_44 = tpu.memref_slice %arg18[%dma_start3A_41, %dma_start3A_42, %dma_start3A_43] : memref<4x128x32xf32, #tpu.memory_space<vmem>> -> memref<1x128x32xf32, #tpu.memory_space<vmem>>
        %dma_start3A_45 = tpu.memref_squeeze %dma_start3A_44 : memref<1x128x32xf32, #tpu.memory_space<vmem>> -> memref<128x32xf32, #tpu.memory_space<vmem>>
        %dma_start3A_46 = arith.constant 0 : i32
        %dma_start3A_47 = tpu.memref_slice %arg16[%dma_start3A, %dma_start3A_46] : memref<4x128xi32, #tpu.memory_space<vmem>> -> memref<1x128xi32, #tpu.memory_space<vmem>>
        %dma_start3A_48 = tpu.memref_squeeze %dma_start3A_47 : memref<1x128xi32, #tpu.memory_space<vmem>> -> memref<128xi32, #tpu.memory_space<vmem>>
        %dma_start3A_49 = arith.constant 0 : i32
        %dma_start3A_50 = arith.constant 0 : i32
        %dma_start3A_51 = tpu.memref_slice %arg4[%dma_start3A_49, %dma_start3A_50] : memref<50048x32xf32, #tpu.memory_space<hbm>> -> memref<50048x32xf32, #tpu.memory_space<hbm>>
        tpu.enqueue_indirect_dma source(%dma_start3A_51 : memref<50048x32xf32, #tpu.memory_space<hbm>>) target(%dma_start3A_45 : memref<128x32xf32, #tpu.memory_space<vmem>>) offsets(%dma_start3A_48 : memref<128xi32, #tpu.memory_space<vmem>>) semaphore(%arg20 : memref<!tpu.dma_semaphore, #tpu.memory_space<semaphore_mem>>)
        %dma_start3A_52 = arith.constant 1 : i32
        %dma_start3A_53 = arith.constant 1 : i32
        %dma_start3A_54 = arith.constant 0 : i32
        %dma_start3A_55 = arith.constant 0 : i32
        %dma_start3A_56 = tpu.memref_slice %arg18[%dma_start3A_53, %dma_start3A_54, %dma_start3A_55] : memref<4x128x32xf32, #tpu.memory_space<vmem>> -> memref<1x128x32xf32, #tpu.memory_space<vmem>>
        %dma_start3A_57 = tpu.memref_squeeze %dma_start3A_56 : memref<1x128x32xf32, #tpu.memory_space<vmem>> -> memref<128x32xf32, #tpu.memory_space<vmem>>
        %dma_start3A_58 = arith.constant 0 : i32
        %dma_start3A_59 = tpu.memref_slice %arg16[%dma_start3A_52, %dma_start3A_58] : memref<4x128xi32, #tpu.memory_space<vmem>> -> memref<1x128xi32, #tpu.memory_space<vmem>>
        %dma_start3A_60 = tpu.memref_squeeze %dma_start3A_59 : memref<1x128xi32, #tpu.memory_space<vmem>> -> memref<128xi32, #tpu.memory_space<vmem>>
        %dma_start3A_61 = arith.constant 0 : i32
        %dma_start3A_62 = arith.constant 0 : i32
        %dma_start3A_63 = tpu.memref_slice %arg4[%dma_start3A_61, %dma_start3A_62] : memref<50048x32xf32, #tpu.memory_space<hbm>> -> memref<50048x32xf32, #tpu.memory_space<hbm>>
        tpu.enqueue_indirect_dma source(%dma_start3A_63 : memref<50048x32xf32, #tpu.memory_space<hbm>>) target(%dma_start3A_57 : memref<128x32xf32, #tpu.memory_space<vmem>>) offsets(%dma_start3A_60 : memref<128xi32, #tpu.memory_space<vmem>>) semaphore(%arg20 : memref<!tpu.dma_semaphore, #tpu.memory_space<semaphore_mem>>)
        %dma_start3A_64 = arith.constant 2 : i32
        %dma_start3A_65 = arith.constant 2 : i32
        %dma_start3A_66 = arith.constant 0 : i32
        %dma_start3A_67 = arith.constant 0 : i32
        %dma_start3A_68 = tpu.memref_slice %arg18[%dma_start3A_65, %dma_start3A_66, %dma_start3A_67] : memref<4x128x32xf32, #tpu.memory_space<vmem>> -> memref<1x128x32xf32, #tpu.memory_space<vmem>>
        %dma_start3A_69 = tpu.memref_squeeze %dma_start3A_68 : memref<1x128x32xf32, #tpu.memory_space<vmem>> -> memref<128x32xf32, #tpu.memory_space<vmem>>
        %dma_start3A_70 = arith.constant 0 : i32
        %dma_start3A_71 = tpu.memref_slice %arg16[%dma_start3A_64, %dma_start3A_70] : memref<4x128xi32, #tpu.memory_space<vmem>> -> memref<1x128xi32, #tpu.memory_space<vmem>>
        %dma_start3A_72 = tpu.memref_squeeze %dma_start3A_71 : memref<1x128xi32, #tpu.memory_space<vmem>> -> memref<128xi32, #tpu.memory_space<vmem>>
        %dma_start3A_73 = arith.constant 0 : i32
        %dma_start3A_74 = arith.constant 0 : i32
        %dma_start3A_75 = tpu.memref_slice %arg4[%dma_start3A_73, %dma_start3A_74] : memref<50048x32xf32, #tpu.memory_space<hbm>> -> memref<50048x32xf32, #tpu.memory_space<hbm>>
        tpu.enqueue_indirect_dma source(%dma_start3A_75 : memref<50048x32xf32, #tpu.memory_space<hbm>>) target(%dma_start3A_69 : memref<128x32xf32, #tpu.memory_space<vmem>>) offsets(%dma_start3A_72 : memref<128xi32, #tpu.memory_space<vmem>>) semaphore(%arg20 : memref<!tpu.dma_semaphore, #tpu.memory_space<semaphore_mem>>)
        %dma_start3A_76 = arith.constant 3 : i32
        %dma_start3A_77 = arith.constant 3 : i32
        %dma_start3A_78 = arith.constant 0 : i32
        %dma_start3A_79 = arith.constant 0 : i32
        %dma_start3A_80 = tpu.memref_slice %arg18[%dma_start3A_77, %dma_start3A_78, %dma_start3A_79] : memref<4x128x32xf32, #tpu.memory_space<vmem>> -> memref<1x128x32xf32, #tpu.memory_space<vmem>>
        %dma_start3A_81 = tpu.memref_squeeze %dma_start3A_80 : memref<1x128x32xf32, #tpu.memory_space<vmem>> -> memref<128x32xf32, #tpu.memory_space<vmem>>
        %dma_start3A_82 = arith.constant 0 : i32
        %dma_start3A_83 = tpu.memref_slice %arg16[%dma_start3A_76, %dma_start3A_82] : memref<4x128xi32, #tpu.memory_space<vmem>> -> memref<1x128xi32, #tpu.memory_space<vmem>>
        %dma_start3A_84 = tpu.memref_squeeze %dma_start3A_83 : memref<1x128xi32, #tpu.memory_space<vmem>> -> memref<128xi32, #tpu.memory_space<vmem>>
        %dma_start3A_85 = arith.constant 0 : i32
        %dma_start3A_86 = arith.constant 0 : i32
        %dma_start3A_87 = tpu.memref_slice %arg4[%dma_start3A_85, %dma_start3A_86] : memref<50048x32xf32, #tpu.memory_space<hbm>> -> memref<50048x32xf32, #tpu.memory_space<hbm>>
        tpu.enqueue_indirect_dma source(%dma_start3A_87 : memref<50048x32xf32, #tpu.memory_space<hbm>>) target(%dma_start3A_81 : memref<128x32xf32, #tpu.memory_space<vmem>>) offsets(%dma_start3A_84 : memref<128xi32, #tpu.memory_space<vmem>>) semaphore(%arg20 : memref<!tpu.dma_semaphore, #tpu.memory_space<semaphore_mem>>)
        %dma_start3A_88 = arith.constant 0 : i32
        %dma_start3A_89 = arith.constant 0 : i32
        %dma_start3A_90 = arith.constant 0 : i32
        %dma_start3A_91 = tpu.memref_slice %arg19[%dma_start3A_89, %dma_start3A_90] : memref<4x128xf32, #tpu.memory_space<vmem>> -> memref<1x128xf32, #tpu.memory_space<vmem>>
        %dma_start3A_92 = tpu.memref_squeeze %dma_start3A_91 : memref<1x128xf32, #tpu.memory_space<vmem>> -> memref<128xf32, #tpu.memory_space<vmem>>
        %dma_start3A_93 = arith.constant 0 : i32
        %dma_start3A_94 = tpu.memref_slice %arg16[%dma_start3A_88, %dma_start3A_93] : memref<4x128xi32, #tpu.memory_space<vmem>> -> memref<1x128xi32, #tpu.memory_space<vmem>>
        %dma_start3A_95 = tpu.memref_squeeze %dma_start3A_94 : memref<1x128xi32, #tpu.memory_space<vmem>> -> memref<128xi32, #tpu.memory_space<vmem>>
        %dma_start3A_96 = arith.constant 0 : i32
        %dma_start3A_97 = tpu.memref_slice %arg5[%dma_start3A_96] : memref<50048xf32, #tpu.memory_space<hbm>> -> memref<50048xf32, #tpu.memory_space<hbm>>
        tpu.enqueue_indirect_dma source(%dma_start3A_97 : memref<50048xf32, #tpu.memory_space<hbm>>) target(%dma_start3A_92 : memref<128xf32, #tpu.memory_space<vmem>>) offsets(%dma_start3A_95 : memref<128xi32, #tpu.memory_space<vmem>>) semaphore(%arg20 : memref<!tpu.dma_semaphore, #tpu.memory_space<semaphore_mem>>)
        %dma_start3A_98 = arith.constant 1 : i32
        %dma_start3A_99 = arith.constant 1 : i32
        %dma_start3A_100 = arith.constant 0 : i32
        %dma_start3A_101 = tpu.memref_slice %arg19[%dma_start3A_99, %dma_start3A_100] : memref<4x128xf32, #tpu.memory_space<vmem>> -> memref<1x128xf32, #tpu.memory_space<vmem>>
        %dma_start3A_102 = tpu.memref_squeeze %dma_start3A_101 : memref<1x128xf32, #tpu.memory_space<vmem>> -> memref<128xf32, #tpu.memory_space<vmem>>
        %dma_start3A_103 = arith.constant 0 : i32
        %dma_start3A_104 = tpu.memref_slice %arg16[%dma_start3A_98, %dma_start3A_103] : memref<4x128xi32, #tpu.memory_space<vmem>> -> memref<1x128xi32, #tpu.memory_space<vmem>>
        %dma_start3A_105 = tpu.memref_squeeze %dma_start3A_104 : memref<1x128xi32, #tpu.memory_space<vmem>> -> memref<128xi32, #tpu.memory_space<vmem>>
        %dma_start3A_106 = arith.constant 0 : i32
        %dma_start3A_107 = tpu.memref_slice %arg5[%dma_start3A_106] : memref<50048xf32, #tpu.memory_space<hbm>> -> memref<50048xf32, #tpu.memory_space<hbm>>
        tpu.enqueue_indirect_dma source(%dma_start3A_107 : memref<50048xf32, #tpu.memory_space<hbm>>) target(%dma_start3A_102 : memref<128xf32, #tpu.memory_space<vmem>>) offsets(%dma_start3A_105 : memref<128xi32, #tpu.memory_space<vmem>>) semaphore(%arg20 : memref<!tpu.dma_semaphore, #tpu.memory_space<semaphore_mem>>)
        %dma_start3A_108 = arith.constant 2 : i32
        %dma_start3A_109 = arith.constant 2 : i32
        %dma_start3A_110 = arith.constant 0 : i32
        %dma_start3A_111 = tpu.memref_slice %arg19[%dma_start3A_109, %dma_start3A_110] : memref<4x128xf32, #tpu.memory_space<vmem>> -> memref<1x128xf32, #tpu.memory_space<vmem>>
        %dma_start3A_112 = tpu.memref_squeeze %dma_start3A_111 : memref<1x128xf32, #tpu.memory_space<vmem>> -> memref<128xf32, #tpu.memory_space<vmem>>
        %dma_start3A_113 = arith.constant 0 : i32
        %dma_start3A_114 = tpu.memref_slice %arg16[%dma_start3A_108, %dma_start3A_113] : memref<4x128xi32, #tpu.memory_space<vmem>> -> memref<1x128xi32, #tpu.memory_space<vmem>>
        %dma_start3A_115 = tpu.memref_squeeze %dma_start3A_114 : memref<1x128xi32, #tpu.memory_space<vmem>> -> memref<128xi32, #tpu.memory_space<vmem>>
        %dma_start3A_116 = arith.constant 0 : i32
        %dma_start3A_117 = tpu.memref_slice %arg5[%dma_start3A_116] : memref<50048xf32, #tpu.memory_space<hbm>> -> memref<50048xf32, #tpu.memory_space<hbm>>
        tpu.enqueue_indirect_dma source(%dma_start3A_117 : memref<50048xf32, #tpu.memory_space<hbm>>) target(%dma_start3A_112 : memref<128xf32, #tpu.memory_space<vmem>>) offsets(%dma_start3A_115 : memref<128xi32, #tpu.memory_space<vmem>>) semaphore(%arg20 : memref<!tpu.dma_semaphore, #tpu.memory_space<semaphore_mem>>)
        %dma_start3A_118 = arith.constant 3 : i32
        %dma_start3A_119 = arith.constant 3 : i32
        %dma_start3A_120 = arith.constant 0 : i32
        %dma_start3A_121 = tpu.memref_slice %arg19[%dma_start3A_119, %dma_start3A_120] : memref<4x128xf32, #tpu.memory_space<vmem>> -> memref<1x128xf32, #tpu.memory_space<vmem>>
        %dma_start3A_122 = tpu.memref_squeeze %dma_start3A_121 : memref<1x128xf32, #tpu.memory_space<vmem>> -> memref<128xf32, #tpu.memory_space<vmem>>
        %dma_start3A_123 = arith.constant 0 : i32
        %dma_start3A_124 = tpu.memref_slice %arg16[%dma_start3A_118, %dma_start3A_123] : memref<4x128xi32, #tpu.memory_space<vmem>> -> memref<1x128xi32, #tpu.memory_space<vmem>>
        %dma_start3A_125 = tpu.memref_squeeze %dma_start3A_124 : memref<1x128xi32, #tpu.memory_space<vmem>> -> memref<128xi32, #tpu.memory_space<vmem>>
        %dma_start3A_126 = arith.constant 0 : i32
        %dma_start3A_127 = tpu.memref_slice %arg5[%dma_start3A_126] : memref<50048xf32, #tpu.memory_space<hbm>> -> memref<50048xf32, #tpu.memory_space<hbm>>
        tpu.enqueue_indirect_dma source(%dma_start3A_127 : memref<50048xf32, #tpu.memory_space<hbm>>) target(%dma_start3A_122 : memref<128xf32, #tpu.memory_space<vmem>>) offsets(%dma_start3A_125 : memref<128xi32, #tpu.memory_space<vmem>>) semaphore(%arg20 : memref<!tpu.dma_semaphore, #tpu.memory_space<semaphore_mem>>)
        %dma_wait3A = arith.constant 0 : i32
        %dma_wait3A_128 = arith.constant 0 : i32
        %dma_wait3A_129 = arith.constant 0 : i32
        %dma_wait3A_130 = arith.constant 0 : i32
        %dma_wait3A_131 = tpu.memref_slice %arg18[%dma_wait3A_128, %dma_wait3A_129, %dma_wait3A_130] : memref<4x128x32xf32, #tpu.memory_space<vmem>> -> memref<1x128x32xf32, #tpu.memory_space<vmem>>
        %dma_wait3A_132 = tpu.memref_squeeze %dma_wait3A_131 : memref<1x128x32xf32, #tpu.memory_space<vmem>> -> memref<128x32xf32, #tpu.memory_space<vmem>>
        %dma_wait3A_133 = arith.constant 0 : i32
        %dma_wait3A_134 = tpu.memref_slice %arg16[%dma_wait3A, %dma_wait3A_133] : memref<4x128xi32, #tpu.memory_space<vmem>> -> memref<1x128xi32, #tpu.memory_space<vmem>>
        %dma_wait3A_135 = tpu.memref_squeeze %dma_wait3A_134 : memref<1x128xi32, #tpu.memory_space<vmem>> -> memref<128xi32, #tpu.memory_space<vmem>>
        %dma_wait3A_136 = arith.constant 0 : i32
        %dma_wait3A_137 = arith.constant 0 : i32
        %dma_wait3A_138 = tpu.memref_slice %arg4[%dma_wait3A_136, %dma_wait3A_137] : memref<50048x32xf32, #tpu.memory_space<hbm>> -> memref<50048x32xf32, #tpu.memory_space<hbm>>
        tpu.wait_indirect_dma semaphore(%arg20 : memref<!tpu.dma_semaphore, #tpu.memory_space<semaphore_mem>>) src(%dma_wait3A_138 : memref<50048x32xf32, #tpu.memory_space<hbm>>) dst(%dma_wait3A_132 : memref<128x32xf32, #tpu.memory_space<vmem>>)
        %dma_wait3A_139 = arith.constant 1 : i32
        %dma_wait3A_140 = arith.constant 1 : i32
        %dma_wait3A_141 = arith.constant 0 : i32
        %dma_wait3A_142 = arith.constant 0 : i32
        %dma_wait3A_143 = tpu.memref_slice %arg18[%dma_wait3A_140, %dma_wait3A_141, %dma_wait3A_142] : memref<4x128x32xf32, #tpu.memory_space<vmem>> -> memref<1x128x32xf32, #tpu.memory_space<vmem>>
        %dma_wait3A_144 = tpu.memref_squeeze %dma_wait3A_143 : memref<1x128x32xf32, #tpu.memory_space<vmem>> -> memref<128x32xf32, #tpu.memory_space<vmem>>
        %dma_wait3A_145 = arith.constant 0 : i32
        %dma_wait3A_146 = tpu.memref_slice %arg16[%dma_wait3A_139, %dma_wait3A_145] : memref<4x128xi32, #tpu.memory_space<vmem>> -> memref<1x128xi32, #tpu.memory_space<vmem>>
        %dma_wait3A_147 = tpu.memref_squeeze %dma_wait3A_146 : memref<1x128xi32, #tpu.memory_space<vmem>> -> memref<128xi32, #tpu.memory_space<vmem>>
        %dma_wait3A_148 = arith.constant 0 : i32
        %dma_wait3A_149 = arith.constant 0 : i32
        %dma_wait3A_150 = tpu.memref_slice %arg4[%dma_wait3A_148, %dma_wait3A_149] : memref<50048x32xf32, #tpu.memory_space<hbm>> -> memref<50048x32xf32, #tpu.memory_space<hbm>>
        tpu.wait_indirect_dma semaphore(%arg20 : memref<!tpu.dma_semaphore, #tpu.memory_space<semaphore_mem>>) src(%dma_wait3A_150 : memref<50048x32xf32, #tpu.memory_space<hbm>>) dst(%dma_wait3A_144 : memref<128x32xf32, #tpu.memory_space<vmem>>)
        %dma_wait3A_151 = arith.constant 2 : i32
        %dma_wait3A_152 = arith.constant 2 : i32
        %dma_wait3A_153 = arith.constant 0 : i32
        %dma_wait3A_154 = arith.constant 0 : i32
        %dma_wait3A_155 = tpu.memref_slice %arg18[%dma_wait3A_152, %dma_wait3A_153, %dma_wait3A_154] : memref<4x128x32xf32, #tpu.memory_space<vmem>> -> memref<1x128x32xf32, #tpu.memory_space<vmem>>
        %dma_wait3A_156 = tpu.memref_squeeze %dma_wait3A_155 : memref<1x128x32xf32, #tpu.memory_space<vmem>> -> memref<128x32xf32, #tpu.memory_space<vmem>>
        %dma_wait3A_157 = arith.constant 0 : i32
        %dma_wait3A_158 = tpu.memref_slice %arg16[%dma_wait3A_151, %dma_wait3A_157] : memref<4x128xi32, #tpu.memory_space<vmem>> -> memref<1x128xi32, #tpu.memory_space<vmem>>
        %dma_wait3A_159 = tpu.memref_squeeze %dma_wait3A_158 : memref<1x128xi32, #tpu.memory_space<vmem>> -> memref<128xi32, #tpu.memory_space<vmem>>
        %dma_wait3A_160 = arith.constant 0 : i32
        %dma_wait3A_161 = arith.constant 0 : i32
        %dma_wait3A_162 = tpu.memref_slice %arg4[%dma_wait3A_160, %dma_wait3A_161] : memref<50048x32xf32, #tpu.memory_space<hbm>> -> memref<50048x32xf32, #tpu.memory_space<hbm>>
        tpu.wait_indirect_dma semaphore(%arg20 : memref<!tpu.dma_semaphore, #tpu.memory_space<semaphore_mem>>) src(%dma_wait3A_162 : memref<50048x32xf32, #tpu.memory_space<hbm>>) dst(%dma_wait3A_156 : memref<128x32xf32, #tpu.memory_space<vmem>>)
        %dma_wait3A_163 = arith.constant 3 : i32
        %dma_wait3A_164 = arith.constant 3 : i32
        %dma_wait3A_165 = arith.constant 0 : i32
        %dma_wait3A_166 = arith.constant 0 : i32
        %dma_wait3A_167 = tpu.memref_slice %arg18[%dma_wait3A_164, %dma_wait3A_165, %dma_wait3A_166] : memref<4x128x32xf32, #tpu.memory_space<vmem>> -> memref<1x128x32xf32, #tpu.memory_space<vmem>>
        %dma_wait3A_168 = tpu.memref_squeeze %dma_wait3A_167 : memref<1x128x32xf32, #tpu.memory_space<vmem>> -> memref<128x32xf32, #tpu.memory_space<vmem>>
        %dma_wait3A_169 = arith.constant 0 : i32
        %dma_wait3A_170 = tpu.memref_slice %arg16[%dma_wait3A_163, %dma_wait3A_169] : memref<4x128xi32, #tpu.memory_space<vmem>> -> memref<1x128xi32, #tpu.memory_space<vmem>>
        %dma_wait3A_171 = tpu.memref_squeeze %dma_wait3A_170 : memref<1x128xi32, #tpu.memory_space<vmem>> -> memref<128xi32, #tpu.memory_space<vmem>>
        %dma_wait3A_172 = arith.constant 0 : i32
        %dma_wait3A_173 = arith.constant 0 : i32
        %dma_wait3A_174 = tpu.memref_slice %arg4[%dma_wait3A_172, %dma_wait3A_173] : memref<50048x32xf32, #tpu.memory_space<hbm>> -> memref<50048x32xf32, #tpu.memory_space<hbm>>
        tpu.wait_indirect_dma semaphore(%arg20 : memref<!tpu.dma_semaphore, #tpu.memory_space<semaphore_mem>>) src(%dma_wait3A_174 : memref<50048x32xf32, #tpu.memory_space<hbm>>) dst(%dma_wait3A_168 : memref<128x32xf32, #tpu.memory_space<vmem>>)
        %dma_wait3A_175 = arith.constant 0 : i32
        %dma_wait3A_176 = arith.constant 0 : i32
        %dma_wait3A_177 = arith.constant 0 : i32
        %dma_wait3A_178 = tpu.memref_slice %arg19[%dma_wait3A_176, %dma_wait3A_177] : memref<4x128xf32, #tpu.memory_space<vmem>> -> memref<1x128xf32, #tpu.memory_space<vmem>>
        %dma_wait3A_179 = tpu.memref_squeeze %dma_wait3A_178 : memref<1x128xf32, #tpu.memory_space<vmem>> -> memref<128xf32, #tpu.memory_space<vmem>>
        %dma_wait3A_180 = arith.constant 0 : i32
        %dma_wait3A_181 = tpu.memref_slice %arg16[%dma_wait3A_175, %dma_wait3A_180] : memref<4x128xi32, #tpu.memory_space<vmem>> -> memref<1x128xi32, #tpu.memory_space<vmem>>
        %dma_wait3A_182 = tpu.memref_squeeze %dma_wait3A_181 : memref<1x128xi32, #tpu.memory_space<vmem>> -> memref<128xi32, #tpu.memory_space<vmem>>
        %dma_wait3A_183 = arith.constant 0 : i32
        %dma_wait3A_184 = tpu.memref_slice %arg5[%dma_wait3A_183] : memref<50048xf32, #tpu.memory_space<hbm>> -> memref<50048xf32, #tpu.memory_space<hbm>>
        tpu.wait_indirect_dma semaphore(%arg20 : memref<!tpu.dma_semaphore, #tpu.memory_space<semaphore_mem>>) src(%dma_wait3A_184 : memref<50048xf32, #tpu.memory_space<hbm>>) dst(%dma_wait3A_179 : memref<128xf32, #tpu.memory_space<vmem>>)
        %dma_wait3A_185 = arith.constant 1 : i32
        %dma_wait3A_186 = arith.constant 1 : i32
        %dma_wait3A_187 = arith.constant 0 : i32
        %dma_wait3A_188 = tpu.memref_slice %arg19[%dma_wait3A_186, %dma_wait3A_187] : memref<4x128xf32, #tpu.memory_space<vmem>> -> memref<1x128xf32, #tpu.memory_space<vmem>>
        %dma_wait3A_189 = tpu.memref_squeeze %dma_wait3A_188 : memref<1x128xf32, #tpu.memory_space<vmem>> -> memref<128xf32, #tpu.memory_space<vmem>>
        %dma_wait3A_190 = arith.constant 0 : i32
        %dma_wait3A_191 = tpu.memref_slice %arg16[%dma_wait3A_185, %dma_wait3A_190] : memref<4x128xi32, #tpu.memory_space<vmem>> -> memref<1x128xi32, #tpu.memory_space<vmem>>
        %dma_wait3A_192 = tpu.memref_squeeze %dma_wait3A_191 : memref<1x128xi32, #tpu.memory_space<vmem>> -> memref<128xi32, #tpu.memory_space<vmem>>
        %dma_wait3A_193 = arith.constant 0 : i32
        %dma_wait3A_194 = tpu.memref_slice %arg5[%dma_wait3A_193] : memref<50048xf32, #tpu.memory_space<hbm>> -> memref<50048xf32, #tpu.memory_space<hbm>>
        tpu.wait_indirect_dma semaphore(%arg20 : memref<!tpu.dma_semaphore, #tpu.memory_space<semaphore_mem>>) src(%dma_wait3A_194 : memref<50048xf32, #tpu.memory_space<hbm>>) dst(%dma_wait3A_189 : memref<128xf32, #tpu.memory_space<vmem>>)
        %dma_wait3A_195 = arith.constant 2 : i32
        %dma_wait3A_196 = arith.constant 2 : i32
        %dma_wait3A_197 = arith.constant 0 : i32
        %dma_wait3A_198 = tpu.memref_slice %arg19[%dma_wait3A_196, %dma_wait3A_197] : memref<4x128xf32, #tpu.memory_space<vmem>> -> memref<1x128xf32, #tpu.memory_space<vmem>>
        %dma_wait3A_199 = tpu.memref_squeeze %dma_wait3A_198 : memref<1x128xf32, #tpu.memory_space<vmem>> -> memref<128xf32, #tpu.memory_space<vmem>>
        %dma_wait3A_200 = arith.constant 0 : i32
        %dma_wait3A_201 = tpu.memref_slice %arg16[%dma_wait3A_195, %dma_wait3A_200] : memref<4x128xi32, #tpu.memory_space<vmem>> -> memref<1x128xi32, #tpu.memory_space<vmem>>
        %dma_wait3A_202 = tpu.memref_squeeze %dma_wait3A_201 : memref<1x128xi32, #tpu.memory_space<vmem>> -> memref<128xi32, #tpu.memory_space<vmem>>
        %dma_wait3A_203 = arith.constant 0 : i32
        %dma_wait3A_204 = tpu.memref_slice %arg5[%dma_wait3A_203] : memref<50048xf32, #tpu.memory_space<hbm>> -> memref<50048xf32, #tpu.memory_space<hbm>>
        tpu.wait_indirect_dma semaphore(%arg20 : memref<!tpu.dma_semaphore, #tpu.memory_space<semaphore_mem>>) src(%dma_wait3A_204 : memref<50048xf32, #tpu.memory_space<hbm>>) dst(%dma_wait3A_199 : memref<128xf32, #tpu.memory_space<vmem>>)
        %dma_wait3A_205 = arith.constant 3 : i32
        %dma_wait3A_206 = arith.constant 3 : i32
        %dma_wait3A_207 = arith.constant 0 : i32
        %dma_wait3A_208 = tpu.memref_slice %arg19[%dma_wait3A_206, %dma_wait3A_207] : memref<4x128xf32, #tpu.memory_space<vmem>> -> memref<1x128xf32, #tpu.memory_space<vmem>>
        %dma_wait3A_209 = tpu.memref_squeeze %dma_wait3A_208 : memref<1x128xf32, #tpu.memory_space<vmem>> -> memref<128xf32, #tpu.memory_space<vmem>>
        %dma_wait3A_210 = arith.constant 0 : i32
        %dma_wait3A_211 = tpu.memref_slice %arg16[%dma_wait3A_205, %dma_wait3A_210] : memref<4x128xi32, #tpu.memory_space<vmem>> -> memref<1x128xi32, #tpu.memory_space<vmem>>
        %dma_wait3A_212 = tpu.memref_squeeze %dma_wait3A_211 : memref<1x128xi32, #tpu.memory_space<vmem>> -> memref<128xi32, #tpu.memory_space<vmem>>
        %dma_wait3A_213 = arith.constant 0 : i32
        %dma_wait3A_214 = tpu.memref_slice %arg5[%dma_wait3A_213] : memref<50048xf32, #tpu.memory_space<hbm>> -> memref<50048xf32, #tpu.memory_space<hbm>>
        tpu.wait_indirect_dma semaphore(%arg20 : memref<!tpu.dma_semaphore, #tpu.memory_space<semaphore_mem>>) src(%dma_wait3A_214 : memref<50048xf32, #tpu.memory_space<hbm>>) dst(%dma_wait3A_209 : memref<128xf32, #tpu.memory_space<vmem>>)
        %dma_start3A_215 = arith.constant 0 : i32
        %dma_start3A_216 = arith.constant 0 : i32
        %dma_start3A_217 = arith.constant 0 : i32
        %dma_start3A_218 = arith.constant 0 : i32
        %dma_start3A_219 = tpu.memref_slice %arg18[%dma_start3A_215, %dma_start3A_217, %dma_start3A_218] : memref<4x128x32xf32, #tpu.memory_space<vmem>> -> memref<1x128x32xf32, #tpu.memory_space<vmem>>
        %dma_start3A_220 = tpu.memref_squeeze %dma_start3A_219 : memref<1x128x32xf32, #tpu.memory_space<vmem>> -> memref<128x32xf32, #tpu.memory_space<vmem>>
        %dma_start3A_221 = arith.constant 0 : i32
        %dma_start3A_222 = tpu.memref_slice %arg17[%dma_start3A_216, %dma_start3A_221] : memref<4x128xi32, #tpu.memory_space<vmem>> -> memref<1x128xi32, #tpu.memory_space<vmem>>
        %dma_start3A_223 = tpu.memref_squeeze %dma_start3A_222 : memref<1x128xi32, #tpu.memory_space<vmem>> -> memref<128xi32, #tpu.memory_space<vmem>>
        %dma_start3A_224 = arith.constant 0 : i32
        %dma_start3A_225 = arith.constant 0 : i32
        %dma_start3A_226 = tpu.memref_slice %arg14[%dma_start3A_224, %dma_start3A_225] : memref<50048x32xf32, #tpu.memory_space<vmem_shared>> -> memref<50048x32xf32, #tpu.memory_space<vmem_shared>>
        tpu.enqueue_indirect_dma source(%dma_start3A_220 : memref<128x32xf32, #tpu.memory_space<vmem>>) target(%dma_start3A_226 : memref<50048x32xf32, #tpu.memory_space<vmem_shared>>) offsets(%dma_start3A_223 : memref<128xi32, #tpu.memory_space<vmem>>) semaphore(%arg21 : memref<!tpu.dma_semaphore, #tpu.memory_space<semaphore_mem>>) {add = true}
        %dma_start3A_227 = arith.constant 1 : i32
        %dma_start3A_228 = arith.constant 1 : i32
        %dma_start3A_229 = arith.constant 0 : i32
        %dma_start3A_230 = arith.constant 0 : i32
        %dma_start3A_231 = tpu.memref_slice %arg18[%dma_start3A_227, %dma_start3A_229, %dma_start3A_230] : memref<4x128x32xf32, #tpu.memory_space<vmem>> -> memref<1x128x32xf32, #tpu.memory_space<vmem>>
        %dma_start3A_232 = tpu.memref_squeeze %dma_start3A_231 : memref<1x128x32xf32, #tpu.memory_space<vmem>> -> memref<128x32xf32, #tpu.memory_space<vmem>>
        %dma_start3A_233 = arith.constant 0 : i32
        %dma_start3A_234 = tpu.memref_slice %arg17[%dma_start3A_228, %dma_start3A_233] : memref<4x128xi32, #tpu.memory_space<vmem>> -> memref<1x128xi32, #tpu.memory_space<vmem>>
        %dma_start3A_235 = tpu.memref_squeeze %dma_start3A_234 : memref<1x128xi32, #tpu.memory_space<vmem>> -> memref<128xi32, #tpu.memory_space<vmem>>
        %dma_start3A_236 = arith.constant 0 : i32
        %dma_start3A_237 = arith.constant 0 : i32
        %dma_start3A_238 = tpu.memref_slice %arg14[%dma_start3A_236, %dma_start3A_237] : memref<50048x32xf32, #tpu.memory_space<vmem_shared>> -> memref<50048x32xf32, #tpu.memory_space<vmem_shared>>
        tpu.enqueue_indirect_dma source(%dma_start3A_232 : memref<128x32xf32, #tpu.memory_space<vmem>>) target(%dma_start3A_238 : memref<50048x32xf32, #tpu.memory_space<vmem_shared>>) offsets(%dma_start3A_235 : memref<128xi32, #tpu.memory_space<vmem>>) semaphore(%arg21 : memref<!tpu.dma_semaphore, #tpu.memory_space<semaphore_mem>>) {add = true}
        %dma_start3A_239 = arith.constant 2 : i32
        %dma_start3A_240 = arith.constant 2 : i32
        %dma_start3A_241 = arith.constant 0 : i32
        %dma_start3A_242 = arith.constant 0 : i32
        %dma_start3A_243 = tpu.memref_slice %arg18[%dma_start3A_239, %dma_start3A_241, %dma_start3A_242] : memref<4x128x32xf32, #tpu.memory_space<vmem>> -> memref<1x128x32xf32, #tpu.memory_space<vmem>>
        %dma_start3A_244 = tpu.memref_squeeze %dma_start3A_243 : memref<1x128x32xf32, #tpu.memory_space<vmem>> -> memref<128x32xf32, #tpu.memory_space<vmem>>
        %dma_start3A_245 = arith.constant 0 : i32
        %dma_start3A_246 = tpu.memref_slice %arg17[%dma_start3A_240, %dma_start3A_245] : memref<4x128xi32, #tpu.memory_space<vmem>> -> memref<1x128xi32, #tpu.memory_space<vmem>>
        %dma_start3A_247 = tpu.memref_squeeze %dma_start3A_246 : memref<1x128xi32, #tpu.memory_space<vmem>> -> memref<128xi32, #tpu.memory_space<vmem>>
        %dma_start3A_248 = arith.constant 0 : i32
        %dma_start3A_249 = arith.constant 0 : i32
        %dma_start3A_250 = tpu.memref_slice %arg14[%dma_start3A_248, %dma_start3A_249] : memref<50048x32xf32, #tpu.memory_space<vmem_shared>> -> memref<50048x32xf32, #tpu.memory_space<vmem_shared>>
        tpu.enqueue_indirect_dma source(%dma_start3A_244 : memref<128x32xf32, #tpu.memory_space<vmem>>) target(%dma_start3A_250 : memref<50048x32xf32, #tpu.memory_space<vmem_shared>>) offsets(%dma_start3A_247 : memref<128xi32, #tpu.memory_space<vmem>>) semaphore(%arg21 : memref<!tpu.dma_semaphore, #tpu.memory_space<semaphore_mem>>) {add = true}
        %dma_start3A_251 = arith.constant 3 : i32
        %dma_start3A_252 = arith.constant 3 : i32
        %dma_start3A_253 = arith.constant 0 : i32
        %dma_start3A_254 = arith.constant 0 : i32
        %dma_start3A_255 = tpu.memref_slice %arg18[%dma_start3A_251, %dma_start3A_253, %dma_start3A_254] : memref<4x128x32xf32, #tpu.memory_space<vmem>> -> memref<1x128x32xf32, #tpu.memory_space<vmem>>
        %dma_start3A_256 = tpu.memref_squeeze %dma_start3A_255 : memref<1x128x32xf32, #tpu.memory_space<vmem>> -> memref<128x32xf32, #tpu.memory_space<vmem>>
        %dma_start3A_257 = arith.constant 0 : i32
        %dma_start3A_258 = tpu.memref_slice %arg17[%dma_start3A_252, %dma_start3A_257] : memref<4x128xi32, #tpu.memory_space<vmem>> -> memref<1x128xi32, #tpu.memory_space<vmem>>
        %dma_start3A_259 = tpu.memref_squeeze %dma_start3A_258 : memref<1x128xi32, #tpu.memory_space<vmem>> -> memref<128xi32, #tpu.memory_space<vmem>>
        %dma_start3A_260 = arith.constant 0 : i32
        %dma_start3A_261 = arith.constant 0 : i32
        %dma_start3A_262 = tpu.memref_slice %arg14[%dma_start3A_260, %dma_start3A_261] : memref<50048x32xf32, #tpu.memory_space<vmem_shared>> -> memref<50048x32xf32, #tpu.memory_space<vmem_shared>>
        tpu.enqueue_indirect_dma source(%dma_start3A_256 : memref<128x32xf32, #tpu.memory_space<vmem>>) target(%dma_start3A_262 : memref<50048x32xf32, #tpu.memory_space<vmem_shared>>) offsets(%dma_start3A_259 : memref<128xi32, #tpu.memory_space<vmem>>) semaphore(%arg21 : memref<!tpu.dma_semaphore, #tpu.memory_space<semaphore_mem>>) {add = true}
        %dma_start3A_263 = arith.constant 0 : i32
        %dma_start3A_264 = arith.constant 0 : i32
        %dma_start3A_265 = arith.constant 0 : i32
        %dma_start3A_266 = tpu.memref_slice %arg19[%dma_start3A_263, %dma_start3A_265] : memref<4x128xf32, #tpu.memory_space<vmem>> -> memref<1x128xf32, #tpu.memory_space<vmem>>
        %dma_start3A_267 = tpu.memref_squeeze %dma_start3A_266 : memref<1x128xf32, #tpu.memory_space<vmem>> -> memref<128xf32, #tpu.memory_space<vmem>>
        %dma_start3A_268 = arith.constant 0 : i32
        %dma_start3A_269 = tpu.memref_slice %arg17[%dma_start3A_264, %dma_start3A_268] : memref<4x128xi32, #tpu.memory_space<vmem>> -> memref<1x128xi32, #tpu.memory_space<vmem>>
        %dma_start3A_270 = tpu.memref_squeeze %dma_start3A_269 : memref<1x128xi32, #tpu.memory_space<vmem>> -> memref<128xi32, #tpu.memory_space<vmem>>
        %dma_start3A_271 = arith.constant 0 : i32
        %dma_start3A_272 = tpu.memref_slice %arg15[%dma_start3A_271] : memref<50048xf32, #tpu.memory_space<vmem_shared>> -> memref<50048xf32, #tpu.memory_space<vmem_shared>>
        tpu.enqueue_indirect_dma source(%dma_start3A_267 : memref<128xf32, #tpu.memory_space<vmem>>) target(%dma_start3A_272 : memref<50048xf32, #tpu.memory_space<vmem_shared>>) offsets(%dma_start3A_270 : memref<128xi32, #tpu.memory_space<vmem>>) semaphore(%arg21 : memref<!tpu.dma_semaphore, #tpu.memory_space<semaphore_mem>>) {add = true}
        %dma_start3A_273 = arith.constant 1 : i32
        %dma_start3A_274 = arith.constant 1 : i32
        %dma_start3A_275 = arith.constant 0 : i32
        %dma_start3A_276 = tpu.memref_slice %arg19[%dma_start3A_273, %dma_start3A_275] : memref<4x128xf32, #tpu.memory_space<vmem>> -> memref<1x128xf32, #tpu.memory_space<vmem>>
        %dma_start3A_277 = tpu.memref_squeeze %dma_start3A_276 : memref<1x128xf32, #tpu.memory_space<vmem>> -> memref<128xf32, #tpu.memory_space<vmem>>
        %dma_start3A_278 = arith.constant 0 : i32
        %dma_start3A_279 = tpu.memref_slice %arg17[%dma_start3A_274, %dma_start3A_278] : memref<4x128xi32, #tpu.memory_space<vmem>> -> memref<1x128xi32, #tpu.memory_space<vmem>>
        %dma_start3A_280 = tpu.memref_squeeze %dma_start3A_279 : memref<1x128xi32, #tpu.memory_space<vmem>> -> memref<128xi32, #tpu.memory_space<vmem>>
        %dma_start3A_281 = arith.constant 0 : i32
        %dma_start3A_282 = tpu.memref_slice %arg15[%dma_start3A_281] : memref<50048xf32, #tpu.memory_space<vmem_shared>> -> memref<50048xf32, #tpu.memory_space<vmem_shared>>
        tpu.enqueue_indirect_dma source(%dma_start3A_277 : memref<128xf32, #tpu.memory_space<vmem>>) target(%dma_start3A_282 : memref<50048xf32, #tpu.memory_space<vmem_shared>>) offsets(%dma_start3A_280 : memref<128xi32, #tpu.memory_space<vmem>>) semaphore(%arg21 : memref<!tpu.dma_semaphore, #tpu.memory_space<semaphore_mem>>) {add = true}
        %dma_start3A_283 = arith.constant 2 : i32
        %dma_start3A_284 = arith.constant 2 : i32
        %dma_start3A_285 = arith.constant 0 : i32
        %dma_start3A_286 = tpu.memref_slice %arg19[%dma_start3A_283, %dma_start3A_285] : memref<4x128xf32, #tpu.memory_space<vmem>> -> memref<1x128xf32, #tpu.memory_space<vmem>>
        %dma_start3A_287 = tpu.memref_squeeze %dma_start3A_286 : memref<1x128xf32, #tpu.memory_space<vmem>> -> memref<128xf32, #tpu.memory_space<vmem>>
        %dma_start3A_288 = arith.constant 0 : i32
        %dma_start3A_289 = tpu.memref_slice %arg17[%dma_start3A_284, %dma_start3A_288] : memref<4x128xi32, #tpu.memory_space<vmem>> -> memref<1x128xi32, #tpu.memory_space<vmem>>
        %dma_start3A_290 = tpu.memref_squeeze %dma_start3A_289 : memref<1x128xi32, #tpu.memory_space<vmem>> -> memref<128xi32, #tpu.memory_space<vmem>>
        %dma_start3A_291 = arith.constant 0 : i32
        %dma_start3A_292 = tpu.memref_slice %arg15[%dma_start3A_291] : memref<50048xf32, #tpu.memory_space<vmem_shared>> -> memref<50048xf32, #tpu.memory_space<vmem_shared>>
        tpu.enqueue_indirect_dma source(%dma_start3A_287 : memref<128xf32, #tpu.memory_space<vmem>>) target(%dma_start3A_292 : memref<50048xf32, #tpu.memory_space<vmem_shared>>) offsets(%dma_start3A_290 : memref<128xi32, #tpu.memory_space<vmem>>) semaphore(%arg21 : memref<!tpu.dma_semaphore, #tpu.memory_space<semaphore_mem>>) {add = true}
        %dma_start3A_293 = arith.constant 3 : i32
        %dma_start3A_294 = arith.constant 3 : i32
        %dma_start3A_295 = arith.constant 0 : i32
        %dma_start3A_296 = tpu.memref_slice %arg19[%dma_start3A_293, %dma_start3A_295] : memref<4x128xf32, #tpu.memory_space<vmem>> -> memref<1x128xf32, #tpu.memory_space<vmem>>
        %dma_start3A_297 = tpu.memref_squeeze %dma_start3A_296 : memref<1x128xf32, #tpu.memory_space<vmem>> -> memref<128xf32, #tpu.memory_space<vmem>>
        %dma_start3A_298 = arith.constant 0 : i32
        %dma_start3A_299 = tpu.memref_slice %arg17[%dma_start3A_294, %dma_start3A_298] : memref<4x128xi32, #tpu.memory_space<vmem>> -> memref<1x128xi32, #tpu.memory_space<vmem>>
        %dma_start3A_300 = tpu.memref_squeeze %dma_start3A_299 : memref<1x128xi32, #tpu.memory_space<vmem>> -> memref<128xi32, #tpu.memory_space<vmem>>
        %dma_start3A_301 = arith.constant 0 : i32
        %dma_start3A_302 = tpu.memref_slice %arg15[%dma_start3A_301] : memref<50048xf32, #tpu.memory_space<vmem_shared>> -> memref<50048xf32, #tpu.memory_space<vmem_shared>>
        tpu.enqueue_indirect_dma source(%dma_start3A_297 : memref<128xf32, #tpu.memory_space<vmem>>) target(%dma_start3A_302 : memref<50048xf32, #tpu.memory_space<vmem_shared>>) offsets(%dma_start3A_300 : memref<128xi32, #tpu.memory_space<vmem>>) semaphore(%arg21 : memref<!tpu.dma_semaphore, #tpu.memory_space<semaphore_mem>>) {add = true}
        %dma_wait3A_303 = arith.constant 0 : i32
        %dma_wait3A_304 = arith.constant 0 : i32
        %dma_wait3A_305 = arith.constant 0 : i32
        %dma_wait3A_306 = arith.constant 0 : i32
        %dma_wait3A_307 = tpu.memref_slice %arg18[%dma_wait3A_303, %dma_wait3A_305, %dma_wait3A_306] : memref<4x128x32xf32, #tpu.memory_space<vmem>> -> memref<1x128x32xf32, #tpu.memory_space<vmem>>
        %dma_wait3A_308 = tpu.memref_squeeze %dma_wait3A_307 : memref<1x128x32xf32, #tpu.memory_space<vmem>> -> memref<128x32xf32, #tpu.memory_space<vmem>>
        %dma_wait3A_309 = arith.constant 0 : i32
        %dma_wait3A_310 = tpu.memref_slice %arg17[%dma_wait3A_304, %dma_wait3A_309] : memref<4x128xi32, #tpu.memory_space<vmem>> -> memref<1x128xi32, #tpu.memory_space<vmem>>
        %dma_wait3A_311 = tpu.memref_squeeze %dma_wait3A_310 : memref<1x128xi32, #tpu.memory_space<vmem>> -> memref<128xi32, #tpu.memory_space<vmem>>
        %dma_wait3A_312 = arith.constant 0 : i32
        %dma_wait3A_313 = arith.constant 0 : i32
        %dma_wait3A_314 = tpu.memref_slice %arg14[%dma_wait3A_312, %dma_wait3A_313] : memref<50048x32xf32, #tpu.memory_space<vmem_shared>> -> memref<50048x32xf32, #tpu.memory_space<vmem_shared>>
        tpu.wait_indirect_dma semaphore(%arg21 : memref<!tpu.dma_semaphore, #tpu.memory_space<semaphore_mem>>) src(%dma_wait3A_308 : memref<128x32xf32, #tpu.memory_space<vmem>>) dst(%dma_wait3A_314 : memref<50048x32xf32, #tpu.memory_space<vmem_shared>>)
        %dma_wait3A_315 = arith.constant 1 : i32
        %dma_wait3A_316 = arith.constant 1 : i32
        %dma_wait3A_317 = arith.constant 0 : i32
        %dma_wait3A_318 = arith.constant 0 : i32
        %dma_wait3A_319 = tpu.memref_slice %arg18[%dma_wait3A_315, %dma_wait3A_317, %dma_wait3A_318] : memref<4x128x32xf32, #tpu.memory_space<vmem>> -> memref<1x128x32xf32, #tpu.memory_space<vmem>>
        %dma_wait3A_320 = tpu.memref_squeeze %dma_wait3A_319 : memref<1x128x32xf32, #tpu.memory_space<vmem>> -> memref<128x32xf32, #tpu.memory_space<vmem>>
        %dma_wait3A_321 = arith.constant 0 : i32
        %dma_wait3A_322 = tpu.memref_slice %arg17[%dma_wait3A_316, %dma_wait3A_321] : memref<4x128xi32, #tpu.memory_space<vmem>> -> memref<1x128xi32, #tpu.memory_space<vmem>>
        %dma_wait3A_323 = tpu.memref_squeeze %dma_wait3A_322 : memref<1x128xi32, #tpu.memory_space<vmem>> -> memref<128xi32, #tpu.memory_space<vmem>>
        %dma_wait3A_324 = arith.constant 0 : i32
        %dma_wait3A_325 = arith.constant 0 : i32
        %dma_wait3A_326 = tpu.memref_slice %arg14[%dma_wait3A_324, %dma_wait3A_325] : memref<50048x32xf32, #tpu.memory_space<vmem_shared>> -> memref<50048x32xf32, #tpu.memory_space<vmem_shared>>
        tpu.wait_indirect_dma semaphore(%arg21 : memref<!tpu.dma_semaphore, #tpu.memory_space<semaphore_mem>>) src(%dma_wait3A_320 : memref<128x32xf32, #tpu.memory_space<vmem>>) dst(%dma_wait3A_326 : memref<50048x32xf32, #tpu.memory_space<vmem_shared>>)
        %dma_wait3A_327 = arith.constant 2 : i32
        %dma_wait3A_328 = arith.constant 2 : i32
        %dma_wait3A_329 = arith.constant 0 : i32
        %dma_wait3A_330 = arith.constant 0 : i32
        %dma_wait3A_331 = tpu.memref_slice %arg18[%dma_wait3A_327, %dma_wait3A_329, %dma_wait3A_330] : memref<4x128x32xf32, #tpu.memory_space<vmem>> -> memref<1x128x32xf32, #tpu.memory_space<vmem>>
        %dma_wait3A_332 = tpu.memref_squeeze %dma_wait3A_331 : memref<1x128x32xf32, #tpu.memory_space<vmem>> -> memref<128x32xf32, #tpu.memory_space<vmem>>
        %dma_wait3A_333 = arith.constant 0 : i32
        %dma_wait3A_334 = tpu.memref_slice %arg17[%dma_wait3A_328, %dma_wait3A_333] : memref<4x128xi32, #tpu.memory_space<vmem>> -> memref<1x128xi32, #tpu.memory_space<vmem>>
        %dma_wait3A_335 = tpu.memref_squeeze %dma_wait3A_334 : memref<1x128xi32, #tpu.memory_space<vmem>> -> memref<128xi32, #tpu.memory_space<vmem>>
        %dma_wait3A_336 = arith.constant 0 : i32
        %dma_wait3A_337 = arith.constant 0 : i32
        %dma_wait3A_338 = tpu.memref_slice %arg14[%dma_wait3A_336, %dma_wait3A_337] : memref<50048x32xf32, #tpu.memory_space<vmem_shared>> -> memref<50048x32xf32, #tpu.memory_space<vmem_shared>>
        tpu.wait_indirect_dma semaphore(%arg21 : memref<!tpu.dma_semaphore, #tpu.memory_space<semaphore_mem>>) src(%dma_wait3A_332 : memref<128x32xf32, #tpu.memory_space<vmem>>) dst(%dma_wait3A_338 : memref<50048x32xf32, #tpu.memory_space<vmem_shared>>)
        %dma_wait3A_339 = arith.constant 3 : i32
        %dma_wait3A_340 = arith.constant 3 : i32
        %dma_wait3A_341 = arith.constant 0 : i32
        %dma_wait3A_342 = arith.constant 0 : i32
        %dma_wait3A_343 = tpu.memref_slice %arg18[%dma_wait3A_339, %dma_wait3A_341, %dma_wait3A_342] : memref<4x128x32xf32, #tpu.memory_space<vmem>> -> memref<1x128x32xf32, #tpu.memory_space<vmem>>
        %dma_wait3A_344 = tpu.memref_squeeze %dma_wait3A_343 : memref<1x128x32xf32, #tpu.memory_space<vmem>> -> memref<128x32xf32, #tpu.memory_space<vmem>>
        %dma_wait3A_345 = arith.constant 0 : i32
        %dma_wait3A_346 = tpu.memref_slice %arg17[%dma_wait3A_340, %dma_wait3A_345] : memref<4x128xi32, #tpu.memory_space<vmem>> -> memref<1x128xi32, #tpu.memory_space<vmem>>
        %dma_wait3A_347 = tpu.memref_squeeze %dma_wait3A_346 : memref<1x128xi32, #tpu.memory_space<vmem>> -> memref<128xi32, #tpu.memory_space<vmem>>
        %dma_wait3A_348 = arith.constant 0 : i32
        %dma_wait3A_349 = arith.constant 0 : i32
        %dma_wait3A_350 = tpu.memref_slice %arg14[%dma_wait3A_348, %dma_wait3A_349] : memref<50048x32xf32, #tpu.memory_space<vmem_shared>> -> memref<50048x32xf32, #tpu.memory_space<vmem_shared>>
        tpu.wait_indirect_dma semaphore(%arg21 : memref<!tpu.dma_semaphore, #tpu.memory_space<semaphore_mem>>) src(%dma_wait3A_344 : memref<128x32xf32, #tpu.memory_space<vmem>>) dst(%dma_wait3A_350 : memref<50048x32xf32, #tpu.memory_space<vmem_shared>>)
        %dma_wait3A_351 = arith.constant 0 : i32
        %dma_wait3A_352 = arith.constant 0 : i32
        %dma_wait3A_353 = arith.constant 0 : i32
        %dma_wait3A_354 = tpu.memref_slice %arg19[%dma_wait3A_351, %dma_wait3A_353] : memref<4x128xf32, #tpu.memory_space<vmem>> -> memref<1x128xf32, #tpu.memory_space<vmem>>
        %dma_wait3A_355 = tpu.memref_squeeze %dma_wait3A_354 : memref<1x128xf32, #tpu.memory_space<vmem>> -> memref<128xf32, #tpu.memory_space<vmem>>
        %dma_wait3A_356 = arith.constant 0 : i32
        %dma_wait3A_357 = tpu.memref_slice %arg17[%dma_wait3A_352, %dma_wait3A_356] : memref<4x128xi32, #tpu.memory_space<vmem>> -> memref<1x128xi32, #tpu.memory_space<vmem>>
        %dma_wait3A_358 = tpu.memref_squeeze %dma_wait3A_357 : memref<1x128xi32, #tpu.memory_space<vmem>> -> memref<128xi32, #tpu.memory_space<vmem>>
        %dma_wait3A_359 = arith.constant 0 : i32
        %dma_wait3A_360 = tpu.memref_slice %arg15[%dma_wait3A_359] : memref<50048xf32, #tpu.memory_space<vmem_shared>> -> memref<50048xf32, #tpu.memory_space<vmem_shared>>
        tpu.wait_indirect_dma semaphore(%arg21 : memref<!tpu.dma_semaphore, #tpu.memory_space<semaphore_mem>>) src(%dma_wait3A_355 : memref<128xf32, #tpu.memory_space<vmem>>) dst(%dma_wait3A_360 : memref<50048xf32, #tpu.memory_space<vmem_shared>>)
        %dma_wait3A_361 = arith.constant 1 : i32
        %dma_wait3A_362 = arith.constant 1 : i32
        %dma_wait3A_363 = arith.constant 0 : i32
        %dma_wait3A_364 = tpu.memref_slice %arg19[%dma_wait3A_361, %dma_wait3A_363] : memref<4x128xf32, #tpu.memory_space<vmem>> -> memref<1x128xf32, #tpu.memory_space<vmem>>
        %dma_wait3A_365 = tpu.memref_squeeze %dma_wait3A_364 : memref<1x128xf32, #tpu.memory_space<vmem>> -> memref<128xf32, #tpu.memory_space<vmem>>
        %dma_wait3A_366 = arith.constant 0 : i32
        %dma_wait3A_367 = tpu.memref_slice %arg17[%dma_wait3A_362, %dma_wait3A_366] : memref<4x128xi32, #tpu.memory_space<vmem>> -> memref<1x128xi32, #tpu.memory_space<vmem>>
        %dma_wait3A_368 = tpu.memref_squeeze %dma_wait3A_367 : memref<1x128xi32, #tpu.memory_space<vmem>> -> memref<128xi32, #tpu.memory_space<vmem>>
        %dma_wait3A_369 = arith.constant 0 : i32
        %dma_wait3A_370 = tpu.memref_slice %arg15[%dma_wait3A_369] : memref<50048xf32, #tpu.memory_space<vmem_shared>> -> memref<50048xf32, #tpu.memory_space<vmem_shared>>
        tpu.wait_indirect_dma semaphore(%arg21 : memref<!tpu.dma_semaphore, #tpu.memory_space<semaphore_mem>>) src(%dma_wait3A_365 : memref<128xf32, #tpu.memory_space<vmem>>) dst(%dma_wait3A_370 : memref<50048xf32, #tpu.memory_space<vmem_shared>>)
        %dma_wait3A_371 = arith.constant 2 : i32
        %dma_wait3A_372 = arith.constant 2 : i32
        %dma_wait3A_373 = arith.constant 0 : i32
        %dma_wait3A_374 = tpu.memref_slice %arg19[%dma_wait3A_371, %dma_wait3A_373] : memref<4x128xf32, #tpu.memory_space<vmem>> -> memref<1x128xf32, #tpu.memory_space<vmem>>
        %dma_wait3A_375 = tpu.memref_squeeze %dma_wait3A_374 : memref<1x128xf32, #tpu.memory_space<vmem>> -> memref<128xf32, #tpu.memory_space<vmem>>
        %dma_wait3A_376 = arith.constant 0 : i32
        %dma_wait3A_377 = tpu.memref_slice %arg17[%dma_wait3A_372, %dma_wait3A_376] : memref<4x128xi32, #tpu.memory_space<vmem>> -> memref<1x128xi32, #tpu.memory_space<vmem>>
        %dma_wait3A_378 = tpu.memref_squeeze %dma_wait3A_377 : memref<1x128xi32, #tpu.memory_space<vmem>> -> memref<128xi32, #tpu.memory_space<vmem>>
        %dma_wait3A_379 = arith.constant 0 : i32
        %dma_wait3A_380 = tpu.memref_slice %arg15[%dma_wait3A_379] : memref<50048xf32, #tpu.memory_space<vmem_shared>> -> memref<50048xf32, #tpu.memory_space<vmem_shared>>
        tpu.wait_indirect_dma semaphore(%arg21 : memref<!tpu.dma_semaphore, #tpu.memory_space<semaphore_mem>>) src(%dma_wait3A_375 : memref<128xf32, #tpu.memory_space<vmem>>) dst(%dma_wait3A_380 : memref<50048xf32, #tpu.memory_space<vmem_shared>>)
        %dma_wait3A_381 = arith.constant 3 : i32
        %dma_wait3A_382 = arith.constant 3 : i32
        %dma_wait3A_383 = arith.constant 0 : i32
        %dma_wait3A_384 = tpu.memref_slice %arg19[%dma_wait3A_381, %dma_wait3A_383] : memref<4x128xf32, #tpu.memory_space<vmem>> -> memref<1x128xf32, #tpu.memory_space<vmem>>
        %dma_wait3A_385 = tpu.memref_squeeze %dma_wait3A_384 : memref<1x128xf32, #tpu.memory_space<vmem>> -> memref<128xf32, #tpu.memory_space<vmem>>
        %dma_wait3A_386 = arith.constant 0 : i32
        %dma_wait3A_387 = tpu.memref_slice %arg17[%dma_wait3A_382, %dma_wait3A_386] : memref<4x128xi32, #tpu.memory_space<vmem>> -> memref<1x128xi32, #tpu.memory_space<vmem>>
        %dma_wait3A_388 = tpu.memref_squeeze %dma_wait3A_387 : memref<1x128xi32, #tpu.memory_space<vmem>> -> memref<128xi32, #tpu.memory_space<vmem>>
        %dma_wait3A_389 = arith.constant 0 : i32
        %dma_wait3A_390 = tpu.memref_slice %arg15[%dma_wait3A_389] : memref<50048xf32, #tpu.memory_space<vmem_shared>> -> memref<50048xf32, #tpu.memory_space<vmem_shared>>
        tpu.wait_indirect_dma semaphore(%arg21 : memref<!tpu.dma_semaphore, #tpu.memory_space<semaphore_mem>>) src(%dma_wait3A_385 : memref<128xf32, #tpu.memory_space<vmem>>) dst(%dma_wait3A_390 : memref<50048xf32, #tpu.memory_space<vmem_shared>>)
      }
    } else {
    }
    %barrier3A_10 = arith.constant 0 : index
    tpu.barrier barrier_id(%barrier3A_10)
    %eq3A_11 = arith.constant 0 : i32
    %eq3A_12 = arith.cmpi eq, %arg0, %eq3A_11 : i32
    %convert_element_type3A_13 = arith.extui %eq3A_12 : i1 to i32
    %cond3A_14 = arith.constant 0 : i32
    %cond3A_15 = arith.cmpi ne, %convert_element_type3A_13, %cond3A_14 : i32
    scf.if %cond3A_15 {
      %mul3A_21 = arith.constant 3128 : i32
      %mul3A_22 = arith.muli %arg1, %mul3A_21 : i32
      %mul3A_23 = arith.constant 3128 : i32
      %mul3A_24 = arith.muli %arg1, %mul3A_23 : i32
      "tpu.region"() ({
        %run_scoped3A = tpu.sem_alloc : memref<!tpu.dma_semaphore, #tpu.memory_space<semaphore_mem>>
        %dma_start3A = arith.constant 0 : i32
        %dma_start3A_29 = tpu.memref_slice %arg10[%mul3A_24, %dma_start3A] : memref<50048x32xf32, #tpu.memory_space<hbm>> -> memref<3128x32xf32, #tpu.memory_space<hbm>>
        %dma_start3A_30 = arith.constant 0 : i32
        %dma_start3A_31 = tpu.memref_slice %arg14[%mul3A_22, %dma_start3A_30] : memref<50048x32xf32, #tpu.memory_space<vmem_shared>> -> memref<3128x32xf32, #tpu.memory_space<vmem_shared>>
        tpu.enqueue_dma source(%dma_start3A_31 : memref<3128x32xf32, #tpu.memory_space<vmem_shared>>) target(%dma_start3A_29 : memref<3128x32xf32, #tpu.memory_space<hbm>>) target_semaphore(%run_scoped3A : memref<!tpu.dma_semaphore, #tpu.memory_space<semaphore_mem>>)
        %dma_wait3A = arith.constant 0 : i32
        %dma_wait3A_32 = tpu.memref_slice %arg10[%mul3A_24, %dma_wait3A] : memref<50048x32xf32, #tpu.memory_space<hbm>> -> memref<3128x32xf32, #tpu.memory_space<hbm>>
        %dma_wait3A_33 = arith.constant 0 : i32
        %dma_wait3A_34 = tpu.memref_slice %arg14[%mul3A_22, %dma_wait3A_33] : memref<50048x32xf32, #tpu.memory_space<vmem_shared>> -> memref<3128x32xf32, #tpu.memory_space<vmem_shared>>
        tpu.wait_dma2 semaphore(%run_scoped3A : memref<!tpu.dma_semaphore, #tpu.memory_space<semaphore_mem>>) src(%dma_wait3A_34 : memref<3128x32xf32, #tpu.memory_space<vmem_shared>>) dst(%dma_wait3A_32 : memref<3128x32xf32, #tpu.memory_space<hbm>>)
        tpu.yield
      }) : () -> ()
      %mul3A_25 = arith.constant 3128 : i32
      %mul3A_26 = arith.muli %arg1, %mul3A_25 : i32
      %mul3A_27 = arith.constant 3128 : i32
      %mul3A_28 = arith.muli %arg1, %mul3A_27 : i32
      "tpu.region"() ({
        %run_scoped3A = tpu.sem_alloc : memref<!tpu.dma_semaphore, #tpu.memory_space<semaphore_mem>>
        %dma_start3A = tpu.memref_slice %arg11[%mul3A_28] : memref<50048xf32, #tpu.memory_space<hbm>> -> memref<3128xf32, #tpu.memory_space<hbm>>
        %dma_start3A_29 = tpu.memref_slice %arg15[%mul3A_26] : memref<50048xf32, #tpu.memory_space<vmem_shared>> -> memref<3128xf32, #tpu.memory_space<vmem_shared>>
        tpu.enqueue_dma source(%dma_start3A_29 : memref<3128xf32, #tpu.memory_space<vmem_shared>>) target(%dma_start3A : memref<3128xf32, #tpu.memory_space<hbm>>) target_semaphore(%run_scoped3A : memref<!tpu.dma_semaphore, #tpu.memory_space<semaphore_mem>>)
        %dma_wait3A = tpu.memref_slice %arg11[%mul3A_28] : memref<50048xf32, #tpu.memory_space<hbm>> -> memref<3128xf32, #tpu.memory_space<hbm>>
        %dma_wait3A_30 = tpu.memref_slice %arg15[%mul3A_26] : memref<50048xf32, #tpu.memory_space<vmem_shared>> -> memref<3128xf32, #tpu.memory_space<vmem_shared>>
        tpu.wait_dma2 semaphore(%run_scoped3A : memref<!tpu.dma_semaphore, #tpu.memory_space<semaphore_mem>>) src(%dma_wait3A_30 : memref<3128xf32, #tpu.memory_space<vmem_shared>>) dst(%dma_wait3A : memref<3128xf32, #tpu.memory_space<hbm>>)
        tpu.yield
      }) : () -> ()
    } else {
    }
    %eq3A_16 = arith.constant 1 : i32
    %eq3A_17 = arith.cmpi eq, %arg0, %eq3A_16 : i32
    %convert_element_type3A_18 = arith.extui %eq3A_17 : i1 to i32
    %cond3A_19 = arith.constant 0 : i32
    %cond3A_20 = arith.cmpi ne, %convert_element_type3A_18, %cond3A_19 : i32
    scf.if %cond3A_20 {
      %mul3A_21 = arith.constant 3128 : i32
      %mul3A_22 = arith.muli %arg1, %mul3A_21 : i32
      %mul3A_23 = arith.constant 3128 : i32
      %mul3A_24 = arith.muli %arg1, %mul3A_23 : i32
      "tpu.region"() ({
        %run_scoped3A = tpu.sem_alloc : memref<!tpu.dma_semaphore, #tpu.memory_space<semaphore_mem>>
        %dma_start3A = arith.constant 0 : i32
        %dma_start3A_29 = tpu.memref_slice %arg12[%mul3A_24, %dma_start3A] : memref<50048x32xf32, #tpu.memory_space<hbm>> -> memref<3128x32xf32, #tpu.memory_space<hbm>>
        %dma_start3A_30 = arith.constant 0 : i32
        %dma_start3A_31 = tpu.memref_slice %arg14[%mul3A_22, %dma_start3A_30] : memref<50048x32xf32, #tpu.memory_space<vmem_shared>> -> memref<3128x32xf32, #tpu.memory_space<vmem_shared>>
        tpu.enqueue_dma source(%dma_start3A_31 : memref<3128x32xf32, #tpu.memory_space<vmem_shared>>) target(%dma_start3A_29 : memref<3128x32xf32, #tpu.memory_space<hbm>>) target_semaphore(%run_scoped3A : memref<!tpu.dma_semaphore, #tpu.memory_space<semaphore_mem>>)
        %dma_wait3A = arith.constant 0 : i32
        %dma_wait3A_32 = tpu.memref_slice %arg12[%mul3A_24, %dma_wait3A] : memref<50048x32xf32, #tpu.memory_space<hbm>> -> memref<3128x32xf32, #tpu.memory_space<hbm>>
        %dma_wait3A_33 = arith.constant 0 : i32
        %dma_wait3A_34 = tpu.memref_slice %arg14[%mul3A_22, %dma_wait3A_33] : memref<50048x32xf32, #tpu.memory_space<vmem_shared>> -> memref<3128x32xf32, #tpu.memory_space<vmem_shared>>
        tpu.wait_dma2 semaphore(%run_scoped3A : memref<!tpu.dma_semaphore, #tpu.memory_space<semaphore_mem>>) src(%dma_wait3A_34 : memref<3128x32xf32, #tpu.memory_space<vmem_shared>>) dst(%dma_wait3A_32 : memref<3128x32xf32, #tpu.memory_space<hbm>>)
        tpu.yield
      }) : () -> ()
      %mul3A_25 = arith.constant 3128 : i32
      %mul3A_26 = arith.muli %arg1, %mul3A_25 : i32
      %mul3A_27 = arith.constant 3128 : i32
      %mul3A_28 = arith.muli %arg1, %mul3A_27 : i32
      "tpu.region"() ({
        %run_scoped3A = tpu.sem_alloc : memref<!tpu.dma_semaphore, #tpu.memory_space<semaphore_mem>>
        %dma_start3A = tpu.memref_slice %arg13[%mul3A_28] : memref<50048xf32, #tpu.memory_space<hbm>> -> memref<3128xf32, #tpu.memory_space<hbm>>
        %dma_start3A_29 = tpu.memref_slice %arg15[%mul3A_26] : memref<50048xf32, #tpu.memory_space<vmem_shared>> -> memref<3128xf32, #tpu.memory_space<vmem_shared>>
        tpu.enqueue_dma source(%dma_start3A_29 : memref<3128xf32, #tpu.memory_space<vmem_shared>>) target(%dma_start3A : memref<3128xf32, #tpu.memory_space<hbm>>) target_semaphore(%run_scoped3A : memref<!tpu.dma_semaphore, #tpu.memory_space<semaphore_mem>>)
        %dma_wait3A = tpu.memref_slice %arg13[%mul3A_28] : memref<50048xf32, #tpu.memory_space<hbm>> -> memref<3128xf32, #tpu.memory_space<hbm>>
        %dma_wait3A_30 = tpu.memref_slice %arg15[%mul3A_26] : memref<50048xf32, #tpu.memory_space<vmem_shared>> -> memref<3128xf32, #tpu.memory_space<vmem_shared>>
        tpu.wait_dma2 semaphore(%run_scoped3A : memref<!tpu.dma_semaphore, #tpu.memory_space<semaphore_mem>>) src(%dma_wait3A_30 : memref<3128xf32, #tpu.memory_space<vmem_shared>>) dst(%dma_wait3A : memref<3128xf32, #tpu.memory_space<hbm>>)
        tpu.yield
      }) : () -> ()
    } else {
    }
    return
  }
}

module attributes {stable_mosaic.version = 14 : i64} {
  func.func @_prep_body(%arg0: i32, %arg1: memref<2176x32xf32, #tpu.memory_space<vmem>>, %arg2: memref<2176x32xf32, #tpu.memory_space<vmem>>, %arg3: memref<2176x1xf32, #tpu.memory_space<vmem>>, %arg4: memref<2176x32xf32, #tpu.memory_space<vmem>>, %arg5: memref<2176x1xf32, #tpu.memory_space<vmem>>, %arg6: memref<2176x32xf32, #tpu.memory_space<vmem>>, %arg7: memref<2176x1xf32, #tpu.memory_space<vmem>>, %arg8: memref<2176x1xf32, #tpu.memory_space<vmem>>) attributes {dimension_semantics = [#tpu.dimension_semantics<arbitrary>], iteration_bounds = array<i64: 23>, scalar_prefetch = 0 : i64, scratch_operands = 0 : i64, tpu.core_type = #tpu.core_type<tc>, window_params = [{transform_indices = @transform_0, window_bounds = array<i64: 2176, 32>}, {transform_indices = @transform_1, window_bounds = array<i64: 2176, 32>}, {transform_indices = @transform_2, window_bounds = array<i64: 2176, 1>}, {transform_indices = @transform_3, window_bounds = array<i64: 2176, 32>}, {transform_indices = @transform_4, window_bounds = array<i64: 2176, 1>}, {transform_indices = @transform_5, window_bounds = array<i64: 2176, 32>}, {transform_indices = @transform_6, window_bounds = array<i64: 2176, 1>}, {transform_indices = @transform_7, window_bounds = array<i64: 2176, 1>}]} {
    %get3A = arith.constant 0 : index
    %get3A_0 = arith.constant 0 : index
    %get3A_1 = vector.load %arg3[%get3A, %get3A_0] : memref<2176x1xf32, #tpu.memory_space<vmem>>, vector<2176x1xf32>
    %add3A = arith.constant 1.000000e-10 : f32
    %add3A_2 = vector.broadcast %add3A : f32 to vector<2176x1xf32>
    %add3A_3 = arith.addf %get3A_1, %add3A_2 : vector<2176x1xf32>
    %mul3A = arith.mulf %add3A_3, %add3A_3 : vector<2176x1xf32>
    %div3A = arith.constant 1.000000e+00 : f32
    %div3A_4 = vector.broadcast %div3A : f32 to vector<2176x1xf32>
    %div3A_5 = arith.divf %div3A_4, %mul3A : vector<2176x1xf32>
    %get3A_6 = arith.constant 0 : index
    %get3A_7 = arith.constant 0 : index
    %get3A_8 = vector.load %arg1[%get3A_6, %get3A_7] : memref<2176x32xf32, #tpu.memory_space<vmem>>, vector<2176x32xf32>
    %ne3A = arith.constant 0.000000e+00 : f32
    %ne3A_9 = vector.broadcast %ne3A : f32 to vector<2176x32xf32>
    %ne3A_10 = arith.cmpf one, %get3A_8, %ne3A_9 : vector<2176x32xf32>
    %reduce_or3A = arith.constant 1.000000e+00 : f32
    %reduce_or3A_11 = arith.constant 0.000000e+00 : f32
    %reduce_or3A_12 = vector.broadcast %reduce_or3A : f32 to vector<2176x32xf32>
    %reduce_or3A_13 = vector.broadcast %reduce_or3A_11 : f32 to vector<2176x32xf32>
    %reduce_or3A_14 = arith.select %ne3A_10, %reduce_or3A_12, %reduce_or3A_13 : vector<2176x32xi1>, vector<2176x32xf32>
    %reduce_or3A_15 = arith.constant dense<0xFF800000> : vector<2176xf32>
    %reduce_or3A_16 = vector.multi_reduction <maximumf>, %reduce_or3A_14, %reduce_or3A_15 [1] : vector<2176x32xf32> to vector<2176xf32>
    %reduce_or3A_17 = arith.constant 0.000000e+00 : f32
    %reduce_or3A_18 = vector.broadcast %reduce_or3A_17 : f32 to vector<2176xf32>
    %reduce_or3A_19 = arith.cmpf ogt, %reduce_or3A_16, %reduce_or3A_18 : vector<2176xf32>
    %broadcast_in_dim3A = vector.shape_cast %reduce_or3A_19 : vector<2176xi1> to vector<2176x1xi1>
    %jit3A = arith.constant 0.000000e+00 : f32
    %broadcast_in_dim3A_20 = vector.broadcast %jit3A : f32 to vector<2176x1xf32>
    %select_n3A = arith.select %broadcast_in_dim3A, %div3A_5, %broadcast_in_dim3A_20 : vector<2176x1xi1>, vector<2176x1xf32>
    %mul3A_21 = vector.broadcast %select_n3A : vector<2176x1xf32> to vector<2176x32xf32>
    %mul3A_22 = arith.mulf %get3A_8, %mul3A_21 : vector<2176x32xf32>
    %swap3A = arith.constant 0 : index
    %swap3A_23 = arith.constant 0 : index
    %swap3A_24 = vector.load %arg4[%swap3A, %swap3A_23] : memref<2176x32xf32, #tpu.memory_space<vmem>>, vector<2176x32xf32>
    tpu.vector_store %arg4[%swap3A, %swap3A_23], %mul3A_22 {strides = array<i32>} : memref<2176x32xf32, #tpu.memory_space<vmem>>, vector<2176x32xf32>,
    %swap3A_25 = arith.constant 0 : index
    %swap3A_26 = arith.constant 0 : index
    %swap3A_27 = vector.load %arg5[%swap3A_25, %swap3A_26] : memref<2176x1xf32, #tpu.memory_space<vmem>>, vector<2176x1xf32>
    tpu.vector_store %arg5[%swap3A_25, %swap3A_26], %select_n3A {strides = array<i32>} : memref<2176x1xf32, #tpu.memory_space<vmem>>, vector<2176x1xf32>,
    %get3A_28 = arith.constant 0 : index
    %get3A_29 = arith.constant 0 : index
    %get3A_30 = vector.load %arg2[%get3A_28, %get3A_29] : memref<2176x32xf32, #tpu.memory_space<vmem>>, vector<2176x32xf32>
    %ne3A_31 = arith.constant 0.000000e+00 : f32
    %ne3A_32 = vector.broadcast %ne3A_31 : f32 to vector<2176x32xf32>
    %ne3A_33 = arith.cmpf one, %get3A_30, %ne3A_32 : vector<2176x32xf32>
    %reduce_or3A_34 = arith.constant 1.000000e+00 : f32
    %reduce_or3A_35 = arith.constant 0.000000e+00 : f32
    %reduce_or3A_36 = vector.broadcast %reduce_or3A_34 : f32 to vector<2176x32xf32>
    %reduce_or3A_37 = vector.broadcast %reduce_or3A_35 : f32 to vector<2176x32xf32>
    %reduce_or3A_38 = arith.select %ne3A_33, %reduce_or3A_36, %reduce_or3A_37 : vector<2176x32xi1>, vector<2176x32xf32>
    %reduce_or3A_39 = arith.constant dense<0xFF800000> : vector<2176xf32>
    %reduce_or3A_40 = vector.multi_reduction <maximumf>, %reduce_or3A_38, %reduce_or3A_39 [1] : vector<2176x32xf32> to vector<2176xf32>
    %reduce_or3A_41 = arith.constant 0.000000e+00 : f32
    %reduce_or3A_42 = vector.broadcast %reduce_or3A_41 : f32 to vector<2176xf32>
    %reduce_or3A_43 = arith.cmpf ogt, %reduce_or3A_40, %reduce_or3A_42 : vector<2176xf32>
    %broadcast_in_dim3A_44 = vector.shape_cast %reduce_or3A_43 : vector<2176xi1> to vector<2176x1xi1>
    %jit3A_45 = arith.constant 0.000000e+00 : f32
    %broadcast_in_dim3A_46 = vector.broadcast %jit3A_45 : f32 to vector<2176x1xf32>
    %select_n3A_47 = arith.select %broadcast_in_dim3A_44, %div3A_5, %broadcast_in_dim3A_46 : vector<2176x1xi1>, vector<2176x1xf32>
    %mul3A_48 = vector.broadcast %select_n3A_47 : vector<2176x1xf32> to vector<2176x32xf32>
    %mul3A_49 = arith.mulf %get3A_30, %mul3A_48 : vector<2176x32xf32>
    %swap3A_50 = arith.constant 0 : index
    %swap3A_51 = arith.constant 0 : index
    %swap3A_52 = vector.load %arg6[%swap3A_50, %swap3A_51] : memref<2176x32xf32, #tpu.memory_space<vmem>>, vector<2176x32xf32>
    tpu.vector_store %arg6[%swap3A_50, %swap3A_51], %mul3A_49 {strides = array<i32>} : memref<2176x32xf32, #tpu.memory_space<vmem>>, vector<2176x32xf32>,
    %swap3A_53 = arith.constant 0 : index
    %swap3A_54 = arith.constant 0 : index
    %swap3A_55 = vector.load %arg7[%swap3A_53, %swap3A_54] : memref<2176x1xf32, #tpu.memory_space<vmem>>, vector<2176x1xf32>
    tpu.vector_store %arg7[%swap3A_53, %swap3A_54], %select_n3A_47 {strides = array<i32>} : memref<2176x1xf32, #tpu.memory_space<vmem>>, vector<2176x1xf32>,
    %or3A = arith.ori %broadcast_in_dim3A, %broadcast_in_dim3A_44 : vector<2176x1xi1>
    %convert_element_type3A = arith.extui %or3A : vector<2176x1xi1> to vector<2176x1xi32>
    %convert_element_type3A_56 = arith.sitofp %convert_element_type3A : vector<2176x1xi32> to vector<2176x1xf32>
    %swap3A_57 = arith.constant 0 : index
    %swap3A_58 = arith.constant 0 : index
    %swap3A_59 = vector.load %arg8[%swap3A_57, %swap3A_58] : memref<2176x1xf32, #tpu.memory_space<vmem>>, vector<2176x1xf32>
    tpu.vector_store %arg8[%swap3A_57, %swap3A_58], %convert_element_type3A_56 {strides = array<i32>} : memref<2176x1xf32, #tpu.memory_space<vmem>>, vector<2176x1xf32>,
    return
  }
  func.func @transform_0(%arg0: i32) -> (i32, i32) {
    %c0_i32 = arith.constant 0 : i32
    %c0_i32_0 = arith.constant 0 : i32
    return %arg0, %c0_i32 : i32, i32
  }
  func.func @transform_1(%arg0: i32) -> (i32, i32) {
    %c0_i32 = arith.constant 0 : i32
    %c0_i32_0 = arith.constant 0 : i32
    return %arg0, %c0_i32 : i32, i32
  }
  func.func @transform_2(%arg0: i32) -> (i32, i32) {
    %c0_i32 = arith.constant 0 : i32
    %c0_i32_0 = arith.constant 0 : i32
    return %arg0, %c0_i32 : i32, i32
  }
  func.func @transform_3(%arg0: i32) -> (i32, i32) {
    %c0_i32 = arith.constant 0 : i32
    %c0_i32_0 = arith.constant 0 : i32
    return %arg0, %c0_i32 : i32, i32
  }
  func.func @transform_4(%arg0: i32) -> (i32, i32) {
    %c0_i32 = arith.constant 0 : i32
    %c0_i32_0 = arith.constant 0 : i32
    return %arg0, %c0_i32 : i32, i32
  }
  func.func @transform_5(%arg0: i32) -> (i32, i32) {
    %c0_i32 = arith.constant 0 : i32
    %c0_i32_0 = arith.constant 0 : i32
    return %arg0, %c0_i32 : i32, i32
  }
  func.func @transform_6(%arg0: i32) -> (i32, i32) {
    %c0_i32 = arith.constant 0 : i32
    %c0_i32_0 = arith.constant 0 : i32
    return %arg0, %c0_i32 : i32, i32
  }
  func.func @transform_7(%arg0: i32) -> (i32, i32) {
    %c0_i32 = arith.constant 0 : i32
    %c0_i32_0 = arith.constant 0 : i32
    return %arg0, %c0_i32 : i32, i32
  }
}

module attributes {stable_mosaic.version = 14 : i64} {
  func.func @_fin_body(%arg0: i32, %arg1: memref<2176x32xf32, #tpu.memory_space<vmem>>, %arg2: memref<2176x1xf32, #tpu.memory_space<vmem>>, %arg3: memref<2176x32xf32, #tpu.memory_space<vmem>>, %arg4: memref<2176x1xf32, #tpu.memory_space<vmem>>, %arg5: memref<2176x32xf32, #tpu.memory_space<vmem>>, %arg6: memref<2176x32xf32, #tpu.memory_space<vmem>>, %arg7: memref<2176x1xf32, #tpu.memory_space<vmem>>, %arg8: memref<2176x64xf32, #tpu.memory_space<vmem>>) attributes {dimension_semantics = [#tpu.dimension_semantics<arbitrary>], iteration_bounds = array<i64: 23>, scalar_prefetch = 0 : i64, scratch_operands = 0 : i64, tpu.core_type = #tpu.core_type<tc>, window_params = [{transform_indices = @transform_0, window_bounds = array<i64: 2176, 32>}, {transform_indices = @transform_1, window_bounds = array<i64: 2176, 1>}, {transform_indices = @transform_2, window_bounds = array<i64: 2176, 32>}, {transform_indices = @transform_3, window_bounds = array<i64: 2176, 1>}, {transform_indices = @transform_4, window_bounds = array<i64: 2176, 32>}, {transform_indices = @transform_5, window_bounds = array<i64: 2176, 32>}, {transform_indices = @transform_6, window_bounds = array<i64: 2176, 1>}, {transform_indices = @transform_7, window_bounds = array<i64: 2176, 64>}]} {
    %get3A = arith.constant 0 : index
    %get3A_0 = arith.constant 0 : index
    %get3A_1 = vector.load %arg7[%get3A, %get3A_0] : memref<2176x1xf32, #tpu.memory_space<vmem>>, vector<2176x1xf32>
    %gt3A = arith.constant 5.000000e-01 : f32
    %gt3A_2 = vector.broadcast %gt3A : f32 to vector<2176x1xf32>
    %gt3A_3 = arith.cmpf ogt, %get3A_1, %gt3A_2 : vector<2176x1xf32>
    %get3A_4 = arith.constant 0 : index
    %get3A_5 = arith.constant 0 : index
    %get3A_6 = vector.load %arg1[%get3A_4, %get3A_5] : memref<2176x32xf32, #tpu.memory_space<vmem>>, vector<2176x32xf32>
    %get3A_7 = arith.constant 0 : index
    %get3A_8 = arith.constant 0 : index
    %get3A_9 = vector.load %arg2[%get3A_7, %get3A_8] : memref<2176x1xf32, #tpu.memory_space<vmem>>, vector<2176x1xf32>
    %max3A = arith.constant 1.000000e-10 : f32
    %max3A_10 = vector.broadcast %max3A : f32 to vector<2176x1xf32>
    %max3A_11 = arith.maximumf %get3A_9, %max3A_10 : vector<2176x1xf32>
    %div3A = vector.broadcast %max3A_11 : vector<2176x1xf32> to vector<2176x32xf32>
    %div3A_12 = arith.divf %get3A_6, %div3A : vector<2176x32xf32>
    %get3A_13 = arith.constant 0 : index
    %get3A_14 = arith.constant 0 : index
    %get3A_15 = vector.load %arg5[%get3A_13, %get3A_14] : memref<2176x32xf32, #tpu.memory_space<vmem>>, vector<2176x32xf32>
    %broadcast_in_dim3A = vector.shape_cast %gt3A_3 : vector<2176x1xi1> to vector<2176x1xi1>
    %broadcast_in_dim3A_16 = vector.broadcast %broadcast_in_dim3A : vector<2176x1xi1> to vector<2176x32xi1>
    %select_n3A = arith.select %broadcast_in_dim3A_16, %get3A_15, %div3A_12 : vector<2176x32xi1>, vector<2176x32xf32>
    %get3A_17 = arith.constant 0 : index
    %get3A_18 = arith.constant 0 : index
    %get3A_19 = vector.load %arg3[%get3A_17, %get3A_18] : memref<2176x32xf32, #tpu.memory_space<vmem>>, vector<2176x32xf32>
    %get3A_20 = arith.constant 0 : index
    %get3A_21 = arith.constant 0 : index
    %get3A_22 = vector.load %arg4[%get3A_20, %get3A_21] : memref<2176x1xf32, #tpu.memory_space<vmem>>, vector<2176x1xf32>
    %max3A_23 = arith.constant 1.000000e-10 : f32
    %max3A_24 = vector.broadcast %max3A_23 : f32 to vector<2176x1xf32>
    %max3A_25 = arith.maximumf %get3A_22, %max3A_24 : vector<2176x1xf32>
    %div3A_26 = vector.broadcast %max3A_25 : vector<2176x1xf32> to vector<2176x32xf32>
    %div3A_27 = arith.divf %get3A_19, %div3A_26 : vector<2176x32xf32>
    %get3A_28 = arith.constant 0 : index
    %get3A_29 = arith.constant 0 : index
    %get3A_30 = vector.load %arg6[%get3A_28, %get3A_29] : memref<2176x32xf32, #tpu.memory_space<vmem>>, vector<2176x32xf32>
    %broadcast_in_dim3A_31 = vector.shape_cast %gt3A_3 : vector<2176x1xi1> to vector<2176x1xi1>
    %broadcast_in_dim3A_32 = vector.broadcast %broadcast_in_dim3A_31 : vector<2176x1xi1> to vector<2176x32xi1>
    %select_n3A_33 = arith.select %broadcast_in_dim3A_32, %get3A_30, %div3A_27 : vector<2176x32xi1>, vector<2176x32xf32>
    %concatenate3A = tpu.concatenate %select_n3A, %select_n3A_33 in 1 : vector<2176x32xf32>, vector<2176x32xf32> -> vector<2176x64xf32>
    %swap3A = arith.constant 0 : index
    %swap3A_34 = arith.constant 0 : index
    %swap3A_35 = vector.load %arg8[%swap3A, %swap3A_34] : memref<2176x64xf32, #tpu.memory_space<vmem>>, vector<2176x64xf32>
    tpu.vector_store %arg8[%swap3A, %swap3A_34], %concatenate3A {strides = array<i32>} : memref<2176x64xf32, #tpu.memory_space<vmem>>, vector<2176x64xf32>,
    return
  }
  func.func @transform_0(%arg0: i32) -> (i32, i32) {
    %c0_i32 = arith.constant 0 : i32
    %c0_i32_0 = arith.constant 0 : i32
    return %arg0, %c0_i32 : i32, i32
  }
  func.func @transform_1(%arg0: i32) -> (i32, i32) {
    %c0_i32 = arith.constant 0 : i32
    %c0_i32_0 = arith.constant 0 : i32
    return %arg0, %c0_i32 : i32, i32
  }
  func.func @transform_2(%arg0: i32) -> (i32, i32) {
    %c0_i32 = arith.constant 0 : i32
    %c0_i32_0 = arith.constant 0 : i32
    return %arg0, %c0_i32 : i32, i32
  }
  func.func @transform_3(%arg0: i32) -> (i32, i32) {
    %c0_i32 = arith.constant 0 : i32
    %c0_i32_0 = arith.constant 0 : i32
    return %arg0, %c0_i32 : i32, i32
  }
  func.func @transform_4(%arg0: i32) -> (i32, i32) {
    %c0_i32 = arith.constant 0 : i32
    %c0_i32_0 = arith.constant 0 : i32
    return %arg0, %c0_i32 : i32, i32
  }
  func.func @transform_5(%arg0: i32) -> (i32, i32) {
    %c0_i32 = arith.constant 0 : i32
    %c0_i32_0 = arith.constant 0 : i32
    return %arg0, %c0_i32 : i32, i32
  }
  func.func @transform_6(%arg0: i32) -> (i32, i32) {
    %c0_i32 = arith.constant 0 : i32
    %c0_i32_0 = arith.constant 0 : i32
    return %arg0, %c0_i32 : i32, i32
  }
  func.func @transform_7(%arg0: i32) -> (i32, i32) {
    %c0_i32 = arith.constant 0 : i32
    %c0_i32_0 = arith.constant 0 : i32
    return %arg0, %c0_i32 : i32, i32
  }
}

</mosaic_0001>

<sc_bundles>
// kernel: kernel.6.cloned.1.call-start
scs
__scs_entry_jumppad:
0x0: {  	(pc) =	sbr.rel $0x88, $3  }
0x1: {  	(tag) =	ssettag $0x0;
	lr =	simm.s32 $0x1  }
0x2: {  	[smem:$0x3F9D] =	sst lr;
	_ =	strace $0xD0000000  }
0x3: {  	_ = 	snop  }
0x4: {  	_ = 	snop  }
0x5: {  	_ = 	snop  }
0x6: {  	_ = 	snop  }
0x7: {  	_ = 	snop  }
__scs_overlays_trampoline_lowered:
0x8: {  	[smem:$0x3FAC] =	sst s0  }
0x9: {  	[smem:$0x3FAD] =	sst s1  }
0xa: {  	[smem:$0x3FAE] =	sst s2  }
0xb: {  	[smem:$0x3FAF] =	sst s3  }
0xc: {  	[smem:$0x3FB0] =	sst s4  }
0xd: {  	[smem:$0x3FB1] =	sst s5  }
0xe: {  	[smem:$0x3FB2] =	sst s6  }
0xf: {  	[smem:$0x3FB3] =	sst s7  }
0x10: {  	[smem:$0x3FB4] =	sst s8  }
0x11: {  	[smem:$0x3FB5] =	sst s9;
	s0 =	simm.s32 @!p0 $0x0  }
0x12: {  	s1 =	sld [smem:$0x3F9B];
	s0 =	simm.s32 @p0 $0x1  }
0x13: {  	[smem:$0x3FB6] =	sst s0;
	s0 =	simm.s32 @!p1 $0x0  }
0x14: {  	s2 =	sld [smem:$0x3F9A];
	s0 =	simm.s32 @p1 $0x1  }
0x15: {  	[smem:$0x3FB7] =	sst s0;
	s0 =	simm.s32 @!p2 $0x0  }
0x16: {  	s3 =	sld [smem:$0x3FDB];
	s0 =	simm.s32 @p2 $0x1  }
0x17: {  	s4 =	simm.s32 $0x1BF5;
	[smem:$0x3FB9] =	sst s0  }
0x18: {  	s0 =	sld [smem:$0x3F9C];
	_ =	swait.ge [sflag:s4], $0x0  }
0x19: {  	s7 =	sld [smem:$0x3F9D]  }
0x1a: {  	s8 =	sadd.s32 $0xFFFFE003, lr  }
0x1b: {  	s9 =	sadd.s32 $0xFFFFFEF7, lr;
	s5 =	simm.s32 $0xFFFFFFFF;
	p2 =	slt.u32 s8, $0xFFFFF086  }
0x1c: {  	p1 =	slt.u32 s9, $0xF7A;
	s5 =	simm.s32 @!p2 $0x0  }
0x1d: {  	s5 =	simm.s32 @p1 $0x1;
	p0 =	seq.s32 s7, s2  }
0x1e: {  	s7 =	smul.u32 @!p0 $0xF7A, s2;
	p2 =	seq.s32 @!p0 s5, $0x0  }
0x1f: {  	s9 =	smul.u32 $0xF7A, s1;
	s8 =	simm.s32 @!p0 $0x1BF5;
	p2 =	por !p2, p0  }
0x20: {  	[sflag:s8] =	ssyncset.s32 @!p0 $0xFFFFF086;
	s6 =	sadd.s32 @!p0 s3, s7;
	s7 =	simm.s32 @!p0 $0x108  }
0x21: {  	s3 =	sadd.s32 s3, s9;
	s6 =	sadd.s32 @!p0 $0x88, s6;
	s7 =	simm.s32 @p2 $0x1082  }
0x22: {  	[simem:s7], [sflag:s8] =	dma.local @!p0 [hbm:s6], $0xF7A  }
0x23: {  	s9 =	sor.u32 $0xD0000000, s2;
	s6 =	simm.s32 $0x108;
	_ =	swait.ge @!p0 [sflag:s8], $0x0  }
0x24: {  	s3 =	sadd.s32 $0x88, s3;
	s6 =	simm.s32 @!p1 $0x1082;
	[sflag:s4] =	ssyncset.s32 $0xFFFFF086  }
0x25: {  	[simem:s6], [sflag:s4] =	dma.local [hbm:s3], $0xF7A  }
0x26: {  	[smem:$0x3F9D] =	sst s1;
	(tag) =	ssettag s2;
	_ =	strace s9  }
0x27: {  	s1 =	sld [smem:$0x3FAD]  }
0x28: {  	s2 =	sld [smem:$0x3FAE]  }
0x29: {  	s4 =	sld [smem:$0x3FB0]  }
0x2a: {  	p0 =	seq.s32 s5, $0x0;
	s5 =	sld [smem:$0x3FB1]  }
0x2b: {  	s6 =	sld [smem:$0x3FB2]  }
0x2c: {  	s7 =	sld [smem:$0x3FB3]  }
0x2d: {  	s3 =	simm.s32 $0x108;
	s8 =	sld [smem:$0x3FB4]  }
0x2e: {  	s3 =	simm.s32 @!p0 $0x1082;
	s9 =	sld [smem:$0x3FB5]  }
0x2f: {  	lr =	sadd.s32 s0, s3;
	s0 =	sld [smem:$0x3FAC]  }
0x30: {  	s3 =	sld [smem:$0x3FAF]  }
0x31: {  	[smem:$0x3FB8] =	sst s10  }
0x32: {  	s10 =	sld [smem:$0x3FB6];
	_ =	sdelay $0x3  }
0x33: {  	p0 =	seq.s32 s10, $0x1;
	s10 =	sld [smem:$0x3FB8];
	_ =	sdelay $0x3  }
0x34: {  	[smem:$0x3FB8] =	sst s10  }
0x35: {  	s10 =	sld [smem:$0x3FB7];
	_ =	sdelay $0x3  }
0x36: {  	p1 =	seq.s32 s10, $0x1;
	s10 =	sld [smem:$0x3FB8];
	_ =	sdelay $0x3  }
0x37: {  	[smem:$0x3FB8] =	sst s10  }
0x38: {  	s10 =	sld [smem:$0x3FB9]  }
0x39: {  	_ = 	snop;
	(pc) =	sbr.ind lr, $3  }
0x3a: {  	_ = 	snop  }
0x3b: {  	_ = 	snop  }
0x3c: {  	p2 =	seq.s32 s10, $0x1;
	s10 =	sld [smem:$0x3FB8]  }
0x3d: {  	_ =	shalt  }
0x3e: {  	_ =	shalt  }
0x3f: {  	_ =	shalt  }
0x40: {  	_ =	shalt  }
0x41: {  	_ =	shalt  }
0x42: {  	_ =	shalt  }
0x43: {  	_ =	shalt  }
0x44: {  	_ =	shalt  }
0x45: {  	_ =	shalt  }
0x46: {  	_ =	shalt  }
0x47: {  	_ =	shalt  }
0x48: {  	_ =	shalt  }
0x49: {  	_ =	shalt  }
0x4a: {  	_ =	shalt  }
0x4b: {  	_ =	shalt  }
0x4c: {  	_ =	shalt  }
0x4d: {  	_ =	shalt  }
0x4e: {  	_ =	shalt  }
0x4f: {  	_ =	shalt  }
0x50: {  	_ =	shalt  }
0x51: {  	_ =	shalt  }
0x52: {  	_ =	shalt  }
0x53: {  	_ =	shalt  }
0x54: {  	_ =	shalt  }
0x55: {  	_ =	shalt  }
0x56: {  	_ =	shalt  }
0x57: {  	_ =	shalt  }
0x58: {  	_ =	shalt  }
0x59: {  	_ =	shalt  }
0x5a: {  	_ =	shalt  }
0x5b: {  	_ =	shalt  }
0x5c: {  	_ =	shalt  }
0x5d: {  	_ =	shalt  }
0x5e: {  	_ =	shalt  }
0x5f: {  	_ =	shalt  }
0x60: {  	_ =	shalt  }
0x61: {  	_ =	shalt  }
0x62: {  	_ =	shalt  }
0x63: {  	_ =	shalt  }
0x64: {  	_ =	shalt  }
0x65: {  	_ =	shalt  }
0x66: {  	_ =	shalt  }
0x67: {  	_ =	shalt  }
0x68: {  	_ =	shalt  }
0x69: {  	_ =	shalt  }
0x6a: {  	_ =	shalt  }
0x6b: {  	_ =	shalt  }
0x6c: {  	_ =	shalt  }
0x6d: {  	_ =	shalt  }
0x6e: {  	_ =	shalt  }
0x6f: {  	_ =	shalt  }
0x70: {  	_ =	shalt  }
0x71: {  	_ =	shalt  }
0x72: {  	_ =	shalt  }
0x73: {  	_ =	shalt  }
0x74: {  	_ =	shalt  }
0x75: {  	_ =	shalt  }
0x76: {  	_ =	shalt  }
0x77: {  	_ =	shalt  }
0x78: {  	_ =	shalt  }
0x79: {  	_ =	shalt  }
0x7a: {  	_ =	shalt  }
0x7b: {  	_ =	shalt  }
0x7c: {  	_ =	shalt  }
0x7d: {  	_ =	shalt  }
0x7e: {  	_ =	shalt  }
0x7f: {  	_ =	shalt  }
0x80: {  	_ =	shalt  }
0x81: {  	_ =	shalt  }
0x82: {  	_ =	shalt  }
0x83: {  	_ =	shalt  }
0x84: {  	_ =	shalt  }
0x85: {  	_ =	shalt  }
0x86: {  	_ =	shalt  }
0x87: {  	_ =	shalt  }
.Lfunc_end0:
.L_simem_size_0:
called_computation_lowered:
.L_overlay_start_0:
0x88: {  	s2 =	sld [smem:$0x3FD9]  }
0x89: {  	s3 =	sld [smem:$0x3FFE];
	_ =	sdelay $0x1  }
0x8a: {  	s1 =	srdreg.scid  }
0x8b: {  	s0 =	sand.u32 $0x1, s1  }
0x8c: {  	s17 =	sshll.u32 s0, $0xA;
	s2 =	sadd.s32 s3, s2  }
0x8d: {  	s2 =	sadd.s32 s2, s17  }
0x8e: {  	[smem:$0x3FC4] =	sst s2  }
0x8f: {  	_ = 	snop  }
0x90: {  	s2 =	sld [smem:$0x3FD0];
	(tm) =	ssettm $0x1  }
0x91: {  	s18 =	sld [smem:$0x3FFB];
	_ =	sdelay $0x3  }
0x92: {  	_ =	strace s18  }
0x93: {  	s3 =	sld [smem:$0x3FFC];
	_ =	sdelay $0x3  }
0x94: {  	_ =	strace s3  }
0x95: {  	s3 =	sld [smem:$0x3FFD];
	_ =	sdelay $0x3  }
0x96: {  	_ =	strace s3  }
0x97: {  	_ =	strace $0x8FFFFFFF  }
0x98: {  	s19 =	sld [smem:$0x3FDB];
	_ =	sdelay $0x1  }
0x99: {  	s4 =	simm.s32 $_scs_section_size  }
0x9a: {  	s5 =	simm.s32 $_size__tile_overlayer_lowered;
	s6 =	simm.s32 $_tile_overlayer_lowered  }
0x9b: {  	s22 =	simm.s32 $0x1BFF;
	s21 =	sshll.u32 s6, $0x1;
	s3 =	sadd.s32 s4, s19  }
0x9c: {  	s7 =	simm.s32 $0x0;
	s20 =	sshll.u32 s5, $0x1;
	s5 =	sadd.s32 s21, s3  }
0x9d: {  	[timem:s7], [sflag:s22] =	dma.local [hbm:s5], s20  }
0x9e: {  	_ =	swait.ge [sflag:s22], s20  }
0x9f: {  	s4 =	ssub.s32 $0x0, s20;
	[sflag:s22] =	ssyncset.done $0x0  }
0xa0: {  	[sflag:s22] =	ssyncadd.s32 s4;
	_ =	sdelay $0x1  }
0xa1: {  	s23 =	simm.s32 $0x1B8B  }
0xa2: {  	_ =	swait.ge [sflag:s23], $0x1  }
0xa3: {  	[sflag:s23] =	ssyncset.done $0x0  }
0xa4: {  	s25 =	simm.s32 $0x1B8E;
	s24 =	sld [smem:$0x3FFE];
	[sflag:s23] =	ssyncadd.s32 $0xFFFFFFFF  }
0xa5: {  	s26 =	simm.s32 $execute0_lowered;
	[smem:$0x3FD2] =	sst s25  }
0xa6: {  	s5 =	sshll.u32 s26, $0x1;
	_ =	strace $0x80000046;
	[dreg:$0x1] =	wrdreg $0xFFFFFFFF  }
0xa7: {  	s28 =	simm.s32 $_size_execute0_lowered;
	s3 =	sadd.s32 s3, s5;
	[dreg:$0x0] =	wrdreg $0x0  }
0xa8: {  	s5 =	sshll.u32 s28, $0x1;
	[dreg:$0x2] =	wrdreg s3  }
0xa9: {  	[dreg:$0x3] =	wrdreg s5  }
0xaa: {  	[dreg:$0x4] =	wrdreg $0xC0  }
0xab: {  	_ =	task [dreg:s7], $0x5FFFF  }
0xac: {  	[dreg:$0x1] =	wrdreg $0xFFFFFFFF  }
0xad: {  	[dreg:$0x0] =	wrdreg $0x60  }
0xae: {  	[dreg:$0x2] =	wrdreg s24  }
0xaf: {  	[dreg:$0x3] =	wrdreg s2  }
0xb0: {  	[dreg:$0x4] =	wrdreg $0x9  }
0xb1: {  	_ =	task.clear_ibuf [dreg:s7], $0x5FFFF;
	_ =	strace $0x90000046  }
0xb2: {  	s29 =	simm.s32 $0x9;
	_ =	strace $0x80000048  }
0xb3: {  	_ =	swait.ge [sflag:s29], $0x1  }
0xb4: {  	[sflag:s29] =	ssyncadd.s32 $0xFFFFFFFF  }
0xb5: {  	_ =	strace $0x90000048  }
0xb6: {  	_ =	sfence  }
0xb7: {  	s30 =	sld [smem:$0x0];
	_ =	sdelay $0x2  }
0xb8: {  	s31 =	sshll.u32 s1, $0xD;
	s1 =	sshrl.u32 s1, $0x2  }
0xb9: {  	s3 =	sand.u32 $0x4000, s31;
	s1 =	sadd.s32 s1, s30  }
0xba: {  	s0 =	sor.u32 s3, s0;
	s1 =	sshll.u32 s1, $0x11  }
0xbb: {  	s0 =	sor.u32 s1, s0  }
0xbc: {  	s0 =	sadd.s32 $0x8F2B, s0  }
0xbd: {  	[sflag:s0] =	ssyncadd.remote.s32 $0x1  }
0xbe: {  	_ =	sfence.sel $0xFFFF  }
0xbf: {  	[dreg:$0x0] =	wrdreg $0xFFFFFFFF;
	(pc) =	sbr.abs _section_cstart, $3  }
0xc0: {  	[dreg:$0x1] =	wrdreg $0xFFFFFFFF  }
0xc1: {  	_ =	task.clear_ibuf [dreg:s7], $0x2FFFF;
	_ =	strace $0x9FFFFFFF  }
0xc2: {  	(tm) =	ssettm $0x7FFFFFFF  }
0xc3: {  	_ =	shalt  }
tec
execute0_lowered:
.L_overlay_start_1:
0x0: {  	(tag) =	ssettag $0x1  }
0x1: {  	s9 =	rddreg [dreg:$0x0]  }
0x2: {  	s5 =	rddreg [dreg:$0x1]  }
0x3: {  	s0 =	rddreg [dreg:$0x2];
	s2 =	simm.s32 $0x0;
	s4 =	srdreg.scid  }
0x4: {  	s1 =	stileid.u32;
	[smem:$0x7FF] =	sst s2  }
0x5: {  	s3 =	sadd.s32 $0x1BA00, s9;
	s20 =	sand.u32 $0x1, s4;
	s6 =	smul.u32 $0x30E0, s1  }
0x6: {  	s4 =	sadd.s32 $0x1EC00, s9;
	s8 =	smul.u32 $0x61166, s1;
	p0 =	seq.s32 s20, $0x0  }
0x7: {  	s7 =	sshll.u32 s1, $0x6;
	_ =	strace $0x80000047;
	s4 =	smov.u32 @p0 s5  }
0x8: {  	s5 =	sadd.s32 s4, s6;
	s6 =	sor.u32 $0x1C03, s7;
	s7 =	simm.s32 $0x3  }
0x9: {  	[hbm:s5], [sflag:s6] =	dma.local [hbm:s3], $0x30E0  }
0xa: {  	s10 =	sadd.s32 $0x1E00, s9;
	s8 =	sshrl.u32 s8, $0x10;
	_ =	swait.ge [sflag:s7], $0x30E0  }
0xb: {  	s11 =	sadd.s32 $0xA00, s9;
	s8 =	smul.u32 $0x30, s8;
	[sflag:s7] =	ssyncset.done $0x0  }
0xc: {  	s11 =	smov.u32 @p0 s10;
	[sflag:s7] =	ssyncadd.s32 $0xFFFFCF20  }
0xd: {  	s8 =	sadd.s32 s8, s11;
	[bflag:$0x0] =	sbarrier.arrive $0xFFFF  }
0xe: {  	[tilespmem:s2], [sflag:$0x3] =	stream.linear.gather [hbm4b:s8+s2], $0x180, $0x38;
	[tilespmem:$0x1180] =	vst v63  }
0xf: {  	s10 =	sadd.s32 $0xF600, s9;
	s9 =	sadd.s32 $0x3200, s9;
	_ =	swait.ge [sflag:s7], $0x180  }
0x10: {  	s12 =	simm.s32 $0x1;
	s9 =	smov.u32 @p0 s10;
	[sflag:s7] =	ssyncset.done $0x0  }
0x11: {  	s10 =	simm.s32 $0x80;
	s11 =	simm.s32 $0x180;
	[sflag:s7] =	ssyncadd.s32 $0xFFFFFE80  }
0x12: {  	[tilespmem:s11], [sflag:$0x1] =	stream.indirect.gather [hbm4b:s9+s10], $0x20, s10, s10, $0xb8;
	[tilespmem:$0x1180] =	vst v63  }
0x13: {  	_ =	swait.ge [sflag:s12], $0x1000  }
0x14: {  	[sflag:s12] =	ssyncset.done $0x0  }
0x15: {  	s13 =	simm.s32 $0x2;
	[sflag:s12] =	ssyncadd.s32 $0xFFFFF000  }
0x16: {  	[hbm4b:s4+s10] =	stream.indirect.scatter [tilespmem:s11], [sflag:$0x2], $0x20, s2, s10, $0xb8;
	[tilespmem:$0x1180] =	vst v63  }
0x17: {  	_ =	swait.ge [sflag:s13], $0x1000  }
0x18: {  	[sflag:s13] =	ssyncset.done $0x0  }
0x19: {  	s14 =	sadd.s32 $0x30, s8;
	[sflag:s13] =	ssyncadd.s32 $0xFFFFF000  }
0x1a: {  	[tilespmem:s2], [sflag:$0x3] =	stream.linear.gather [hbm4b:s14+s2], $0x180, $0x38;
	[tilespmem:$0x1180] =	vst v63  }
0x1b: {  	_ =	swait.ge [sflag:s7], $0x180  }
0x1c: {  	[sflag:s7] =	ssyncset.done $0x0  }
0x1d: {  	[sflag:s7] =	ssyncadd.s32 $0xFFFFFE80  }
0x1e: {  	[tilespmem:s11], [sflag:$0x1] =	stream.indirect.gather [hbm4b:s9+s10], $0x20, s10, s10, $0xb8;
	[tilespmem:$0x1180] =	vst v63  }
0x1f: {  	_ =	swait.ge [sflag:s12], $0x1000  }
0x20: {  	[sflag:s12] =	ssyncset.done $0x0  }
0x21: {  	[sflag:s12] =	ssyncadd.s32 $0xFFFFF000  }
0x22: {  	[hbm4b:s4+s10] =	stream.indirect.scatter [tilespmem:s11], [sflag:$0x2], $0x20, s2, s10, $0xb8;
	[tilespmem:$0x1180] =	vst v63  }
0x23: {  	_ =	swait.ge [sflag:s13], $0x1000  }
0x24: {  	[sflag:s13] =	ssyncset.done $0x0  }
0x25: {  	s15 =	sadd.s32 $0x60, s8;
	[sflag:s13] =	ssyncadd.s32 $0xFFFFF000  }
0x26: {  	[tilespmem:s2], [sflag:$0x3] =	stream.linear.gather [hbm4b:s15+s2], $0x180, $0x38;
	[tilespmem:$0x1180] =	vst v63  }
0x27: {  	_ =	swait.ge [sflag:s7], $0x180  }
0x28: {  	[sflag:s7] =	ssyncset.done $0x0  }
0x29: {  	[sflag:s7] =	ssyncadd.s32 $0xFFFFFE80  }
0x2a: {  	[tilespmem:s11], [sflag:$0x1] =	stream.indirect.gather [hbm4b:s9+s10], $0x20, s10, s10, $0xb8;
	[tilespmem:$0x1180] =	vst v63  }
0x2b: {  	_ =	swait.ge [sflag:s12], $0x1000  }
0x2c: {  	[sflag:s12] =	ssyncset.done $0x0  }
0x2d: {  	[sflag:s12] =	ssyncadd.s32 $0xFFFFF000  }
0x2e: {  	[hbm4b:s4+s10] =	stream.indirect.scatter [tilespmem:s11], [sflag:$0x2], $0x20, s2, s10, $0xb8;
	[tilespmem:$0x1180] =	vst v63  }
0x2f: {  	_ =	swait.ge [sflag:s13], $0x1000  }
0x30: {  	[sflag:s13] =	ssyncset.done $0x0  }
0x31: {  	s16 =	sadd.s32 $0x90, s8;
	[sflag:s13] =	ssyncadd.s32 $0xFFFFF000  }
0x32: {  	[tilespmem:s2], [sflag:$0x3] =	stream.linear.gather [hbm4b:s16+s2], $0x180, $0x38;
	[tilespmem:$0x1180] =	vst v63  }
0x33: {  	_ =	swait.ge [sflag:s7], $0x180  }
0x34: {  	[sflag:s7] =	ssyncset.done $0x0  }
0x35: {  	[sflag:s7] =	ssyncadd.s32 $0xFFFFFE80  }
0x36: {  	[tilespmem:s11], [sflag:$0x1] =	stream.indirect.gather [hbm4b:s9+s10], $0x20, s10, s10, $0xb8;
	[tilespmem:$0x1180] =	vst v63  }
0x37: {  	_ =	swait.ge [sflag:s12], $0x1000  }
0x38: {  	[sflag:s12] =	ssyncset.done $0x0  }
0x39: {  	[sflag:s12] =	ssyncadd.s32 $0xFFFFF000  }
0x3a: {  	[hbm4b:s4+s10] =	stream.indirect.scatter [tilespmem:s11], [sflag:$0x2], $0x20, s2, s10, $0xb8;
	[tilespmem:$0x1180] =	vst v63  }
0x3b: {  	_ =	swait.ge [sflag:s13], $0x1000  }
0x3c: {  	[sflag:s13] =	ssyncset.done $0x0  }
0x3d: {  	s17 =	sadd.s32 $0xC0, s8;
	[sflag:s13] =	ssyncadd.s32 $0xFFFFF000  }
0x3e: {  	[tilespmem:s2], [sflag:$0x3] =	stream.linear.gather [hbm4b:s17+s2], $0x180, $0x38;
	[tilespmem:$0x1180] =	vst v63  }
0x3f: {  	_ =	swait.ge [sflag:s7], $0x180  }
0x40: {  	[sflag:s7] =	ssyncset.done $0x0  }
0x41: {  	[sflag:s7] =	ssyncadd.s32 $0xFFFFFE80  }
0x42: {  	[tilespmem:s11], [sflag:$0x1] =	stream.indirect.gather [hbm4b:s9+s10], $0x20, s10, s10, $0xb8;
	[tilespmem:$0x1180] =	vst v63  }
0x43: {  	_ =	swait.ge [sflag:s12], $0x1000  }
0x44: {  	[sflag:s12] =	ssyncset.done $0x0  }
0x45: {  	[sflag:s12] =	ssyncadd.s32 $0xFFFFF000  }
0x46: {  	[hbm4b:s4+s10] =	stream.indirect.scatter [tilespmem:s11], [sflag:$0x2], $0x20, s2, s10, $0xb8;
	[tilespmem:$0x1180] =	vst v63  }
0x47: {  	_ =	swait.ge [sflag:s13], $0x1000  }
0x48: {  	[sflag:s13] =	ssyncset.done $0x0  }
0x49: {  	s18 =	sadd.s32 $0xF0, s8;
	[sflag:s13] =	ssyncadd.s32 $0xFFFFF000  }
0x4a: {  	[tilespmem:s2], [sflag:$0x3] =	stream.linear.gather [hbm4b:s18+s2], $0x180, $0x38;
	[tilespmem:$0x1180] =	vst v63  }
0x4b: {  	_ =	swait.ge [sflag:s7], $0x180  }
0x4c: {  	[sflag:s7] =	ssyncset.done $0x0  }
0x4d: {  	[sflag:s7] =	ssyncadd.s32 $0xFFFFFE80  }
0x4e: {  	[tilespmem:s11], [sflag:$0x1] =	stream.indirect.gather [hbm4b:s9+s10], $0x20, s10, s10, $0xb8;
	[tilespmem:$0x1180] =	vst v63  }
0x4f: {  	_ =	swait.ge [sflag:s12], $0x1000  }
0x50: {  	[sflag:s12] =	ssyncset.done $0x0  }
0x51: {  	[sflag:s12] =	ssyncadd.s32 $0xFFFFF000  }
0x52: {  	[hbm4b:s4+s10] =	stream.indirect.scatter [tilespmem:s11], [sflag:$0x2], $0x20, s2, s10, $0xb8;
	[tilespmem:$0x1180] =	vst v63  }
0x53: {  	_ =	swait.ge [sflag:s13], $0x1000  }
0x54: {  	[sflag:s13] =	ssyncset.done $0x0  }
0x55: {  	s20 =	ssub.s32 $0x2, s20;
	s19 =	sadd.s32 $0x120, s8;
	[sflag:s13] =	ssyncadd.s32 $0xFFFFF000  }
0x56: {  	[tilespmem:s2], [sflag:$0x3] =	stream.linear.gather [hbm4b:s19+s2], $0x180, $0x38;
	[tilespmem:$0x1180] =	vst v63  }
0x57: {  	s21 =	sshrl.u32 s20, $0x1;
	_ =	swait.ge [sflag:s7], $0x180  }
0x58: {  	s20 =	ssub.s32 s20, s21;
	[sflag:s7] =	ssyncset.done $0x0  }
0x59: {  	s20 =	smax.u32 s20, $0x1;
	[sflag:s7] =	ssyncadd.s32 $0xFFFFFE80  }
0x5a: {  	[tilespmem:s11], [sflag:$0x1] =	stream.indirect.gather [hbm4b:s9+s10], $0x20, s10, s10, $0xb8;
	[tilespmem:$0x1180] =	vst v63  }
0x5b: {  	p0 =	sne.s32 s20, $0x1;
	_ =	swait.ge [sflag:s12], $0x1000  }
.Ltmp0:
0x5c: {  	[sflag:s12] =	ssyncset.done $0x0;
	(pc) =	sbr.rel @!p0 .LBB2_2-.Ltmp0, $4  }
0x5d: {  	[sflag:s12] =	ssyncadd.s32 $0xFFFFF000  }
0x5e: {  	[hbm4b:s4+s10] =	stream.indirect.scatter [tilespmem:s11], [sflag:$0x2], $0x20, s2, s10, $0xb8;
	[tilespmem:$0x1180] =	vst v63  }
0x5f: {  	_ =	swait.ge [sflag:s13], $0x1000  }
0x60: {  	s20 =	sadd.s32 $0xFFFFFFFF, s20;
	[sflag:s13] =	ssyncset.done $0x0  }
.LBB2_1:
0x61: {  	p0 =	sne.s32 s20, $0x1;
	s20 =	sadd.s32 $0xFFFFFFFF, s20;
	[sflag:s13] =	ssyncadd.s32 $0xFFFFF000  }
0x62: {  	[hbm:s5], [sflag:s6] =	dma.local [hbm:s3], $0x30E0  }
0x63: {  	_ =	swait.ge [sflag:s7], $0x30E0  }
0x64: {  	[sflag:s7] =	ssyncset.done $0x0  }
0x65: {  	[sflag:s7] =	ssyncadd.s32 $0xFFFFCF20  }
0x66: {  	[bflag:$0x0] =	sbarrier.arrive $0xFFFF  }
0x67: {  	[tilespmem:s2], [sflag:$0x3] =	stream.linear.gather [hbm4b:s8+s2], $0x180, $0x38;
	[tilespmem:$0x1180] =	vst v63  }
0x68: {  	_ =	swait.ge [sflag:s7], $0x180  }
0x69: {  	[sflag:s7] =	ssyncset.done $0x0  }
0x6a: {  	[sflag:s7] =	ssyncadd.s32 $0xFFFFFE80  }
0x6b: {  	[tilespmem:s11], [sflag:$0x1] =	stream.indirect.gather [hbm4b:s9+s10], $0x20, s10, s10, $0xb8;
	[tilespmem:$0x1180] =	vst v63  }
0x6c: {  	_ =	swait.ge [sflag:s12], $0x1000  }
0x6d: {  	[sflag:s12] =	ssyncset.done $0x0  }
0x6e: {  	[sflag:s12] =	ssyncadd.s32 $0xFFFFF000  }
0x6f: {  	[hbm4b:s4+s10] =	stream.indirect.scatter [tilespmem:s11], [sflag:$0x2], $0x20, s2, s10, $0xb8;
	[tilespmem:$0x1180] =	vst v63  }
0x70: {  	_ =	swait.ge [sflag:s13], $0x1000  }
0x71: {  	[sflag:s13] =	ssyncset.done $0x0  }
0x72: {  	[sflag:s13] =	ssyncadd.s32 $0xFFFFF000  }
0x73: {  	[tilespmem:s2], [sflag:$0x3] =	stream.linear.gather [hbm4b:s14+s2], $0x180, $0x38;
	[tilespmem:$0x1180] =	vst v63  }
0x74: {  	_ =	swait.ge [sflag:s7], $0x180  }
0x75: {  	[sflag:s7] =	ssyncset.done $0x0  }
0x76: {  	[sflag:s7] =	ssyncadd.s32 $0xFFFFFE80  }
0x77: {  	[tilespmem:s11], [sflag:$0x1] =	stream.indirect.gather [hbm4b:s9+s10], $0x20, s10, s10, $0xb8;
	[tilespmem:$0x1180] =	vst v63  }
0x78: {  	_ =	swait.ge [sflag:s12], $0x1000  }
0x79: {  	[sflag:s12] =	ssyncset.done $0x0  }
0x7a: {  	[sflag:s12] =	ssyncadd.s32 $0xFFFFF000  }
0x7b: {  	[hbm4b:s4+s10] =	stream.indirect.scatter [tilespmem:s11], [sflag:$0x2], $0x20, s2, s10, $0xb8;
	[tilespmem:$0x1180] =	vst v63  }
0x7c: {  	_ =	swait.ge [sflag:s13], $0x1000  }
0x7d: {  	[sflag:s13] =	ssyncset.done $0x0  }
0x7e: {  	[sflag:s13] =	ssyncadd.s32 $0xFFFFF000  }
0x7f: {  	[tilespmem:s2], [sflag:$0x3] =	stream.linear.gather [hbm4b:s15+s2], $0x180, $0x38;
	[tilespmem:$0x1180] =	vst v63  }
0x80: {  	_ =	swait.ge [sflag:s7], $0x180  }
0x81: {  	[sflag:s7] =	ssyncset.done $0x0  }
0x82: {  	[sflag:s7] =	ssyncadd.s32 $0xFFFFFE80  }
0x83: {  	[tilespmem:s11], [sflag:$0x1] =	stream.indirect.gather [hbm4b:s9+s10], $0x20, s10, s10, $0xb8;
	[tilespmem:$0x1180] =	vst v63  }
0x84: {  	_ =	swait.ge [sflag:s12], $0x1000  }
0x85: {  	[sflag:s12] =	ssyncset.done $0x0  }
0x86: {  	[sflag:s12] =	ssyncadd.s32 $0xFFFFF000  }
0x87: {  	[hbm4b:s4+s10] =	stream.indirect.scatter [tilespmem:s11], [sflag:$0x2], $0x20, s2, s10, $0xb8;
	[tilespmem:$0x1180] =	vst v63  }
0x88: {  	_ =	swait.ge [sflag:s13], $0x1000  }
0x89: {  	[sflag:s13] =	ssyncset.done $0x0  }
0x8a: {  	[sflag:s13] =	ssyncadd.s32 $0xFFFFF000  }
0x8b: {  	[tilespmem:s2], [sflag:$0x3] =	stream.linear.gather [hbm4b:s16+s2], $0x180, $0x38;
	[tilespmem:$0x1180] =	vst v63  }
0x8c: {  	_ =	swait.ge [sflag:s7], $0x180  }
0x8d: {  	[sflag:s7] =	ssyncset.done $0x0  }
0x8e: {  	[sflag:s7] =	ssyncadd.s32 $0xFFFFFE80  }
0x8f: {  	[tilespmem:s11], [sflag:$0x1] =	stream.indirect.gather [hbm4b:s9+s10], $0x20, s10, s10, $0xb8;
	[tilespmem:$0x1180] =	vst v63  }
0x90: {  	_ =	swait.ge [sflag:s12], $0x1000  }
0x91: {  	[sflag:s12] =	ssyncset.done $0x0  }
0x92: {  	[sflag:s12] =	ssyncadd.s32 $0xFFFFF000  }
0x93: {  	[hbm4b:s4+s10] =	stream.indirect.scatter [tilespmem:s11], [sflag:$0x2], $0x20, s2, s10, $0xb8;
	[tilespmem:$0x1180] =	vst v63  }
0x94: {  	_ =	swait.ge [sflag:s13], $0x1000  }
0x95: {  	[sflag:s13] =	ssyncset.done $0x0  }
0x96: {  	[sflag:s13] =	ssyncadd.s32 $0xFFFFF000  }
0x97: {  	[tilespmem:s2], [sflag:$0x3] =	stream.linear.gather [hbm4b:s17+s2], $0x180, $0x38;
	[tilespmem:$0x1180] =	vst v63  }
0x98: {  	_ =	swait.ge [sflag:s7], $0x180  }
0x99: {  	[sflag:s7] =	ssyncset.done $0x0  }
0x9a: {  	[sflag:s7] =	ssyncadd.s32 $0xFFFFFE80  }
0x9b: {  	[tilespmem:s11], [sflag:$0x1] =	stream.indirect.gather [hbm4b:s9+s10], $0x20, s10, s10, $0xb8;
	[tilespmem:$0x1180] =	vst v63  }
0x9c: {  	_ =	swait.ge [sflag:s12], $0x1000  }
0x9d: {  	[sflag:s12] =	ssyncset.done $0x0  }
0x9e: {  	[sflag:s12] =	ssyncadd.s32 $0xFFFFF000  }
0x9f: {  	[hbm4b:s4+s10] =	stream.indirect.scatter [tilespmem:s11], [sflag:$0x2], $0x20, s2, s10, $0xb8;
	[tilespmem:$0x1180] =	vst v63  }
0xa0: {  	_ =	swait.ge [sflag:s13], $0x1000  }
0xa1: {  	[sflag:s13] =	ssyncset.done $0x0  }
0xa2: {  	[sflag:s13] =	ssyncadd.s32 $0xFFFFF000  }
0xa3: {  	[tilespmem:s2], [sflag:$0x3] =	stream.linear.gather [hbm4b:s18+s2], $0x180, $0x38;
	[tilespmem:$0x1180] =	vst v63  }
0xa4: {  	_ =	swait.ge [sflag:s7], $0x180  }
0xa5: {  	[sflag:s7] =	ssyncset.done $0x0  }
0xa6: {  	[sflag:s7] =	ssyncadd.s32 $0xFFFFFE80  }
0xa7: {  	[tilespmem:s11], [sflag:$0x1] =	stream.indirect.gather [hbm4b:s9+s10], $0x20, s10, s10, $0xb8;
	[tilespmem:$0x1180] =	vst v63  }
0xa8: {  	_ =	swait.ge [sflag:s12], $0x1000  }
0xa9: {  	[sflag:s12] =	ssyncset.done $0x0  }
0xaa: {  	[sflag:s12] =	ssyncadd.s32 $0xFFFFF000  }
0xab: {  	[hbm4b:s4+s10] =	stream.indirect.scatter [tilespmem:s11], [sflag:$0x2], $0x20, s2, s10, $0xb8;
	[tilespmem:$0x1180] =	vst v63  }
0xac: {  	_ =	swait.ge [sflag:s13], $0x1000  }
0xad: {  	[sflag:s13] =	ssyncset.done $0x0  }
0xae: {  	[sflag:s13] =	ssyncadd.s32 $0xFFFFF000  }
0xaf: {  	[tilespmem:s2], [sflag:$0x3] =	stream.linear.gather [hbm4b:s19+s2], $0x180, $0x38;
	[tilespmem:$0x1180] =	vst v63  }
0xb0: {  	_ =	swait.ge [sflag:s7], $0x180  }
0xb1: {  	[sflag:s7] =	ssyncset.done $0x0  }
0xb2: {  	[sflag:s7] =	ssyncadd.s32 $0xFFFFFE80  }
0xb3: {  	[tilespmem:s11], [sflag:$0x1] =	stream.indirect.gather [hbm4b:s9+s10], $0x20, s10, s10, $0xb8;
	[tilespmem:$0x1180] =	vst v63  }
0xb4: {  	_ =	swait.ge [sflag:s12], $0x1000  }
.Ltmp1:
0xb5: {  	[sflag:s12] =	ssyncset.done $0x0;
	(pc) =	sbr.rel @p0 .LBB2_1-.Ltmp1, $4  }
0xb6: {  	[sflag:s12] =	ssyncadd.s32 $0xFFFFF000  }
0xb7: {  	[hbm4b:s4+s10] =	stream.indirect.scatter [tilespmem:s11], [sflag:$0x2], $0x20, s2, s10, $0xb8;
	[tilespmem:$0x1180] =	vst v63  }
0xb8: {  	_ =	swait.ge [sflag:s13], $0x1000  }
0xb9: {  	[sflag:s13] =	ssyncset.done $0x0  }
.LBB2_2:
0xba: {  	[sflag:s13] =	ssyncadd.s32 $0xFFFFF000  }
0xbb: {  	_ =	sfence.sel $0x180000  }
0xbc: {  	[bflag:$0x0] =	sbarrier.arrive $0xFFFF  }
0xbd: {  	p0 =	sne.s32 s1, $0x0;
	_ =	strace $0x90000047  }
0xbe: {  	s0 =	sadd.s32 @!p0 $0x100000, s0;
	[bflag:$0x2] =	sbarrier.arrive $0xFFFF  }
0xbf: {  	[sflag:s0] =	ssyncadd.tile.s32 @!p0 $0x1;
	_ =	shalt  }
.Lfunc_end2:
_tile_overlayer_lowered:
.L_overlay_start_2:
0xc0: {  	(tag) =	ssettag $0x2  }
0xc1: {  	s0 =	rddreg [dreg:$0x0];
	s2 =	stileid.u32  }
0xc2: {  	s1 =	rddreg [dreg:$0x1];
	p0 =	sne.s32 s2, $0x0  }
0xc3: {  	s3 =	rddreg [dreg:$0x2];
	[bflag:$0x3] =	sbarrier.arrive $0xFFFF;
	s2 =	simm.s32 @!p0 $0x1C03  }
0xc4: {  	[timem:s3], [sflag:s2] =	dma.local @!p0 [hbm:s0], s1  }
0xc5: {  	s0 =	simm.s32 @!p0 $0x3  }
0xc6: {  	_ =	swait.ge @!p0 [sflag:s0], s1  }
0xc7: {  	s1 =	ssub.s32 @!p0 $0x0, s1;
	[sflag:s0] =	ssyncset.done @!p0 $0x0  }
0xc8: {  	[sflag:s0] =	ssyncadd.s32 @!p0 s1  }
0xc9: {  	[bflag:$0x3] =	sbarrier.arrive $0xFFFF  }
0xca: {  	_ =	shalt  }

// kernel: kernel.9.cloned.1.call-start
scs
__scs_entry_jumppad:
0x0: {  	(pc) =	sbr.rel $0x88, $3  }
0x1: {  	(tag) =	ssettag $0x0;
	lr =	simm.s32 $0x1  }
0x2: {  	[smem:$0x3F9D] =	sst lr;
	_ =	strace $0xD0000000  }
0x3: {  	_ = 	snop  }
0x4: {  	_ = 	snop  }
0x5: {  	_ = 	snop  }
0x6: {  	_ = 	snop  }
0x7: {  	_ = 	snop  }
__scs_overlays_trampoline_lowered:
0x8: {  	[smem:$0x3FAC] =	sst s0  }
0x9: {  	[smem:$0x3FAD] =	sst s1  }
0xa: {  	[smem:$0x3FAE] =	sst s2  }
0xb: {  	[smem:$0x3FAF] =	sst s3  }
0xc: {  	[smem:$0x3FB0] =	sst s4  }
0xd: {  	[smem:$0x3FB1] =	sst s5  }
0xe: {  	[smem:$0x3FB2] =	sst s6  }
0xf: {  	[smem:$0x3FB3] =	sst s7  }
0x10: {  	[smem:$0x3FB4] =	sst s8  }
0x11: {  	[smem:$0x3FB5] =	sst s9;
	s0 =	simm.s32 @!p0 $0x0  }
0x12: {  	s1 =	sld [smem:$0x3F9B];
	s0 =	simm.s32 @p0 $0x1  }
0x13: {  	[smem:$0x3FB6] =	sst s0;
	s0 =	simm.s32 @!p1 $0x0  }
0x14: {  	s2 =	sld [smem:$0x3F9A];
	s0 =	simm.s32 @p1 $0x1  }
0x15: {  	[smem:$0x3FB7] =	sst s0;
	s0 =	simm.s32 @!p2 $0x0  }
0x16: {  	s3 =	sld [smem:$0x3FDB];
	s0 =	simm.s32 @p2 $0x1  }
0x17: {  	s4 =	simm.s32 $0x1BF5;
	[smem:$0x3FB9] =	sst s0  }
0x18: {  	s0 =	sld [smem:$0x3F9C];
	_ =	swait.ge [sflag:s4], $0x0  }
0x19: {  	s7 =	sld [smem:$0x3F9D]  }
0x1a: {  	s8 =	sadd.s32 $0xFFFFE003, lr  }
0x1b: {  	s9 =	sadd.s32 $0xFFFFFEF7, lr;
	s5 =	simm.s32 $0xFFFFFFFF;
	p2 =	slt.u32 s8, $0xFFFFF086  }
0x1c: {  	p1 =	slt.u32 s9, $0xF7A;
	s5 =	simm.s32 @!p2 $0x0  }
0x1d: {  	s5 =	simm.s32 @p1 $0x1;
	p0 =	seq.s32 s7, s2  }
0x1e: {  	s7 =	smul.u32 @!p0 $0xF7A, s2;
	p2 =	seq.s32 @!p0 s5, $0x0  }
0x1f: {  	s9 =	smul.u32 $0xF7A, s1;
	s8 =	simm.s32 @!p0 $0x1BF5;
	p2 =	por !p2, p0  }
0x20: {  	[sflag:s8] =	ssyncset.s32 @!p0 $0xFFFFF086;
	s6 =	sadd.s32 @!p0 s3, s7;
	s7 =	simm.s32 @!p0 $0x108  }
0x21: {  	s3 =	sadd.s32 s3, s9;
	s6 =	sadd.s32 @!p0 $0x88, s6;
	s7 =	simm.s32 @p2 $0x1082  }
0x22: {  	[simem:s7], [sflag:s8] =	dma.local @!p0 [hbm:s6], $0xF7A  }
0x23: {  	s9 =	sor.u32 $0xD0000000, s2;
	s6 =	simm.s32 $0x108;
	_ =	swait.ge @!p0 [sflag:s8], $0x0  }
0x24: {  	s3 =	sadd.s32 $0x88, s3;
	s6 =	simm.s32 @!p1 $0x1082;
	[sflag:s4] =	ssyncset.s32 $0xFFFFF086  }
0x25: {  	[simem:s6], [sflag:s4] =	dma.local [hbm:s3], $0xF7A  }
0x26: {  	[smem:$0x3F9D] =	sst s1;
	(tag) =	ssettag s2;
	_ =	strace s9  }
0x27: {  	s1 =	sld [smem:$0x3FAD]  }
0x28: {  	s2 =	sld [smem:$0x3FAE]  }
0x29: {  	s4 =	sld [smem:$0x3FB0]  }
0x2a: {  	p0 =	seq.s32 s5, $0x0;
	s5 =	sld [smem:$0x3FB1]  }
0x2b: {  	s6 =	sld [smem:$0x3FB2]  }
0x2c: {  	s7 =	sld [smem:$0x3FB3]  }
0x2d: {  	s3 =	simm.s32 $0x108;
	s8 =	sld [smem:$0x3FB4]  }
0x2e: {  	s3 =	simm.s32 @!p0 $0x1082;
	s9 =	sld [smem:$0x3FB5]  }
0x2f: {  	lr =	sadd.s32 s0, s3;
	s0 =	sld [smem:$0x3FAC]  }
0x30: {  	s3 =	sld [smem:$0x3FAF]  }
0x31: {  	[smem:$0x3FB8] =	sst s10  }
0x32: {  	s10 =	sld [smem:$0x3FB6];
	_ =	sdelay $0x3  }
0x33: {  	p0 =	seq.s32 s10, $0x1;
	s10 =	sld [smem:$0x3FB8];
	_ =	sdelay $0x3  }
0x34: {  	[smem:$0x3FB8] =	sst s10  }
0x35: {  	s10 =	sld [smem:$0x3FB7];
	_ =	sdelay $0x3  }
0x36: {  	p1 =	seq.s32 s10, $0x1;
	s10 =	sld [smem:$0x3FB8];
	_ =	sdelay $0x3  }
0x37: {  	[smem:$0x3FB8] =	sst s10  }
0x38: {  	s10 =	sld [smem:$0x3FB9]  }
0x39: {  	_ = 	snop;
	(pc) =	sbr.ind lr, $3  }
0x3a: {  	_ = 	snop  }
0x3b: {  	_ = 	snop  }
0x3c: {  	p2 =	seq.s32 s10, $0x1;
	s10 =	sld [smem:$0x3FB8]  }
0x3d: {  	_ =	shalt  }
0x3e: {  	_ =	shalt  }
0x3f: {  	_ =	shalt  }
0x40: {  	_ =	shalt  }
0x41: {  	_ =	shalt  }
0x42: {  	_ =	shalt  }
0x43: {  	_ =	shalt  }
0x44: {  	_ =	shalt  }
0x45: {  	_ =	shalt  }
0x46: {  	_ =	shalt  }
0x47: {  	_ =	shalt  }
0x48: {  	_ =	shalt  }
0x49: {  	_ =	shalt  }
0x4a: {  	_ =	shalt  }
0x4b: {  	_ =	shalt  }
0x4c: {  	_ =	shalt  }
0x4d: {  	_ =	shalt  }
0x4e: {  	_ =	shalt  }
0x4f: {  	_ =	shalt  }
0x50: {  	_ =	shalt  }
0x51: {  	_ =	shalt  }
0x52: {  	_ =	shalt  }
0x53: {  	_ =	shalt  }
0x54: {  	_ =	shalt  }
0x55: {  	_ =	shalt  }
0x56: {  	_ =	shalt  }
0x57: {  	_ =	shalt  }
0x58: {  	_ =	shalt  }
0x59: {  	_ =	shalt  }
0x5a: {  	_ =	shalt  }
0x5b: {  	_ =	shalt  }
0x5c: {  	_ =	shalt  }
0x5d: {  	_ =	shalt  }
0x5e: {  	_ =	shalt  }
0x5f: {  	_ =	shalt  }
0x60: {  	_ =	shalt  }
0x61: {  	_ =	shalt  }
0x62: {  	_ =	shalt  }
0x63: {  	_ =	shalt  }
0x64: {  	_ =	shalt  }
0x65: {  	_ =	shalt  }
0x66: {  	_ =	shalt  }
0x67: {  	_ =	shalt  }
0x68: {  	_ =	shalt  }
0x69: {  	_ =	shalt  }
0x6a: {  	_ =	shalt  }
0x6b: {  	_ =	shalt  }
0x6c: {  	_ =	shalt  }
0x6d: {  	_ =	shalt  }
0x6e: {  	_ =	shalt  }
0x6f: {  	_ =	shalt  }
0x70: {  	_ =	shalt  }
0x71: {  	_ =	shalt  }
0x72: {  	_ =	shalt  }
0x73: {  	_ =	shalt  }
0x74: {  	_ =	shalt  }
0x75: {  	_ =	shalt  }
0x76: {  	_ =	shalt  }
0x77: {  	_ =	shalt  }
0x78: {  	_ =	shalt  }
0x79: {  	_ =	shalt  }
0x7a: {  	_ =	shalt  }
0x7b: {  	_ =	shalt  }
0x7c: {  	_ =	shalt  }
0x7d: {  	_ =	shalt  }
0x7e: {  	_ =	shalt  }
0x7f: {  	_ =	shalt  }
0x80: {  	_ =	shalt  }
0x81: {  	_ =	shalt  }
0x82: {  	_ =	shalt  }
0x83: {  	_ =	shalt  }
0x84: {  	_ =	shalt  }
0x85: {  	_ =	shalt  }
0x86: {  	_ =	shalt  }
0x87: {  	_ =	shalt  }
.Lfunc_end0:
.L_simem_size_0:
called_computation.1_lowered:
.L_overlay_start_0:
0x88: {  	s2 =	sld [smem:$0x3FD9]  }
0x89: {  	s3 =	sld [smem:$0x3FFE];
	_ =	sdelay $0x1  }
0x8a: {  	s1 =	srdreg.scid  }
0x8b: {  	s0 =	sand.u32 $0x1, s1  }
0x8c: {  	s17 =	sshll.u32 s0, $0xA;
	s2 =	sadd.s32 s3, s2  }
0x8d: {  	s2 =	sadd.s32 s2, s17  }
0x8e: {  	[smem:$0x3FC4] =	sst s2  }
0x8f: {  	_ = 	snop  }
0x90: {  	s2 =	sld [smem:$0x3FD0];
	(tm) =	ssettm $0x1  }
0x91: {  	s18 =	sld [smem:$0x3FFB];
	_ =	sdelay $0x3  }
0x92: {  	_ =	strace s18  }
0x93: {  	s3 =	sld [smem:$0x3FFC];
	_ =	sdelay $0x3  }
0x94: {  	_ =	strace s3  }
0x95: {  	s3 =	sld [smem:$0x3FFD];
	_ =	sdelay $0x3  }
0x96: {  	_ =	strace s3  }
0x97: {  	_ =	strace $0x8FFFFFFF  }
0x98: {  	s19 =	sld [smem:$0x3FDB];
	_ =	sdelay $0x1  }
0x99: {  	s4 =	simm.s32 $_scs_section_size  }
0x9a: {  	s5 =	simm.s32 $_size__tile_overlayer_lowered;
	s6 =	simm.s32 $_tile_overlayer_lowered  }
0x9b: {  	s22 =	simm.s32 $0x1BFF;
	s21 =	sshll.u32 s6, $0x1;
	s3 =	sadd.s32 s4, s19  }
0x9c: {  	s7 =	simm.s32 $0x0;
	s20 =	sshll.u32 s5, $0x1;
	s5 =	sadd.s32 s21, s3  }
0x9d: {  	[timem:s7], [sflag:s22] =	dma.local [hbm:s5], s20  }
0x9e: {  	_ =	swait.ge [sflag:s22], s20  }
0x9f: {  	s4 =	ssub.s32 $0x0, s20;
	[sflag:s22] =	ssyncset.done $0x0  }
0xa0: {  	[sflag:s22] =	ssyncadd.s32 s4;
	_ =	sdelay $0x1  }
0xa1: {  	s23 =	simm.s32 $0x1B8B  }
0xa2: {  	_ =	swait.ge [sflag:s23], $0x1  }
0xa3: {  	[sflag:s23] =	ssyncset.done $0x0  }
0xa4: {  	s25 =	simm.s32 $0x1B8E;
	s24 =	sld [smem:$0x3FFE];
	[sflag:s23] =	ssyncadd.s32 $0xFFFFFFFF  }
0xa5: {  	s26 =	simm.s32 $execute0_lowered;
	[smem:$0x3FD2] =	sst s25  }
0xa6: {  	s5 =	sshll.u32 s26, $0x1;
	_ =	strace $0x80000049;
	[dreg:$0x1] =	wrdreg $0xFFFFFFFF  }
0xa7: {  	s28 =	simm.s32 $_size_execute0_lowered;
	s3 =	sadd.s32 s3, s5;
	[dreg:$0x0] =	wrdreg $0x0  }
0xa8: {  	s5 =	sshll.u32 s28, $0x1;
	[dreg:$0x2] =	wrdreg s3  }
0xa9: {  	[dreg:$0x3] =	wrdreg s5  }
0xaa: {  	[dreg:$0x4] =	wrdreg $0xC0  }
0xab: {  	_ =	task [dreg:s7], $0x5FFFF  }
0xac: {  	[dreg:$0x1] =	wrdreg $0xFFFFFFFF  }
0xad: {  	[dreg:$0x0] =	wrdreg $0x60  }
0xae: {  	[dreg:$0x2] =	wrdreg s2  }
0xaf: {  	[dreg:$0x3] =	wrdreg s24  }
0xb0: {  	[dreg:$0x4] =	wrdreg $0x0  }
0xb1: {  	[dreg:$0x5] =	wrdreg $0x187000  }
0xb2: {  	[dreg:$0x6] =	wrdreg $0x9  }
0xb3: {  	_ =	task.clear_ibuf [dreg:s7], $0x7FFFF;
	_ =	strace $0x90000049  }
0xb4: {  	s29 =	simm.s32 $0x9;
	_ =	strace $0x8000004B  }
0xb5: {  	_ =	swait.ge [sflag:s29], $0x1  }
0xb6: {  	[sflag:s29] =	ssyncadd.s32 $0xFFFFFFFF  }
0xb7: {  	_ =	strace $0x9000004B  }
0xb8: {  	_ =	sfence  }
0xb9: {  	s30 =	sld [smem:$0x0];
	_ =	sdelay $0x2  }
0xba: {  	s31 =	sshll.u32 s1, $0xD;
	s1 =	sshrl.u32 s1, $0x2  }
0xbb: {  	s3 =	sand.u32 $0x4000, s31;
	s1 =	sadd.s32 s1, s30  }
0xbc: {  	s0 =	sor.u32 s3, s0;
	s1 =	sshll.u32 s1, $0x11  }
0xbd: {  	s0 =	sor.u32 s1, s0  }
0xbe: {  	s0 =	sadd.s32 $0x8F2B, s0  }
0xbf: {  	[sflag:s0] =	ssyncadd.remote.s32 $0x1  }
0xc0: {  	_ =	sfence.sel $0xFFFF  }
0xc1: {  	[dreg:$0x0] =	wrdreg $0xFFFFFFFF;
	(pc) =	sbr.abs _section_cstart, $3  }
0xc2: {  	[dreg:$0x1] =	wrdreg $0xFFFFFFFF  }
0xc3: {  	_ =	task.clear_ibuf [dreg:s7], $0x2FFFF;
	_ =	strace $0x9FFFFFFF  }
0xc4: {  	(tm) =	ssettm $0x7FFFFFFF  }
0xc5: {  	_ =	shalt  }
tec
execute0_lowered:
.L_overlay_start_1:
0x0: {  	(tag) =	ssettag $0x1  }
0x1: {  	s1 =	rddreg [dreg:$0x0]  }
0x2: {  	s0 =	rddreg [dreg:$0x1]  }
0x3: {  	s3 =	rddreg [dreg:$0x2]  }
0x4: {  	s4 =	rddreg [dreg:$0x3];
	s5 =	simm.s32 $0x0  }
0x5: {  	s14 =	stileid.u32;
	s15 =	srdreg.scid;
	s28 =	simm.s32 $0x80  }
0x6: {  	s29 =	simm.s32 $0x19738;
	s30 =	simm.s32 $0x193B8;
	s31 =	simm.s32 $0x1A738  }
0x7: {  	[smem:$0x7FF] =	sst s5;
	s2 =	smul.u32 $0x1840, s14;
	s6 =	sadd.s32 $0xA00, s0  }
0x8: {  	s7 =	sadd.s32 $0x2CB200, s0;
	s8 =	sadd.s32 $0x2400, s0;
	s9 =	sadd.s32 $0x1BA00, s0  }
0x9: {  	s13 =	sadd.s32 $0x3E00, s0;
	_ =	strace $0x8000004A;
	[dreg:$0x5] =	wrdreg s9  }
0xa: {  	s10 =	sadd.s32 $0x4FA00, s0;
	s16 =	sadd.s32 $0x4000, s0;
	[dreg:$0x6] =	wrdreg s13  }
0xb: {  	s17 =	sadd.s32 $0x1EC00, s0;
	s11 =	smul.u32 $0x18700, s14;
	[dreg:$0x7] =	wrdreg s10  }
0xc: {  	s12 =	smul.u32 $0xC38, s14;
	s22 =	smin.u32 s14, $0xC;
	[dreg:$0x8] =	wrdreg s16  }
0xd: {  	p0 =	slt.u32 s14, $0xC;
	s9 =	sand.u32 $0x1, s15;
	[dreg:$0x9] =	wrdreg s17  }
0xe: {  	s13 =	sshll.u32 s14, $0x6;
	s14 =	simm.s32 $0x62;
	s10 =	simm.s32 $0x1D8B8  }
0xf: {  	s16 =	simm.s32 $0x1;
	s2 =	sadd.s32 s2, s0;
	s18 =	ssub.s32 $0x2, s9  }
0x10: {  	s0 =	sadd.s32 $0x5A00, s0;
	s20 =	sadd.s32 s11, s3;
	s17 =	sor.u32 $0x1C03, s13  }
0x11: {  	s21 =	sadd.s32 s12, s4;
	s13 =	sshll.u32 s22, $0x6;
	[dreg:$0xa] =	wrdreg s0  }
0x12: {  	s14 =	simm.s32 @!p0 $0x61;
	s11 =	sshrl.u32 s11, $0x3;
	[dreg:$0xc] =	wrdreg s21  }
0x13: {  	s23 =	sshrl.u32 s12, $0x3;
	p0 =	sne.s32 s9, $0x0;
	[dreg:$0xd] =	wrdreg s14  }
0x14: {  	s12 =	simm.s32 $0x1C738;
	s9 =	simm.s32 $0x1D838;
	[dreg:$0xe] =	wrdreg s11  }
0x15: {  	s19 =	sshrl.u32 s18, $0x1;
	s2 =	sadd.s32 s13, s2;
	[dreg:$0xf] =	wrdreg s23  }
0x16: {  	s26 =	sshrl.u32 s20, $0x3;
	s11 =	simm.s32 $0x194B8;
	s13 =	simm.s32 $0x1D738  }
0x17: {  	s14 =	simm.s32 $0x1D7B8;
	s20 =	simm.s32 $0x196B8;
	s23 =	simm.s32 $0x2  }
0x18: {  	s21 =	simm.s32 $0x0;
	[dreg:$0xb] =	wrdreg s17;
	s24 =	sadd.s32 $0x113200, s2  }
.Ltmp0:
0x19: {  	s0 =	ssub.s32 s18, s19;
	s25 =	sadd.s32 $0x12BA00, s2;
	(pc) =	sbr.rel .LBB2_1-.Ltmp0, $4  }
0x1a: {  	[dreg:$0x13] =	wrdreg s26;
	s26 =	simm.s32 $0x19538;
	s2 =	simm.s32 $0x1B738  }
0x1b: {  	s18 =	simm.s32 $0x195B8;
	s19 =	simm.s32 $0x19638;
	[dreg:$0x11] =	wrdreg s24  }
0x1c: {  	s0 =	smax.u32 s0, $0x1;
	[dreg:$0x12] =	wrdreg s25;
	s24 =	simm.s32 $0x3  }
0x1d: {  	s25 =	simm.s32 $0x19338;
	[dreg:$0x10] =	wrdreg s0;
	s0 =	simm.s32 $0x19438  }
.LBB2_7:
0x1e: {  	s17 =	rddreg [dreg:$0x9]  }
0x1f: {  	s15 =	rddreg [dreg:$0xa]  }
0x20: {  	s21 =	rddreg [dreg:$0x14]  }
0x21: {  	[sflag:s23] =	ssyncadd.s32 $0xFFFFFF80;
	[dreg:$0x16] =	wrdreg s15  }
.LBB2_8:
0x22: {  	s22 =	rddreg [dreg:$0xe];
	[bflag:$0x0] =	sbarrier.arrive $0xFFFF  }
0x23: {  	s17 =	sadd.s32 s17, s22;
	s22 =	rddreg [dreg:$0xb]  }
0x24: {  	s15 =	rddreg [dreg:$0x13]  }
0x25: {  	[hbm:s17], [sflag:s22] =	dma.local [spmem:s15], $0x30E0  }
0x26: {  	_ =	swait.ge [sflag:s24], $0x30E0  }
0x27: {  	s17 =	smov.u32 s22;
	s22 =	rddreg [dreg:$0xf]  }
0x28: {  	[sflag:s24] =	ssyncset.done $0x0;
	s15 =	rddreg [dreg:$0x16]  }
0x29: {  	s15 =	sadd.s32 s15, s22;
	[sflag:s24] =	ssyncadd.s32 $0xFFFFCF20;
	s22 =	rddreg [dreg:$0x15]  }
0x2a: {  	[hbm:s15], [sflag:s17] =	dma.local [spmem:s22], $0x187  }
0x2b: {  	_ =	swait.ge [sflag:s24], $0x187  }
0x2c: {  	s21 =	sadd.s32 $0x1, s21;
	s22 =	rddreg [dreg:$0x10]  }
0x2d: {  	p1 =	sne.s32 s21, s22  }
.Ltmp1:
0x2e: {  	_ = 	snop;
	(pc) =	sbr.rel @!p1 .LBB2_9-.Ltmp1, $3  }
0x2f: {  	_ =	sdelay $0x1  }
0x30: {  	[sflag:s24] =	ssyncset.done $0x0  }
0x31: {  	[sflag:s24] =	ssyncadd.s32 $0xFFFFFE79  }
.LBB2_1:
0x32: {  	[dreg:$0x14] =	wrdreg s21  }
0x33: {  	s15 =	rddreg [dreg:$0x5]  }
0x34: {  	s22 =	rddreg [dreg:$0x13]  }
0x35: {  	[spmem:s22], [sflag:s17] =	dma.local [hbm:s15], $0x30E0  }
0x36: {  	_ =	swait.ge [sflag:s24], $0x30E0  }
0x37: {  	s22 =	rddreg [dreg:$0xc]  }
0x38: {  	[sflag:s24] =	ssyncset.done $0x0;
	s15 =	sshrl.u32 s22, $0x3;
	s22 =	rddreg [dreg:$0x6]  }
0x39: {  	[sflag:s24] =	ssyncadd.s32 $0xFFFFCF20;
	[dreg:$0x15] =	wrdreg s15  }
0x3a: {  	[spmem:s15], [sflag:s17] =	dma.local [hbm:s22], $0x187  }
.Ltmp2:
0x3b: {  	_ =	swait.ge [sflag:s24], $0x187;
	(pc) =	sbr.rel @p0 .LBB2_5-.Ltmp2, $3  }
0x3c: {  	[sflag:s24] =	ssyncset.done $0x0  }
0x3d: {  	[sflag:s24] =	ssyncadd.s32 $0xFFFFFE79  }
0x3e: {  	[bflag:$0x0] =	sbarrier.arrive $0xFFFF;
	_ =	sdelay $0x1  }
0x3f: {  	s21 =	rddreg [dreg:$0x12]  }
0x40: {  	[tilespmem:s25], [sflag:$0x3] =	stream.linear.gather [hbm4b:s21+s5], $0x200, $0x38;
	[tilespmem:$0x1D938] =	vst v63  }
0x41: {  	_ =	swait.ge [sflag:s24], $0x200  }
0x42: {  	[sflag:s24] =	ssyncset.done $0x0  }
0x43: {  	s22 =	rddreg [dreg:$0x11];
	[sflag:s24] =	ssyncadd.s32 $0xFFFFFE00  }
0x44: {  	[tilespmem:s26], [sflag:$0x3] =	stream.linear.gather [hbm4b:s22+s5], $0x200, $0x38;
	[tilespmem:$0x1D938] =	vst v63  }
0x45: {  	_ =	swait.ge [sflag:s24], $0x200  }
0x46: {  	[sflag:s24] =	ssyncset.done $0x0  }
0x47: {  	[sflag:s24] =	ssyncadd.s32 $0xFFFFFE00  }
0x48: {  	[tilespmem:s29], [sflag:$0x1] =	stream.indirect.gather [hbm4b:s1+s28], $0x20, s25, s28, $0xb8;
	[tilespmem:$0x1D938] =	vst v63  }
0x49: {  	_ = 	snop  }
0x4a: {  	[tilespmem:s31], [sflag:$0x1] =	stream.indirect.gather [hbm4b:s1+s28], $0x20, s30, s28, $0xb8;
	[tilespmem:$0x1D938] =	vst v63  }
0x4b: {  	_ = 	snop  }
0x4c: {  	[tilespmem:s2], [sflag:$0x1] =	stream.indirect.gather [hbm4b:s1+s28], $0x20, s0, s28, $0xb8;
	[tilespmem:$0x1D938] =	vst v63  }
0x4d: {  	_ = 	snop  }
0x4e: {  	[tilespmem:s12], [sflag:$0x1] =	stream.indirect.gather [hbm4b:s1+s28], $0x20, s11, s28, $0xb8;
	[tilespmem:$0x1D938] =	vst v63  }
0x4f: {  	_ = 	snop  }
0x50: {  	[tilespmem:s13], [sflag:$0x1] =	stream.indirect.gather [hbm4b:s6+s28], $0x1, s25, s28, $0xb8;
	[tilespmem:$0x1D938] =	vst v63  }
0x51: {  	_ = 	snop  }
0x52: {  	[tilespmem:s14], [sflag:$0x1] =	stream.indirect.gather [hbm4b:s6+s28], $0x1, s30, s28, $0xb8;
	[tilespmem:$0x1D938] =	vst v63  }
0x53: {  	_ = 	snop  }
0x54: {  	[tilespmem:s9], [sflag:$0x1] =	stream.indirect.gather [hbm4b:s6+s28], $0x1, s0, s28, $0xb8;
	[tilespmem:$0x1D938] =	vst v63  }
0x55: {  	_ = 	snop  }
0x56: {  	[tilespmem:s10], [sflag:$0x1] =	stream.indirect.gather [hbm4b:s6+s28], $0x1, s11, s28, $0xb8;
	[tilespmem:$0x1D938] =	vst v63  }
0x57: {  	_ =	swait.ge [sflag:s16], $0x1000  }
0x58: {  	[sflag:s16] =	ssyncset.done $0x0  }
0x59: {  	[sflag:s16] =	ssyncadd.s32 $0xFFFFF000  }
0x5a: {  	_ =	swait.ge [sflag:s16], $0x1000  }
0x5b: {  	[sflag:s16] =	ssyncset.done $0x0  }
0x5c: {  	[sflag:s16] =	ssyncadd.s32 $0xFFFFF000  }
0x5d: {  	_ =	swait.ge [sflag:s16], $0x1000  }
0x5e: {  	[sflag:s16] =	ssyncset.done $0x0  }
0x5f: {  	[sflag:s16] =	ssyncadd.s32 $0xFFFFF000  }
0x60: {  	_ =	swait.ge [sflag:s16], $0x1000  }
0x61: {  	[sflag:s16] =	ssyncset.done $0x0  }
0x62: {  	[sflag:s16] =	ssyncadd.s32 $0xFFFFF000  }
0x63: {  	_ =	swait.ge [sflag:s16], $0x80  }
0x64: {  	[sflag:s16] =	ssyncset.done $0x0  }
0x65: {  	[sflag:s16] =	ssyncadd.s32 $0xFFFFFF80  }
0x66: {  	_ =	swait.ge [sflag:s16], $0x80  }
0x67: {  	[sflag:s16] =	ssyncset.done $0x0  }
0x68: {  	[sflag:s16] =	ssyncadd.s32 $0xFFFFFF80  }
0x69: {  	_ =	swait.ge [sflag:s16], $0x80  }
0x6a: {  	[sflag:s16] =	ssyncset.done $0x0  }
0x6b: {  	[sflag:s16] =	ssyncadd.s32 $0xFFFFFF80  }
0x6c: {  	_ =	swait.ge [sflag:s16], $0x80  }
0x6d: {  	[sflag:s16] =	ssyncset.done $0x0  }
0x6e: {  	[sflag:s16] =	ssyncadd.s32 $0xFFFFFF80  }
0x6f: {  	[spmem:s3] =	stream.indirect.scatter.add.f32 [tilespmem:s29], [sflag:$0x2], $0x20, s26, s28, $0xb8;
	[tilespmem:$0x1D938] =	vst v63  }
0x70: {  	_ = 	snop  }
0x71: {  	[spmem:s3] =	stream.indirect.scatter.add.f32 [tilespmem:s31], [sflag:$0x2], $0x20, s18, s28, $0xb8;
	[tilespmem:$0x1D938] =	vst v63  }
0x72: {  	_ = 	snop  }
0x73: {  	[spmem:s3] =	stream.indirect.scatter.add.f32 [tilespmem:s2], [sflag:$0x2], $0x20, s19, s28, $0xb8;
	[tilespmem:$0x1D938] =	vst v63  }
0x74: {  	_ = 	snop  }
0x75: {  	[spmem:s3] =	stream.indirect.scatter.add.f32 [tilespmem:s12], [sflag:$0x2], $0x20, s20, s28, $0xb8;
	[tilespmem:$0x1D938] =	vst v63  }
0x76: {  	_ = 	snop  }
0x77: {  	[spmem:s4] =	stream.indirect.scatter.add.f32 [tilespmem:s13], [sflag:$0x2], $0x1, s26, s28, $0xb8;
	[tilespmem:$0x1D938] =	vst v63  }
0x78: {  	_ = 	snop  }
0x79: {  	[spmem:s4] =	stream.indirect.scatter.add.f32 [tilespmem:s14], [sflag:$0x2], $0x1, s18, s28, $0xb8;
	[tilespmem:$0x1D938] =	vst v63  }
0x7a: {  	_ = 	snop  }
0x7b: {  	[spmem:s4] =	stream.indirect.scatter.add.f32 [tilespmem:s9], [sflag:$0x2], $0x1, s19, s28, $0xb8;
	[tilespmem:$0x1D938] =	vst v63  }
0x7c: {  	_ = 	snop  }
0x7d: {  	[spmem:s4] =	stream.indirect.scatter.add.f32 [tilespmem:s10], [sflag:$0x2], $0x1, s20, s28, $0xb8;
	[tilespmem:$0x1D938] =	vst v63  }
0x7e: {  	_ =	swait.ge [sflag:s23], $0x1000  }
0x7f: {  	[sflag:s23] =	ssyncset.done $0x0  }
0x80: {  	[sflag:s23] =	ssyncadd.s32 $0xFFFFF000  }
0x81: {  	_ =	swait.ge [sflag:s23], $0x1000  }
0x82: {  	[sflag:s23] =	ssyncset.done $0x0  }
0x83: {  	[sflag:s23] =	ssyncadd.s32 $0xFFFFF000  }
0x84: {  	_ =	swait.ge [sflag:s23], $0x1000  }
0x85: {  	[sflag:s23] =	ssyncset.done $0x0  }
0x86: {  	[sflag:s23] =	ssyncadd.s32 $0xFFFFF000  }
0x87: {  	_ =	swait.ge [sflag:s23], $0x1000  }
0x88: {  	[sflag:s23] =	ssyncset.done $0x0  }
0x89: {  	[sflag:s23] =	ssyncadd.s32 $0xFFFFF000  }
0x8a: {  	_ =	swait.ge [sflag:s23], $0x80  }
0x8b: {  	[sflag:s23] =	ssyncset.done $0x0  }
0x8c: {  	[sflag:s23] =	ssyncadd.s32 $0xFFFFFF80  }
0x8d: {  	_ =	swait.ge [sflag:s23], $0x80  }
0x8e: {  	[sflag:s23] =	ssyncset.done $0x0  }
0x8f: {  	[sflag:s23] =	ssyncadd.s32 $0xFFFFFF80  }
0x90: {  	_ =	swait.ge [sflag:s23], $0x80  }
0x91: {  	s15 =	rddreg [dreg:$0xd]  }
0x92: {  	p1 =	seq.s32 s15, $0x1  }
.Ltmp3:
0x93: {  	_ = 	snop;
	(pc) =	sbr.rel @p1 .LBB2_4-.Ltmp3, $4  }
0x94: {  	[sflag:s23] =	ssyncset.done $0x0  }
0x95: {  	[sflag:s23] =	ssyncadd.s32 $0xFFFFFF80  }
0x96: {  	_ =	swait.ge [sflag:s23], $0x80  }
0x97: {  	s17 =	sadd.s32 $0xFFFFFFFF, s15;
	[sflag:s23] =	ssyncset.done $0x0  }
.LBB2_3:
0x98: {  	[sflag:s23] =	ssyncadd.s32 $0xFFFFFF80;
	s22 =	sadd.s32 $0x40, s22;
	s21 =	sadd.s32 $0x40, s21  }
0x99: {  	[tilespmem:s25], [sflag:$0x3] =	stream.linear.gather [hbm4b:s21+s5], $0x200, $0x38;
	[tilespmem:$0x1D938] =	vst v63  }
0x9a: {  	p1 =	seq.s32 s17, $0x1;
	s17 =	sadd.s32 $0xFFFFFFFF, s17;
	_ =	swait.ge [sflag:s24], $0x200  }
0x9b: {  	[sflag:s24] =	ssyncset.done $0x0  }
0x9c: {  	[sflag:s24] =	ssyncadd.s32 $0xFFFFFE00  }
0x9d: {  	[tilespmem:s26], [sflag:$0x3] =	stream.linear.gather [hbm4b:s22+s5], $0x200, $0x38;
	[tilespmem:$0x1D938] =	vst v63  }
0x9e: {  	_ =	swait.ge [sflag:s24], $0x200  }
0x9f: {  	[sflag:s24] =	ssyncset.done $0x0  }
0xa0: {  	[sflag:s24] =	ssyncadd.s32 $0xFFFFFE00  }
0xa1: {  	[tilespmem:s29], [sflag:$0x1] =	stream.indirect.gather [hbm4b:s1+s28], $0x20, s25, s28, $0xb8;
	[tilespmem:$0x1D938] =	vst v63  }
0xa2: {  	_ = 	snop  }
0xa3: {  	[tilespmem:s31], [sflag:$0x1] =	stream.indirect.gather [hbm4b:s1+s28], $0x20, s30, s28, $0xb8;
	[tilespmem:$0x1D938] =	vst v63  }
0xa4: {  	_ = 	snop  }
0xa5: {  	[tilespmem:s2], [sflag:$0x1] =	stream.indirect.gather [hbm4b:s1+s28], $0x20, s0, s28, $0xb8;
	[tilespmem:$0x1D938] =	vst v63  }
0xa6: {  	_ = 	snop  }
0xa7: {  	[tilespmem:s12], [sflag:$0x1] =	stream.indirect.gather [hbm4b:s1+s28], $0x20, s11, s28, $0xb8;
	[tilespmem:$0x1D938] =	vst v63  }
0xa8: {  	_ = 	snop  }
0xa9: {  	[tilespmem:s13], [sflag:$0x1] =	stream.indirect.gather [hbm4b:s6+s28], $0x1, s25, s28, $0xb8;
	[tilespmem:$0x1D938] =	vst v63  }
0xaa: {  	_ = 	snop  }
0xab: {  	[tilespmem:s14], [sflag:$0x1] =	stream.indirect.gather [hbm4b:s6+s28], $0x1, s30, s28, $0xb8;
	[tilespmem:$0x1D938] =	vst v63  }
0xac: {  	_ = 	snop  }
0xad: {  	[tilespmem:s9], [sflag:$0x1] =	stream.indirect.gather [hbm4b:s6+s28], $0x1, s0, s28, $0xb8;
	[tilespmem:$0x1D938] =	vst v63  }
0xae: {  	_ = 	snop  }
0xaf: {  	[tilespmem:s10], [sflag:$0x1] =	stream.indirect.gather [hbm4b:s6+s28], $0x1, s11, s28, $0xb8;
	[tilespmem:$0x1D938] =	vst v63  }
0xb0: {  	_ =	swait.ge [sflag:s16], $0x1000  }
0xb1: {  	[sflag:s16] =	ssyncset.done $0x0  }
0xb2: {  	[sflag:s16] =	ssyncadd.s32 $0xFFFFF000  }
0xb3: {  	_ =	swait.ge [sflag:s16], $0x1000  }
0xb4: {  	[sflag:s16] =	ssyncset.done $0x0  }
0xb5: {  	[sflag:s16] =	ssyncadd.s32 $0xFFFFF000  }
0xb6: {  	_ =	swait.ge [sflag:s16], $0x1000  }
0xb7: {  	[sflag:s16] =	ssyncset.done $0x0  }
0xb8: {  	[sflag:s16] =	ssyncadd.s32 $0xFFFFF000  }
0xb9: {  	_ =	swait.ge [sflag:s16], $0x1000  }
0xba: {  	[sflag:s16] =	ssyncset.done $0x0  }
0xbb: {  	[sflag:s16] =	ssyncadd.s32 $0xFFFFF000  }
0xbc: {  	_ =	swait.ge [sflag:s16], $0x80  }
0xbd: {  	[sflag:s16] =	ssyncset.done $0x0  }
0xbe: {  	[sflag:s16] =	ssyncadd.s32 $0xFFFFFF80  }
0xbf: {  	_ =	swait.ge [sflag:s16], $0x80  }
0xc0: {  	[sflag:s16] =	ssyncset.done $0x0  }
0xc1: {  	[sflag:s16] =	ssyncadd.s32 $0xFFFFFF80  }
0xc2: {  	_ =	swait.ge [sflag:s16], $0x80  }
0xc3: {  	[sflag:s16] =	ssyncset.done $0x0  }
0xc4: {  	[sflag:s16] =	ssyncadd.s32 $0xFFFFFF80  }
0xc5: {  	_ =	swait.ge [sflag:s16], $0x80  }
0xc6: {  	[sflag:s16] =	ssyncset.done $0x0  }
0xc7: {  	[sflag:s16] =	ssyncadd.s32 $0xFFFFFF80  }
0xc8: {  	[spmem:s3] =	stream.indirect.scatter.add.f32 [tilespmem:s29], [sflag:$0x2], $0x20, s26, s28, $0xb8;
	[tilespmem:$0x1D938] =	vst v63  }
0xc9: {  	_ = 	snop  }
0xca: {  	[spmem:s3] =	stream.indirect.scatter.add.f32 [tilespmem:s31], [sflag:$0x2], $0x20, s18, s28, $0xb8;
	[tilespmem:$0x1D938] =	vst v63  }
0xcb: {  	_ = 	snop  }
0xcc: {  	[spmem:s3] =	stream.indirect.scatter.add.f32 [tilespmem:s2], [sflag:$0x2], $0x20, s19, s28, $0xb8;
	[tilespmem:$0x1D938] =	vst v63  }
0xcd: {  	_ = 	snop  }
0xce: {  	[spmem:s3] =	stream.indirect.scatter.add.f32 [tilespmem:s12], [sflag:$0x2], $0x20, s20, s28, $0xb8;
	[tilespmem:$0x1D938] =	vst v63  }
0xcf: {  	_ = 	snop  }
0xd0: {  	[spmem:s4] =	stream.indirect.scatter.add.f32 [tilespmem:s13], [sflag:$0x2], $0x1, s26, s28, $0xb8;
	[tilespmem:$0x1D938] =	vst v63  }
0xd1: {  	_ = 	snop  }
0xd2: {  	[spmem:s4] =	stream.indirect.scatter.add.f32 [tilespmem:s14], [sflag:$0x2], $0x1, s18, s28, $0xb8;
	[tilespmem:$0x1D938] =	vst v63  }
0xd3: {  	_ = 	snop  }
0xd4: {  	[spmem:s4] =	stream.indirect.scatter.add.f32 [tilespmem:s9], [sflag:$0x2], $0x1, s19, s28, $0xb8;
	[tilespmem:$0x1D938] =	vst v63  }
0xd5: {  	_ = 	snop  }
0xd6: {  	[spmem:s4] =	stream.indirect.scatter.add.f32 [tilespmem:s10], [sflag:$0x2], $0x1, s20, s28, $0xb8;
	[tilespmem:$0x1D938] =	vst v63  }
0xd7: {  	_ =	swait.ge [sflag:s23], $0x1000  }
0xd8: {  	[sflag:s23] =	ssyncset.done $0x0  }
0xd9: {  	[sflag:s23] =	ssyncadd.s32 $0xFFFFF000  }
0xda: {  	_ =	swait.ge [sflag:s23], $0x1000  }
0xdb: {  	[sflag:s23] =	ssyncset.done $0x0  }
0xdc: {  	[sflag:s23] =	ssyncadd.s32 $0xFFFFF000  }
0xdd: {  	_ =	swait.ge [sflag:s23], $0x1000  }
0xde: {  	[sflag:s23] =	ssyncset.done $0x0  }
0xdf: {  	[sflag:s23] =	ssyncadd.s32 $0xFFFFF000  }
0xe0: {  	_ =	swait.ge [sflag:s23], $0x1000  }
0xe1: {  	[sflag:s23] =	ssyncset.done $0x0  }
0xe2: {  	[sflag:s23] =	ssyncadd.s32 $0xFFFFF000  }
0xe3: {  	_ =	swait.ge [sflag:s23], $0x80  }
0xe4: {  	[sflag:s23] =	ssyncset.done $0x0  }
0xe5: {  	[sflag:s23] =	ssyncadd.s32 $0xFFFFFF80  }
0xe6: {  	_ =	swait.ge [sflag:s23], $0x80  }
0xe7: {  	[sflag:s23] =	ssyncset.done $0x0  }
0xe8: {  	[sflag:s23] =	ssyncadd.s32 $0xFFFFFF80  }
.Ltmp4:
0xe9: {  	_ =	swait.ge [sflag:s23], $0x80;
	(pc) =	sbr.rel @!p1 .LBB2_3-.Ltmp4, $4  }
0xea: {  	[sflag:s23] =	ssyncset.done $0x0  }
0xeb: {  	[sflag:s23] =	ssyncadd.s32 $0xFFFFFF80  }
0xec: {  	_ =	swait.ge [sflag:s23], $0x80  }
0xed: {  	[sflag:s23] =	ssyncset.done $0x0  }
.LBB2_4:
.Ltmp5:
0xee: {  	(pc) =	sbr.rel .LBB2_8-.Ltmp5, $4  }
0xef: {  	s17 =	rddreg [dreg:$0x7]  }
0xf0: {  	s15 =	rddreg [dreg:$0x8]  }
0xf1: {  	s21 =	rddreg [dreg:$0x14]  }
0xf2: {  	[sflag:s23] =	ssyncadd.s32 $0xFFFFFF80;
	[dreg:$0x16] =	wrdreg s15  }
.LBB2_5:
0xf3: {  	s21 =	rddreg [dreg:$0x12]  }
0xf4: {  	[tilespmem:s25], [sflag:$0x3] =	stream.linear.gather [hbm4b:s21+s5], $0x200, $0x38;
	[tilespmem:$0x1D938] =	vst v63  }
0xf5: {  	_ =	swait.ge [sflag:s24], $0x200  }
0xf6: {  	[sflag:s24] =	ssyncset.done $0x0  }
0xf7: {  	s22 =	rddreg [dreg:$0x11];
	[sflag:s24] =	ssyncadd.s32 $0xFFFFFE00  }
0xf8: {  	[tilespmem:s26], [sflag:$0x3] =	stream.linear.gather [hbm4b:s22+s5], $0x200, $0x38;
	[tilespmem:$0x1D938] =	vst v63  }
0xf9: {  	_ =	swait.ge [sflag:s24], $0x200  }
0xfa: {  	[sflag:s24] =	ssyncset.done $0x0  }
0xfb: {  	[sflag:s24] =	ssyncadd.s32 $0xFFFFFE00  }
0xfc: {  	[tilespmem:s29], [sflag:$0x1] =	stream.indirect.gather [hbm4b:s7+s28], $0x20, s25, s28, $0xb8;
	[tilespmem:$0x1D938] =	vst v63  }
0xfd: {  	_ = 	snop  }
0xfe: {  	[tilespmem:s31], [sflag:$0x1] =	stream.indirect.gather [hbm4b:s7+s28], $0x20, s30, s28, $0xb8;
	[tilespmem:$0x1D938] =	vst v63  }
0xff: {  	_ = 	snop  }
0x100: {  	[tilespmem:s2], [sflag:$0x1] =	stream.indirect.gather [hbm4b:s7+s28], $0x20, s0, s28, $0xb8;
	[tilespmem:$0x1D938] =	vst v63  }
0x101: {  	_ = 	snop  }
0x102: {  	[tilespmem:s12], [sflag:$0x1] =	stream.indirect.gather [hbm4b:s7+s28], $0x20, s11, s28, $0xb8;
	[tilespmem:$0x1D938] =	vst v63  }
0x103: {  	_ = 	snop  }
0x104: {  	[tilespmem:s13], [sflag:$0x1] =	stream.indirect.gather [hbm4b:s8+s28], $0x1, s25, s28, $0xb8;
	[tilespmem:$0x1D938] =	vst v63  }
0x105: {  	_ = 	snop  }
0x106: {  	[tilespmem:s14], [sflag:$0x1] =	stream.indirect.gather [hbm4b:s8+s28], $0x1, s30, s28, $0xb8;
	[tilespmem:$0x1D938] =	vst v63  }
0x107: {  	_ = 	snop  }
0x108: {  	[tilespmem:s9], [sflag:$0x1] =	stream.indirect.gather [hbm4b:s8+s28], $0x1, s0, s28, $0xb8;
	[tilespmem:$0x1D938] =	vst v63  }
0x109: {  	_ = 	snop  }
0x10a: {  	[tilespmem:s10], [sflag:$0x1] =	stream.indirect.gather [hbm4b:s8+s28], $0x1, s11, s28, $0xb8;
	[tilespmem:$0x1D938] =	vst v63  }
0x10b: {  	_ =	swait.ge [sflag:s16], $0x1000  }
0x10c: {  	[sflag:s16] =	ssyncset.done $0x0  }
0x10d: {  	[sflag:s16] =	ssyncadd.s32 $0xFFFFF000  }
0x10e: {  	_ =	swait.ge [sflag:s16], $0x1000  }
0x10f: {  	[sflag:s16] =	ssyncset.done $0x0  }
0x110: {  	[sflag:s16] =	ssyncadd.s32 $0xFFFFF000  }
0x111: {  	_ =	swait.ge [sflag:s16], $0x1000  }
0x112: {  	[sflag:s16] =	ssyncset.done $0x0  }
0x113: {  	[sflag:s16] =	ssyncadd.s32 $0xFFFFF000  }
0x114: {  	_ =	swait.ge [sflag:s16], $0x1000  }
0x115: {  	[sflag:s16] =	ssyncset.done $0x0  }
0x116: {  	[sflag:s16] =	ssyncadd.s32 $0xFFFFF000  }
0x117: {  	_ =	swait.ge [sflag:s16], $0x80  }
0x118: {  	[sflag:s16] =	ssyncset.done $0x0  }
0x119: {  	[sflag:s16] =	ssyncadd.s32 $0xFFFFFF80  }
0x11a: {  	_ =	swait.ge [sflag:s16], $0x80  }
0x11b: {  	[sflag:s16] =	ssyncset.done $0x0  }
0x11c: {  	[sflag:s16] =	ssyncadd.s32 $0xFFFFFF80  }
0x11d: {  	_ =	swait.ge [sflag:s16], $0x80  }
0x11e: {  	[sflag:s16] =	ssyncset.done $0x0  }
0x11f: {  	[sflag:s16] =	ssyncadd.s32 $0xFFFFFF80  }
0x120: {  	_ =	swait.ge [sflag:s16], $0x80  }
0x121: {  	[sflag:s16] =	ssyncset.done $0x0  }
0x122: {  	[sflag:s16] =	ssyncadd.s32 $0xFFFFFF80  }
0x123: {  	[spmem:s3] =	stream.indirect.scatter.add.f32 [tilespmem:s29], [sflag:$0x2], $0x20, s26, s28, $0xb8;
	[tilespmem:$0x1D938] =	vst v63  }
0x124: {  	_ = 	snop  }
0x125: {  	[spmem:s3] =	stream.indirect.scatter.add.f32 [tilespmem:s31], [sflag:$0x2], $0x20, s18, s28, $0xb8;
	[tilespmem:$0x1D938] =	vst v63  }
0x126: {  	_ = 	snop  }
0x127: {  	[spmem:s3] =	stream.indirect.scatter.add.f32 [tilespmem:s2], [sflag:$0x2], $0x20, s19, s28, $0xb8;
	[tilespmem:$0x1D938] =	vst v63  }
0x128: {  	_ = 	snop  }
0x129: {  	[spmem:s3] =	stream.indirect.scatter.add.f32 [tilespmem:s12], [sflag:$0x2], $0x20, s20, s28, $0xb8;
	[tilespmem:$0x1D938] =	vst v63  }
0x12a: {  	_ = 	snop  }
0x12b: {  	[spmem:s4] =	stream.indirect.scatter.add.f32 [tilespmem:s13], [sflag:$0x2], $0x1, s26, s28, $0xb8;
	[tilespmem:$0x1D938] =	vst v63  }
0x12c: {  	_ = 	snop  }
0x12d: {  	[spmem:s4] =	stream.indirect.scatter.add.f32 [tilespmem:s14], [sflag:$0x2], $0x1, s18, s28, $0xb8;
	[tilespmem:$0x1D938] =	vst v63  }
0x12e: {  	_ = 	snop  }
0x12f: {  	[spmem:s4] =	stream.indirect.scatter.add.f32 [tilespmem:s9], [sflag:$0x2], $0x1, s19, s28, $0xb8;
	[tilespmem:$0x1D938] =	vst v63  }
0x130: {  	_ = 	snop  }
0x131: {  	[spmem:s4] =	stream.indirect.scatter.add.f32 [tilespmem:s10], [sflag:$0x2], $0x1, s20, s28, $0xb8;
	[tilespmem:$0x1D938] =	vst v63  }
0x132: {  	_ =	swait.ge [sflag:s23], $0x1000  }
0x133: {  	[sflag:s23] =	ssyncset.done $0x0  }
0x134: {  	[sflag:s23] =	ssyncadd.s32 $0xFFFFF000  }
0x135: {  	_ =	swait.ge [sflag:s23], $0x1000  }
0x136: {  	[sflag:s23] =	ssyncset.done $0x0  }
0x137: {  	[sflag:s23] =	ssyncadd.s32 $0xFFFFF000  }
0x138: {  	_ =	swait.ge [sflag:s23], $0x1000  }
0x139: {  	[sflag:s23] =	ssyncset.done $0x0  }
0x13a: {  	[sflag:s23] =	ssyncadd.s32 $0xFFFFF000  }
0x13b: {  	_ =	swait.ge [sflag:s23], $0x1000  }
0x13c: {  	[sflag:s23] =	ssyncset.done $0x0  }
0x13d: {  	[sflag:s23] =	ssyncadd.s32 $0xFFFFF000  }
0x13e: {  	_ =	swait.ge [sflag:s23], $0x80  }
0x13f: {  	[sflag:s23] =	ssyncset.done $0x0  }
0x140: {  	[sflag:s23] =	ssyncadd.s32 $0xFFFFFF80  }
0x141: {  	_ =	swait.ge [sflag:s23], $0x80  }
0x142: {  	[sflag:s23] =	ssyncset.done $0x0  }
0x143: {  	[sflag:s23] =	ssyncadd.s32 $0xFFFFFF80  }
0x144: {  	_ =	swait.ge [sflag:s23], $0x80  }
0x145: {  	s15 =	rddreg [dreg:$0xd]  }
0x146: {  	p1 =	sne.s32 s15, $0x1  }
.Ltmp6:
0x147: {  	_ = 	snop;
	(pc) =	sbr.rel @!p1 .LBB2_7-.Ltmp6, $4  }
0x148: {  	[sflag:s23] =	ssyncset.done $0x0  }
0x149: {  	[sflag:s23] =	ssyncadd.s32 $0xFFFFFF80  }
0x14a: {  	_ =	swait.ge [sflag:s23], $0x80  }
0x14b: {  	s17 =	sadd.s32 $0xFFFFFFFF, s15;
	s15 =	smov.u32 s21;
	[sflag:s23] =	ssyncset.done $0x0  }
.LBB2_6:
0x14c: {  	[sflag:s23] =	ssyncadd.s32 $0xFFFFFF80;
	s22 =	sadd.s32 $0x40, s22;
	s15 =	sadd.s32 $0x40, s15  }
0x14d: {  	[tilespmem:s25], [sflag:$0x3] =	stream.linear.gather [hbm4b:s15+s5], $0x200, $0x38;
	[tilespmem:$0x1D938] =	vst v63  }
0x14e: {  	p1 =	sne.s32 s17, $0x1;
	s17 =	sadd.s32 $0xFFFFFFFF, s17;
	_ =	swait.ge [sflag:s24], $0x200  }
0x14f: {  	[sflag:s24] =	ssyncset.done $0x0  }
0x150: {  	[sflag:s24] =	ssyncadd.s32 $0xFFFFFE00  }
0x151: {  	[tilespmem:s26], [sflag:$0x3] =	stream.linear.gather [hbm4b:s22+s5], $0x200, $0x38;
	[tilespmem:$0x1D938] =	vst v63  }
0x152: {  	_ =	swait.ge [sflag:s24], $0x200  }
0x153: {  	[sflag:s24] =	ssyncset.done $0x0  }
0x154: {  	[sflag:s24] =	ssyncadd.s32 $0xFFFFFE00  }
0x155: {  	[tilespmem:s29], [sflag:$0x1] =	stream.indirect.gather [hbm4b:s7+s28], $0x20, s25, s28, $0xb8;
	[tilespmem:$0x1D938] =	vst v63  }
0x156: {  	_ = 	snop  }
0x157: {  	[tilespmem:s31], [sflag:$0x1] =	stream.indirect.gather [hbm4b:s7+s28], $0x20, s30, s28, $0xb8;
	[tilespmem:$0x1D938] =	vst v63  }
0x158: {  	_ = 	snop  }
0x159: {  	[tilespmem:s2], [sflag:$0x1] =	stream.indirect.gather [hbm4b:s7+s28], $0x20, s0, s28, $0xb8;
	[tilespmem:$0x1D938] =	vst v63  }
0x15a: {  	_ = 	snop  }
0x15b: {  	[tilespmem:s12], [sflag:$0x1] =	stream.indirect.gather [hbm4b:s7+s28], $0x20, s11, s28, $0xb8;
	[tilespmem:$0x1D938] =	vst v63  }
0x15c: {  	_ = 	snop  }
0x15d: {  	[tilespmem:s13], [sflag:$0x1] =	stream.indirect.gather [hbm4b:s8+s28], $0x1, s25, s28, $0xb8;
	[tilespmem:$0x1D938] =	vst v63  }
0x15e: {  	_ = 	snop  }
0x15f: {  	[tilespmem:s14], [sflag:$0x1] =	stream.indirect.gather [hbm4b:s8+s28], $0x1, s30, s28, $0xb8;
	[tilespmem:$0x1D938] =	vst v63  }
0x160: {  	_ = 	snop  }
0x161: {  	[tilespmem:s9], [sflag:$0x1] =	stream.indirect.gather [hbm4b:s8+s28], $0x1, s0, s28, $0xb8;
	[tilespmem:$0x1D938] =	vst v63  }
0x162: {  	_ = 	snop  }
0x163: {  	[tilespmem:s10], [sflag:$0x1] =	stream.indirect.gather [hbm4b:s8+s28], $0x1, s11, s28, $0xb8;
	[tilespmem:$0x1D938] =	vst v63  }
0x164: {  	_ =	swait.ge [sflag:s16], $0x1000  }
0x165: {  	[sflag:s16] =	ssyncset.done $0x0  }
0x166: {  	[sflag:s16] =	ssyncadd.s32 $0xFFFFF000  }
0x167: {  	_ =	swait.ge [sflag:s16], $0x1000  }
0x168: {  	[sflag:s16] =	ssyncset.done $0x0  }
0x169: {  	[sflag:s16] =	ssyncadd.s32 $0xFFFFF000  }
0x16a: {  	_ =	swait.ge [sflag:s16], $0x1000  }
0x16b: {  	[sflag:s16] =	ssyncset.done $0x0  }
0x16c: {  	[sflag:s16] =	ssyncadd.s32 $0xFFFFF000  }
0x16d: {  	_ =	swait.ge [sflag:s16], $0x1000  }
0x16e: {  	[sflag:s16] =	ssyncset.done $0x0  }
0x16f: {  	[sflag:s16] =	ssyncadd.s32 $0xFFFFF000  }
0x170: {  	_ =	swait.ge [sflag:s16], $0x80  }
0x171: {  	[sflag:s16] =	ssyncset.done $0x0  }
0x172: {  	[sflag:s16] =	ssyncadd.s32 $0xFFFFFF80  }
0x173: {  	_ =	swait.ge [sflag:s16], $0x80  }
0x174: {  	[sflag:s16] =	ssyncset.done $0x0  }
0x175: {  	[sflag:s16] =	ssyncadd.s32 $0xFFFFFF80  }
0x176: {  	_ =	swait.ge [sflag:s16], $0x80  }
0x177: {  	[sflag:s16] =	ssyncset.done $0x0  }
0x178: {  	[sflag:s16] =	ssyncadd.s32 $0xFFFFFF80  }
0x179: {  	_ =	swait.ge [sflag:s16], $0x80  }
0x17a: {  	[sflag:s16] =	ssyncset.done $0x0  }
0x17b: {  	[sflag:s16] =	ssyncadd.s32 $0xFFFFFF80  }
0x17c: {  	[spmem:s3] =	stream.indirect.scatter.add.f32 [tilespmem:s29], [sflag:$0x2], $0x20, s26, s28, $0xb8;
	[tilespmem:$0x1D938] =	vst v63  }
0x17d: {  	_ = 	snop  }
0x17e: {  	[spmem:s3] =	stream.indirect.scatter.add.f32 [tilespmem:s31], [sflag:$0x2], $0x20, s18, s28, $0xb8;
	[tilespmem:$0x1D938] =	vst v63  }
0x17f: {  	_ = 	snop  }
0x180: {  	[spmem:s3] =	stream.indirect.scatter.add.f32 [tilespmem:s2], [sflag:$0x2], $0x20, s19, s28, $0xb8;
	[tilespmem:$0x1D938] =	vst v63  }
0x181: {  	_ = 	snop  }
0x182: {  	[spmem:s3] =	stream.indirect.scatter.add.f32 [tilespmem:s12], [sflag:$0x2], $0x20, s20, s28, $0xb8;
	[tilespmem:$0x1D938] =	vst v63  }
0x183: {  	_ = 	snop  }
0x184: {  	[spmem:s4] =	stream.indirect.scatter.add.f32 [tilespmem:s13], [sflag:$0x2], $0x1, s26, s28, $0xb8;
	[tilespmem:$0x1D938] =	vst v63  }
0x185: {  	_ = 	snop  }
0x186: {  	[spmem:s4] =	stream.indirect.scatter.add.f32 [tilespmem:s14], [sflag:$0x2], $0x1, s18, s28, $0xb8;
	[tilespmem:$0x1D938] =	vst v63  }
0x187: {  	_ = 	snop  }
0x188: {  	[spmem:s4] =	stream.indirect.scatter.add.f32 [tilespmem:s9], [sflag:$0x2], $0x1, s19, s28, $0xb8;
	[tilespmem:$0x1D938] =	vst v63  }
0x189: {  	_ = 	snop  }
0x18a: {  	[spmem:s4] =	stream.indirect.scatter.add.f32 [tilespmem:s10], [sflag:$0x2], $0x1, s20, s28, $0xb8;
	[tilespmem:$0x1D938] =	vst v63  }
0x18b: {  	_ =	swait.ge [sflag:s23], $0x1000  }
0x18c: {  	[sflag:s23] =	ssyncset.done $0x0  }
0x18d: {  	[sflag:s23] =	ssyncadd.s32 $0xFFFFF000  }
0x18e: {  	_ =	swait.ge [sflag:s23], $0x1000  }
0x18f: {  	[sflag:s23] =	ssyncset.done $0x0  }
0x190: {  	[sflag:s23] =	ssyncadd.s32 $0xFFFFF000  }
0x191: {  	_ =	swait.ge [sflag:s23], $0x1000  }
0x192: {  	[sflag:s23] =	ssyncset.done $0x0  }
0x193: {  	[sflag:s23] =	ssyncadd.s32 $0xFFFFF000  }
0x194: {  	_ =	swait.ge [sflag:s23], $0x1000  }
0x195: {  	[sflag:s23] =	ssyncset.done $0x0  }
0x196: {  	[sflag:s23] =	ssyncadd.s32 $0xFFFFF000  }
0x197: {  	_ =	swait.ge [sflag:s23], $0x80  }
0x198: {  	[sflag:s23] =	ssyncset.done $0x0  }
0x199: {  	[sflag:s23] =	ssyncadd.s32 $0xFFFFFF80  }
0x19a: {  	_ =	swait.ge [sflag:s23], $0x80  }
0x19b: {  	[sflag:s23] =	ssyncset.done $0x0  }
0x19c: {  	[sflag:s23] =	ssyncadd.s32 $0xFFFFFF80  }
.Ltmp7:
0x19d: {  	_ =	swait.ge [sflag:s23], $0x80;
	(pc) =	sbr.rel @p1 .LBB2_6-.Ltmp7, $4  }
0x19e: {  	[sflag:s23] =	ssyncset.done $0x0  }
0x19f: {  	[sflag:s23] =	ssyncadd.s32 $0xFFFFFF80  }
0x1a0: {  	_ =	swait.ge [sflag:s23], $0x80  }
0x1a1: {  	[sflag:s23] =	ssyncset.done $0x0  }
.Ltmp8:
0x1a2: {  	_ = 	snop;
	(pc) =	sbr.rel .LBB2_7-.Ltmp8, $1  }
0x1a3: {  	_ =	sdelay $0x3  }
.LBB2_9:
0x1a4: {  	_ =	sfence.sel $0x180000  }
0x1a5: {  	[bflag:$0x0] =	sbarrier.arrive $0xFFFF  }
0x1a6: {  	_ =	strace $0x9000004A  }
0x1a7: {  	s0 =	stileid.u32;
	[bflag:$0x2] =	sbarrier.arrive $0xFFFF  }
0x1a8: {  	p0 =	sne.s32 s0, $0x0;
	s0 =	rddreg [dreg:$0x4]  }
0x1a9: {  	s0 =	sadd.s32 @!p0 $0x100000, s0  }
0x1aa: {  	[sflag:s0] =	ssyncadd.tile.s32 @!p0 $0x1;
	_ =	shalt  }
.Lfunc_end2:
_tile_overlayer_lowered:
.L_overlay_start_2:
0x1ab: {  	(tag) =	ssettag $0x2  }
0x1ac: {  	s0 =	rddreg [dreg:$0x0];
	s2 =	stileid.u32  }
0x1ad: {  	s1 =	rddreg [dreg:$0x1];
	p0 =	sne.s32 s2, $0x0  }
0x1ae: {  	s3 =	rddreg [dreg:$0x2];
	[bflag:$0x3] =	sbarrier.arrive $0xFFFF;
	s2 =	simm.s32 @!p0 $0x1C03  }
0x1af: {  	[timem:s3], [sflag:s2] =	dma.local @!p0 [hbm:s0], s1  }
0x1b0: {  	s0 =	simm.s32 @!p0 $0x3  }
0x1b1: {  	_ =	swait.ge @!p0 [sflag:s0], s1  }
0x1b2: {  	s1 =	ssub.s32 @!p0 $0x0, s1;
	[sflag:s0] =	ssyncset.done @!p0 $0x0  }
0x1b3: {  	[sflag:s0] =	ssyncadd.s32 @!p0 s1  }
0x1b4: {  	[bflag:$0x3] =	sbarrier.arrive $0xFFFF  }
0x1b5: {  	_ =	shalt  }

</sc_bundles>
